<compile_context>
chip_gen: v7x
topology: tpu7x:2x2x1
jax: 0.10.2.dev20260603
libtpu: 0.0.44.dev20260713+nightly
codegen_flags: <defaults>
</compile_context>

<pallas_src>
import functools

import jax
import jax.numpy as jnp
from jax import lax
from jax.experimental import pallas as pl
from jax.experimental.pallas import tpu as pltpu
from jax.experimental.pallas import tpu_sc as plsc

N = 10000
E = 320000
H = 128
NPAD = 10240
NC = 2
NS = 16
NW = NC * NS
CK = 128
CPW = 81
EPW = CPW * CK
EP = NW * EPW
RPT = NPAD // NS


def _tc_prep_body(x_ref, w_ref, asr_ref, adr_ref, h_ref, asad_ref, gm_ref):
    h = jnp.dot(x_ref[...], w_ref[...].T, preferred_element_type=jnp.float32)
    h_ref[...] = h
    a_s = jnp.sum(h * asr_ref[...][None, :], axis=1)
    a_d = jnp.sum(h * adr_ref[...][None, :], axis=1)
    asad_ref[...] = jnp.stack([a_s, a_d])
    m = jnp.max(a_s) + jnp.max(a_d)
    m = jnp.where(m >= 0.0, m, 0.2 * m)
    gm_ref[...] = jnp.full((16,), m, jnp.float32)


_tc_prep = pl.pallas_call(
    _tc_prep_body,
    out_shape=(
        jax.ShapeDtypeStruct((NPAD, H), jnp.float32),
        jax.ShapeDtypeStruct((2, NPAD), jnp.float32),
        jax.ShapeDtypeStruct((16,), jnp.float32),
    ),
)


def _tc_mid_body(num_ref, den_ref, b_ref, vn_ref, w_ref, asr_ref, adr_ref,
                 h_ref, asad_ref, gm_ref):
    num = num_ref[0] + num_ref[1]
    den = (den_ref[0] + den_ref[1] + 1e-16)[:, None]
    out = num / den + b_ref[...][None, :] + vn_ref[0][None, :]
    rows = lax.broadcasted_iota(jnp.int32, (NPAD, H), 0)
    out = jnp.where(rows < N, out, 0.0)
    h = jnp.dot(out, w_ref[...].T, preferred_element_type=jnp.float32)
    h_ref[...] = h
    a_s = jnp.sum(h * asr_ref[...][None, :], axis=1)
    a_d = jnp.sum(h * adr_ref[...][None, :], axis=1)
    asad_ref[...] = jnp.stack([a_s, a_d])
    m = jnp.max(a_s) + jnp.max(a_d)
    m = jnp.where(m >= 0.0, m, 0.2 * m)
    gm_ref[...] = jnp.full((16,), m, jnp.float32)


_tc_mid = pl.pallas_call(
    _tc_mid_body,
    out_shape=(
        jax.ShapeDtypeStruct((NPAD, H), jnp.float32),
        jax.ShapeDtypeStruct((2, NPAD), jnp.float32),
        jax.ShapeDtypeStruct((16,), jnp.float32),
    ),
)


def _tc_final_body(num_ref, den_ref, b_ref, wo_ref, bo_ref, o_ref):
    num = num_ref[0] + num_ref[1]
    den = (den_ref[0] + den_ref[1] + 1e-16)[:, None]
    out = num / den + b_ref[...][None, :]
    o_ref[...] = (jnp.dot(out, wo_ref[...].T, preferred_element_type=jnp.float32)
                  + bo_ref[...][None, :])


_tc_final = pl.pallas_call(
    _tc_final_body,
    out_shape=jax.ShapeDtypeStruct((NPAD, H), jnp.float32),
)


@functools.partial(
    pl.kernel,
    out_type=(
        jax.ShapeDtypeStruct((NC, NPAD, H), jnp.float32),
        jax.ShapeDtypeStruct((NC, NPAD), jnp.float32),
    ),
    mesh=plsc.VectorSubcoreMesh(core_axis_name="c", subcore_axis_name="s",
                                num_cores=NC, num_subcores=NS),
    compiler_params=pltpu.CompilerParams(needs_layout_passes=False),
    scratch_types=[
        pltpu.VMEM((2, CK), jnp.int32),
        pltpu.VMEM((2, CK), jnp.int32),
        pltpu.VMEM((NPAD,), jnp.float32),
        pltpu.VMEM((NPAD,), jnp.float32),
        pltpu.VMEM((CK,), jnp.float32),
        pltpu.VMEM((CK, H), jnp.float32),
        pltpu.VMEM((16,), jnp.float32),
        pltpu.VMEM_SHARED((NPAD, H), jnp.float32),
        pltpu.VMEM_SHARED((NPAD,), jnp.float32),
        pltpu.SemaphoreType.DMA,
        pltpu.SemaphoreType.DMA,
    ],
)
def _sc_edge(h_hbm, asad_hbm, gm_hbm, src_hbm, dst_hbm, z2_hbm, z1_hbm,
             num_out, den_out,
             sidx_v, didx_v, asrc_v, adst_v, ex_v, rows_v, gm_v,
             num_sh, den_sh, sem, sem2):
    cid = lax.axis_index("c")
    sid = lax.axis_index("s")
    wid = cid * NS + sid
    r0 = sid * RPT
    pltpu.sync_copy(z2_hbm.at[pl.ds(r0, RPT)], num_sh.at[pl.ds(r0, RPT)])
    pltpu.sync_copy(z1_hbm.at[pl.ds(r0, RPT)], den_sh.at[pl.ds(r0, RPT)])
    pltpu.sync_copy(asad_hbm.at[0], asrc_v)
    pltpu.sync_copy(asad_hbm.at[1], adst_v)
    pltpu.sync_copy(gm_hbm, gm_v)
    pltpu.sync_copy(src_hbm.at[wid].at[0], sidx_v.at[0])
    pltpu.sync_copy(dst_hbm.at[wid].at[0], didx_v.at[0])
    plsc.subcore_barrier()
    gmv = gm_v[...]

    def chunk(c, carry):
        cur = lax.rem(c, 2)
        nxt = lax.rem(c + 1, 2)
        cnx = jnp.minimum(c + 1, CPW - 1)
        pf1 = pltpu.async_copy(src_hbm.at[wid].at[cnx], sidx_v.at[nxt], sem2)
        pf2 = pltpu.async_copy(dst_hbm.at[wid].at[cnx], didx_v.at[nxt], sem2)
        cp = pltpu.async_copy(h_hbm.at[sidx_v.at[cur]], rows_v, sem)

        def exstep(i, _):
            sl = pl.ds(i * 16, 16)
            sv = sidx_v[cur, sl]
            dv = didx_v[cur, sl]
            av = plsc.load_gather(asrc_v, [sv]) + plsc.load_gather(adst_v, [dv])
            av = jnp.where(av >= 0.0, av, av * 0.2)
            ex_v[sl] = jnp.exp(av - gmv)
            return 0

        lax.fori_loop(0, CK // 16, exstep, 0)
        pltpu.sync_copy(ex_v, den_sh.at[didx_v.at[cur]], add=True)
        cp.wait()

        def sgroup(g, _):
            exg = ex_v[pl.ds(g * 16, 16)]
            base = g * 16
            for l in range(16):
                s = exg[l]
                for cc in range(H // 16):
                    sl = pl.ds(cc * 16, 16)
                    rows_v[base + l, sl] = rows_v[base + l, sl] * s
            return 0

        lax.fori_loop(0, CK // 16, sgroup, 0)
        pltpu.sync_copy(rows_v, num_sh.at[didx_v.at[cur]], add=True)
        pf1.wait()
        pf2.wait()
        return carry

    lax.fori_loop(0, CPW, chunk, 0)
    plsc.subcore_barrier()
    pltpu.sync_copy(num_sh.at[pl.ds(r0, RPT)], num_out.at[cid].at[pl.ds(r0, RPT)])
    pltpu.sync_copy(den_sh.at[pl.ds(r0, RPT)], den_out.at[cid].at[pl.ds(r0, RPT)])


def kernel(x, edge_index, W1, a_src1, a_dst1, b1, W2, a_src2, a_dst2, b2,
           vn_w, Wm1, bm1, Wm2, bm2, Wo, bo):
    loops = jnp.arange(N, dtype=jnp.int32)
    pad_e = EP - E - N
    src = jnp.concatenate(
        [edge_index[0], loops, jnp.zeros((pad_e,), jnp.int32)])
    dst = jnp.concatenate(
        [edge_index[1], loops, jnp.full((pad_e,), N, jnp.int32)])
    src3 = src.reshape(NW, CPW, CK)
    dst3 = dst.reshape(NW, CPW, CK)
    xp = jnp.pad(x, ((0, NPAD - N), (0, 0)))
    z2 = jnp.zeros((NPAD, H), jnp.float32)
    z1 = jnp.zeros((NPAD,), jnp.float32)

    h1, asad1, gm1 = _tc_prep(xp, W1, a_src1, a_dst1)
    num1, den1 = _sc_edge(h1, asad1, gm1, src3, dst3, z2, z1)
    h2, asad2, gm2 = _tc_mid(num1, den1, b1, vn_w, W2, a_src2, a_dst2)
    num2, den2 = _sc_edge(h2, asad2, gm2, src3, dst3, z2, z1)
    out = _tc_final(num2, den2, b2, Wo, bo)
    return out[:N]

# --- scband reference (transcript-rebuilt; emitter-appended) ---
"""Pipeline reference for scband-gnn-vn-model-58385785422524 (READ-ONLY COPY).

The authoritative reference and input builder live on the scoring server;
editing this copy changes nothing except your own understanding.
"""

import jax, jax.numpy as jnp
import numpy as np

N = 10000
E = 320000
D = 128
H = 128
OUT = 128


def _gat(x, src, dst, W, a_src, a_dst, b, n):
    # PyG GATConv, heads=1, concat=True, negative_slope=0.2, add_self_loops handled by caller
    h = x @ W.T
    alpha_src = (h * a_src).sum(-1)
    alpha_dst = (h * a_dst).sum(-1)
    alpha = alpha_src[src] + alpha_dst[dst]
    alpha = jax.nn.leaky_relu(alpha, 0.2)
    amax = jax.ops.segment_max(alpha, dst, num_segments=n)
    ex = jnp.exp(alpha - amax[dst])
    denom = jax.ops.segment_sum(ex, dst, num_segments=n)
    coef = ex / (denom[dst] + 1e-16)
    msg = h[src] * coef[:, None]
    out = jax.ops.segment_sum(msg, dst, num_segments=n)
    return out + b


def setup_inputs(seed: int = 0):
    key = jax.random.key(seed)
    ks = jax.random.split(key, 18)
    sD = 1.0 / np.sqrt(D)
    sH = 1.0 / np.sqrt(H)
    inp = {}
    inp['x'] = jax.random.normal(ks[0], (N, D), dtype=jnp.float32)
    inp['edge_index'] = jax.random.randint(ks[1], (2, E), 0, N, dtype=jnp.int32)
    inp['W1'] = jax.random.normal(ks[2], (H, D), dtype=jnp.float32) * sD
    inp['a_src1'] = jax.random.normal(ks[3], (H,), dtype=jnp.float32) * sH
    inp['a_dst1'] = jax.random.normal(ks[4], (H,), dtype=jnp.float32) * sH
    inp['b1'] = jnp.zeros((H,), dtype=jnp.float32)
    inp['W2'] = jax.random.normal(ks[5], (H, H), dtype=jnp.float32) * sH
    inp['a_src2'] = jax.random.normal(ks[6], (H,), dtype=jnp.float32) * sH
    inp['a_dst2'] = jax.random.normal(ks[7], (H,), dtype=jnp.float32) * sH
    inp['b2'] = jnp.zeros((H,), dtype=jnp.float32)
    inp['vn_w'] = jnp.zeros((1, H), dtype=jnp.float32)  # torch.nn.init.constant_(.., 0)
    inp['Wm1'] = jax.random.normal(ks[8], (H, H), dtype=jnp.float32) * sH
    inp['bm1'] = jnp.zeros((H,), dtype=jnp.float32)
    inp['Wm2'] = jax.random.normal(ks[9], (H, H), dtype=jnp.float32) * sH
    inp['bm2'] = jnp.zeros((H,), dtype=jnp.float32)
    inp['Wo'] = jax.random.normal(ks[10], (OUT, H), dtype=jnp.float32) * sH
    inp['bo'] = jnp.zeros((OUT,), dtype=jnp.float32)
    return inp


def reference(x, edge_index, W1, a_src1, a_dst1, b1, W2, a_src2, a_dst2, b2, vn_w, Wm1, bm1, Wm2, bm2, Wo, bo):
    # add self loops once (GATConv default add_self_loops=True)
    loops = jnp.arange(N, dtype=edge_index.dtype)
    src = jnp.concatenate([edge_index[0], loops])
    dst = jnp.concatenate([edge_index[1], loops])
    out = _gat(x, src, dst, W1, a_src1, a_dst1, b1, N)
    # batch is None: vn_emb = embedding of zeros(1)
    vn = jnp.take(vn_w, jnp.zeros((1,), dtype=jnp.int32), axis=0)
    # module_list has layers-1 = 1 conv
    out = out + vn
    out = _gat(out, src, dst, W2, a_src2, a_dst2, b2, N)
    vn = jnp.sum(out, axis=0, keepdims=True) + vn  # global_add_pool, size=1
    # all mlp_virtualnode layers applied (there is 1)
    vn = jax.nn.relu(vn @ Wm1.T + bm1)
    vn = jax.nn.relu(vn @ Wm2.T + bm2)
    out = out @ Wo.T + bo
    return out

if __name__ == "__main__":
    import jax
    _d = setup_inputs()
    print(jax.jit(kernel)(*tuple(_d.values())))

</pallas_src>

<mosaic_0001>
#map = affine_map<(d0, d1) -> (0, 0)>
#map1 = affine_map<(d0, d1) -> (0)>
#map2 = affine_map<(d0, d1) -> (0, 0, 0)>
module attributes {stable_mosaic.version = 14 : i64} {
  func.func @_sc_edge(%arg0: i32, %arg1: i32, %arg2: memref<10240x128xf32, #tpu.memory_space<hbm>>, %arg3: memref<2x10240xf32, #tpu.memory_space<hbm>>, %arg4: memref<16xf32, #tpu.memory_space<hbm>>, %arg5: memref<32x81x128xi32, #tpu.memory_space<hbm>>, %arg6: memref<32x81x128xi32, #tpu.memory_space<hbm>>, %arg7: memref<10240x128xf32, #tpu.memory_space<hbm>>, %arg8: memref<10240xf32, #tpu.memory_space<hbm>>, %arg9: memref<2x10240x128xf32, #tpu.memory_space<hbm>>, %arg10: memref<2x10240xf32, #tpu.memory_space<hbm>>, %arg11: memref<2x128xi32, #tpu.memory_space<vmem>>, %arg12: memref<2x128xi32, #tpu.memory_space<vmem>>, %arg13: memref<10240xf32, #tpu.memory_space<vmem>>, %arg14: memref<10240xf32, #tpu.memory_space<vmem>>, %arg15: memref<128xf32, #tpu.memory_space<vmem>>, %arg16: memref<128x128xf32, #tpu.memory_space<vmem>>, %arg17: memref<16xf32, #tpu.memory_space<vmem>>, %arg18: memref<10240x128xf32, #tpu.memory_space<vmem_shared>>, %arg19: memref<10240xf32, #tpu.memory_space<vmem_shared>>, %arg20: memref<!tpu.dma_semaphore, #tpu.memory_space<semaphore_mem>>, %arg21: memref<!tpu.dma_semaphore, #tpu.memory_space<semaphore_mem>>) attributes {dimension_semantics = [#tpu.dimension_semantics<core_parallel>, #tpu.dimension_semantics<subcore_parallel>], iteration_bounds = array<i64: 2, 16>, scalar_prefetch = 0 : i64, scratch_operands = 11 : i64, tpu.core_type = #tpu.core_type<sc_vector_subcore>, window_params = [{transform_indices = #map}, {transform_indices = #map}, {transform_indices = #map1}, {transform_indices = #map2}, {transform_indices = #map2}, {transform_indices = #map}, {transform_indices = #map1}, {transform_indices = #map2}, {transform_indices = #map}]} {
    %mul3A = arith.constant 16 : i32
    %mul3A_0 = arith.muli %arg0, %mul3A : i32
    %add3A = arith.addi %mul3A_0, %arg1 : i32
    %mul3A_1 = arith.constant 640 : i32
    %mul3A_2 = arith.muli %arg1, %mul3A_1 : i32
    "tpu.region"() ({
      %run_scoped3A_15 = tpu.sem_alloc : memref<!tpu.dma_semaphore, #tpu.memory_space<semaphore_mem>>
      %dma_start3A = arith.constant 0 : i32
      %dma_start3A_16 = tpu.memref_slice %arg18[%mul3A_2, %dma_start3A] : memref<10240x128xf32, #tpu.memory_space<vmem_shared>> -> memref<640x128xf32, #tpu.memory_space<vmem_shared>>
      %dma_start3A_17 = arith.constant 0 : i32
      %dma_start3A_18 = tpu.memref_slice %arg7[%mul3A_2, %dma_start3A_17] : memref<10240x128xf32, #tpu.memory_space<hbm>> -> memref<640x128xf32, #tpu.memory_space<hbm>>
      tpu.enqueue_dma source(%dma_start3A_18 : memref<640x128xf32, #tpu.memory_space<hbm>>) target(%dma_start3A_16 : memref<640x128xf32, #tpu.memory_space<vmem_shared>>) target_semaphore(%run_scoped3A_15 : memref<!tpu.dma_semaphore, #tpu.memory_space<semaphore_mem>>)
      %dma_wait3A = arith.constant 0 : i32
      %dma_wait3A_19 = tpu.memref_slice %arg18[%mul3A_2, %dma_wait3A] : memref<10240x128xf32, #tpu.memory_space<vmem_shared>> -> memref<640x128xf32, #tpu.memory_space<vmem_shared>>
      %dma_wait3A_20 = arith.constant 0 : i32
      %dma_wait3A_21 = tpu.memref_slice %arg7[%mul3A_2, %dma_wait3A_20] : memref<10240x128xf32, #tpu.memory_space<hbm>> -> memref<640x128xf32, #tpu.memory_space<hbm>>
      tpu.wait_dma2 semaphore(%run_scoped3A_15 : memref<!tpu.dma_semaphore, #tpu.memory_space<semaphore_mem>>) src(%dma_wait3A_21 : memref<640x128xf32, #tpu.memory_space<hbm>>) dst(%dma_wait3A_19 : memref<640x128xf32, #tpu.memory_space<vmem_shared>>)
      tpu.yield
    }) : () -> ()
    "tpu.region"() ({
      %run_scoped3A_15 = tpu.sem_alloc : memref<!tpu.dma_semaphore, #tpu.memory_space<semaphore_mem>>
      %dma_start3A = tpu.memref_slice %arg19[%mul3A_2] : memref<10240xf32, #tpu.memory_space<vmem_shared>> -> memref<640xf32, #tpu.memory_space<vmem_shared>>
      %dma_start3A_16 = tpu.memref_slice %arg8[%mul3A_2] : memref<10240xf32, #tpu.memory_space<hbm>> -> memref<640xf32, #tpu.memory_space<hbm>>
      tpu.enqueue_dma source(%dma_start3A_16 : memref<640xf32, #tpu.memory_space<hbm>>) target(%dma_start3A : memref<640xf32, #tpu.memory_space<vmem_shared>>) target_semaphore(%run_scoped3A_15 : memref<!tpu.dma_semaphore, #tpu.memory_space<semaphore_mem>>)
      %dma_wait3A = tpu.memref_slice %arg19[%mul3A_2] : memref<10240xf32, #tpu.memory_space<vmem_shared>> -> memref<640xf32, #tpu.memory_space<vmem_shared>>
      %dma_wait3A_17 = tpu.memref_slice %arg8[%mul3A_2] : memref<10240xf32, #tpu.memory_space<hbm>> -> memref<640xf32, #tpu.memory_space<hbm>>
      tpu.wait_dma2 semaphore(%run_scoped3A_15 : memref<!tpu.dma_semaphore, #tpu.memory_space<semaphore_mem>>) src(%dma_wait3A_17 : memref<640xf32, #tpu.memory_space<hbm>>) dst(%dma_wait3A : memref<640xf32, #tpu.memory_space<vmem_shared>>)
      tpu.yield
    }) : () -> ()
    %run_scoped3A = arith.constant 0 : i32
    "tpu.region"() ({
      %run_scoped3A_15 = tpu.sem_alloc : memref<!tpu.dma_semaphore, #tpu.memory_space<semaphore_mem>>
      %dma_start3A = arith.constant 0 : i32
      %dma_start3A_16 = tpu.memref_slice %arg3[%run_scoped3A, %dma_start3A] : memref<2x10240xf32, #tpu.memory_space<hbm>> -> memref<1x10240xf32, #tpu.memory_space<hbm>>
      %dma_start3A_17 = tpu.memref_squeeze %dma_start3A_16 : memref<1x10240xf32, #tpu.memory_space<hbm>> -> memref<10240xf32, #tpu.memory_space<hbm>>
      %dma_start3A_18 = arith.constant 0 : i32
      %dma_start3A_19 = tpu.memref_slice %arg3[%run_scoped3A, %dma_start3A_18] : memref<2x10240xf32, #tpu.memory_space<hbm>> -> memref<1x10240xf32, #tpu.memory_space<hbm>>
      %dma_start3A_20 = tpu.memref_squeeze %dma_start3A_19 : memref<1x10240xf32, #tpu.memory_space<hbm>> -> memref<10240xf32, #tpu.memory_space<hbm>>
      tpu.enqueue_dma source(%dma_start3A_20 : memref<10240xf32, #tpu.memory_space<hbm>>) target(%arg13 : memref<10240xf32, #tpu.memory_space<vmem>>) target_semaphore(%run_scoped3A_15 : memref<!tpu.dma_semaphore, #tpu.memory_space<semaphore_mem>>)
      %dma_wait3A = arith.constant 0 : i32
      %dma_wait3A_21 = tpu.memref_slice %arg3[%run_scoped3A, %dma_wait3A] : memref<2x10240xf32, #tpu.memory_space<hbm>> -> memref<1x10240xf32, #tpu.memory_space<hbm>>
      %dma_wait3A_22 = tpu.memref_squeeze %dma_wait3A_21 : memref<1x10240xf32, #tpu.memory_space<hbm>> -> memref<10240xf32, #tpu.memory_space<hbm>>
      %dma_wait3A_23 = arith.constant 0 : i32
      %dma_wait3A_24 = tpu.memref_slice %arg3[%run_scoped3A, %dma_wait3A_23] : memref<2x10240xf32, #tpu.memory_space<hbm>> -> memref<1x10240xf32, #tpu.memory_space<hbm>>
      %dma_wait3A_25 = tpu.memref_squeeze %dma_wait3A_24 : memref<1x10240xf32, #tpu.memory_space<hbm>> -> memref<10240xf32, #tpu.memory_space<hbm>>
      tpu.wait_dma2 semaphore(%run_scoped3A_15 : memref<!tpu.dma_semaphore, #tpu.memory_space<semaphore_mem>>) src(%dma_wait3A_25 : memref<10240xf32, #tpu.memory_space<hbm>>) dst(%arg13 : memref<10240xf32, #tpu.memory_space<vmem>>)
      tpu.yield
    }) : () -> ()
    %run_scoped3A_3 = arith.constant 1 : i32
    "tpu.region"() ({
      %run_scoped3A_15 = tpu.sem_alloc : memref<!tpu.dma_semaphore, #tpu.memory_space<semaphore_mem>>
      %dma_start3A = arith.constant 0 : i32
      %dma_start3A_16 = tpu.memref_slice %arg3[%run_scoped3A_3, %dma_start3A] : memref<2x10240xf32, #tpu.memory_space<hbm>> -> memref<1x10240xf32, #tpu.memory_space<hbm>>
      %dma_start3A_17 = tpu.memref_squeeze %dma_start3A_16 : memref<1x10240xf32, #tpu.memory_space<hbm>> -> memref<10240xf32, #tpu.memory_space<hbm>>
      %dma_start3A_18 = arith.constant 0 : i32
      %dma_start3A_19 = tpu.memref_slice %arg3[%run_scoped3A_3, %dma_start3A_18] : memref<2x10240xf32, #tpu.memory_space<hbm>> -> memref<1x10240xf32, #tpu.memory_space<hbm>>
      %dma_start3A_20 = tpu.memref_squeeze %dma_start3A_19 : memref<1x10240xf32, #tpu.memory_space<hbm>> -> memref<10240xf32, #tpu.memory_space<hbm>>
      tpu.enqueue_dma source(%dma_start3A_20 : memref<10240xf32, #tpu.memory_space<hbm>>) target(%arg14 : memref<10240xf32, #tpu.memory_space<vmem>>) target_semaphore(%run_scoped3A_15 : memref<!tpu.dma_semaphore, #tpu.memory_space<semaphore_mem>>)
      %dma_wait3A = arith.constant 0 : i32
      %dma_wait3A_21 = tpu.memref_slice %arg3[%run_scoped3A_3, %dma_wait3A] : memref<2x10240xf32, #tpu.memory_space<hbm>> -> memref<1x10240xf32, #tpu.memory_space<hbm>>
      %dma_wait3A_22 = tpu.memref_squeeze %dma_wait3A_21 : memref<1x10240xf32, #tpu.memory_space<hbm>> -> memref<10240xf32, #tpu.memory_space<hbm>>
      %dma_wait3A_23 = arith.constant 0 : i32
      %dma_wait3A_24 = tpu.memref_slice %arg3[%run_scoped3A_3, %dma_wait3A_23] : memref<2x10240xf32, #tpu.memory_space<hbm>> -> memref<1x10240xf32, #tpu.memory_space<hbm>>
      %dma_wait3A_25 = tpu.memref_squeeze %dma_wait3A_24 : memref<1x10240xf32, #tpu.memory_space<hbm>> -> memref<10240xf32, #tpu.memory_space<hbm>>
      tpu.wait_dma2 semaphore(%run_scoped3A_15 : memref<!tpu.dma_semaphore, #tpu.memory_space<semaphore_mem>>) src(%dma_wait3A_25 : memref<10240xf32, #tpu.memory_space<hbm>>) dst(%arg14 : memref<10240xf32, #tpu.memory_space<vmem>>)
      tpu.yield
    }) : () -> ()
    "tpu.region"() ({
      %run_scoped3A_15 = tpu.sem_alloc : memref<!tpu.dma_semaphore, #tpu.memory_space<semaphore_mem>>
      tpu.enqueue_dma source(%arg4 : memref<16xf32, #tpu.memory_space<hbm>>) target(%arg17 : memref<16xf32, #tpu.memory_space<vmem>>) target_semaphore(%run_scoped3A_15 : memref<!tpu.dma_semaphore, #tpu.memory_space<semaphore_mem>>)
      tpu.wait_dma2 semaphore(%run_scoped3A_15 : memref<!tpu.dma_semaphore, #tpu.memory_space<semaphore_mem>>) src(%arg4 : memref<16xf32, #tpu.memory_space<hbm>>) dst(%arg17 : memref<16xf32, #tpu.memory_space<vmem>>)
      tpu.yield
    }) : () -> ()
    %run_scoped3A_4 = arith.constant 0 : i32
    %run_scoped3A_5 = arith.constant 0 : i32
    "tpu.region"() ({
      %run_scoped3A_15 = tpu.sem_alloc : memref<!tpu.dma_semaphore, #tpu.memory_space<semaphore_mem>>
      %dma_start3A = arith.constant 0 : i32
      %dma_start3A_16 = tpu.memref_slice %arg11[%run_scoped3A_5, %dma_start3A] : memref<2x128xi32, #tpu.memory_space<vmem>> -> memref<1x128xi32, #tpu.memory_space<vmem>>
      %dma_start3A_17 = tpu.memref_squeeze %dma_start3A_16 : memref<1x128xi32, #tpu.memory_space<vmem>> -> memref<128xi32, #tpu.memory_space<vmem>>
      %dma_start3A_18 = arith.constant 0 : i32
      %dma_start3A_19 = arith.constant 0 : i32
      %dma_start3A_20 = tpu.memref_slice %arg5[%add3A, %dma_start3A_18, %dma_start3A_19] : memref<32x81x128xi32, #tpu.memory_space<hbm>> -> memref<1x81x128xi32, #tpu.memory_space<hbm>>
      %dma_start3A_21 = tpu.memref_squeeze %dma_start3A_20 : memref<1x81x128xi32, #tpu.memory_space<hbm>> -> memref<81x128xi32, #tpu.memory_space<hbm>>
      %dma_start3A_22 = arith.constant 0 : i32
      %dma_start3A_23 = tpu.memref_slice %dma_start3A_21[%run_scoped3A_4, %dma_start3A_22] : memref<81x128xi32, #tpu.memory_space<hbm>> -> memref<1x128xi32, #tpu.memory_space<hbm>>
      %dma_start3A_24 = tpu.memref_squeeze %dma_start3A_23 : memref<1x128xi32, #tpu.memory_space<hbm>> -> memref<128xi32, #tpu.memory_space<hbm>>
      %dma_start3A_25 = arith.constant 0 : i32
      %dma_start3A_26 = tpu.memref_slice %arg11[%run_scoped3A_5, %dma_start3A_25] : memref<2x128xi32, #tpu.memory_space<vmem>> -> memref<1x128xi32, #tpu.memory_space<vmem>>
      %dma_start3A_27 = tpu.memref_squeeze %dma_start3A_26 : memref<1x128xi32, #tpu.memory_space<vmem>> -> memref<128xi32, #tpu.memory_space<vmem>>
      %dma_start3A_28 = arith.constant 0 : i32
      %dma_start3A_29 = arith.constant 0 : i32
      %dma_start3A_30 = tpu.memref_slice %arg5[%add3A, %dma_start3A_28, %dma_start3A_29] : memref<32x81x128xi32, #tpu.memory_space<hbm>> -> memref<1x81x128xi32, #tpu.memory_space<hbm>>
      %dma_start3A_31 = tpu.memref_squeeze %dma_start3A_30 : memref<1x81x128xi32, #tpu.memory_space<hbm>> -> memref<81x128xi32, #tpu.memory_space<hbm>>
      %dma_start3A_32 = arith.constant 0 : i32
      %dma_start3A_33 = tpu.memref_slice %dma_start3A_31[%run_scoped3A_4, %dma_start3A_32] : memref<81x128xi32, #tpu.memory_space<hbm>> -> memref<1x128xi32, #tpu.memory_space<hbm>>
      %dma_start3A_34 = tpu.memref_squeeze %dma_start3A_33 : memref<1x128xi32, #tpu.memory_space<hbm>> -> memref<128xi32, #tpu.memory_space<hbm>>
      tpu.enqueue_dma source(%dma_start3A_34 : memref<128xi32, #tpu.memory_space<hbm>>) target(%dma_start3A_27 : memref<128xi32, #tpu.memory_space<vmem>>) target_semaphore(%run_scoped3A_15 : memref<!tpu.dma_semaphore, #tpu.memory_space<semaphore_mem>>)
      %dma_wait3A = arith.constant 0 : i32
      %dma_wait3A_35 = tpu.memref_slice %arg11[%run_scoped3A_5, %dma_wait3A] : memref<2x128xi32, #tpu.memory_space<vmem>> -> memref<1x128xi32, #tpu.memory_space<vmem>>
      %dma_wait3A_36 = tpu.memref_squeeze %dma_wait3A_35 : memref<1x128xi32, #tpu.memory_space<vmem>> -> memref<128xi32, #tpu.memory_space<vmem>>
      %dma_wait3A_37 = arith.constant 0 : i32
      %dma_wait3A_38 = arith.constant 0 : i32
      %dma_wait3A_39 = tpu.memref_slice %arg5[%add3A, %dma_wait3A_37, %dma_wait3A_38] : memref<32x81x128xi32, #tpu.memory_space<hbm>> -> memref<1x81x128xi32, #tpu.memory_space<hbm>>
      %dma_wait3A_40 = tpu.memref_squeeze %dma_wait3A_39 : memref<1x81x128xi32, #tpu.memory_space<hbm>> -> memref<81x128xi32, #tpu.memory_space<hbm>>
      %dma_wait3A_41 = arith.constant 0 : i32
      %dma_wait3A_42 = tpu.memref_slice %dma_wait3A_40[%run_scoped3A_4, %dma_wait3A_41] : memref<81x128xi32, #tpu.memory_space<hbm>> -> memref<1x128xi32, #tpu.memory_space<hbm>>
      %dma_wait3A_43 = tpu.memref_squeeze %dma_wait3A_42 : memref<1x128xi32, #tpu.memory_space<hbm>> -> memref<128xi32, #tpu.memory_space<hbm>>
      %dma_wait3A_44 = arith.constant 0 : i32
      %dma_wait3A_45 = tpu.memref_slice %arg11[%run_scoped3A_5, %dma_wait3A_44] : memref<2x128xi32, #tpu.memory_space<vmem>> -> memref<1x128xi32, #tpu.memory_space<vmem>>
      %dma_wait3A_46 = tpu.memref_squeeze %dma_wait3A_45 : memref<1x128xi32, #tpu.memory_space<vmem>> -> memref<128xi32, #tpu.memory_space<vmem>>
      %dma_wait3A_47 = arith.constant 0 : i32
      %dma_wait3A_48 = arith.constant 0 : i32
      %dma_wait3A_49 = tpu.memref_slice %arg5[%add3A, %dma_wait3A_47, %dma_wait3A_48] : memref<32x81x128xi32, #tpu.memory_space<hbm>> -> memref<1x81x128xi32, #tpu.memory_space<hbm>>
      %dma_wait3A_50 = tpu.memref_squeeze %dma_wait3A_49 : memref<1x81x128xi32, #tpu.memory_space<hbm>> -> memref<81x128xi32, #tpu.memory_space<hbm>>
      %dma_wait3A_51 = arith.constant 0 : i32
      %dma_wait3A_52 = tpu.memref_slice %dma_wait3A_50[%run_scoped3A_4, %dma_wait3A_51] : memref<81x128xi32, #tpu.memory_space<hbm>> -> memref<1x128xi32, #tpu.memory_space<hbm>>
      %dma_wait3A_53 = tpu.memref_squeeze %dma_wait3A_52 : memref<1x128xi32, #tpu.memory_space<hbm>> -> memref<128xi32, #tpu.memory_space<hbm>>
      tpu.wait_dma2 semaphore(%run_scoped3A_15 : memref<!tpu.dma_semaphore, #tpu.memory_space<semaphore_mem>>) src(%dma_wait3A_53 : memref<128xi32, #tpu.memory_space<hbm>>) dst(%dma_wait3A_46 : memref<128xi32, #tpu.memory_space<vmem>>)
      tpu.yield
    }) : () -> ()
    %run_scoped3A_6 = arith.constant 0 : i32
    %run_scoped3A_7 = arith.constant 0 : i32
    "tpu.region"() ({
      %run_scoped3A_15 = tpu.sem_alloc : memref<!tpu.dma_semaphore, #tpu.memory_space<semaphore_mem>>
      %dma_start3A = arith.constant 0 : i32
      %dma_start3A_16 = tpu.memref_slice %arg12[%run_scoped3A_7, %dma_start3A] : memref<2x128xi32, #tpu.memory_space<vmem>> -> memref<1x128xi32, #tpu.memory_space<vmem>>
      %dma_start3A_17 = tpu.memref_squeeze %dma_start3A_16 : memref<1x128xi32, #tpu.memory_space<vmem>> -> memref<128xi32, #tpu.memory_space<vmem>>
      %dma_start3A_18 = arith.constant 0 : i32
      %dma_start3A_19 = arith.constant 0 : i32
      %dma_start3A_20 = tpu.memref_slice %arg6[%add3A, %dma_start3A_18, %dma_start3A_19] : memref<32x81x128xi32, #tpu.memory_space<hbm>> -> memref<1x81x128xi32, #tpu.memory_space<hbm>>
      %dma_start3A_21 = tpu.memref_squeeze %dma_start3A_20 : memref<1x81x128xi32, #tpu.memory_space<hbm>> -> memref<81x128xi32, #tpu.memory_space<hbm>>
      %dma_start3A_22 = arith.constant 0 : i32
      %dma_start3A_23 = tpu.memref_slice %dma_start3A_21[%run_scoped3A_6, %dma_start3A_22] : memref<81x128xi32, #tpu.memory_space<hbm>> -> memref<1x128xi32, #tpu.memory_space<hbm>>
      %dma_start3A_24 = tpu.memref_squeeze %dma_start3A_23 : memref<1x128xi32, #tpu.memory_space<hbm>> -> memref<128xi32, #tpu.memory_space<hbm>>
      %dma_start3A_25 = arith.constant 0 : i32
      %dma_start3A_26 = tpu.memref_slice %arg12[%run_scoped3A_7, %dma_start3A_25] : memref<2x128xi32, #tpu.memory_space<vmem>> -> memref<1x128xi32, #tpu.memory_space<vmem>>
      %dma_start3A_27 = tpu.memref_squeeze %dma_start3A_26 : memref<1x128xi32, #tpu.memory_space<vmem>> -> memref<128xi32, #tpu.memory_space<vmem>>
      %dma_start3A_28 = arith.constant 0 : i32
      %dma_start3A_29 = arith.constant 0 : i32
      %dma_start3A_30 = tpu.memref_slice %arg6[%add3A, %dma_start3A_28, %dma_start3A_29] : memref<32x81x128xi32, #tpu.memory_space<hbm>> -> memref<1x81x128xi32, #tpu.memory_space<hbm>>
      %dma_start3A_31 = tpu.memref_squeeze %dma_start3A_30 : memref<1x81x128xi32, #tpu.memory_space<hbm>> -> memref<81x128xi32, #tpu.memory_space<hbm>>
      %dma_start3A_32 = arith.constant 0 : i32
      %dma_start3A_33 = tpu.memref_slice %dma_start3A_31[%run_scoped3A_6, %dma_start3A_32] : memref<81x128xi32, #tpu.memory_space<hbm>> -> memref<1x128xi32, #tpu.memory_space<hbm>>
      %dma_start3A_34 = tpu.memref_squeeze %dma_start3A_33 : memref<1x128xi32, #tpu.memory_space<hbm>> -> memref<128xi32, #tpu.memory_space<hbm>>
      tpu.enqueue_dma source(%dma_start3A_34 : memref<128xi32, #tpu.memory_space<hbm>>) target(%dma_start3A_27 : memref<128xi32, #tpu.memory_space<vmem>>) target_semaphore(%run_scoped3A_15 : memref<!tpu.dma_semaphore, #tpu.memory_space<semaphore_mem>>)
      %dma_wait3A = arith.constant 0 : i32
      %dma_wait3A_35 = tpu.memref_slice %arg12[%run_scoped3A_7, %dma_wait3A] : memref<2x128xi32, #tpu.memory_space<vmem>> -> memref<1x128xi32, #tpu.memory_space<vmem>>
      %dma_wait3A_36 = tpu.memref_squeeze %dma_wait3A_35 : memref<1x128xi32, #tpu.memory_space<vmem>> -> memref<128xi32, #tpu.memory_space<vmem>>
      %dma_wait3A_37 = arith.constant 0 : i32
      %dma_wait3A_38 = arith.constant 0 : i32
      %dma_wait3A_39 = tpu.memref_slice %arg6[%add3A, %dma_wait3A_37, %dma_wait3A_38] : memref<32x81x128xi32, #tpu.memory_space<hbm>> -> memref<1x81x128xi32, #tpu.memory_space<hbm>>
      %dma_wait3A_40 = tpu.memref_squeeze %dma_wait3A_39 : memref<1x81x128xi32, #tpu.memory_space<hbm>> -> memref<81x128xi32, #tpu.memory_space<hbm>>
      %dma_wait3A_41 = arith.constant 0 : i32
      %dma_wait3A_42 = tpu.memref_slice %dma_wait3A_40[%run_scoped3A_6, %dma_wait3A_41] : memref<81x128xi32, #tpu.memory_space<hbm>> -> memref<1x128xi32, #tpu.memory_space<hbm>>
      %dma_wait3A_43 = tpu.memref_squeeze %dma_wait3A_42 : memref<1x128xi32, #tpu.memory_space<hbm>> -> memref<128xi32, #tpu.memory_space<hbm>>
      %dma_wait3A_44 = arith.constant 0 : i32
      %dma_wait3A_45 = tpu.memref_slice %arg12[%run_scoped3A_7, %dma_wait3A_44] : memref<2x128xi32, #tpu.memory_space<vmem>> -> memref<1x128xi32, #tpu.memory_space<vmem>>
      %dma_wait3A_46 = tpu.memref_squeeze %dma_wait3A_45 : memref<1x128xi32, #tpu.memory_space<vmem>> -> memref<128xi32, #tpu.memory_space<vmem>>
      %dma_wait3A_47 = arith.constant 0 : i32
      %dma_wait3A_48 = arith.constant 0 : i32
      %dma_wait3A_49 = tpu.memref_slice %arg6[%add3A, %dma_wait3A_47, %dma_wait3A_48] : memref<32x81x128xi32, #tpu.memory_space<hbm>> -> memref<1x81x128xi32, #tpu.memory_space<hbm>>
      %dma_wait3A_50 = tpu.memref_squeeze %dma_wait3A_49 : memref<1x81x128xi32, #tpu.memory_space<hbm>> -> memref<81x128xi32, #tpu.memory_space<hbm>>
      %dma_wait3A_51 = arith.constant 0 : i32
      %dma_wait3A_52 = tpu.memref_slice %dma_wait3A_50[%run_scoped3A_6, %dma_wait3A_51] : memref<81x128xi32, #tpu.memory_space<hbm>> -> memref<1x128xi32, #tpu.memory_space<hbm>>
      %dma_wait3A_53 = tpu.memref_squeeze %dma_wait3A_52 : memref<1x128xi32, #tpu.memory_space<hbm>> -> memref<128xi32, #tpu.memory_space<hbm>>
      tpu.wait_dma2 semaphore(%run_scoped3A_15 : memref<!tpu.dma_semaphore, #tpu.memory_space<semaphore_mem>>) src(%dma_wait3A_53 : memref<128xi32, #tpu.memory_space<hbm>>) dst(%dma_wait3A_46 : memref<128xi32, #tpu.memory_space<vmem>>)
      tpu.yield
    }) : () -> ()
    %barrier3A = arith.constant 0 : index
    tpu.barrier barrier_id(%barrier3A)
    %get3A = arith.constant 0 : index
    %get3A_8 = tpu.vector_load %arg17[%get3A] {strides = array<i32>} : memref<16xf32, #tpu.memory_space<vmem>>, vector<16xf32>,
    %scan3A = arith.constant 0 : i32
    %scan3A_9 = arith.constant 0 : i32
    %scan3A_10 = arith.constant 81 : i32
    %scan3A_11 = arith.addi %scan3A_9, %scan3A_10 : i32
    %scan3A_12 = arith.constant 1 : i32
    scf.for %scan3A_15 = %scan3A_9 to %scan3A_11 step %scan3A_12  : i32 {
      %rem3A = arith.constant 2 : i32
      %rem3A_16 = arith.remsi %scan3A_15, %rem3A : i32
      %add3A_17 = arith.constant 1 : i32
      %add3A_18 = arith.addi %scan3A_15, %add3A_17 : i32
      %rem3A_19 = arith.constant 2 : i32
      %rem3A_20 = arith.remsi %add3A_18, %rem3A_19 : i32
      %add3A_21 = arith.constant 1 : i32
      %add3A_22 = arith.addi %scan3A_15, %add3A_21 : i32
      %min3A = arith.constant 80 : i32
      %min3A_23 = arith.minsi %add3A_22, %min3A : i32
      %dma_start3A = arith.constant 0 : i32
      %dma_start3A_24 = tpu.memref_slice %arg11[%rem3A_20, %dma_start3A] : memref<2x128xi32, #tpu.memory_space<vmem>> -> memref<1x128xi32, #tpu.memory_space<vmem>>
      %dma_start3A_25 = tpu.memref_squeeze %dma_start3A_24 : memref<1x128xi32, #tpu.memory_space<vmem>> -> memref<128xi32, #tpu.memory_space<vmem>>
      %dma_start3A_26 = arith.constant 0 : i32
      %dma_start3A_27 = arith.constant 0 : i32
      %dma_start3A_28 = tpu.memref_slice %arg5[%add3A, %dma_start3A_26, %dma_start3A_27] : memref<32x81x128xi32, #tpu.memory_space<hbm>> -> memref<1x81x128xi32, #tpu.memory_space<hbm>>
      %dma_start3A_29 = tpu.memref_squeeze %dma_start3A_28 : memref<1x81x128xi32, #tpu.memory_space<hbm>> -> memref<81x128xi32, #tpu.memory_space<hbm>>
      %dma_start3A_30 = arith.constant 0 : i32
      %dma_start3A_31 = tpu.memref_slice %dma_start3A_29[%min3A_23, %dma_start3A_30] : memref<81x128xi32, #tpu.memory_space<hbm>> -> memref<1x128xi32, #tpu.memory_space<hbm>>
      %dma_start3A_32 = tpu.memref_squeeze %dma_start3A_31 : memref<1x128xi32, #tpu.memory_space<hbm>> -> memref<128xi32, #tpu.memory_space<hbm>>
      %dma_start3A_33 = arith.constant 0 : i32
      %dma_start3A_34 = tpu.memref_slice %arg11[%rem3A_20, %dma_start3A_33] : memref<2x128xi32, #tpu.memory_space<vmem>> -> memref<1x128xi32, #tpu.memory_space<vmem>>
      %dma_start3A_35 = tpu.memref_squeeze %dma_start3A_34 : memref<1x128xi32, #tpu.memory_space<vmem>> -> memref<128xi32, #tpu.memory_space<vmem>>
      %dma_start3A_36 = arith.constant 0 : i32
      %dma_start3A_37 = arith.constant 0 : i32
      %dma_start3A_38 = tpu.memref_slice %arg5[%add3A, %dma_start3A_36, %dma_start3A_37] : memref<32x81x128xi32, #tpu.memory_space<hbm>> -> memref<1x81x128xi32, #tpu.memory_space<hbm>>
      %dma_start3A_39 = tpu.memref_squeeze %dma_start3A_38 : memref<1x81x128xi32, #tpu.memory_space<hbm>> -> memref<81x128xi32, #tpu.memory_space<hbm>>
      %dma_start3A_40 = arith.constant 0 : i32
      %dma_start3A_41 = tpu.memref_slice %dma_start3A_39[%min3A_23, %dma_start3A_40] : memref<81x128xi32, #tpu.memory_space<hbm>> -> memref<1x128xi32, #tpu.memory_space<hbm>>
      %dma_start3A_42 = tpu.memref_squeeze %dma_start3A_41 : memref<1x128xi32, #tpu.memory_space<hbm>> -> memref<128xi32, #tpu.memory_space<hbm>>
      tpu.enqueue_dma source(%dma_start3A_42 : memref<128xi32, #tpu.memory_space<hbm>>) target(%dma_start3A_35 : memref<128xi32, #tpu.memory_space<vmem>>) target_semaphore(%arg21 : memref<!tpu.dma_semaphore, #tpu.memory_space<semaphore_mem>>)
      %dma_start3A_43 = arith.constant 0 : i32
      %dma_start3A_44 = tpu.memref_slice %arg12[%rem3A_20, %dma_start3A_43] : memref<2x128xi32, #tpu.memory_space<vmem>> -> memref<1x128xi32, #tpu.memory_space<vmem>>
      %dma_start3A_45 = tpu.memref_squeeze %dma_start3A_44 : memref<1x128xi32, #tpu.memory_space<vmem>> -> memref<128xi32, #tpu.memory_space<vmem>>
      %dma_start3A_46 = arith.constant 0 : i32
      %dma_start3A_47 = arith.constant 0 : i32
      %dma_start3A_48 = tpu.memref_slice %arg6[%add3A, %dma_start3A_46, %dma_start3A_47] : memref<32x81x128xi32, #tpu.memory_space<hbm>> -> memref<1x81x128xi32, #tpu.memory_space<hbm>>
      %dma_start3A_49 = tpu.memref_squeeze %dma_start3A_48 : memref<1x81x128xi32, #tpu.memory_space<hbm>> -> memref<81x128xi32, #tpu.memory_space<hbm>>
      %dma_start3A_50 = arith.constant 0 : i32
      %dma_start3A_51 = tpu.memref_slice %dma_start3A_49[%min3A_23, %dma_start3A_50] : memref<81x128xi32, #tpu.memory_space<hbm>> -> memref<1x128xi32, #tpu.memory_space<hbm>>
      %dma_start3A_52 = tpu.memref_squeeze %dma_start3A_51 : memref<1x128xi32, #tpu.memory_space<hbm>> -> memref<128xi32, #tpu.memory_space<hbm>>
      %dma_start3A_53 = arith.constant 0 : i32
      %dma_start3A_54 = tpu.memref_slice %arg12[%rem3A_20, %dma_start3A_53] : memref<2x128xi32, #tpu.memory_space<vmem>> -> memref<1x128xi32, #tpu.memory_space<vmem>>
      %dma_start3A_55 = tpu.memref_squeeze %dma_start3A_54 : memref<1x128xi32, #tpu.memory_space<vmem>> -> memref<128xi32, #tpu.memory_space<vmem>>
      %dma_start3A_56 = arith.constant 0 : i32
      %dma_start3A_57 = arith.constant 0 : i32
      %dma_start3A_58 = tpu.memref_slice %arg6[%add3A, %dma_start3A_56, %dma_start3A_57] : memref<32x81x128xi32, #tpu.memory_space<hbm>> -> memref<1x81x128xi32, #tpu.memory_space<hbm>>
      %dma_start3A_59 = tpu.memref_squeeze %dma_start3A_58 : memref<1x81x128xi32, #tpu.memory_space<hbm>> -> memref<81x128xi32, #tpu.memory_space<hbm>>
      %dma_start3A_60 = arith.constant 0 : i32
      %dma_start3A_61 = tpu.memref_slice %dma_start3A_59[%min3A_23, %dma_start3A_60] : memref<81x128xi32, #tpu.memory_space<hbm>> -> memref<1x128xi32, #tpu.memory_space<hbm>>
      %dma_start3A_62 = tpu.memref_squeeze %dma_start3A_61 : memref<1x128xi32, #tpu.memory_space<hbm>> -> memref<128xi32, #tpu.memory_space<hbm>>
      tpu.enqueue_dma source(%dma_start3A_62 : memref<128xi32, #tpu.memory_space<hbm>>) target(%dma_start3A_55 : memref<128xi32, #tpu.memory_space<vmem>>) target_semaphore(%arg21 : memref<!tpu.dma_semaphore, #tpu.memory_space<semaphore_mem>>)
      %dma_start3A_63 = arith.constant 0 : i32
      %dma_start3A_64 = tpu.memref_slice %arg11[%rem3A_16, %dma_start3A_63] : memref<2x128xi32, #tpu.memory_space<vmem>> -> memref<1x128xi32, #tpu.memory_space<vmem>>
      %dma_start3A_65 = tpu.memref_squeeze %dma_start3A_64 : memref<1x128xi32, #tpu.memory_space<vmem>> -> memref<128xi32, #tpu.memory_space<vmem>>
      %dma_start3A_66 = arith.constant 0 : i32
      %dma_start3A_67 = arith.constant 0 : i32
      %dma_start3A_68 = tpu.memref_slice %arg2[%dma_start3A_66, %dma_start3A_67] : memref<10240x128xf32, #tpu.memory_space<hbm>> -> memref<10240x128xf32, #tpu.memory_space<hbm>>
      tpu.enqueue_indirect_dma source(%dma_start3A_68 : memref<10240x128xf32, #tpu.memory_space<hbm>>) target(%arg16 : memref<128x128xf32, #tpu.memory_space<vmem>>) offsets(%dma_start3A_65 : memref<128xi32, #tpu.memory_space<vmem>>) semaphore(%arg20 : memref<!tpu.dma_semaphore, #tpu.memory_space<semaphore_mem>>)
      %scan3A_69 = arith.constant 0 : i32
      %scan3A_70 = arith.constant 0 : i32
      %scan3A_71 = arith.constant 8 : i32
      %scan3A_72 = arith.addi %scan3A_70, %scan3A_71 : i32
      %scan3A_73 = arith.constant 1 : i32
      %scan3A_74 = scf.for %scan3A_128 = %scan3A_70 to %scan3A_72 step %scan3A_73 iter_args(%scan3A_129 = %scan3A_69) -> (i32)  : i32 {
        %mul3A_130 = arith.constant 16 : i32
        %mul3A_131 = arith.muli %scan3A_128, %mul3A_130 : i32
        %get3A_132 = arith.index_cast %rem3A_16 : i32 to index
        %get3A_133 = arith.index_cast %mul3A_131 : i32 to index
        %get3A_134 = tpu.vector_load %arg11[%get3A_132, %get3A_133] {strides = array<i32>} : memref<2x128xi32, #tpu.memory_space<vmem>>, vector<16xi32>,
        %get3A_135 = arith.index_cast %rem3A_16 : i32 to index
        %get3A_136 = arith.index_cast %mul3A_131 : i32 to index
        %get3A_137 = tpu.vector_load %arg12[%get3A_135, %get3A_136] {strides = array<i32>} : memref<2x128xi32, #tpu.memory_space<vmem>>, vector<16xi32>,
        %gather3A = tpu.vector_load_idx %arg13[%get3A_134] : memref<10240xf32, #tpu.memory_space<vmem>>[vector<16xi32>], vector<16xf32>,
        %gather3A_138 = tpu.vector_load_idx %arg14[%get3A_137] : memref<10240xf32, #tpu.memory_space<vmem>>[vector<16xi32>], vector<16xf32>,
        %add3A_139 = arith.addf %gather3A, %gather3A_138 : vector<16xf32>
        %ge3A = arith.constant 0.000000e+00 : f32
        %ge3A_140 = vector.broadcast %ge3A : f32 to vector<16xf32>
        %ge3A_141 = arith.cmpf oge, %add3A_139, %ge3A_140 : vector<16xf32>
        %mul3A_142 = arith.constant 2.000000e-01 : f32
        %mul3A_143 = vector.broadcast %mul3A_142 : f32 to vector<16xf32>
        %mul3A_144 = arith.mulf %add3A_139, %mul3A_143 : vector<16xf32>
        %select_n3A = arith.select %ge3A_141, %add3A_139, %mul3A_144 : vector<16xi1>, vector<16xf32>
        %sub3A = arith.subf %select_n3A, %get3A_8 : vector<16xf32>
        %exp3A = math.exp %sub3A : vector<16xf32>
        %swap3A = arith.index_cast %mul3A_131 : i32 to index
        %swap3A_145 = tpu.vector_load %arg15[%swap3A] {strides = array<i32>} : memref<128xf32, #tpu.memory_space<vmem>>, vector<16xf32>,
        tpu.vector_store %arg15[%swap3A], %exp3A {strides = array<i32>} : memref<128xf32, #tpu.memory_space<vmem>>, vector<16xf32>,
        %scan3A_146 = arith.constant 0 : i32
        scf.yield %scan3A_146 : i32
      }
      %scan3A_75 = arith.constant 8 : i32
      "tpu.region"() ({
        %run_scoped3A_128 = tpu.sem_alloc : memref<!tpu.dma_semaphore, #tpu.memory_space<semaphore_mem>>
        %dma_start3A_129 = arith.constant 0 : i32
        %dma_start3A_130 = tpu.memref_slice %arg12[%rem3A_16, %dma_start3A_129] : memref<2x128xi32, #tpu.memory_space<vmem>> -> memref<1x128xi32, #tpu.memory_space<vmem>>
        %dma_start3A_131 = tpu.memref_squeeze %dma_start3A_130 : memref<1x128xi32, #tpu.memory_space<vmem>> -> memref<128xi32, #tpu.memory_space<vmem>>
        %dma_start3A_132 = arith.constant 0 : i32
        %dma_start3A_133 = tpu.memref_slice %arg19[%dma_start3A_132] : memref<10240xf32, #tpu.memory_space<vmem_shared>> -> memref<10240xf32, #tpu.memory_space<vmem_shared>>
        tpu.enqueue_indirect_dma source(%arg15 : memref<128xf32, #tpu.memory_space<vmem>>) target(%dma_start3A_133 : memref<10240xf32, #tpu.memory_space<vmem_shared>>) offsets(%dma_start3A_131 : memref<128xi32, #tpu.memory_space<vmem>>) semaphore(%run_scoped3A_128 : memref<!tpu.dma_semaphore, #tpu.memory_space<semaphore_mem>>) {add = true}
        %dma_wait3A_134 = arith.constant 0 : i32
        %dma_wait3A_135 = tpu.memref_slice %arg12[%rem3A_16, %dma_wait3A_134] : memref<2x128xi32, #tpu.memory_space<vmem>> -> memref<1x128xi32, #tpu.memory_space<vmem>>
        %dma_wait3A_136 = tpu.memref_squeeze %dma_wait3A_135 : memref<1x128xi32, #tpu.memory_space<vmem>> -> memref<128xi32, #tpu.memory_space<vmem>>
        %dma_wait3A_137 = arith.constant 0 : i32
        %dma_wait3A_138 = tpu.memref_slice %arg19[%dma_wait3A_137] : memref<10240xf32, #tpu.memory_space<vmem_shared>> -> memref<10240xf32, #tpu.memory_space<vmem_shared>>
        tpu.wait_indirect_dma semaphore(%run_scoped3A_128 : memref<!tpu.dma_semaphore, #tpu.memory_space<semaphore_mem>>) src(%arg15 : memref<128xf32, #tpu.memory_space<vmem>>) dst(%dma_wait3A_138 : memref<10240xf32, #tpu.memory_space<vmem_shared>>)
        tpu.yield
      }) : () -> ()
      %dma_wait3A = arith.constant 0 : i32
      %dma_wait3A_76 = tpu.memref_slice %arg11[%rem3A_16, %dma_wait3A] : memref<2x128xi32, #tpu.memory_space<vmem>> -> memref<1x128xi32, #tpu.memory_space<vmem>>
      %dma_wait3A_77 = tpu.memref_squeeze %dma_wait3A_76 : memref<1x128xi32, #tpu.memory_space<vmem>> -> memref<128xi32, #tpu.memory_space<vmem>>
      %dma_wait3A_78 = arith.constant 0 : i32
      %dma_wait3A_79 = arith.constant 0 : i32
      %dma_wait3A_80 = tpu.memref_slice %arg2[%dma_wait3A_78, %dma_wait3A_79] : memref<10240x128xf32, #tpu.memory_space<hbm>> -> memref<10240x128xf32, #tpu.memory_space<hbm>>
      tpu.wait_indirect_dma semaphore(%arg20 : memref<!tpu.dma_semaphore, #tpu.memory_space<semaphore_mem>>) src(%dma_wait3A_80 : memref<10240x128xf32, #tpu.memory_space<hbm>>) dst(%arg16 : memref<128x128xf32, #tpu.memory_space<vmem>>)
      %scan3A_81 = arith.constant 0 : i32
      %scan3A_82 = arith.constant 0 : i32
      %scan3A_83 = arith.constant 8 : i32
      %scan3A_84 = arith.addi %scan3A_82, %scan3A_83 : i32
      %scan3A_85 = arith.constant 1 : i32
      %scan3A_86 = scf.for %scan3A_128 = %scan3A_82 to %scan3A_84 step %scan3A_85 iter_args(%scan3A_129 = %scan3A_81) -> (i32)  : i32 {
        %mul3A_130 = arith.constant 16 : i32
        %mul3A_131 = arith.muli %scan3A_128, %mul3A_130 : i32
        %get3A_132 = arith.index_cast %mul3A_131 : i32 to index
        %get3A_133 = tpu.vector_load %arg15[%get3A_132] {strides = array<i32>} : memref<128xf32, #tpu.memory_space<vmem>>, vector<16xf32>,
        %mul3A_134 = arith.constant 16 : i32
        %mul3A_135 = arith.muli %scan3A_128, %mul3A_134 : i32
        %slice3A = vector.extract_strided_slice %get3A_133 {offsets = [0], sizes = [1], strides = [1]} : vector<16xf32> to vector<1xf32>
        %squeeze3A = vector.extract %slice3A[0] : f32 from vector<1xf32>
        %add3A_136 = arith.constant 0 : i32
        %add3A_137 = arith.addi %mul3A_135, %add3A_136 : i32
        %get3A_138 = arith.index_cast %add3A_137 : i32 to index
        %get3A_139 = arith.constant 0 : index
        %get3A_140 = tpu.vector_load %arg16[%get3A_138, %get3A_139] {strides = array<i32>} : memref<128x128xf32, #tpu.memory_space<vmem>>, vector<16xf32>,
        %mul3A_141 = vector.broadcast %squeeze3A : f32 to vector<16xf32>
        %mul3A_142 = arith.mulf %get3A_140, %mul3A_141 : vector<16xf32>
        %add3A_143 = arith.constant 0 : i32
        %add3A_144 = arith.addi %mul3A_135, %add3A_143 : i32
        %swap3A = arith.index_cast %add3A_144 : i32 to index
        %swap3A_145 = arith.constant 0 : index
        %swap3A_146 = tpu.vector_load %arg16[%swap3A, %swap3A_145] {strides = array<i32>} : memref<128x128xf32, #tpu.memory_space<vmem>>, vector<16xf32>,
        tpu.vector_store %arg16[%swap3A, %swap3A_145], %mul3A_142 {strides = array<i32>} : memref<128x128xf32, #tpu.memory_space<vmem>>, vector<16xf32>,
        %add3A_147 = arith.constant 0 : i32
        %add3A_148 = arith.addi %mul3A_135, %add3A_147 : i32
        %get3A_149 = arith.index_cast %add3A_148 : i32 to index
        %get3A_150 = arith.constant 16 : index
        %get3A_151 = tpu.vector_load %arg16[%get3A_149, %get3A_150] {strides = array<i32>} : memref<128x128xf32, #tpu.memory_space<vmem>>, vector<16xf32>,
        %mul3A_152 = vector.broadcast %squeeze3A : f32 to vector<16xf32>
        %mul3A_153 = arith.mulf %get3A_151, %mul3A_152 : vector<16xf32>
        %add3A_154 = arith.constant 0 : i32
        %add3A_155 = arith.addi %mul3A_135, %add3A_154 : i32
        %swap3A_156 = arith.index_cast %add3A_155 : i32 to index
        %swap3A_157 = arith.constant 16 : index
        %swap3A_158 = tpu.vector_load %arg16[%swap3A_156, %swap3A_157] {strides = array<i32>} : memref<128x128xf32, #tpu.memory_space<vmem>>, vector<16xf32>,
        tpu.vector_store %arg16[%swap3A_156, %swap3A_157], %mul3A_153 {strides = array<i32>} : memref<128x128xf32, #tpu.memory_space<vmem>>, vector<16xf32>,
        %add3A_159 = arith.constant 0 : i32
        %add3A_160 = arith.addi %mul3A_135, %add3A_159 : i32
        %get3A_161 = arith.index_cast %add3A_160 : i32 to index
        %get3A_162 = arith.constant 32 : index
        %get3A_163 = tpu.vector_load %arg16[%get3A_161, %get3A_162] {strides = array<i32>} : memref<128x128xf32, #tpu.memory_space<vmem>>, vector<16xf32>,
        %mul3A_164 = vector.broadcast %squeeze3A : f32 to vector<16xf32>
        %mul3A_165 = arith.mulf %get3A_163, %mul3A_164 : vector<16xf32>
        %add3A_166 = arith.constant 0 : i32
        %add3A_167 = arith.addi %mul3A_135, %add3A_166 : i32
        %swap3A_168 = arith.index_cast %add3A_167 : i32 to index
        %swap3A_169 = arith.constant 32 : index
        %swap3A_170 = tpu.vector_load %arg16[%swap3A_168, %swap3A_169] {strides = array<i32>} : memref<128x128xf32, #tpu.memory_space<vmem>>, vector<16xf32>,
        tpu.vector_store %arg16[%swap3A_168, %swap3A_169], %mul3A_165 {strides = array<i32>} : memref<128x128xf32, #tpu.memory_space<vmem>>, vector<16xf32>,
        %add3A_171 = arith.constant 0 : i32
        %add3A_172 = arith.addi %mul3A_135, %add3A_171 : i32
        %get3A_173 = arith.index_cast %add3A_172 : i32 to index
        %get3A_174 = arith.constant 48 : index
        %get3A_175 = tpu.vector_load %arg16[%get3A_173, %get3A_174] {strides = array<i32>} : memref<128x128xf32, #tpu.memory_space<vmem>>, vector<16xf32>,
        %mul3A_176 = vector.broadcast %squeeze3A : f32 to vector<16xf32>
        %mul3A_177 = arith.mulf %get3A_175, %mul3A_176 : vector<16xf32>
        %add3A_178 = arith.constant 0 : i32
        %add3A_179 = arith.addi %mul3A_135, %add3A_178 : i32
        %swap3A_180 = arith.index_cast %add3A_179 : i32 to index
        %swap3A_181 = arith.constant 48 : index
        %swap3A_182 = tpu.vector_load %arg16[%swap3A_180, %swap3A_181] {strides = array<i32>} : memref<128x128xf32, #tpu.memory_space<vmem>>, vector<16xf32>,
        tpu.vector_store %arg16[%swap3A_180, %swap3A_181], %mul3A_177 {strides = array<i32>} : memref<128x128xf32, #tpu.memory_space<vmem>>, vector<16xf32>,
        %add3A_183 = arith.constant 0 : i32
        %add3A_184 = arith.addi %mul3A_135, %add3A_183 : i32
        %get3A_185 = arith.index_cast %add3A_184 : i32 to index
        %get3A_186 = arith.constant 64 : index
        %get3A_187 = tpu.vector_load %arg16[%get3A_185, %get3A_186] {strides = array<i32>} : memref<128x128xf32, #tpu.memory_space<vmem>>, vector<16xf32>,
        %mul3A_188 = vector.broadcast %squeeze3A : f32 to vector<16xf32>
        %mul3A_189 = arith.mulf %get3A_187, %mul3A_188 : vector<16xf32>
        %add3A_190 = arith.constant 0 : i32
        %add3A_191 = arith.addi %mul3A_135, %add3A_190 : i32
        %swap3A_192 = arith.index_cast %add3A_191 : i32 to index
        %swap3A_193 = arith.constant 64 : index
        %swap3A_194 = tpu.vector_load %arg16[%swap3A_192, %swap3A_193] {strides = array<i32>} : memref<128x128xf32, #tpu.memory_space<vmem>>, vector<16xf32>,
        tpu.vector_store %arg16[%swap3A_192, %swap3A_193], %mul3A_189 {strides = array<i32>} : memref<128x128xf32, #tpu.memory_space<vmem>>, vector<16xf32>,
        %add3A_195 = arith.constant 0 : i32
        %add3A_196 = arith.addi %mul3A_135, %add3A_195 : i32
        %get3A_197 = arith.index_cast %add3A_196 : i32 to index
        %get3A_198 = arith.constant 80 : index
        %get3A_199 = tpu.vector_load %arg16[%get3A_197, %get3A_198] {strides = array<i32>} : memref<128x128xf32, #tpu.memory_space<vmem>>, vector<16xf32>,
        %mul3A_200 = vector.broadcast %squeeze3A : f32 to vector<16xf32>
        %mul3A_201 = arith.mulf %get3A_199, %mul3A_200 : vector<16xf32>
        %add3A_202 = arith.constant 0 : i32
        %add3A_203 = arith.addi %mul3A_135, %add3A_202 : i32
        %swap3A_204 = arith.index_cast %add3A_203 : i32 to index
        %swap3A_205 = arith.constant 80 : index
        %swap3A_206 = tpu.vector_load %arg16[%swap3A_204, %swap3A_205] {strides = array<i32>} : memref<128x128xf32, #tpu.memory_space<vmem>>, vector<16xf32>,
        tpu.vector_store %arg16[%swap3A_204, %swap3A_205], %mul3A_201 {strides = array<i32>} : memref<128x128xf32, #tpu.memory_space<vmem>>, vector<16xf32>,
        %add3A_207 = arith.constant 0 : i32
        %add3A_208 = arith.addi %mul3A_135, %add3A_207 : i32
        %get3A_209 = arith.index_cast %add3A_208 : i32 to index
        %get3A_210 = arith.constant 96 : index
        %get3A_211 = tpu.vector_load %arg16[%get3A_209, %get3A_210] {strides = array<i32>} : memref<128x128xf32, #tpu.memory_space<vmem>>, vector<16xf32>,
        %mul3A_212 = vector.broadcast %squeeze3A : f32 to vector<16xf32>
        %mul3A_213 = arith.mulf %get3A_211, %mul3A_212 : vector<16xf32>
        %add3A_214 = arith.constant 0 : i32
        %add3A_215 = arith.addi %mul3A_135, %add3A_214 : i32
        %swap3A_216 = arith.index_cast %add3A_215 : i32 to index
        %swap3A_217 = arith.constant 96 : index
        %swap3A_218 = tpu.vector_load %arg16[%swap3A_216, %swap3A_217] {strides = array<i32>} : memref<128x128xf32, #tpu.memory_space<vmem>>, vector<16xf32>,
        tpu.vector_store %arg16[%swap3A_216, %swap3A_217], %mul3A_213 {strides = array<i32>} : memref<128x128xf32, #tpu.memory_space<vmem>>, vector<16xf32>,
        %add3A_219 = arith.constant 0 : i32
        %add3A_220 = arith.addi %mul3A_135, %add3A_219 : i32
        %get3A_221 = arith.index_cast %add3A_220 : i32 to index
        %get3A_222 = arith.constant 112 : index
        %get3A_223 = tpu.vector_load %arg16[%get3A_221, %get3A_222] {strides = array<i32>} : memref<128x128xf32, #tpu.memory_space<vmem>>, vector<16xf32>,
        %mul3A_224 = vector.broadcast %squeeze3A : f32 to vector<16xf32>
        %mul3A_225 = arith.mulf %get3A_223, %mul3A_224 : vector<16xf32>
        %add3A_226 = arith.constant 0 : i32
        %add3A_227 = arith.addi %mul3A_135, %add3A_226 : i32
        %swap3A_228 = arith.index_cast %add3A_227 : i32 to index
        %swap3A_229 = arith.constant 112 : index
        %swap3A_230 = tpu.vector_load %arg16[%swap3A_228, %swap3A_229] {strides = array<i32>} : memref<128x128xf32, #tpu.memory_space<vmem>>, vector<16xf32>,
        tpu.vector_store %arg16[%swap3A_228, %swap3A_229], %mul3A_225 {strides = array<i32>} : memref<128x128xf32, #tpu.memory_space<vmem>>, vector<16xf32>,
        %slice3A_231 = vector.extract_strided_slice %get3A_133 {offsets = [1], sizes = [1], strides = [1]} : vector<16xf32> to vector<1xf32>
        %squeeze3A_232 = vector.extract %slice3A_231[0] : f32 from vector<1xf32>
        %add3A_233 = arith.constant 1 : i32
        %add3A_234 = arith.addi %mul3A_135, %add3A_233 : i32
        %get3A_235 = arith.index_cast %add3A_234 : i32 to index
        %get3A_236 = arith.constant 0 : index
        %get3A_237 = tpu.vector_load %arg16[%get3A_235, %get3A_236] {strides = array<i32>} : memref<128x128xf32, #tpu.memory_space<vmem>>, vector<16xf32>,
        %mul3A_238 = vector.broadcast %squeeze3A_232 : f32 to vector<16xf32>
        %mul3A_239 = arith.mulf %get3A_237, %mul3A_238 : vector<16xf32>
        %add3A_240 = arith.constant 1 : i32
        %add3A_241 = arith.addi %mul3A_135, %add3A_240 : i32
        %swap3A_242 = arith.index_cast %add3A_241 : i32 to index
        %swap3A_243 = arith.constant 0 : index
        %swap3A_244 = tpu.vector_load %arg16[%swap3A_242, %swap3A_243] {strides = array<i32>} : memref<128x128xf32, #tpu.memory_space<vmem>>, vector<16xf32>,
        tpu.vector_store %arg16[%swap3A_242, %swap3A_243], %mul3A_239 {strides = array<i32>} : memref<128x128xf32, #tpu.memory_space<vmem>>, vector<16xf32>,
        %add3A_245 = arith.constant 1 : i32
        %add3A_246 = arith.addi %mul3A_135, %add3A_245 : i32
        %get3A_247 = arith.index_cast %add3A_246 : i32 to index
        %get3A_248 = arith.constant 16 : index
        %get3A_249 = tpu.vector_load %arg16[%get3A_247, %get3A_248] {strides = array<i32>} : memref<128x128xf32, #tpu.memory_space<vmem>>, vector<16xf32>,
        %mul3A_250 = vector.broadcast %squeeze3A_232 : f32 to vector<16xf32>
        %mul3A_251 = arith.mulf %get3A_249, %mul3A_250 : vector<16xf32>
        %add3A_252 = arith.constant 1 : i32
        %add3A_253 = arith.addi %mul3A_135, %add3A_252 : i32
        %swap3A_254 = arith.index_cast %add3A_253 : i32 to index
        %swap3A_255 = arith.constant 16 : index
        %swap3A_256 = tpu.vector_load %arg16[%swap3A_254, %swap3A_255] {strides = array<i32>} : memref<128x128xf32, #tpu.memory_space<vmem>>, vector<16xf32>,
        tpu.vector_store %arg16[%swap3A_254, %swap3A_255], %mul3A_251 {strides = array<i32>} : memref<128x128xf32, #tpu.memory_space<vmem>>, vector<16xf32>,
        %add3A_257 = arith.constant 1 : i32
        %add3A_258 = arith.addi %mul3A_135, %add3A_257 : i32
        %get3A_259 = arith.index_cast %add3A_258 : i32 to index
        %get3A_260 = arith.constant 32 : index
        %get3A_261 = tpu.vector_load %arg16[%get3A_259, %get3A_260] {strides = array<i32>} : memref<128x128xf32, #tpu.memory_space<vmem>>, vector<16xf32>,
        %mul3A_262 = vector.broadcast %squeeze3A_232 : f32 to vector<16xf32>
        %mul3A_263 = arith.mulf %get3A_261, %mul3A_262 : vector<16xf32>
        %add3A_264 = arith.constant 1 : i32
        %add3A_265 = arith.addi %mul3A_135, %add3A_264 : i32
        %swap3A_266 = arith.index_cast %add3A_265 : i32 to index
        %swap3A_267 = arith.constant 32 : index
        %swap3A_268 = tpu.vector_load %arg16[%swap3A_266, %swap3A_267] {strides = array<i32>} : memref<128x128xf32, #tpu.memory_space<vmem>>, vector<16xf32>,
        tpu.vector_store %arg16[%swap3A_266, %swap3A_267], %mul3A_263 {strides = array<i32>} : memref<128x128xf32, #tpu.memory_space<vmem>>, vector<16xf32>,
        %add3A_269 = arith.constant 1 : i32
        %add3A_270 = arith.addi %mul3A_135, %add3A_269 : i32
        %get3A_271 = arith.index_cast %add3A_270 : i32 to index
        %get3A_272 = arith.constant 48 : index
        %get3A_273 = tpu.vector_load %arg16[%get3A_271, %get3A_272] {strides = array<i32>} : memref<128x128xf32, #tpu.memory_space<vmem>>, vector<16xf32>,
        %mul3A_274 = vector.broadcast %squeeze3A_232 : f32 to vector<16xf32>
        %mul3A_275 = arith.mulf %get3A_273, %mul3A_274 : vector<16xf32>
        %add3A_276 = arith.constant 1 : i32
        %add3A_277 = arith.addi %mul3A_135, %add3A_276 : i32
        %swap3A_278 = arith.index_cast %add3A_277 : i32 to index
        %swap3A_279 = arith.constant 48 : index
        %swap3A_280 = tpu.vector_load %arg16[%swap3A_278, %swap3A_279] {strides = array<i32>} : memref<128x128xf32, #tpu.memory_space<vmem>>, vector<16xf32>,
        tpu.vector_store %arg16[%swap3A_278, %swap3A_279], %mul3A_275 {strides = array<i32>} : memref<128x128xf32, #tpu.memory_space<vmem>>, vector<16xf32>,
        %add3A_281 = arith.constant 1 : i32
        %add3A_282 = arith.addi %mul3A_135, %add3A_281 : i32
        %get3A_283 = arith.index_cast %add3A_282 : i32 to index
        %get3A_284 = arith.constant 64 : index
        %get3A_285 = tpu.vector_load %arg16[%get3A_283, %get3A_284] {strides = array<i32>} : memref<128x128xf32, #tpu.memory_space<vmem>>, vector<16xf32>,
        %mul3A_286 = vector.broadcast %squeeze3A_232 : f32 to vector<16xf32>
        %mul3A_287 = arith.mulf %get3A_285, %mul3A_286 : vector<16xf32>
        %add3A_288 = arith.constant 1 : i32
        %add3A_289 = arith.addi %mul3A_135, %add3A_288 : i32
        %swap3A_290 = arith.index_cast %add3A_289 : i32 to index
        %swap3A_291 = arith.constant 64 : index
        %swap3A_292 = tpu.vector_load %arg16[%swap3A_290, %swap3A_291] {strides = array<i32>} : memref<128x128xf32, #tpu.memory_space<vmem>>, vector<16xf32>,
        tpu.vector_store %arg16[%swap3A_290, %swap3A_291], %mul3A_287 {strides = array<i32>} : memref<128x128xf32, #tpu.memory_space<vmem>>, vector<16xf32>,
        %add3A_293 = arith.constant 1 : i32
        %add3A_294 = arith.addi %mul3A_135, %add3A_293 : i32
        %get3A_295 = arith.index_cast %add3A_294 : i32 to index
        %get3A_296 = arith.constant 80 : index
        %get3A_297 = tpu.vector_load %arg16[%get3A_295, %get3A_296] {strides = array<i32>} : memref<128x128xf32, #tpu.memory_space<vmem>>, vector<16xf32>,
        %mul3A_298 = vector.broadcast %squeeze3A_232 : f32 to vector<16xf32>
        %mul3A_299 = arith.mulf %get3A_297, %mul3A_298 : vector<16xf32>
        %add3A_300 = arith.constant 1 : i32
        %add3A_301 = arith.addi %mul3A_135, %add3A_300 : i32
        %swap3A_302 = arith.index_cast %add3A_301 : i32 to index
        %swap3A_303 = arith.constant 80 : index
        %swap3A_304 = tpu.vector_load %arg16[%swap3A_302, %swap3A_303] {strides = array<i32>} : memref<128x128xf32, #tpu.memory_space<vmem>>, vector<16xf32>,
        tpu.vector_store %arg16[%swap3A_302, %swap3A_303], %mul3A_299 {strides = array<i32>} : memref<128x128xf32, #tpu.memory_space<vmem>>, vector<16xf32>,
        %add3A_305 = arith.constant 1 : i32
        %add3A_306 = arith.addi %mul3A_135, %add3A_305 : i32
        %get3A_307 = arith.index_cast %add3A_306 : i32 to index
        %get3A_308 = arith.constant 96 : index
        %get3A_309 = tpu.vector_load %arg16[%get3A_307, %get3A_308] {strides = array<i32>} : memref<128x128xf32, #tpu.memory_space<vmem>>, vector<16xf32>,
        %mul3A_310 = vector.broadcast %squeeze3A_232 : f32 to vector<16xf32>
        %mul3A_311 = arith.mulf %get3A_309, %mul3A_310 : vector<16xf32>
        %add3A_312 = arith.constant 1 : i32
        %add3A_313 = arith.addi %mul3A_135, %add3A_312 : i32
        %swap3A_314 = arith.index_cast %add3A_313 : i32 to index
        %swap3A_315 = arith.constant 96 : index
        %swap3A_316 = tpu.vector_load %arg16[%swap3A_314, %swap3A_315] {strides = array<i32>} : memref<128x128xf32, #tpu.memory_space<vmem>>, vector<16xf32>,
        tpu.vector_store %arg16[%swap3A_314, %swap3A_315], %mul3A_311 {strides = array<i32>} : memref<128x128xf32, #tpu.memory_space<vmem>>, vector<16xf32>,
        %add3A_317 = arith.constant 1 : i32
        %add3A_318 = arith.addi %mul3A_135, %add3A_317 : i32
        %get3A_319 = arith.index_cast %add3A_318 : i32 to index
        %get3A_320 = arith.constant 112 : index
        %get3A_321 = tpu.vector_load %arg16[%get3A_319, %get3A_320] {strides = array<i32>} : memref<128x128xf32, #tpu.memory_space<vmem>>, vector<16xf32>,
        %mul3A_322 = vector.broadcast %squeeze3A_232 : f32 to vector<16xf32>
        %mul3A_323 = arith.mulf %get3A_321, %mul3A_322 : vector<16xf32>
        %add3A_324 = arith.constant 1 : i32
        %add3A_325 = arith.addi %mul3A_135, %add3A_324 : i32
        %swap3A_326 = arith.index_cast %add3A_325 : i32 to index
        %swap3A_327 = arith.constant 112 : index
        %swap3A_328 = tpu.vector_load %arg16[%swap3A_326, %swap3A_327] {strides = array<i32>} : memref<128x128xf32, #tpu.memory_space<vmem>>, vector<16xf32>,
        tpu.vector_store %arg16[%swap3A_326, %swap3A_327], %mul3A_323 {strides = array<i32>} : memref<128x128xf32, #tpu.memory_space<vmem>>, vector<16xf32>,
        %slice3A_329 = vector.extract_strided_slice %get3A_133 {offsets = [2], sizes = [1], strides = [1]} : vector<16xf32> to vector<1xf32>
        %squeeze3A_330 = vector.extract %slice3A_329[0] : f32 from vector<1xf32>
        %add3A_331 = arith.constant 2 : i32
        %add3A_332 = arith.addi %mul3A_135, %add3A_331 : i32
        %get3A_333 = arith.index_cast %add3A_332 : i32 to index
        %get3A_334 = arith.constant 0 : index
        %get3A_335 = tpu.vector_load %arg16[%get3A_333, %get3A_334] {strides = array<i32>} : memref<128x128xf32, #tpu.memory_space<vmem>>, vector<16xf32>,
        %mul3A_336 = vector.broadcast %squeeze3A_330 : f32 to vector<16xf32>
        %mul3A_337 = arith.mulf %get3A_335, %mul3A_336 : vector<16xf32>
        %add3A_338 = arith.constant 2 : i32
        %add3A_339 = arith.addi %mul3A_135, %add3A_338 : i32
        %swap3A_340 = arith.index_cast %add3A_339 : i32 to index
        %swap3A_341 = arith.constant 0 : index
        %swap3A_342 = tpu.vector_load %arg16[%swap3A_340, %swap3A_341] {strides = array<i32>} : memref<128x128xf32, #tpu.memory_space<vmem>>, vector<16xf32>,
        tpu.vector_store %arg16[%swap3A_340, %swap3A_341], %mul3A_337 {strides = array<i32>} : memref<128x128xf32, #tpu.memory_space<vmem>>, vector<16xf32>,
        %add3A_343 = arith.constant 2 : i32
        %add3A_344 = arith.addi %mul3A_135, %add3A_343 : i32
        %get3A_345 = arith.index_cast %add3A_344 : i32 to index
        %get3A_346 = arith.constant 16 : index
        %get3A_347 = tpu.vector_load %arg16[%get3A_345, %get3A_346] {strides = array<i32>} : memref<128x128xf32, #tpu.memory_space<vmem>>, vector<16xf32>,
        %mul3A_348 = vector.broadcast %squeeze3A_330 : f32 to vector<16xf32>
        %mul3A_349 = arith.mulf %get3A_347, %mul3A_348 : vector<16xf32>
        %add3A_350 = arith.constant 2 : i32
        %add3A_351 = arith.addi %mul3A_135, %add3A_350 : i32
        %swap3A_352 = arith.index_cast %add3A_351 : i32 to index
        %swap3A_353 = arith.constant 16 : index
        %swap3A_354 = tpu.vector_load %arg16[%swap3A_352, %swap3A_353] {strides = array<i32>} : memref<128x128xf32, #tpu.memory_space<vmem>>, vector<16xf32>,
        tpu.vector_store %arg16[%swap3A_352, %swap3A_353], %mul3A_349 {strides = array<i32>} : memref<128x128xf32, #tpu.memory_space<vmem>>, vector<16xf32>,
        %add3A_355 = arith.constant 2 : i32
        %add3A_356 = arith.addi %mul3A_135, %add3A_355 : i32
        %get3A_357 = arith.index_cast %add3A_356 : i32 to index
        %get3A_358 = arith.constant 32 : index
        %get3A_359 = tpu.vector_load %arg16[%get3A_357, %get3A_358] {strides = array<i32>} : memref<128x128xf32, #tpu.memory_space<vmem>>, vector<16xf32>,
        %mul3A_360 = vector.broadcast %squeeze3A_330 : f32 to vector<16xf32>
        %mul3A_361 = arith.mulf %get3A_359, %mul3A_360 : vector<16xf32>
        %add3A_362 = arith.constant 2 : i32
        %add3A_363 = arith.addi %mul3A_135, %add3A_362 : i32
        %swap3A_364 = arith.index_cast %add3A_363 : i32 to index
        %swap3A_365 = arith.constant 32 : index
        %swap3A_366 = tpu.vector_load %arg16[%swap3A_364, %swap3A_365] {strides = array<i32>} : memref<128x128xf32, #tpu.memory_space<vmem>>, vector<16xf32>,
        tpu.vector_store %arg16[%swap3A_364, %swap3A_365], %mul3A_361 {strides = array<i32>} : memref<128x128xf32, #tpu.memory_space<vmem>>, vector<16xf32>,
        %add3A_367 = arith.constant 2 : i32
        %add3A_368 = arith.addi %mul3A_135, %add3A_367 : i32
        %get3A_369 = arith.index_cast %add3A_368 : i32 to index
        %get3A_370 = arith.constant 48 : index
        %get3A_371 = tpu.vector_load %arg16[%get3A_369, %get3A_370] {strides = array<i32>} : memref<128x128xf32, #tpu.memory_space<vmem>>, vector<16xf32>,
        %mul3A_372 = vector.broadcast %squeeze3A_330 : f32 to vector<16xf32>
        %mul3A_373 = arith.mulf %get3A_371, %mul3A_372 : vector<16xf32>
        %add3A_374 = arith.constant 2 : i32
        %add3A_375 = arith.addi %mul3A_135, %add3A_374 : i32
        %swap3A_376 = arith.index_cast %add3A_375 : i32 to index
        %swap3A_377 = arith.constant 48 : index
        %swap3A_378 = tpu.vector_load %arg16[%swap3A_376, %swap3A_377] {strides = array<i32>} : memref<128x128xf32, #tpu.memory_space<vmem>>, vector<16xf32>,
        tpu.vector_store %arg16[%swap3A_376, %swap3A_377], %mul3A_373 {strides = array<i32>} : memref<128x128xf32, #tpu.memory_space<vmem>>, vector<16xf32>,
        %add3A_379 = arith.constant 2 : i32
        %add3A_380 = arith.addi %mul3A_135, %add3A_379 : i32
        %get3A_381 = arith.index_cast %add3A_380 : i32 to index
        %get3A_382 = arith.constant 64 : index
        %get3A_383 = tpu.vector_load %arg16[%get3A_381, %get3A_382] {strides = array<i32>} : memref<128x128xf32, #tpu.memory_space<vmem>>, vector<16xf32>,
        %mul3A_384 = vector.broadcast %squeeze3A_330 : f32 to vector<16xf32>
        %mul3A_385 = arith.mulf %get3A_383, %mul3A_384 : vector<16xf32>
        %add3A_386 = arith.constant 2 : i32
        %add3A_387 = arith.addi %mul3A_135, %add3A_386 : i32
        %swap3A_388 = arith.index_cast %add3A_387 : i32 to index
        %swap3A_389 = arith.constant 64 : index
        %swap3A_390 = tpu.vector_load %arg16[%swap3A_388, %swap3A_389] {strides = array<i32>} : memref<128x128xf32, #tpu.memory_space<vmem>>, vector<16xf32>,
        tpu.vector_store %arg16[%swap3A_388, %swap3A_389], %mul3A_385 {strides = array<i32>} : memref<128x128xf32, #tpu.memory_space<vmem>>, vector<16xf32>,
        %add3A_391 = arith.constant 2 : i32
        %add3A_392 = arith.addi %mul3A_135, %add3A_391 : i32
        %get3A_393 = arith.index_cast %add3A_392 : i32 to index
        %get3A_394 = arith.constant 80 : index
        %get3A_395 = tpu.vector_load %arg16[%get3A_393, %get3A_394] {strides = array<i32>} : memref<128x128xf32, #tpu.memory_space<vmem>>, vector<16xf32>,
        %mul3A_396 = vector.broadcast %squeeze3A_330 : f32 to vector<16xf32>
        %mul3A_397 = arith.mulf %get3A_395, %mul3A_396 : vector<16xf32>
        %add3A_398 = arith.constant 2 : i32
        %add3A_399 = arith.addi %mul3A_135, %add3A_398 : i32
        %swap3A_400 = arith.index_cast %add3A_399 : i32 to index
        %swap3A_401 = arith.constant 80 : index
        %swap3A_402 = tpu.vector_load %arg16[%swap3A_400, %swap3A_401] {strides = array<i32>} : memref<128x128xf32, #tpu.memory_space<vmem>>, vector<16xf32>,
        tpu.vector_store %arg16[%swap3A_400, %swap3A_401], %mul3A_397 {strides = array<i32>} : memref<128x128xf32, #tpu.memory_space<vmem>>, vector<16xf32>,
        %add3A_403 = arith.constant 2 : i32
        %add3A_404 = arith.addi %mul3A_135, %add3A_403 : i32
        %get3A_405 = arith.index_cast %add3A_404 : i32 to index
        %get3A_406 = arith.constant 96 : index
        %get3A_407 = tpu.vector_load %arg16[%get3A_405, %get3A_406] {strides = array<i32>} : memref<128x128xf32, #tpu.memory_space<vmem>>, vector<16xf32>,
        %mul3A_408 = vector.broadcast %squeeze3A_330 : f32 to vector<16xf32>
        %mul3A_409 = arith.mulf %get3A_407, %mul3A_408 : vector<16xf32>
        %add3A_410 = arith.constant 2 : i32
        %add3A_411 = arith.addi %mul3A_135, %add3A_410 : i32
        %swap3A_412 = arith.index_cast %add3A_411 : i32 to index
        %swap3A_413 = arith.constant 96 : index
        %swap3A_414 = tpu.vector_load %arg16[%swap3A_412, %swap3A_413] {strides = array<i32>} : memref<128x128xf32, #tpu.memory_space<vmem>>, vector<16xf32>,
        tpu.vector_store %arg16[%swap3A_412, %swap3A_413], %mul3A_409 {strides = array<i32>} : memref<128x128xf32, #tpu.memory_space<vmem>>, vector<16xf32>,
        %add3A_415 = arith.constant 2 : i32
        %add3A_416 = arith.addi %mul3A_135, %add3A_415 : i32
        %get3A_417 = arith.index_cast %add3A_416 : i32 to index
        %get3A_418 = arith.constant 112 : index
        %get3A_419 = tpu.vector_load %arg16[%get3A_417, %get3A_418] {strides = array<i32>} : memref<128x128xf32, #tpu.memory_space<vmem>>, vector<16xf32>,
        %mul3A_420 = vector.broadcast %squeeze3A_330 : f32 to vector<16xf32>
        %mul3A_421 = arith.mulf %get3A_419, %mul3A_420 : vector<16xf32>
        %add3A_422 = arith.constant 2 : i32
        %add3A_423 = arith.addi %mul3A_135, %add3A_422 : i32
        %swap3A_424 = arith.index_cast %add3A_423 : i32 to index
        %swap3A_425 = arith.constant 112 : index
        %swap3A_426 = tpu.vector_load %arg16[%swap3A_424, %swap3A_425] {strides = array<i32>} : memref<128x128xf32, #tpu.memory_space<vmem>>, vector<16xf32>,
        tpu.vector_store %arg16[%swap3A_424, %swap3A_425], %mul3A_421 {strides = array<i32>} : memref<128x128xf32, #tpu.memory_space<vmem>>, vector<16xf32>,
        %slice3A_427 = vector.extract_strided_slice %get3A_133 {offsets = [3], sizes = [1], strides = [1]} : vector<16xf32> to vector<1xf32>
        %squeeze3A_428 = vector.extract %slice3A_427[0] : f32 from vector<1xf32>
        %add3A_429 = arith.constant 3 : i32
        %add3A_430 = arith.addi %mul3A_135, %add3A_429 : i32
        %get3A_431 = arith.index_cast %add3A_430 : i32 to index
        %get3A_432 = arith.constant 0 : index
        %get3A_433 = tpu.vector_load %arg16[%get3A_431, %get3A_432] {strides = array<i32>} : memref<128x128xf32, #tpu.memory_space<vmem>>, vector<16xf32>,
        %mul3A_434 = vector.broadcast %squeeze3A_428 : f32 to vector<16xf32>
        %mul3A_435 = arith.mulf %get3A_433, %mul3A_434 : vector<16xf32>
        %add3A_436 = arith.constant 3 : i32
        %add3A_437 = arith.addi %mul3A_135, %add3A_436 : i32
        %swap3A_438 = arith.index_cast %add3A_437 : i32 to index
        %swap3A_439 = arith.constant 0 : index
        %swap3A_440 = tpu.vector_load %arg16[%swap3A_438, %swap3A_439] {strides = array<i32>} : memref<128x128xf32, #tpu.memory_space<vmem>>, vector<16xf32>,
        tpu.vector_store %arg16[%swap3A_438, %swap3A_439], %mul3A_435 {strides = array<i32>} : memref<128x128xf32, #tpu.memory_space<vmem>>, vector<16xf32>,
        %add3A_441 = arith.constant 3 : i32
        %add3A_442 = arith.addi %mul3A_135, %add3A_441 : i32
        %get3A_443 = arith.index_cast %add3A_442 : i32 to index
        %get3A_444 = arith.constant 16 : index
        %get3A_445 = tpu.vector_load %arg16[%get3A_443, %get3A_444] {strides = array<i32>} : memref<128x128xf32, #tpu.memory_space<vmem>>, vector<16xf32>,
        %mul3A_446 = vector.broadcast %squeeze3A_428 : f32 to vector<16xf32>
        %mul3A_447 = arith.mulf %get3A_445, %mul3A_446 : vector<16xf32>
        %add3A_448 = arith.constant 3 : i32
        %add3A_449 = arith.addi %mul3A_135, %add3A_448 : i32
        %swap3A_450 = arith.index_cast %add3A_449 : i32 to index
        %swap3A_451 = arith.constant 16 : index
        %swap3A_452 = tpu.vector_load %arg16[%swap3A_450, %swap3A_451] {strides = array<i32>} : memref<128x128xf32, #tpu.memory_space<vmem>>, vector<16xf32>,
        tpu.vector_store %arg16[%swap3A_450, %swap3A_451], %mul3A_447 {strides = array<i32>} : memref<128x128xf32, #tpu.memory_space<vmem>>, vector<16xf32>,
        %add3A_453 = arith.constant 3 : i32
        %add3A_454 = arith.addi %mul3A_135, %add3A_453 : i32
        %get3A_455 = arith.index_cast %add3A_454 : i32 to index
        %get3A_456 = arith.constant 32 : index
        %get3A_457 = tpu.vector_load %arg16[%get3A_455, %get3A_456] {strides = array<i32>} : memref<128x128xf32, #tpu.memory_space<vmem>>, vector<16xf32>,
        %mul3A_458 = vector.broadcast %squeeze3A_428 : f32 to vector<16xf32>
        %mul3A_459 = arith.mulf %get3A_457, %mul3A_458 : vector<16xf32>
        %add3A_460 = arith.constant 3 : i32
        %add3A_461 = arith.addi %mul3A_135, %add3A_460 : i32
        %swap3A_462 = arith.index_cast %add3A_461 : i32 to index
        %swap3A_463 = arith.constant 32 : index
        %swap3A_464 = tpu.vector_load %arg16[%swap3A_462, %swap3A_463] {strides = array<i32>} : memref<128x128xf32, #tpu.memory_space<vmem>>, vector<16xf32>,
        tpu.vector_store %arg16[%swap3A_462, %swap3A_463], %mul3A_459 {strides = array<i32>} : memref<128x128xf32, #tpu.memory_space<vmem>>, vector<16xf32>,
        %add3A_465 = arith.constant 3 : i32
        %add3A_466 = arith.addi %mul3A_135, %add3A_465 : i32
        %get3A_467 = arith.index_cast %add3A_466 : i32 to index
        %get3A_468 = arith.constant 48 : index
        %get3A_469 = tpu.vector_load %arg16[%get3A_467, %get3A_468] {strides = array<i32>} : memref<128x128xf32, #tpu.memory_space<vmem>>, vector<16xf32>,
        %mul3A_470 = vector.broadcast %squeeze3A_428 : f32 to vector<16xf32>
        %mul3A_471 = arith.mulf %get3A_469, %mul3A_470 : vector<16xf32>
        %add3A_472 = arith.constant 3 : i32
        %add3A_473 = arith.addi %mul3A_135, %add3A_472 : i32
        %swap3A_474 = arith.index_cast %add3A_473 : i32 to index
        %swap3A_475 = arith.constant 48 : index
        %swap3A_476 = tpu.vector_load %arg16[%swap3A_474, %swap3A_475] {strides = array<i32>} : memref<128x128xf32, #tpu.memory_space<vmem>>, vector<16xf32>,
        tpu.vector_store %arg16[%swap3A_474, %swap3A_475], %mul3A_471 {strides = array<i32>} : memref<128x128xf32, #tpu.memory_space<vmem>>, vector<16xf32>,
        %add3A_477 = arith.constant 3 : i32
        %add3A_478 = arith.addi %mul3A_135, %add3A_477 : i32
        %get3A_479 = arith.index_cast %add3A_478 : i32 to index
        %get3A_480 = arith.constant 64 : index
        %get3A_481 = tpu.vector_load %arg16[%get3A_479, %get3A_480] {strides = array<i32>} : memref<128x128xf32, #tpu.memory_space<vmem>>, vector<16xf32>,
        %mul3A_482 = vector.broadcast %squeeze3A_428 : f32 to vector<16xf32>
        %mul3A_483 = arith.mulf %get3A_481, %mul3A_482 : vector<16xf32>
        %add3A_484 = arith.constant 3 : i32
        %add3A_485 = arith.addi %mul3A_135, %add3A_484 : i32
        %swap3A_486 = arith.index_cast %add3A_485 : i32 to index
        %swap3A_487 = arith.constant 64 : index
        %swap3A_488 = tpu.vector_load %arg16[%swap3A_486, %swap3A_487] {strides = array<i32>} : memref<128x128xf32, #tpu.memory_space<vmem>>, vector<16xf32>,
        tpu.vector_store %arg16[%swap3A_486, %swap3A_487], %mul3A_483 {strides = array<i32>} : memref<128x128xf32, #tpu.memory_space<vmem>>, vector<16xf32>,
        %add3A_489 = arith.constant 3 : i32
        %add3A_490 = arith.addi %mul3A_135, %add3A_489 : i32
        %get3A_491 = arith.index_cast %add3A_490 : i32 to index
        %get3A_492 = arith.constant 80 : index
        %get3A_493 = tpu.vector_load %arg16[%get3A_491, %get3A_492] {strides = array<i32>} : memref<128x128xf32, #tpu.memory_space<vmem>>, vector<16xf32>,
        %mul3A_494 = vector.broadcast %squeeze3A_428 : f32 to vector<16xf32>
        %mul3A_495 = arith.mulf %get3A_493, %mul3A_494 : vector<16xf32>
        %add3A_496 = arith.constant 3 : i32
        %add3A_497 = arith.addi %mul3A_135, %add3A_496 : i32
        %swap3A_498 = arith.index_cast %add3A_497 : i32 to index
        %swap3A_499 = arith.constant 80 : index
        %swap3A_500 = tpu.vector_load %arg16[%swap3A_498, %swap3A_499] {strides = array<i32>} : memref<128x128xf32, #tpu.memory_space<vmem>>, vector<16xf32>,
        tpu.vector_store %arg16[%swap3A_498, %swap3A_499], %mul3A_495 {strides = array<i32>} : memref<128x128xf32, #tpu.memory_space<vmem>>, vector<16xf32>,
        %add3A_501 = arith.constant 3 : i32
        %add3A_502 = arith.addi %mul3A_135, %add3A_501 : i32
        %get3A_503 = arith.index_cast %add3A_502 : i32 to index
        %get3A_504 = arith.constant 96 : index
        %get3A_505 = tpu.vector_load %arg16[%get3A_503, %get3A_504] {strides = array<i32>} : memref<128x128xf32, #tpu.memory_space<vmem>>, vector<16xf32>,
        %mul3A_506 = vector.broadcast %squeeze3A_428 : f32 to vector<16xf32>
        %mul3A_507 = arith.mulf %get3A_505, %mul3A_506 : vector<16xf32>
        %add3A_508 = arith.constant 3 : i32
        %add3A_509 = arith.addi %mul3A_135, %add3A_508 : i32
        %swap3A_510 = arith.index_cast %add3A_509 : i32 to index
        %swap3A_511 = arith.constant 96 : index
        %swap3A_512 = tpu.vector_load %arg16[%swap3A_510, %swap3A_511] {strides = array<i32>} : memref<128x128xf32, #tpu.memory_space<vmem>>, vector<16xf32>,
        tpu.vector_store %arg16[%swap3A_510, %swap3A_511], %mul3A_507 {strides = array<i32>} : memref<128x128xf32, #tpu.memory_space<vmem>>, vector<16xf32>,
        %add3A_513 = arith.constant 3 : i32
        %add3A_514 = arith.addi %mul3A_135, %add3A_513 : i32
        %get3A_515 = arith.index_cast %add3A_514 : i32 to index
        %get3A_516 = arith.constant 112 : index
        %get3A_517 = tpu.vector_load %arg16[%get3A_515, %get3A_516] {strides = array<i32>} : memref<128x128xf32, #tpu.memory_space<vmem>>, vector<16xf32>,
        %mul3A_518 = vector.broadcast %squeeze3A_428 : f32 to vector<16xf32>
        %mul3A_519 = arith.mulf %get3A_517, %mul3A_518 : vector<16xf32>
        %add3A_520 = arith.constant 3 : i32
        %add3A_521 = arith.addi %mul3A_135, %add3A_520 : i32
        %swap3A_522 = arith.index_cast %add3A_521 : i32 to index
        %swap3A_523 = arith.constant 112 : index
        %swap3A_524 = tpu.vector_load %arg16[%swap3A_522, %swap3A_523] {strides = array<i32>} : memref<128x128xf32, #tpu.memory_space<vmem>>, vector<16xf32>,
        tpu.vector_store %arg16[%swap3A_522, %swap3A_523], %mul3A_519 {strides = array<i32>} : memref<128x128xf32, #tpu.memory_space<vmem>>, vector<16xf32>,
        %slice3A_525 = vector.extract_strided_slice %get3A_133 {offsets = [4], sizes = [1], strides = [1]} : vector<16xf32> to vector<1xf32>
        %squeeze3A_526 = vector.extract %slice3A_525[0] : f32 from vector<1xf32>
        %add3A_527 = arith.constant 4 : i32
        %add3A_528 = arith.addi %mul3A_135, %add3A_527 : i32
        %get3A_529 = arith.index_cast %add3A_528 : i32 to index
        %get3A_530 = arith.constant 0 : index
        %get3A_531 = tpu.vector_load %arg16[%get3A_529, %get3A_530] {strides = array<i32>} : memref<128x128xf32, #tpu.memory_space<vmem>>, vector<16xf32>,
        %mul3A_532 = vector.broadcast %squeeze3A_526 : f32 to vector<16xf32>
        %mul3A_533 = arith.mulf %get3A_531, %mul3A_532 : vector<16xf32>
        %add3A_534 = arith.constant 4 : i32
        %add3A_535 = arith.addi %mul3A_135, %add3A_534 : i32
        %swap3A_536 = arith.index_cast %add3A_535 : i32 to index
        %swap3A_537 = arith.constant 0 : index
        %swap3A_538 = tpu.vector_load %arg16[%swap3A_536, %swap3A_537] {strides = array<i32>} : memref<128x128xf32, #tpu.memory_space<vmem>>, vector<16xf32>,
        tpu.vector_store %arg16[%swap3A_536, %swap3A_537], %mul3A_533 {strides = array<i32>} : memref<128x128xf32, #tpu.memory_space<vmem>>, vector<16xf32>,
        %add3A_539 = arith.constant 4 : i32
        %add3A_540 = arith.addi %mul3A_135, %add3A_539 : i32
        %get3A_541 = arith.index_cast %add3A_540 : i32 to index
        %get3A_542 = arith.constant 16 : index
        %get3A_543 = tpu.vector_load %arg16[%get3A_541, %get3A_542] {strides = array<i32>} : memref<128x128xf32, #tpu.memory_space<vmem>>, vector<16xf32>,
        %mul3A_544 = vector.broadcast %squeeze3A_526 : f32 to vector<16xf32>
        %mul3A_545 = arith.mulf %get3A_543, %mul3A_544 : vector<16xf32>
        %add3A_546 = arith.constant 4 : i32
        %add3A_547 = arith.addi %mul3A_135, %add3A_546 : i32
        %swap3A_548 = arith.index_cast %add3A_547 : i32 to index
        %swap3A_549 = arith.constant 16 : index
        %swap3A_550 = tpu.vector_load %arg16[%swap3A_548, %swap3A_549] {strides = array<i32>} : memref<128x128xf32, #tpu.memory_space<vmem>>, vector<16xf32>,
        tpu.vector_store %arg16[%swap3A_548, %swap3A_549], %mul3A_545 {strides = array<i32>} : memref<128x128xf32, #tpu.memory_space<vmem>>, vector<16xf32>,
        %add3A_551 = arith.constant 4 : i32
        %add3A_552 = arith.addi %mul3A_135, %add3A_551 : i32
        %get3A_553 = arith.index_cast %add3A_552 : i32 to index
        %get3A_554 = arith.constant 32 : index
        %get3A_555 = tpu.vector_load %arg16[%get3A_553, %get3A_554] {strides = array<i32>} : memref<128x128xf32, #tpu.memory_space<vmem>>, vector<16xf32>,
        %mul3A_556 = vector.broadcast %squeeze3A_526 : f32 to vector<16xf32>
        %mul3A_557 = arith.mulf %get3A_555, %mul3A_556 : vector<16xf32>
        %add3A_558 = arith.constant 4 : i32
        %add3A_559 = arith.addi %mul3A_135, %add3A_558 : i32
        %swap3A_560 = arith.index_cast %add3A_559 : i32 to index
        %swap3A_561 = arith.constant 32 : index
        %swap3A_562 = tpu.vector_load %arg16[%swap3A_560, %swap3A_561] {strides = array<i32>} : memref<128x128xf32, #tpu.memory_space<vmem>>, vector<16xf32>,
        tpu.vector_store %arg16[%swap3A_560, %swap3A_561], %mul3A_557 {strides = array<i32>} : memref<128x128xf32, #tpu.memory_space<vmem>>, vector<16xf32>,
        %add3A_563 = arith.constant 4 : i32
        %add3A_564 = arith.addi %mul3A_135, %add3A_563 : i32
        %get3A_565 = arith.index_cast %add3A_564 : i32 to index
        %get3A_566 = arith.constant 48 : index
        %get3A_567 = tpu.vector_load %arg16[%get3A_565, %get3A_566] {strides = array<i32>} : memref<128x128xf32, #tpu.memory_space<vmem>>, vector<16xf32>,
        %mul3A_568 = vector.broadcast %squeeze3A_526 : f32 to vector<16xf32>
        %mul3A_569 = arith.mulf %get3A_567, %mul3A_568 : vector<16xf32>
        %add3A_570 = arith.constant 4 : i32
        %add3A_571 = arith.addi %mul3A_135, %add3A_570 : i32
        %swap3A_572 = arith.index_cast %add3A_571 : i32 to index
        %swap3A_573 = arith.constant 48 : index
        %swap3A_574 = tpu.vector_load %arg16[%swap3A_572, %swap3A_573] {strides = array<i32>} : memref<128x128xf32, #tpu.memory_space<vmem>>, vector<16xf32>,
        tpu.vector_store %arg16[%swap3A_572, %swap3A_573], %mul3A_569 {strides = array<i32>} : memref<128x128xf32, #tpu.memory_space<vmem>>, vector<16xf32>,
        %add3A_575 = arith.constant 4 : i32
        %add3A_576 = arith.addi %mul3A_135, %add3A_575 : i32
        %get3A_577 = arith.index_cast %add3A_576 : i32 to index
        %get3A_578 = arith.constant 64 : index
        %get3A_579 = tpu.vector_load %arg16[%get3A_577, %get3A_578] {strides = array<i32>} : memref<128x128xf32, #tpu.memory_space<vmem>>, vector<16xf32>,
        %mul3A_580 = vector.broadcast %squeeze3A_526 : f32 to vector<16xf32>
        %mul3A_581 = arith.mulf %get3A_579, %mul3A_580 : vector<16xf32>
        %add3A_582 = arith.constant 4 : i32
        %add3A_583 = arith.addi %mul3A_135, %add3A_582 : i32
        %swap3A_584 = arith.index_cast %add3A_583 : i32 to index
        %swap3A_585 = arith.constant 64 : index
        %swap3A_586 = tpu.vector_load %arg16[%swap3A_584, %swap3A_585] {strides = array<i32>} : memref<128x128xf32, #tpu.memory_space<vmem>>, vector<16xf32>,
        tpu.vector_store %arg16[%swap3A_584, %swap3A_585], %mul3A_581 {strides = array<i32>} : memref<128x128xf32, #tpu.memory_space<vmem>>, vector<16xf32>,
        %add3A_587 = arith.constant 4 : i32
        %add3A_588 = arith.addi %mul3A_135, %add3A_587 : i32
        %get3A_589 = arith.index_cast %add3A_588 : i32 to index
        %get3A_590 = arith.constant 80 : index
        %get3A_591 = tpu.vector_load %arg16[%get3A_589, %get3A_590] {strides = array<i32>} : memref<128x128xf32, #tpu.memory_space<vmem>>, vector<16xf32>,
        %mul3A_592 = vector.broadcast %squeeze3A_526 : f32 to vector<16xf32>
        %mul3A_593 = arith.mulf %get3A_591, %mul3A_592 : vector<16xf32>
        %add3A_594 = arith.constant 4 : i32
        %add3A_595 = arith.addi %mul3A_135, %add3A_594 : i32
        %swap3A_596 = arith.index_cast %add3A_595 : i32 to index
        %swap3A_597 = arith.constant 80 : index
        %swap3A_598 = tpu.vector_load %arg16[%swap3A_596, %swap3A_597] {strides = array<i32>} : memref<128x128xf32, #tpu.memory_space<vmem>>, vector<16xf32>,
        tpu.vector_store %arg16[%swap3A_596, %swap3A_597], %mul3A_593 {strides = array<i32>} : memref<128x128xf32, #tpu.memory_space<vmem>>, vector<16xf32>,
        %add3A_599 = arith.constant 4 : i32
        %add3A_600 = arith.addi %mul3A_135, %add3A_599 : i32
        %get3A_601 = arith.index_cast %add3A_600 : i32 to index
        %get3A_602 = arith.constant 96 : index
        %get3A_603 = tpu.vector_load %arg16[%get3A_601, %get3A_602] {strides = array<i32>} : memref<128x128xf32, #tpu.memory_space<vmem>>, vector<16xf32>,
        %mul3A_604 = vector.broadcast %squeeze3A_526 : f32 to vector<16xf32>
        %mul3A_605 = arith.mulf %get3A_603, %mul3A_604 : vector<16xf32>
        %add3A_606 = arith.constant 4 : i32
        %add3A_607 = arith.addi %mul3A_135, %add3A_606 : i32
        %swap3A_608 = arith.index_cast %add3A_607 : i32 to index
        %swap3A_609 = arith.constant 96 : index
        %swap3A_610 = tpu.vector_load %arg16[%swap3A_608, %swap3A_609] {strides = array<i32>} : memref<128x128xf32, #tpu.memory_space<vmem>>, vector<16xf32>,
        tpu.vector_store %arg16[%swap3A_608, %swap3A_609], %mul3A_605 {strides = array<i32>} : memref<128x128xf32, #tpu.memory_space<vmem>>, vector<16xf32>,
        %add3A_611 = arith.constant 4 : i32
        %add3A_612 = arith.addi %mul3A_135, %add3A_611 : i32
        %get3A_613 = arith.index_cast %add3A_612 : i32 to index
        %get3A_614 = arith.constant 112 : index
        %get3A_615 = tpu.vector_load %arg16[%get3A_613, %get3A_614] {strides = array<i32>} : memref<128x128xf32, #tpu.memory_space<vmem>>, vector<16xf32>,
        %mul3A_616 = vector.broadcast %squeeze3A_526 : f32 to vector<16xf32>
        %mul3A_617 = arith.mulf %get3A_615, %mul3A_616 : vector<16xf32>
        %add3A_618 = arith.constant 4 : i32
        %add3A_619 = arith.addi %mul3A_135, %add3A_618 : i32
        %swap3A_620 = arith.index_cast %add3A_619 : i32 to index
        %swap3A_621 = arith.constant 112 : index
        %swap3A_622 = tpu.vector_load %arg16[%swap3A_620, %swap3A_621] {strides = array<i32>} : memref<128x128xf32, #tpu.memory_space<vmem>>, vector<16xf32>,
        tpu.vector_store %arg16[%swap3A_620, %swap3A_621], %mul3A_617 {strides = array<i32>} : memref<128x128xf32, #tpu.memory_space<vmem>>, vector<16xf32>,
        %slice3A_623 = vector.extract_strided_slice %get3A_133 {offsets = [5], sizes = [1], strides = [1]} : vector<16xf32> to vector<1xf32>
        %squeeze3A_624 = vector.extract %slice3A_623[0] : f32 from vector<1xf32>
        %add3A_625 = arith.constant 5 : i32
        %add3A_626 = arith.addi %mul3A_135, %add3A_625 : i32
        %get3A_627 = arith.index_cast %add3A_626 : i32 to index
        %get3A_628 = arith.constant 0 : index
        %get3A_629 = tpu.vector_load %arg16[%get3A_627, %get3A_628] {strides = array<i32>} : memref<128x128xf32, #tpu.memory_space<vmem>>, vector<16xf32>,
        %mul3A_630 = vector.broadcast %squeeze3A_624 : f32 to vector<16xf32>
        %mul3A_631 = arith.mulf %get3A_629, %mul3A_630 : vector<16xf32>
        %add3A_632 = arith.constant 5 : i32
        %add3A_633 = arith.addi %mul3A_135, %add3A_632 : i32
        %swap3A_634 = arith.index_cast %add3A_633 : i32 to index
        %swap3A_635 = arith.constant 0 : index
        %swap3A_636 = tpu.vector_load %arg16[%swap3A_634, %swap3A_635] {strides = array<i32>} : memref<128x128xf32, #tpu.memory_space<vmem>>, vector<16xf32>,
        tpu.vector_store %arg16[%swap3A_634, %swap3A_635], %mul3A_631 {strides = array<i32>} : memref<128x128xf32, #tpu.memory_space<vmem>>, vector<16xf32>,
        %add3A_637 = arith.constant 5 : i32
        %add3A_638 = arith.addi %mul3A_135, %add3A_637 : i32
        %get3A_639 = arith.index_cast %add3A_638 : i32 to index
        %get3A_640 = arith.constant 16 : index
        %get3A_641 = tpu.vector_load %arg16[%get3A_639, %get3A_640] {strides = array<i32>} : memref<128x128xf32, #tpu.memory_space<vmem>>, vector<16xf32>,
        %mul3A_642 = vector.broadcast %squeeze3A_624 : f32 to vector<16xf32>
        %mul3A_643 = arith.mulf %get3A_641, %mul3A_642 : vector<16xf32>
        %add3A_644 = arith.constant 5 : i32
        %add3A_645 = arith.addi %mul3A_135, %add3A_644 : i32
        %swap3A_646 = arith.index_cast %add3A_645 : i32 to index
        %swap3A_647 = arith.constant 16 : index
        %swap3A_648 = tpu.vector_load %arg16[%swap3A_646, %swap3A_647] {strides = array<i32>} : memref<128x128xf32, #tpu.memory_space<vmem>>, vector<16xf32>,
        tpu.vector_store %arg16[%swap3A_646, %swap3A_647], %mul3A_643 {strides = array<i32>} : memref<128x128xf32, #tpu.memory_space<vmem>>, vector<16xf32>,
        %add3A_649 = arith.constant 5 : i32
        %add3A_650 = arith.addi %mul3A_135, %add3A_649 : i32
        %get3A_651 = arith.index_cast %add3A_650 : i32 to index
        %get3A_652 = arith.constant 32 : index
        %get3A_653 = tpu.vector_load %arg16[%get3A_651, %get3A_652] {strides = array<i32>} : memref<128x128xf32, #tpu.memory_space<vmem>>, vector<16xf32>,
        %mul3A_654 = vector.broadcast %squeeze3A_624 : f32 to vector<16xf32>
        %mul3A_655 = arith.mulf %get3A_653, %mul3A_654 : vector<16xf32>
        %add3A_656 = arith.constant 5 : i32
        %add3A_657 = arith.addi %mul3A_135, %add3A_656 : i32
        %swap3A_658 = arith.index_cast %add3A_657 : i32 to index
        %swap3A_659 = arith.constant 32 : index
        %swap3A_660 = tpu.vector_load %arg16[%swap3A_658, %swap3A_659] {strides = array<i32>} : memref<128x128xf32, #tpu.memory_space<vmem>>, vector<16xf32>,
        tpu.vector_store %arg16[%swap3A_658, %swap3A_659], %mul3A_655 {strides = array<i32>} : memref<128x128xf32, #tpu.memory_space<vmem>>, vector<16xf32>,
        %add3A_661 = arith.constant 5 : i32
        %add3A_662 = arith.addi %mul3A_135, %add3A_661 : i32
        %get3A_663 = arith.index_cast %add3A_662 : i32 to index
        %get3A_664 = arith.constant 48 : index
        %get3A_665 = tpu.vector_load %arg16[%get3A_663, %get3A_664] {strides = array<i32>} : memref<128x128xf32, #tpu.memory_space<vmem>>, vector<16xf32>,
        %mul3A_666 = vector.broadcast %squeeze3A_624 : f32 to vector<16xf32>
        %mul3A_667 = arith.mulf %get3A_665, %mul3A_666 : vector<16xf32>
        %add3A_668 = arith.constant 5 : i32
        %add3A_669 = arith.addi %mul3A_135, %add3A_668 : i32
        %swap3A_670 = arith.index_cast %add3A_669 : i32 to index
        %swap3A_671 = arith.constant 48 : index
        %swap3A_672 = tpu.vector_load %arg16[%swap3A_670, %swap3A_671] {strides = array<i32>} : memref<128x128xf32, #tpu.memory_space<vmem>>, vector<16xf32>,
        tpu.vector_store %arg16[%swap3A_670, %swap3A_671], %mul3A_667 {strides = array<i32>} : memref<128x128xf32, #tpu.memory_space<vmem>>, vector<16xf32>,
        %add3A_673 = arith.constant 5 : i32
        %add3A_674 = arith.addi %mul3A_135, %add3A_673 : i32
        %get3A_675 = arith.index_cast %add3A_674 : i32 to index
        %get3A_676 = arith.constant 64 : index
        %get3A_677 = tpu.vector_load %arg16[%get3A_675, %get3A_676] {strides = array<i32>} : memref<128x128xf32, #tpu.memory_space<vmem>>, vector<16xf32>,
        %mul3A_678 = vector.broadcast %squeeze3A_624 : f32 to vector<16xf32>
        %mul3A_679 = arith.mulf %get3A_677, %mul3A_678 : vector<16xf32>
        %add3A_680 = arith.constant 5 : i32
        %add3A_681 = arith.addi %mul3A_135, %add3A_680 : i32
        %swap3A_682 = arith.index_cast %add3A_681 : i32 to index
        %swap3A_683 = arith.constant 64 : index
        %swap3A_684 = tpu.vector_load %arg16[%swap3A_682, %swap3A_683] {strides = array<i32>} : memref<128x128xf32, #tpu.memory_space<vmem>>, vector<16xf32>,
        tpu.vector_store %arg16[%swap3A_682, %swap3A_683], %mul3A_679 {strides = array<i32>} : memref<128x128xf32, #tpu.memory_space<vmem>>, vector<16xf32>,
        %add3A_685 = arith.constant 5 : i32
        %add3A_686 = arith.addi %mul3A_135, %add3A_685 : i32
        %get3A_687 = arith.index_cast %add3A_686 : i32 to index
        %get3A_688 = arith.constant 80 : index
        %get3A_689 = tpu.vector_load %arg16[%get3A_687, %get3A_688] {strides = array<i32>} : memref<128x128xf32, #tpu.memory_space<vmem>>, vector<16xf32>,
        %mul3A_690 = vector.broadcast %squeeze3A_624 : f32 to vector<16xf32>
        %mul3A_691 = arith.mulf %get3A_689, %mul3A_690 : vector<16xf32>
        %add3A_692 = arith.constant 5 : i32
        %add3A_693 = arith.addi %mul3A_135, %add3A_692 : i32
        %swap3A_694 = arith.index_cast %add3A_693 : i32 to index
        %swap3A_695 = arith.constant 80 : index
        %swap3A_696 = tpu.vector_load %arg16[%swap3A_694, %swap3A_695] {strides = array<i32>} : memref<128x128xf32, #tpu.memory_space<vmem>>, vector<16xf32>,
        tpu.vector_store %arg16[%swap3A_694, %swap3A_695], %mul3A_691 {strides = array<i32>} : memref<128x128xf32, #tpu.memory_space<vmem>>, vector<16xf32>,
        %add3A_697 = arith.constant 5 : i32
        %add3A_698 = arith.addi %mul3A_135, %add3A_697 : i32
        %get3A_699 = arith.index_cast %add3A_698 : i32 to index
        %get3A_700 = arith.constant 96 : index
        %get3A_701 = tpu.vector_load %arg16[%get3A_699, %get3A_700] {strides = array<i32>} : memref<128x128xf32, #tpu.memory_space<vmem>>, vector<16xf32>,
        %mul3A_702 = vector.broadcast %squeeze3A_624 : f32 to vector<16xf32>
        %mul3A_703 = arith.mulf %get3A_701, %mul3A_702 : vector<16xf32>
        %add3A_704 = arith.constant 5 : i32
        %add3A_705 = arith.addi %mul3A_135, %add3A_704 : i32
        %swap3A_706 = arith.index_cast %add3A_705 : i32 to index
        %swap3A_707 = arith.constant 96 : index
        %swap3A_708 = tpu.vector_load %arg16[%swap3A_706, %swap3A_707] {strides = array<i32>} : memref<128x128xf32, #tpu.memory_space<vmem>>, vector<16xf32>,
        tpu.vector_store %arg16[%swap3A_706, %swap3A_707], %mul3A_703 {strides = array<i32>} : memref<128x128xf32, #tpu.memory_space<vmem>>, vector<16xf32>,
        %add3A_709 = arith.constant 5 : i32
        %add3A_710 = arith.addi %mul3A_135, %add3A_709 : i32
        %get3A_711 = arith.index_cast %add3A_710 : i32 to index
        %get3A_712 = arith.constant 112 : index
        %get3A_713 = tpu.vector_load %arg16[%get3A_711, %get3A_712] {strides = array<i32>} : memref<128x128xf32, #tpu.memory_space<vmem>>, vector<16xf32>,
        %mul3A_714 = vector.broadcast %squeeze3A_624 : f32 to vector<16xf32>
        %mul3A_715 = arith.mulf %get3A_713, %mul3A_714 : vector<16xf32>
        %add3A_716 = arith.constant 5 : i32
        %add3A_717 = arith.addi %mul3A_135, %add3A_716 : i32
        %swap3A_718 = arith.index_cast %add3A_717 : i32 to index
        %swap3A_719 = arith.constant 112 : index
        %swap3A_720 = tpu.vector_load %arg16[%swap3A_718, %swap3A_719] {strides = array<i32>} : memref<128x128xf32, #tpu.memory_space<vmem>>, vector<16xf32>,
        tpu.vector_store %arg16[%swap3A_718, %swap3A_719], %mul3A_715 {strides = array<i32>} : memref<128x128xf32, #tpu.memory_space<vmem>>, vector<16xf32>,
        %slice3A_721 = vector.extract_strided_slice %get3A_133 {offsets = [6], sizes = [1], strides = [1]} : vector<16xf32> to vector<1xf32>
        %squeeze3A_722 = vector.extract %slice3A_721[0] : f32 from vector<1xf32>
        %add3A_723 = arith.constant 6 : i32
        %add3A_724 = arith.addi %mul3A_135, %add3A_723 : i32
        %get3A_725 = arith.index_cast %add3A_724 : i32 to index
        %get3A_726 = arith.constant 0 : index
        %get3A_727 = tpu.vector_load %arg16[%get3A_725, %get3A_726] {strides = array<i32>} : memref<128x128xf32, #tpu.memory_space<vmem>>, vector<16xf32>,
        %mul3A_728 = vector.broadcast %squeeze3A_722 : f32 to vector<16xf32>
        %mul3A_729 = arith.mulf %get3A_727, %mul3A_728 : vector<16xf32>
        %add3A_730 = arith.constant 6 : i32
        %add3A_731 = arith.addi %mul3A_135, %add3A_730 : i32
        %swap3A_732 = arith.index_cast %add3A_731 : i32 to index
        %swap3A_733 = arith.constant 0 : index
        %swap3A_734 = tpu.vector_load %arg16[%swap3A_732, %swap3A_733] {strides = array<i32>} : memref<128x128xf32, #tpu.memory_space<vmem>>, vector<16xf32>,
        tpu.vector_store %arg16[%swap3A_732, %swap3A_733], %mul3A_729 {strides = array<i32>} : memref<128x128xf32, #tpu.memory_space<vmem>>, vector<16xf32>,
        %add3A_735 = arith.constant 6 : i32
        %add3A_736 = arith.addi %mul3A_135, %add3A_735 : i32
        %get3A_737 = arith.index_cast %add3A_736 : i32 to index
        %get3A_738 = arith.constant 16 : index
        %get3A_739 = tpu.vector_load %arg16[%get3A_737, %get3A_738] {strides = array<i32>} : memref<128x128xf32, #tpu.memory_space<vmem>>, vector<16xf32>,
        %mul3A_740 = vector.broadcast %squeeze3A_722 : f32 to vector<16xf32>
        %mul3A_741 = arith.mulf %get3A_739, %mul3A_740 : vector<16xf32>
        %add3A_742 = arith.constant 6 : i32
        %add3A_743 = arith.addi %mul3A_135, %add3A_742 : i32
        %swap3A_744 = arith.index_cast %add3A_743 : i32 to index
        %swap3A_745 = arith.constant 16 : index
        %swap3A_746 = tpu.vector_load %arg16[%swap3A_744, %swap3A_745] {strides = array<i32>} : memref<128x128xf32, #tpu.memory_space<vmem>>, vector<16xf32>,
        tpu.vector_store %arg16[%swap3A_744, %swap3A_745], %mul3A_741 {strides = array<i32>} : memref<128x128xf32, #tpu.memory_space<vmem>>, vector<16xf32>,
        %add3A_747 = arith.constant 6 : i32
        %add3A_748 = arith.addi %mul3A_135, %add3A_747 : i32
        %get3A_749 = arith.index_cast %add3A_748 : i32 to index
        %get3A_750 = arith.constant 32 : index
        %get3A_751 = tpu.vector_load %arg16[%get3A_749, %get3A_750] {strides = array<i32>} : memref<128x128xf32, #tpu.memory_space<vmem>>, vector<16xf32>,
        %mul3A_752 = vector.broadcast %squeeze3A_722 : f32 to vector<16xf32>
        %mul3A_753 = arith.mulf %get3A_751, %mul3A_752 : vector<16xf32>
        %add3A_754 = arith.constant 6 : i32
        %add3A_755 = arith.addi %mul3A_135, %add3A_754 : i32
        %swap3A_756 = arith.index_cast %add3A_755 : i32 to index
        %swap3A_757 = arith.constant 32 : index
        %swap3A_758 = tpu.vector_load %arg16[%swap3A_756, %swap3A_757] {strides = array<i32>} : memref<128x128xf32, #tpu.memory_space<vmem>>, vector<16xf32>,
        tpu.vector_store %arg16[%swap3A_756, %swap3A_757], %mul3A_753 {strides = array<i32>} : memref<128x128xf32, #tpu.memory_space<vmem>>, vector<16xf32>,
        %add3A_759 = arith.constant 6 : i32
        %add3A_760 = arith.addi %mul3A_135, %add3A_759 : i32
        %get3A_761 = arith.index_cast %add3A_760 : i32 to index
        %get3A_762 = arith.constant 48 : index
        %get3A_763 = tpu.vector_load %arg16[%get3A_761, %get3A_762] {strides = array<i32>} : memref<128x128xf32, #tpu.memory_space<vmem>>, vector<16xf32>,
        %mul3A_764 = vector.broadcast %squeeze3A_722 : f32 to vector<16xf32>
        %mul3A_765 = arith.mulf %get3A_763, %mul3A_764 : vector<16xf32>
        %add3A_766 = arith.constant 6 : i32
        %add3A_767 = arith.addi %mul3A_135, %add3A_766 : i32
        %swap3A_768 = arith.index_cast %add3A_767 : i32 to index
        %swap3A_769 = arith.constant 48 : index
        %swap3A_770 = tpu.vector_load %arg16[%swap3A_768, %swap3A_769] {strides = array<i32>} : memref<128x128xf32, #tpu.memory_space<vmem>>, vector<16xf32>,
        tpu.vector_store %arg16[%swap3A_768, %swap3A_769], %mul3A_765 {strides = array<i32>} : memref<128x128xf32, #tpu.memory_space<vmem>>, vector<16xf32>,
        %add3A_771 = arith.constant 6 : i32
        %add3A_772 = arith.addi %mul3A_135, %add3A_771 : i32
        %get3A_773 = arith.index_cast %add3A_772 : i32 to index
        %get3A_774 = arith.constant 64 : index
        %get3A_775 = tpu.vector_load %arg16[%get3A_773, %get3A_774] {strides = array<i32>} : memref<128x128xf32, #tpu.memory_space<vmem>>, vector<16xf32>,
        %mul3A_776 = vector.broadcast %squeeze3A_722 : f32 to vector<16xf32>
        %mul3A_777 = arith.mulf %get3A_775, %mul3A_776 : vector<16xf32>
        %add3A_778 = arith.constant 6 : i32
        %add3A_779 = arith.addi %mul3A_135, %add3A_778 : i32
        %swap3A_780 = arith.index_cast %add3A_779 : i32 to index
        %swap3A_781 = arith.constant 64 : index
        %swap3A_782 = tpu.vector_load %arg16[%swap3A_780, %swap3A_781] {strides = array<i32>} : memref<128x128xf32, #tpu.memory_space<vmem>>, vector<16xf32>,
        tpu.vector_store %arg16[%swap3A_780, %swap3A_781], %mul3A_777 {strides = array<i32>} : memref<128x128xf32, #tpu.memory_space<vmem>>, vector<16xf32>,
        %add3A_783 = arith.constant 6 : i32
        %add3A_784 = arith.addi %mul3A_135, %add3A_783 : i32
        %get3A_785 = arith.index_cast %add3A_784 : i32 to index
        %get3A_786 = arith.constant 80 : index
        %get3A_787 = tpu.vector_load %arg16[%get3A_785, %get3A_786] {strides = array<i32>} : memref<128x128xf32, #tpu.memory_space<vmem>>, vector<16xf32>,
        %mul3A_788 = vector.broadcast %squeeze3A_722 : f32 to vector<16xf32>
        %mul3A_789 = arith.mulf %get3A_787, %mul3A_788 : vector<16xf32>
        %add3A_790 = arith.constant 6 : i32
        %add3A_791 = arith.addi %mul3A_135, %add3A_790 : i32
        %swap3A_792 = arith.index_cast %add3A_791 : i32 to index
        %swap3A_793 = arith.constant 80 : index
        %swap3A_794 = tpu.vector_load %arg16[%swap3A_792, %swap3A_793] {strides = array<i32>} : memref<128x128xf32, #tpu.memory_space<vmem>>, vector<16xf32>,
        tpu.vector_store %arg16[%swap3A_792, %swap3A_793], %mul3A_789 {strides = array<i32>} : memref<128x128xf32, #tpu.memory_space<vmem>>, vector<16xf32>,
        %add3A_795 = arith.constant 6 : i32
        %add3A_796 = arith.addi %mul3A_135, %add3A_795 : i32
        %get3A_797 = arith.index_cast %add3A_796 : i32 to index
        %get3A_798 = arith.constant 96 : index
        %get3A_799 = tpu.vector_load %arg16[%get3A_797, %get3A_798] {strides = array<i32>} : memref<128x128xf32, #tpu.memory_space<vmem>>, vector<16xf32>,
        %mul3A_800 = vector.broadcast %squeeze3A_722 : f32 to vector<16xf32>
        %mul3A_801 = arith.mulf %get3A_799, %mul3A_800 : vector<16xf32>
        %add3A_802 = arith.constant 6 : i32
        %add3A_803 = arith.addi %mul3A_135, %add3A_802 : i32
        %swap3A_804 = arith.index_cast %add3A_803 : i32 to index
        %swap3A_805 = arith.constant 96 : index
        %swap3A_806 = tpu.vector_load %arg16[%swap3A_804, %swap3A_805] {strides = array<i32>} : memref<128x128xf32, #tpu.memory_space<vmem>>, vector<16xf32>,
        tpu.vector_store %arg16[%swap3A_804, %swap3A_805], %mul3A_801 {strides = array<i32>} : memref<128x128xf32, #tpu.memory_space<vmem>>, vector<16xf32>,
        %add3A_807 = arith.constant 6 : i32
        %add3A_808 = arith.addi %mul3A_135, %add3A_807 : i32
        %get3A_809 = arith.index_cast %add3A_808 : i32 to index
        %get3A_810 = arith.constant 112 : index
        %get3A_811 = tpu.vector_load %arg16[%get3A_809, %get3A_810] {strides = array<i32>} : memref<128x128xf32, #tpu.memory_space<vmem>>, vector<16xf32>,
        %mul3A_812 = vector.broadcast %squeeze3A_722 : f32 to vector<16xf32>
        %mul3A_813 = arith.mulf %get3A_811, %mul3A_812 : vector<16xf32>
        %add3A_814 = arith.constant 6 : i32
        %add3A_815 = arith.addi %mul3A_135, %add3A_814 : i32
        %swap3A_816 = arith.index_cast %add3A_815 : i32 to index
        %swap3A_817 = arith.constant 112 : index
        %swap3A_818 = tpu.vector_load %arg16[%swap3A_816, %swap3A_817] {strides = array<i32>} : memref<128x128xf32, #tpu.memory_space<vmem>>, vector<16xf32>,
        tpu.vector_store %arg16[%swap3A_816, %swap3A_817], %mul3A_813 {strides = array<i32>} : memref<128x128xf32, #tpu.memory_space<vmem>>, vector<16xf32>,
        %slice3A_819 = vector.extract_strided_slice %get3A_133 {offsets = [7], sizes = [1], strides = [1]} : vector<16xf32> to vector<1xf32>
        %squeeze3A_820 = vector.extract %slice3A_819[0] : f32 from vector<1xf32>
        %add3A_821 = arith.constant 7 : i32
        %add3A_822 = arith.addi %mul3A_135, %add3A_821 : i32
        %get3A_823 = arith.index_cast %add3A_822 : i32 to index
        %get3A_824 = arith.constant 0 : index
        %get3A_825 = tpu.vector_load %arg16[%get3A_823, %get3A_824] {strides = array<i32>} : memref<128x128xf32, #tpu.memory_space<vmem>>, vector<16xf32>,
        %mul3A_826 = vector.broadcast %squeeze3A_820 : f32 to vector<16xf32>
        %mul3A_827 = arith.mulf %get3A_825, %mul3A_826 : vector<16xf32>
        %add3A_828 = arith.constant 7 : i32
        %add3A_829 = arith.addi %mul3A_135, %add3A_828 : i32
        %swap3A_830 = arith.index_cast %add3A_829 : i32 to index
        %swap3A_831 = arith.constant 0 : index
        %swap3A_832 = tpu.vector_load %arg16[%swap3A_830, %swap3A_831] {strides = array<i32>} : memref<128x128xf32, #tpu.memory_space<vmem>>, vector<16xf32>,
        tpu.vector_store %arg16[%swap3A_830, %swap3A_831], %mul3A_827 {strides = array<i32>} : memref<128x128xf32, #tpu.memory_space<vmem>>, vector<16xf32>,
        %add3A_833 = arith.constant 7 : i32
        %add3A_834 = arith.addi %mul3A_135, %add3A_833 : i32
        %get3A_835 = arith.index_cast %add3A_834 : i32 to index
        %get3A_836 = arith.constant 16 : index
        %get3A_837 = tpu.vector_load %arg16[%get3A_835, %get3A_836] {strides = array<i32>} : memref<128x128xf32, #tpu.memory_space<vmem>>, vector<16xf32>,
        %mul3A_838 = vector.broadcast %squeeze3A_820 : f32 to vector<16xf32>
        %mul3A_839 = arith.mulf %get3A_837, %mul3A_838 : vector<16xf32>
        %add3A_840 = arith.constant 7 : i32
        %add3A_841 = arith.addi %mul3A_135, %add3A_840 : i32
        %swap3A_842 = arith.index_cast %add3A_841 : i32 to index
        %swap3A_843 = arith.constant 16 : index
        %swap3A_844 = tpu.vector_load %arg16[%swap3A_842, %swap3A_843] {strides = array<i32>} : memref<128x128xf32, #tpu.memory_space<vmem>>, vector<16xf32>,
        tpu.vector_store %arg16[%swap3A_842, %swap3A_843], %mul3A_839 {strides = array<i32>} : memref<128x128xf32, #tpu.memory_space<vmem>>, vector<16xf32>,
        %add3A_845 = arith.constant 7 : i32
        %add3A_846 = arith.addi %mul3A_135, %add3A_845 : i32
        %get3A_847 = arith.index_cast %add3A_846 : i32 to index
        %get3A_848 = arith.constant 32 : index
        %get3A_849 = tpu.vector_load %arg16[%get3A_847, %get3A_848] {strides = array<i32>} : memref<128x128xf32, #tpu.memory_space<vmem>>, vector<16xf32>,
        %mul3A_850 = vector.broadcast %squeeze3A_820 : f32 to vector<16xf32>
        %mul3A_851 = arith.mulf %get3A_849, %mul3A_850 : vector<16xf32>
        %add3A_852 = arith.constant 7 : i32
        %add3A_853 = arith.addi %mul3A_135, %add3A_852 : i32
        %swap3A_854 = arith.index_cast %add3A_853 : i32 to index
        %swap3A_855 = arith.constant 32 : index
        %swap3A_856 = tpu.vector_load %arg16[%swap3A_854, %swap3A_855] {strides = array<i32>} : memref<128x128xf32, #tpu.memory_space<vmem>>, vector<16xf32>,
        tpu.vector_store %arg16[%swap3A_854, %swap3A_855], %mul3A_851 {strides = array<i32>} : memref<128x128xf32, #tpu.memory_space<vmem>>, vector<16xf32>,
        %add3A_857 = arith.constant 7 : i32
        %add3A_858 = arith.addi %mul3A_135, %add3A_857 : i32
        %get3A_859 = arith.index_cast %add3A_858 : i32 to index
        %get3A_860 = arith.constant 48 : index
        %get3A_861 = tpu.vector_load %arg16[%get3A_859, %get3A_860] {strides = array<i32>} : memref<128x128xf32, #tpu.memory_space<vmem>>, vector<16xf32>,
        %mul3A_862 = vector.broadcast %squeeze3A_820 : f32 to vector<16xf32>
        %mul3A_863 = arith.mulf %get3A_861, %mul3A_862 : vector<16xf32>
        %add3A_864 = arith.constant 7 : i32
        %add3A_865 = arith.addi %mul3A_135, %add3A_864 : i32
        %swap3A_866 = arith.index_cast %add3A_865 : i32 to index
        %swap3A_867 = arith.constant 48 : index
        %swap3A_868 = tpu.vector_load %arg16[%swap3A_866, %swap3A_867] {strides = array<i32>} : memref<128x128xf32, #tpu.memory_space<vmem>>, vector<16xf32>,
        tpu.vector_store %arg16[%swap3A_866, %swap3A_867], %mul3A_863 {strides = array<i32>} : memref<128x128xf32, #tpu.memory_space<vmem>>, vector<16xf32>,
        %add3A_869 = arith.constant 7 : i32
        %add3A_870 = arith.addi %mul3A_135, %add3A_869 : i32
        %get3A_871 = arith.index_cast %add3A_870 : i32 to index
        %get3A_872 = arith.constant 64 : index
        %get3A_873 = tpu.vector_load %arg16[%get3A_871, %get3A_872] {strides = array<i32>} : memref<128x128xf32, #tpu.memory_space<vmem>>, vector<16xf32>,
        %mul3A_874 = vector.broadcast %squeeze3A_820 : f32 to vector<16xf32>
        %mul3A_875 = arith.mulf %get3A_873, %mul3A_874 : vector<16xf32>
        %add3A_876 = arith.constant 7 : i32
        %add3A_877 = arith.addi %mul3A_135, %add3A_876 : i32
        %swap3A_878 = arith.index_cast %add3A_877 : i32 to index
        %swap3A_879 = arith.constant 64 : index
        %swap3A_880 = tpu.vector_load %arg16[%swap3A_878, %swap3A_879] {strides = array<i32>} : memref<128x128xf32, #tpu.memory_space<vmem>>, vector<16xf32>,
        tpu.vector_store %arg16[%swap3A_878, %swap3A_879], %mul3A_875 {strides = array<i32>} : memref<128x128xf32, #tpu.memory_space<vmem>>, vector<16xf32>,
        %add3A_881 = arith.constant 7 : i32
        %add3A_882 = arith.addi %mul3A_135, %add3A_881 : i32
        %get3A_883 = arith.index_cast %add3A_882 : i32 to index
        %get3A_884 = arith.constant 80 : index
        %get3A_885 = tpu.vector_load %arg16[%get3A_883, %get3A_884] {strides = array<i32>} : memref<128x128xf32, #tpu.memory_space<vmem>>, vector<16xf32>,
        %mul3A_886 = vector.broadcast %squeeze3A_820 : f32 to vector<16xf32>
        %mul3A_887 = arith.mulf %get3A_885, %mul3A_886 : vector<16xf32>
        %add3A_888 = arith.constant 7 : i32
        %add3A_889 = arith.addi %mul3A_135, %add3A_888 : i32
        %swap3A_890 = arith.index_cast %add3A_889 : i32 to index
        %swap3A_891 = arith.constant 80 : index
        %swap3A_892 = tpu.vector_load %arg16[%swap3A_890, %swap3A_891] {strides = array<i32>} : memref<128x128xf32, #tpu.memory_space<vmem>>, vector<16xf32>,
        tpu.vector_store %arg16[%swap3A_890, %swap3A_891], %mul3A_887 {strides = array<i32>} : memref<128x128xf32, #tpu.memory_space<vmem>>, vector<16xf32>,
        %add3A_893 = arith.constant 7 : i32
        %add3A_894 = arith.addi %mul3A_135, %add3A_893 : i32
        %get3A_895 = arith.index_cast %add3A_894 : i32 to index
        %get3A_896 = arith.constant 96 : index
        %get3A_897 = tpu.vector_load %arg16[%get3A_895, %get3A_896] {strides = array<i32>} : memref<128x128xf32, #tpu.memory_space<vmem>>, vector<16xf32>,
        %mul3A_898 = vector.broadcast %squeeze3A_820 : f32 to vector<16xf32>
        %mul3A_899 = arith.mulf %get3A_897, %mul3A_898 : vector<16xf32>
        %add3A_900 = arith.constant 7 : i32
        %add3A_901 = arith.addi %mul3A_135, %add3A_900 : i32
        %swap3A_902 = arith.index_cast %add3A_901 : i32 to index
        %swap3A_903 = arith.constant 96 : index
        %swap3A_904 = tpu.vector_load %arg16[%swap3A_902, %swap3A_903] {strides = array<i32>} : memref<128x128xf32, #tpu.memory_space<vmem>>, vector<16xf32>,
        tpu.vector_store %arg16[%swap3A_902, %swap3A_903], %mul3A_899 {strides = array<i32>} : memref<128x128xf32, #tpu.memory_space<vmem>>, vector<16xf32>,
        %add3A_905 = arith.constant 7 : i32
        %add3A_906 = arith.addi %mul3A_135, %add3A_905 : i32
        %get3A_907 = arith.index_cast %add3A_906 : i32 to index
        %get3A_908 = arith.constant 112 : index
        %get3A_909 = tpu.vector_load %arg16[%get3A_907, %get3A_908] {strides = array<i32>} : memref<128x128xf32, #tpu.memory_space<vmem>>, vector<16xf32>,
        %mul3A_910 = vector.broadcast %squeeze3A_820 : f32 to vector<16xf32>
        %mul3A_911 = arith.mulf %get3A_909, %mul3A_910 : vector<16xf32>
        %add3A_912 = arith.constant 7 : i32
        %add3A_913 = arith.addi %mul3A_135, %add3A_912 : i32
        %swap3A_914 = arith.index_cast %add3A_913 : i32 to index
        %swap3A_915 = arith.constant 112 : index
        %swap3A_916 = tpu.vector_load %arg16[%swap3A_914, %swap3A_915] {strides = array<i32>} : memref<128x128xf32, #tpu.memory_space<vmem>>, vector<16xf32>,
        tpu.vector_store %arg16[%swap3A_914, %swap3A_915], %mul3A_911 {strides = array<i32>} : memref<128x128xf32, #tpu.memory_space<vmem>>, vector<16xf32>,
        %slice3A_917 = vector.extract_strided_slice %get3A_133 {offsets = [8], sizes = [1], strides = [1]} : vector<16xf32> to vector<1xf32>
        %squeeze3A_918 = vector.extract %slice3A_917[0] : f32 from vector<1xf32>
        %add3A_919 = arith.constant 8 : i32
        %add3A_920 = arith.addi %mul3A_135, %add3A_919 : i32
        %get3A_921 = arith.index_cast %add3A_920 : i32 to index
        %get3A_922 = arith.constant 0 : index
        %get3A_923 = tpu.vector_load %arg16[%get3A_921, %get3A_922] {strides = array<i32>} : memref<128x128xf32, #tpu.memory_space<vmem>>, vector<16xf32>,
        %mul3A_924 = vector.broadcast %squeeze3A_918 : f32 to vector<16xf32>
        %mul3A_925 = arith.mulf %get3A_923, %mul3A_924 : vector<16xf32>
        %add3A_926 = arith.constant 8 : i32
        %add3A_927 = arith.addi %mul3A_135, %add3A_926 : i32
        %swap3A_928 = arith.index_cast %add3A_927 : i32 to index
        %swap3A_929 = arith.constant 0 : index
        %swap3A_930 = tpu.vector_load %arg16[%swap3A_928, %swap3A_929] {strides = array<i32>} : memref<128x128xf32, #tpu.memory_space<vmem>>, vector<16xf32>,
        tpu.vector_store %arg16[%swap3A_928, %swap3A_929], %mul3A_925 {strides = array<i32>} : memref<128x128xf32, #tpu.memory_space<vmem>>, vector<16xf32>,
        %add3A_931 = arith.constant 8 : i32
        %add3A_932 = arith.addi %mul3A_135, %add3A_931 : i32
        %get3A_933 = arith.index_cast %add3A_932 : i32 to index
        %get3A_934 = arith.constant 16 : index
        %get3A_935 = tpu.vector_load %arg16[%get3A_933, %get3A_934] {strides = array<i32>} : memref<128x128xf32, #tpu.memory_space<vmem>>, vector<16xf32>,
        %mul3A_936 = vector.broadcast %squeeze3A_918 : f32 to vector<16xf32>
        %mul3A_937 = arith.mulf %get3A_935, %mul3A_936 : vector<16xf32>
        %add3A_938 = arith.constant 8 : i32
        %add3A_939 = arith.addi %mul3A_135, %add3A_938 : i32
        %swap3A_940 = arith.index_cast %add3A_939 : i32 to index
        %swap3A_941 = arith.constant 16 : index
        %swap3A_942 = tpu.vector_load %arg16[%swap3A_940, %swap3A_941] {strides = array<i32>} : memref<128x128xf32, #tpu.memory_space<vmem>>, vector<16xf32>,
        tpu.vector_store %arg16[%swap3A_940, %swap3A_941], %mul3A_937 {strides = array<i32>} : memref<128x128xf32, #tpu.memory_space<vmem>>, vector<16xf32>,
        %add3A_943 = arith.constant 8 : i32
        %add3A_944 = arith.addi %mul3A_135, %add3A_943 : i32
        %get3A_945 = arith.index_cast %add3A_944 : i32 to index
        %get3A_946 = arith.constant 32 : index
        %get3A_947 = tpu.vector_load %arg16[%get3A_945, %get3A_946] {strides = array<i32>} : memref<128x128xf32, #tpu.memory_space<vmem>>, vector<16xf32>,
        %mul3A_948 = vector.broadcast %squeeze3A_918 : f32 to vector<16xf32>
        %mul3A_949 = arith.mulf %get3A_947, %mul3A_948 : vector<16xf32>
        %add3A_950 = arith.constant 8 : i32
        %add3A_951 = arith.addi %mul3A_135, %add3A_950 : i32
        %swap3A_952 = arith.index_cast %add3A_951 : i32 to index
        %swap3A_953 = arith.constant 32 : index
        %swap3A_954 = tpu.vector_load %arg16[%swap3A_952, %swap3A_953] {strides = array<i32>} : memref<128x128xf32, #tpu.memory_space<vmem>>, vector<16xf32>,
        tpu.vector_store %arg16[%swap3A_952, %swap3A_953], %mul3A_949 {strides = array<i32>} : memref<128x128xf32, #tpu.memory_space<vmem>>, vector<16xf32>,
        %add3A_955 = arith.constant 8 : i32
        %add3A_956 = arith.addi %mul3A_135, %add3A_955 : i32
        %get3A_957 = arith.index_cast %add3A_956 : i32 to index
        %get3A_958 = arith.constant 48 : index
        %get3A_959 = tpu.vector_load %arg16[%get3A_957, %get3A_958] {strides = array<i32>} : memref<128x128xf32, #tpu.memory_space<vmem>>, vector<16xf32>,
        %mul3A_960 = vector.broadcast %squeeze3A_918 : f32 to vector<16xf32>
        %mul3A_961 = arith.mulf %get3A_959, %mul3A_960 : vector<16xf32>
        %add3A_962 = arith.constant 8 : i32
        %add3A_963 = arith.addi %mul3A_135, %add3A_962 : i32
        %swap3A_964 = arith.index_cast %add3A_963 : i32 to index
        %swap3A_965 = arith.constant 48 : index
        %swap3A_966 = tpu.vector_load %arg16[%swap3A_964, %swap3A_965] {strides = array<i32>} : memref<128x128xf32, #tpu.memory_space<vmem>>, vector<16xf32>,
        tpu.vector_store %arg16[%swap3A_964, %swap3A_965], %mul3A_961 {strides = array<i32>} : memref<128x128xf32, #tpu.memory_space<vmem>>, vector<16xf32>,
        %add3A_967 = arith.constant 8 : i32
        %add3A_968 = arith.addi %mul3A_135, %add3A_967 : i32
        %get3A_969 = arith.index_cast %add3A_968 : i32 to index
        %get3A_970 = arith.constant 64 : index
        %get3A_971 = tpu.vector_load %arg16[%get3A_969, %get3A_970] {strides = array<i32>} : memref<128x128xf32, #tpu.memory_space<vmem>>, vector<16xf32>,
        %mul3A_972 = vector.broadcast %squeeze3A_918 : f32 to vector<16xf32>
        %mul3A_973 = arith.mulf %get3A_971, %mul3A_972 : vector<16xf32>
        %add3A_974 = arith.constant 8 : i32
        %add3A_975 = arith.addi %mul3A_135, %add3A_974 : i32
        %swap3A_976 = arith.index_cast %add3A_975 : i32 to index
        %swap3A_977 = arith.constant 64 : index
        %swap3A_978 = tpu.vector_load %arg16[%swap3A_976, %swap3A_977] {strides = array<i32>} : memref<128x128xf32, #tpu.memory_space<vmem>>, vector<16xf32>,
        tpu.vector_store %arg16[%swap3A_976, %swap3A_977], %mul3A_973 {strides = array<i32>} : memref<128x128xf32, #tpu.memory_space<vmem>>, vector<16xf32>,
        %add3A_979 = arith.constant 8 : i32
        %add3A_980 = arith.addi %mul3A_135, %add3A_979 : i32
        %get3A_981 = arith.index_cast %add3A_980 : i32 to index
        %get3A_982 = arith.constant 80 : index
        %get3A_983 = tpu.vector_load %arg16[%get3A_981, %get3A_982] {strides = array<i32>} : memref<128x128xf32, #tpu.memory_space<vmem>>, vector<16xf32>,
        %mul3A_984 = vector.broadcast %squeeze3A_918 : f32 to vector<16xf32>
        %mul3A_985 = arith.mulf %get3A_983, %mul3A_984 : vector<16xf32>
        %add3A_986 = arith.constant 8 : i32
        %add3A_987 = arith.addi %mul3A_135, %add3A_986 : i32
        %swap3A_988 = arith.index_cast %add3A_987 : i32 to index
        %swap3A_989 = arith.constant 80 : index
        %swap3A_990 = tpu.vector_load %arg16[%swap3A_988, %swap3A_989] {strides = array<i32>} : memref<128x128xf32, #tpu.memory_space<vmem>>, vector<16xf32>,
        tpu.vector_store %arg16[%swap3A_988, %swap3A_989], %mul3A_985 {strides = array<i32>} : memref<128x128xf32, #tpu.memory_space<vmem>>, vector<16xf32>,
        %add3A_991 = arith.constant 8 : i32
        %add3A_992 = arith.addi %mul3A_135, %add3A_991 : i32
        %get3A_993 = arith.index_cast %add3A_992 : i32 to index
        %get3A_994 = arith.constant 96 : index
        %get3A_995 = tpu.vector_load %arg16[%get3A_993, %get3A_994] {strides = array<i32>} : memref<128x128xf32, #tpu.memory_space<vmem>>, vector<16xf32>,
        %mul3A_996 = vector.broadcast %squeeze3A_918 : f32 to vector<16xf32>
        %mul3A_997 = arith.mulf %get3A_995, %mul3A_996 : vector<16xf32>
        %add3A_998 = arith.constant 8 : i32
        %add3A_999 = arith.addi %mul3A_135, %add3A_998 : i32
        %swap3A_1000 = arith.index_cast %add3A_999 : i32 to index
        %swap3A_1001 = arith.constant 96 : index
        %swap3A_1002 = tpu.vector_load %arg16[%swap3A_1000, %swap3A_1001] {strides = array<i32>} : memref<128x128xf32, #tpu.memory_space<vmem>>, vector<16xf32>,
        tpu.vector_store %arg16[%swap3A_1000, %swap3A_1001], %mul3A_997 {strides = array<i32>} : memref<128x128xf32, #tpu.memory_space<vmem>>, vector<16xf32>,
        %add3A_1003 = arith.constant 8 : i32
        %add3A_1004 = arith.addi %mul3A_135, %add3A_1003 : i32
        %get3A_1005 = arith.index_cast %add3A_1004 : i32 to index
        %get3A_1006 = arith.constant 112 : index
        %get3A_1007 = tpu.vector_load %arg16[%get3A_1005, %get3A_1006] {strides = array<i32>} : memref<128x128xf32, #tpu.memory_space<vmem>>, vector<16xf32>,
        %mul3A_1008 = vector.broadcast %squeeze3A_918 : f32 to vector<16xf32>
        %mul3A_1009 = arith.mulf %get3A_1007, %mul3A_1008 : vector<16xf32>
        %add3A_1010 = arith.constant 8 : i32
        %add3A_1011 = arith.addi %mul3A_135, %add3A_1010 : i32
        %swap3A_1012 = arith.index_cast %add3A_1011 : i32 to index
        %swap3A_1013 = arith.constant 112 : index
        %swap3A_1014 = tpu.vector_load %arg16[%swap3A_1012, %swap3A_1013] {strides = array<i32>} : memref<128x128xf32, #tpu.memory_space<vmem>>, vector<16xf32>,
        tpu.vector_store %arg16[%swap3A_1012, %swap3A_1013], %mul3A_1009 {strides = array<i32>} : memref<128x128xf32, #tpu.memory_space<vmem>>, vector<16xf32>,
        %slice3A_1015 = vector.extract_strided_slice %get3A_133 {offsets = [9], sizes = [1], strides = [1]} : vector<16xf32> to vector<1xf32>
        %squeeze3A_1016 = vector.extract %slice3A_1015[0] : f32 from vector<1xf32>
        %add3A_1017 = arith.constant 9 : i32
        %add3A_1018 = arith.addi %mul3A_135, %add3A_1017 : i32
        %get3A_1019 = arith.index_cast %add3A_1018 : i32 to index
        %get3A_1020 = arith.constant 0 : index
        %get3A_1021 = tpu.vector_load %arg16[%get3A_1019, %get3A_1020] {strides = array<i32>} : memref<128x128xf32, #tpu.memory_space<vmem>>, vector<16xf32>,
        %mul3A_1022 = vector.broadcast %squeeze3A_1016 : f32 to vector<16xf32>
        %mul3A_1023 = arith.mulf %get3A_1021, %mul3A_1022 : vector<16xf32>
        %add3A_1024 = arith.constant 9 : i32
        %add3A_1025 = arith.addi %mul3A_135, %add3A_1024 : i32
        %swap3A_1026 = arith.index_cast %add3A_1025 : i32 to index
        %swap3A_1027 = arith.constant 0 : index
        %swap3A_1028 = tpu.vector_load %arg16[%swap3A_1026, %swap3A_1027] {strides = array<i32>} : memref<128x128xf32, #tpu.memory_space<vmem>>, vector<16xf32>,
        tpu.vector_store %arg16[%swap3A_1026, %swap3A_1027], %mul3A_1023 {strides = array<i32>} : memref<128x128xf32, #tpu.memory_space<vmem>>, vector<16xf32>,
        %add3A_1029 = arith.constant 9 : i32
        %add3A_1030 = arith.addi %mul3A_135, %add3A_1029 : i32
        %get3A_1031 = arith.index_cast %add3A_1030 : i32 to index
        %get3A_1032 = arith.constant 16 : index
        %get3A_1033 = tpu.vector_load %arg16[%get3A_1031, %get3A_1032] {strides = array<i32>} : memref<128x128xf32, #tpu.memory_space<vmem>>, vector<16xf32>,
        %mul3A_1034 = vector.broadcast %squeeze3A_1016 : f32 to vector<16xf32>
        %mul3A_1035 = arith.mulf %get3A_1033, %mul3A_1034 : vector<16xf32>
        %add3A_1036 = arith.constant 9 : i32
        %add3A_1037 = arith.addi %mul3A_135, %add3A_1036 : i32
        %swap3A_1038 = arith.index_cast %add3A_1037 : i32 to index
        %swap3A_1039 = arith.constant 16 : index
        %swap3A_1040 = tpu.vector_load %arg16[%swap3A_1038, %swap3A_1039] {strides = array<i32>} : memref<128x128xf32, #tpu.memory_space<vmem>>, vector<16xf32>,
        tpu.vector_store %arg16[%swap3A_1038, %swap3A_1039], %mul3A_1035 {strides = array<i32>} : memref<128x128xf32, #tpu.memory_space<vmem>>, vector<16xf32>,
        %add3A_1041 = arith.constant 9 : i32
        %add3A_1042 = arith.addi %mul3A_135, %add3A_1041 : i32
        %get3A_1043 = arith.index_cast %add3A_1042 : i32 to index
        %get3A_1044 = arith.constant 32 : index
        %get3A_1045 = tpu.vector_load %arg16[%get3A_1043, %get3A_1044] {strides = array<i32>} : memref<128x128xf32, #tpu.memory_space<vmem>>, vector<16xf32>,
        %mul3A_1046 = vector.broadcast %squeeze3A_1016 : f32 to vector<16xf32>
        %mul3A_1047 = arith.mulf %get3A_1045, %mul3A_1046 : vector<16xf32>
        %add3A_1048 = arith.constant 9 : i32
        %add3A_1049 = arith.addi %mul3A_135, %add3A_1048 : i32
        %swap3A_1050 = arith.index_cast %add3A_1049 : i32 to index
        %swap3A_1051 = arith.constant 32 : index
        %swap3A_1052 = tpu.vector_load %arg16[%swap3A_1050, %swap3A_1051] {strides = array<i32>} : memref<128x128xf32, #tpu.memory_space<vmem>>, vector<16xf32>,
        tpu.vector_store %arg16[%swap3A_1050, %swap3A_1051], %mul3A_1047 {strides = array<i32>} : memref<128x128xf32, #tpu.memory_space<vmem>>, vector<16xf32>,
        %add3A_1053 = arith.constant 9 : i32
        %add3A_1054 = arith.addi %mul3A_135, %add3A_1053 : i32
        %get3A_1055 = arith.index_cast %add3A_1054 : i32 to index
        %get3A_1056 = arith.constant 48 : index
        %get3A_1057 = tpu.vector_load %arg16[%get3A_1055, %get3A_1056] {strides = array<i32>} : memref<128x128xf32, #tpu.memory_space<vmem>>, vector<16xf32>,
        %mul3A_1058 = vector.broadcast %squeeze3A_1016 : f32 to vector<16xf32>
        %mul3A_1059 = arith.mulf %get3A_1057, %mul3A_1058 : vector<16xf32>
        %add3A_1060 = arith.constant 9 : i32
        %add3A_1061 = arith.addi %mul3A_135, %add3A_1060 : i32
        %swap3A_1062 = arith.index_cast %add3A_1061 : i32 to index
        %swap3A_1063 = arith.constant 48 : index
        %swap3A_1064 = tpu.vector_load %arg16[%swap3A_1062, %swap3A_1063] {strides = array<i32>} : memref<128x128xf32, #tpu.memory_space<vmem>>, vector<16xf32>,
        tpu.vector_store %arg16[%swap3A_1062, %swap3A_1063], %mul3A_1059 {strides = array<i32>} : memref<128x128xf32, #tpu.memory_space<vmem>>, vector<16xf32>,
        %add3A_1065 = arith.constant 9 : i32
        %add3A_1066 = arith.addi %mul3A_135, %add3A_1065 : i32
        %get3A_1067 = arith.index_cast %add3A_1066 : i32 to index
        %get3A_1068 = arith.constant 64 : index
        %get3A_1069 = tpu.vector_load %arg16[%get3A_1067, %get3A_1068] {strides = array<i32>} : memref<128x128xf32, #tpu.memory_space<vmem>>, vector<16xf32>,
        %mul3A_1070 = vector.broadcast %squeeze3A_1016 : f32 to vector<16xf32>
        %mul3A_1071 = arith.mulf %get3A_1069, %mul3A_1070 : vector<16xf32>
        %add3A_1072 = arith.constant 9 : i32
        %add3A_1073 = arith.addi %mul3A_135, %add3A_1072 : i32
        %swap3A_1074 = arith.index_cast %add3A_1073 : i32 to index
        %swap3A_1075 = arith.constant 64 : index
        %swap3A_1076 = tpu.vector_load %arg16[%swap3A_1074, %swap3A_1075] {strides = array<i32>} : memref<128x128xf32, #tpu.memory_space<vmem>>, vector<16xf32>,
        tpu.vector_store %arg16[%swap3A_1074, %swap3A_1075], %mul3A_1071 {strides = array<i32>} : memref<128x128xf32, #tpu.memory_space<vmem>>, vector<16xf32>,
        %add3A_1077 = arith.constant 9 : i32
        %add3A_1078 = arith.addi %mul3A_135, %add3A_1077 : i32
        %get3A_1079 = arith.index_cast %add3A_1078 : i32 to index
        %get3A_1080 = arith.constant 80 : index
        %get3A_1081 = tpu.vector_load %arg16[%get3A_1079, %get3A_1080] {strides = array<i32>} : memref<128x128xf32, #tpu.memory_space<vmem>>, vector<16xf32>,
        %mul3A_1082 = vector.broadcast %squeeze3A_1016 : f32 to vector<16xf32>
        %mul3A_1083 = arith.mulf %get3A_1081, %mul3A_1082 : vector<16xf32>
        %add3A_1084 = arith.constant 9 : i32
        %add3A_1085 = arith.addi %mul3A_135, %add3A_1084 : i32
        %swap3A_1086 = arith.index_cast %add3A_1085 : i32 to index
        %swap3A_1087 = arith.constant 80 : index
        %swap3A_1088 = tpu.vector_load %arg16[%swap3A_1086, %swap3A_1087] {strides = array<i32>} : memref<128x128xf32, #tpu.memory_space<vmem>>, vector<16xf32>,
        tpu.vector_store %arg16[%swap3A_1086, %swap3A_1087], %mul3A_1083 {strides = array<i32>} : memref<128x128xf32, #tpu.memory_space<vmem>>, vector<16xf32>,
        %add3A_1089 = arith.constant 9 : i32
        %add3A_1090 = arith.addi %mul3A_135, %add3A_1089 : i32
        %get3A_1091 = arith.index_cast %add3A_1090 : i32 to index
        %get3A_1092 = arith.constant 96 : index
        %get3A_1093 = tpu.vector_load %arg16[%get3A_1091, %get3A_1092] {strides = array<i32>} : memref<128x128xf32, #tpu.memory_space<vmem>>, vector<16xf32>,
        %mul3A_1094 = vector.broadcast %squeeze3A_1016 : f32 to vector<16xf32>
        %mul3A_1095 = arith.mulf %get3A_1093, %mul3A_1094 : vector<16xf32>
        %add3A_1096 = arith.constant 9 : i32
        %add3A_1097 = arith.addi %mul3A_135, %add3A_1096 : i32
        %swap3A_1098 = arith.index_cast %add3A_1097 : i32 to index
        %swap3A_1099 = arith.constant 96 : index
        %swap3A_1100 = tpu.vector_load %arg16[%swap3A_1098, %swap3A_1099] {strides = array<i32>} : memref<128x128xf32, #tpu.memory_space<vmem>>, vector<16xf32>,
        tpu.vector_store %arg16[%swap3A_1098, %swap3A_1099], %mul3A_1095 {strides = array<i32>} : memref<128x128xf32, #tpu.memory_space<vmem>>, vector<16xf32>,
        %add3A_1101 = arith.constant 9 : i32
        %add3A_1102 = arith.addi %mul3A_135, %add3A_1101 : i32
        %get3A_1103 = arith.index_cast %add3A_1102 : i32 to index
        %get3A_1104 = arith.constant 112 : index
        %get3A_1105 = tpu.vector_load %arg16[%get3A_1103, %get3A_1104] {strides = array<i32>} : memref<128x128xf32, #tpu.memory_space<vmem>>, vector<16xf32>,
        %mul3A_1106 = vector.broadcast %squeeze3A_1016 : f32 to vector<16xf32>
        %mul3A_1107 = arith.mulf %get3A_1105, %mul3A_1106 : vector<16xf32>
        %add3A_1108 = arith.constant 9 : i32
        %add3A_1109 = arith.addi %mul3A_135, %add3A_1108 : i32
        %swap3A_1110 = arith.index_cast %add3A_1109 : i32 to index
        %swap3A_1111 = arith.constant 112 : index
        %swap3A_1112 = tpu.vector_load %arg16[%swap3A_1110, %swap3A_1111] {strides = array<i32>} : memref<128x128xf32, #tpu.memory_space<vmem>>, vector<16xf32>,
        tpu.vector_store %arg16[%swap3A_1110, %swap3A_1111], %mul3A_1107 {strides = array<i32>} : memref<128x128xf32, #tpu.memory_space<vmem>>, vector<16xf32>,
        %slice3A_1113 = vector.extract_strided_slice %get3A_133 {offsets = [10], sizes = [1], strides = [1]} : vector<16xf32> to vector<1xf32>
        %squeeze3A_1114 = vector.extract %slice3A_1113[0] : f32 from vector<1xf32>
        %add3A_1115 = arith.constant 10 : i32
        %add3A_1116 = arith.addi %mul3A_135, %add3A_1115 : i32
        %get3A_1117 = arith.index_cast %add3A_1116 : i32 to index
        %get3A_1118 = arith.constant 0 : index
        %get3A_1119 = tpu.vector_load %arg16[%get3A_1117, %get3A_1118] {strides = array<i32>} : memref<128x128xf32, #tpu.memory_space<vmem>>, vector<16xf32>,
        %mul3A_1120 = vector.broadcast %squeeze3A_1114 : f32 to vector<16xf32>
        %mul3A_1121 = arith.mulf %get3A_1119, %mul3A_1120 : vector<16xf32>
        %add3A_1122 = arith.constant 10 : i32
        %add3A_1123 = arith.addi %mul3A_135, %add3A_1122 : i32
        %swap3A_1124 = arith.index_cast %add3A_1123 : i32 to index
        %swap3A_1125 = arith.constant 0 : index
        %swap3A_1126 = tpu.vector_load %arg16[%swap3A_1124, %swap3A_1125] {strides = array<i32>} : memref<128x128xf32, #tpu.memory_space<vmem>>, vector<16xf32>,
        tpu.vector_store %arg16[%swap3A_1124, %swap3A_1125], %mul3A_1121 {strides = array<i32>} : memref<128x128xf32, #tpu.memory_space<vmem>>, vector<16xf32>,
        %add3A_1127 = arith.constant 10 : i32
        %add3A_1128 = arith.addi %mul3A_135, %add3A_1127 : i32
        %get3A_1129 = arith.index_cast %add3A_1128 : i32 to index
        %get3A_1130 = arith.constant 16 : index
        %get3A_1131 = tpu.vector_load %arg16[%get3A_1129, %get3A_1130] {strides = array<i32>} : memref<128x128xf32, #tpu.memory_space<vmem>>, vector<16xf32>,
        %mul3A_1132 = vector.broadcast %squeeze3A_1114 : f32 to vector<16xf32>
        %mul3A_1133 = arith.mulf %get3A_1131, %mul3A_1132 : vector<16xf32>
        %add3A_1134 = arith.constant 10 : i32
        %add3A_1135 = arith.addi %mul3A_135, %add3A_1134 : i32
        %swap3A_1136 = arith.index_cast %add3A_1135 : i32 to index
        %swap3A_1137 = arith.constant 16 : index
        %swap3A_1138 = tpu.vector_load %arg16[%swap3A_1136, %swap3A_1137] {strides = array<i32>} : memref<128x128xf32, #tpu.memory_space<vmem>>, vector<16xf32>,
        tpu.vector_store %arg16[%swap3A_1136, %swap3A_1137], %mul3A_1133 {strides = array<i32>} : memref<128x128xf32, #tpu.memory_space<vmem>>, vector<16xf32>,
        %add3A_1139 = arith.constant 10 : i32
        %add3A_1140 = arith.addi %mul3A_135, %add3A_1139 : i32
        %get3A_1141 = arith.index_cast %add3A_1140 : i32 to index
        %get3A_1142 = arith.constant 32 : index
        %get3A_1143 = tpu.vector_load %arg16[%get3A_1141, %get3A_1142] {strides = array<i32>} : memref<128x128xf32, #tpu.memory_space<vmem>>, vector<16xf32>,
        %mul3A_1144 = vector.broadcast %squeeze3A_1114 : f32 to vector<16xf32>
        %mul3A_1145 = arith.mulf %get3A_1143, %mul3A_1144 : vector<16xf32>
        %add3A_1146 = arith.constant 10 : i32
        %add3A_1147 = arith.addi %mul3A_135, %add3A_1146 : i32
        %swap3A_1148 = arith.index_cast %add3A_1147 : i32 to index
        %swap3A_1149 = arith.constant 32 : index
        %swap3A_1150 = tpu.vector_load %arg16[%swap3A_1148, %swap3A_1149] {strides = array<i32>} : memref<128x128xf32, #tpu.memory_space<vmem>>, vector<16xf32>,
        tpu.vector_store %arg16[%swap3A_1148, %swap3A_1149], %mul3A_1145 {strides = array<i32>} : memref<128x128xf32, #tpu.memory_space<vmem>>, vector<16xf32>,
        %add3A_1151 = arith.constant 10 : i32
        %add3A_1152 = arith.addi %mul3A_135, %add3A_1151 : i32
        %get3A_1153 = arith.index_cast %add3A_1152 : i32 to index
        %get3A_1154 = arith.constant 48 : index
        %get3A_1155 = tpu.vector_load %arg16[%get3A_1153, %get3A_1154] {strides = array<i32>} : memref<128x128xf32, #tpu.memory_space<vmem>>, vector<16xf32>,
        %mul3A_1156 = vector.broadcast %squeeze3A_1114 : f32 to vector<16xf32>
        %mul3A_1157 = arith.mulf %get3A_1155, %mul3A_1156 : vector<16xf32>
        %add3A_1158 = arith.constant 10 : i32
        %add3A_1159 = arith.addi %mul3A_135, %add3A_1158 : i32
        %swap3A_1160 = arith.index_cast %add3A_1159 : i32 to index
        %swap3A_1161 = arith.constant 48 : index
        %swap3A_1162 = tpu.vector_load %arg16[%swap3A_1160, %swap3A_1161] {strides = array<i32>} : memref<128x128xf32, #tpu.memory_space<vmem>>, vector<16xf32>,
        tpu.vector_store %arg16[%swap3A_1160, %swap3A_1161], %mul3A_1157 {strides = array<i32>} : memref<128x128xf32, #tpu.memory_space<vmem>>, vector<16xf32>,
        %add3A_1163 = arith.constant 10 : i32
        %add3A_1164 = arith.addi %mul3A_135, %add3A_1163 : i32
        %get3A_1165 = arith.index_cast %add3A_1164 : i32 to index
        %get3A_1166 = arith.constant 64 : index
        %get3A_1167 = tpu.vector_load %arg16[%get3A_1165, %get3A_1166] {strides = array<i32>} : memref<128x128xf32, #tpu.memory_space<vmem>>, vector<16xf32>,
        %mul3A_1168 = vector.broadcast %squeeze3A_1114 : f32 to vector<16xf32>
        %mul3A_1169 = arith.mulf %get3A_1167, %mul3A_1168 : vector<16xf32>
        %add3A_1170 = arith.constant 10 : i32
        %add3A_1171 = arith.addi %mul3A_135, %add3A_1170 : i32
        %swap3A_1172 = arith.index_cast %add3A_1171 : i32 to index
        %swap3A_1173 = arith.constant 64 : index
        %swap3A_1174 = tpu.vector_load %arg16[%swap3A_1172, %swap3A_1173] {strides = array<i32>} : memref<128x128xf32, #tpu.memory_space<vmem>>, vector<16xf32>,
        tpu.vector_store %arg16[%swap3A_1172, %swap3A_1173], %mul3A_1169 {strides = array<i32>} : memref<128x128xf32, #tpu.memory_space<vmem>>, vector<16xf32>,
        %add3A_1175 = arith.constant 10 : i32
        %add3A_1176 = arith.addi %mul3A_135, %add3A_1175 : i32
        %get3A_1177 = arith.index_cast %add3A_1176 : i32 to index
        %get3A_1178 = arith.constant 80 : index
        %get3A_1179 = tpu.vector_load %arg16[%get3A_1177, %get3A_1178] {strides = array<i32>} : memref<128x128xf32, #tpu.memory_space<vmem>>, vector<16xf32>,
        %mul3A_1180 = vector.broadcast %squeeze3A_1114 : f32 to vector<16xf32>
        %mul3A_1181 = arith.mulf %get3A_1179, %mul3A_1180 : vector<16xf32>
        %add3A_1182 = arith.constant 10 : i32
        %add3A_1183 = arith.addi %mul3A_135, %add3A_1182 : i32
        %swap3A_1184 = arith.index_cast %add3A_1183 : i32 to index
        %swap3A_1185 = arith.constant 80 : index
        %swap3A_1186 = tpu.vector_load %arg16[%swap3A_1184, %swap3A_1185] {strides = array<i32>} : memref<128x128xf32, #tpu.memory_space<vmem>>, vector<16xf32>,
        tpu.vector_store %arg16[%swap3A_1184, %swap3A_1185], %mul3A_1181 {strides = array<i32>} : memref<128x128xf32, #tpu.memory_space<vmem>>, vector<16xf32>,
        %add3A_1187 = arith.constant 10 : i32
        %add3A_1188 = arith.addi %mul3A_135, %add3A_1187 : i32
        %get3A_1189 = arith.index_cast %add3A_1188 : i32 to index
        %get3A_1190 = arith.constant 96 : index
        %get3A_1191 = tpu.vector_load %arg16[%get3A_1189, %get3A_1190] {strides = array<i32>} : memref<128x128xf32, #tpu.memory_space<vmem>>, vector<16xf32>,
        %mul3A_1192 = vector.broadcast %squeeze3A_1114 : f32 to vector<16xf32>
        %mul3A_1193 = arith.mulf %get3A_1191, %mul3A_1192 : vector<16xf32>
        %add3A_1194 = arith.constant 10 : i32
        %add3A_1195 = arith.addi %mul3A_135, %add3A_1194 : i32
        %swap3A_1196 = arith.index_cast %add3A_1195 : i32 to index
        %swap3A_1197 = arith.constant 96 : index
        %swap3A_1198 = tpu.vector_load %arg16[%swap3A_1196, %swap3A_1197] {strides = array<i32>} : memref<128x128xf32, #tpu.memory_space<vmem>>, vector<16xf32>,
        tpu.vector_store %arg16[%swap3A_1196, %swap3A_1197], %mul3A_1193 {strides = array<i32>} : memref<128x128xf32, #tpu.memory_space<vmem>>, vector<16xf32>,
        %add3A_1199 = arith.constant 10 : i32
        %add3A_1200 = arith.addi %mul3A_135, %add3A_1199 : i32
        %get3A_1201 = arith.index_cast %add3A_1200 : i32 to index
        %get3A_1202 = arith.constant 112 : index
        %get3A_1203 = tpu.vector_load %arg16[%get3A_1201, %get3A_1202] {strides = array<i32>} : memref<128x128xf32, #tpu.memory_space<vmem>>, vector<16xf32>,
        %mul3A_1204 = vector.broadcast %squeeze3A_1114 : f32 to vector<16xf32>
        %mul3A_1205 = arith.mulf %get3A_1203, %mul3A_1204 : vector<16xf32>
        %add3A_1206 = arith.constant 10 : i32
        %add3A_1207 = arith.addi %mul3A_135, %add3A_1206 : i32
        %swap3A_1208 = arith.index_cast %add3A_1207 : i32 to index
        %swap3A_1209 = arith.constant 112 : index
        %swap3A_1210 = tpu.vector_load %arg16[%swap3A_1208, %swap3A_1209] {strides = array<i32>} : memref<128x128xf32, #tpu.memory_space<vmem>>, vector<16xf32>,
        tpu.vector_store %arg16[%swap3A_1208, %swap3A_1209], %mul3A_1205 {strides = array<i32>} : memref<128x128xf32, #tpu.memory_space<vmem>>, vector<16xf32>,
        %slice3A_1211 = vector.extract_strided_slice %get3A_133 {offsets = [11], sizes = [1], strides = [1]} : vector<16xf32> to vector<1xf32>
        %squeeze3A_1212 = vector.extract %slice3A_1211[0] : f32 from vector<1xf32>
        %add3A_1213 = arith.constant 11 : i32
        %add3A_1214 = arith.addi %mul3A_135, %add3A_1213 : i32
        %get3A_1215 = arith.index_cast %add3A_1214 : i32 to index
        %get3A_1216 = arith.constant 0 : index
        %get3A_1217 = tpu.vector_load %arg16[%get3A_1215, %get3A_1216] {strides = array<i32>} : memref<128x128xf32, #tpu.memory_space<vmem>>, vector<16xf32>,
        %mul3A_1218 = vector.broadcast %squeeze3A_1212 : f32 to vector<16xf32>
        %mul3A_1219 = arith.mulf %get3A_1217, %mul3A_1218 : vector<16xf32>
        %add3A_1220 = arith.constant 11 : i32
        %add3A_1221 = arith.addi %mul3A_135, %add3A_1220 : i32
        %swap3A_1222 = arith.index_cast %add3A_1221 : i32 to index
        %swap3A_1223 = arith.constant 0 : index
        %swap3A_1224 = tpu.vector_load %arg16[%swap3A_1222, %swap3A_1223] {strides = array<i32>} : memref<128x128xf32, #tpu.memory_space<vmem>>, vector<16xf32>,
        tpu.vector_store %arg16[%swap3A_1222, %swap3A_1223], %mul3A_1219 {strides = array<i32>} : memref<128x128xf32, #tpu.memory_space<vmem>>, vector<16xf32>,
        %add3A_1225 = arith.constant 11 : i32
        %add3A_1226 = arith.addi %mul3A_135, %add3A_1225 : i32
        %get3A_1227 = arith.index_cast %add3A_1226 : i32 to index
        %get3A_1228 = arith.constant 16 : index
        %get3A_1229 = tpu.vector_load %arg16[%get3A_1227, %get3A_1228] {strides = array<i32>} : memref<128x128xf32, #tpu.memory_space<vmem>>, vector<16xf32>,
        %mul3A_1230 = vector.broadcast %squeeze3A_1212 : f32 to vector<16xf32>
        %mul3A_1231 = arith.mulf %get3A_1229, %mul3A_1230 : vector<16xf32>
        %add3A_1232 = arith.constant 11 : i32
        %add3A_1233 = arith.addi %mul3A_135, %add3A_1232 : i32
        %swap3A_1234 = arith.index_cast %add3A_1233 : i32 to index
        %swap3A_1235 = arith.constant 16 : index
        %swap3A_1236 = tpu.vector_load %arg16[%swap3A_1234, %swap3A_1235] {strides = array<i32>} : memref<128x128xf32, #tpu.memory_space<vmem>>, vector<16xf32>,
        tpu.vector_store %arg16[%swap3A_1234, %swap3A_1235], %mul3A_1231 {strides = array<i32>} : memref<128x128xf32, #tpu.memory_space<vmem>>, vector<16xf32>,
        %add3A_1237 = arith.constant 11 : i32
        %add3A_1238 = arith.addi %mul3A_135, %add3A_1237 : i32
        %get3A_1239 = arith.index_cast %add3A_1238 : i32 to index
        %get3A_1240 = arith.constant 32 : index
        %get3A_1241 = tpu.vector_load %arg16[%get3A_1239, %get3A_1240] {strides = array<i32>} : memref<128x128xf32, #tpu.memory_space<vmem>>, vector<16xf32>,
        %mul3A_1242 = vector.broadcast %squeeze3A_1212 : f32 to vector<16xf32>
        %mul3A_1243 = arith.mulf %get3A_1241, %mul3A_1242 : vector<16xf32>
        %add3A_1244 = arith.constant 11 : i32
        %add3A_1245 = arith.addi %mul3A_135, %add3A_1244 : i32
        %swap3A_1246 = arith.index_cast %add3A_1245 : i32 to index
        %swap3A_1247 = arith.constant 32 : index
        %swap3A_1248 = tpu.vector_load %arg16[%swap3A_1246, %swap3A_1247] {strides = array<i32>} : memref<128x128xf32, #tpu.memory_space<vmem>>, vector<16xf32>,
        tpu.vector_store %arg16[%swap3A_1246, %swap3A_1247], %mul3A_1243 {strides = array<i32>} : memref<128x128xf32, #tpu.memory_space<vmem>>, vector<16xf32>,
        %add3A_1249 = arith.constant 11 : i32
        %add3A_1250 = arith.addi %mul3A_135, %add3A_1249 : i32
        %get3A_1251 = arith.index_cast %add3A_1250 : i32 to index
        %get3A_1252 = arith.constant 48 : index
        %get3A_1253 = tpu.vector_load %arg16[%get3A_1251, %get3A_1252] {strides = array<i32>} : memref<128x128xf32, #tpu.memory_space<vmem>>, vector<16xf32>,
        %mul3A_1254 = vector.broadcast %squeeze3A_1212 : f32 to vector<16xf32>
        %mul3A_1255 = arith.mulf %get3A_1253, %mul3A_1254 : vector<16xf32>
        %add3A_1256 = arith.constant 11 : i32
        %add3A_1257 = arith.addi %mul3A_135, %add3A_1256 : i32
        %swap3A_1258 = arith.index_cast %add3A_1257 : i32 to index
        %swap3A_1259 = arith.constant 48 : index
        %swap3A_1260 = tpu.vector_load %arg16[%swap3A_1258, %swap3A_1259] {strides = array<i32>} : memref<128x128xf32, #tpu.memory_space<vmem>>, vector<16xf32>,
        tpu.vector_store %arg16[%swap3A_1258, %swap3A_1259], %mul3A_1255 {strides = array<i32>} : memref<128x128xf32, #tpu.memory_space<vmem>>, vector<16xf32>,
        %add3A_1261 = arith.constant 11 : i32
        %add3A_1262 = arith.addi %mul3A_135, %add3A_1261 : i32
        %get3A_1263 = arith.index_cast %add3A_1262 : i32 to index
        %get3A_1264 = arith.constant 64 : index
        %get3A_1265 = tpu.vector_load %arg16[%get3A_1263, %get3A_1264] {strides = array<i32>} : memref<128x128xf32, #tpu.memory_space<vmem>>, vector<16xf32>,
        %mul3A_1266 = vector.broadcast %squeeze3A_1212 : f32 to vector<16xf32>
        %mul3A_1267 = arith.mulf %get3A_1265, %mul3A_1266 : vector<16xf32>
        %add3A_1268 = arith.constant 11 : i32
        %add3A_1269 = arith.addi %mul3A_135, %add3A_1268 : i32
        %swap3A_1270 = arith.index_cast %add3A_1269 : i32 to index
        %swap3A_1271 = arith.constant 64 : index
        %swap3A_1272 = tpu.vector_load %arg16[%swap3A_1270, %swap3A_1271] {strides = array<i32>} : memref<128x128xf32, #tpu.memory_space<vmem>>, vector<16xf32>,
        tpu.vector_store %arg16[%swap3A_1270, %swap3A_1271], %mul3A_1267 {strides = array<i32>} : memref<128x128xf32, #tpu.memory_space<vmem>>, vector<16xf32>,
        %add3A_1273 = arith.constant 11 : i32
        %add3A_1274 = arith.addi %mul3A_135, %add3A_1273 : i32
        %get3A_1275 = arith.index_cast %add3A_1274 : i32 to index
        %get3A_1276 = arith.constant 80 : index
        %get3A_1277 = tpu.vector_load %arg16[%get3A_1275, %get3A_1276] {strides = array<i32>} : memref<128x128xf32, #tpu.memory_space<vmem>>, vector<16xf32>,
        %mul3A_1278 = vector.broadcast %squeeze3A_1212 : f32 to vector<16xf32>
        %mul3A_1279 = arith.mulf %get3A_1277, %mul3A_1278 : vector<16xf32>
        %add3A_1280 = arith.constant 11 : i32
        %add3A_1281 = arith.addi %mul3A_135, %add3A_1280 : i32
        %swap3A_1282 = arith.index_cast %add3A_1281 : i32 to index
        %swap3A_1283 = arith.constant 80 : index
        %swap3A_1284 = tpu.vector_load %arg16[%swap3A_1282, %swap3A_1283] {strides = array<i32>} : memref<128x128xf32, #tpu.memory_space<vmem>>, vector<16xf32>,
        tpu.vector_store %arg16[%swap3A_1282, %swap3A_1283], %mul3A_1279 {strides = array<i32>} : memref<128x128xf32, #tpu.memory_space<vmem>>, vector<16xf32>,
        %add3A_1285 = arith.constant 11 : i32
        %add3A_1286 = arith.addi %mul3A_135, %add3A_1285 : i32
        %get3A_1287 = arith.index_cast %add3A_1286 : i32 to index
        %get3A_1288 = arith.constant 96 : index
        %get3A_1289 = tpu.vector_load %arg16[%get3A_1287, %get3A_1288] {strides = array<i32>} : memref<128x128xf32, #tpu.memory_space<vmem>>, vector<16xf32>,
        %mul3A_1290 = vector.broadcast %squeeze3A_1212 : f32 to vector<16xf32>
        %mul3A_1291 = arith.mulf %get3A_1289, %mul3A_1290 : vector<16xf32>
        %add3A_1292 = arith.constant 11 : i32
        %add3A_1293 = arith.addi %mul3A_135, %add3A_1292 : i32
        %swap3A_1294 = arith.index_cast %add3A_1293 : i32 to index
        %swap3A_1295 = arith.constant 96 : index
        %swap3A_1296 = tpu.vector_load %arg16[%swap3A_1294, %swap3A_1295] {strides = array<i32>} : memref<128x128xf32, #tpu.memory_space<vmem>>, vector<16xf32>,
        tpu.vector_store %arg16[%swap3A_1294, %swap3A_1295], %mul3A_1291 {strides = array<i32>} : memref<128x128xf32, #tpu.memory_space<vmem>>, vector<16xf32>,
        %add3A_1297 = arith.constant 11 : i32
        %add3A_1298 = arith.addi %mul3A_135, %add3A_1297 : i32
        %get3A_1299 = arith.index_cast %add3A_1298 : i32 to index
        %get3A_1300 = arith.constant 112 : index
        %get3A_1301 = tpu.vector_load %arg16[%get3A_1299, %get3A_1300] {strides = array<i32>} : memref<128x128xf32, #tpu.memory_space<vmem>>, vector<16xf32>,
        %mul3A_1302 = vector.broadcast %squeeze3A_1212 : f32 to vector<16xf32>
        %mul3A_1303 = arith.mulf %get3A_1301, %mul3A_1302 : vector<16xf32>
        %add3A_1304 = arith.constant 11 : i32
        %add3A_1305 = arith.addi %mul3A_135, %add3A_1304 : i32
        %swap3A_1306 = arith.index_cast %add3A_1305 : i32 to index
        %swap3A_1307 = arith.constant 112 : index
        %swap3A_1308 = tpu.vector_load %arg16[%swap3A_1306, %swap3A_1307] {strides = array<i32>} : memref<128x128xf32, #tpu.memory_space<vmem>>, vector<16xf32>,
        tpu.vector_store %arg16[%swap3A_1306, %swap3A_1307], %mul3A_1303 {strides = array<i32>} : memref<128x128xf32, #tpu.memory_space<vmem>>, vector<16xf32>,
        %slice3A_1309 = vector.extract_strided_slice %get3A_133 {offsets = [12], sizes = [1], strides = [1]} : vector<16xf32> to vector<1xf32>
        %squeeze3A_1310 = vector.extract %slice3A_1309[0] : f32 from vector<1xf32>
        %add3A_1311 = arith.constant 12 : i32
        %add3A_1312 = arith.addi %mul3A_135, %add3A_1311 : i32
        %get3A_1313 = arith.index_cast %add3A_1312 : i32 to index
        %get3A_1314 = arith.constant 0 : index
        %get3A_1315 = tpu.vector_load %arg16[%get3A_1313, %get3A_1314] {strides = array<i32>} : memref<128x128xf32, #tpu.memory_space<vmem>>, vector<16xf32>,
        %mul3A_1316 = vector.broadcast %squeeze3A_1310 : f32 to vector<16xf32>
        %mul3A_1317 = arith.mulf %get3A_1315, %mul3A_1316 : vector<16xf32>
        %add3A_1318 = arith.constant 12 : i32
        %add3A_1319 = arith.addi %mul3A_135, %add3A_1318 : i32
        %swap3A_1320 = arith.index_cast %add3A_1319 : i32 to index
        %swap3A_1321 = arith.constant 0 : index
        %swap3A_1322 = tpu.vector_load %arg16[%swap3A_1320, %swap3A_1321] {strides = array<i32>} : memref<128x128xf32, #tpu.memory_space<vmem>>, vector<16xf32>,
        tpu.vector_store %arg16[%swap3A_1320, %swap3A_1321], %mul3A_1317 {strides = array<i32>} : memref<128x128xf32, #tpu.memory_space<vmem>>, vector<16xf32>,
        %add3A_1323 = arith.constant 12 : i32
        %add3A_1324 = arith.addi %mul3A_135, %add3A_1323 : i32
        %get3A_1325 = arith.index_cast %add3A_1324 : i32 to index
        %get3A_1326 = arith.constant 16 : index
        %get3A_1327 = tpu.vector_load %arg16[%get3A_1325, %get3A_1326] {strides = array<i32>} : memref<128x128xf32, #tpu.memory_space<vmem>>, vector<16xf32>,
        %mul3A_1328 = vector.broadcast %squeeze3A_1310 : f32 to vector<16xf32>
        %mul3A_1329 = arith.mulf %get3A_1327, %mul3A_1328 : vector<16xf32>
        %add3A_1330 = arith.constant 12 : i32
        %add3A_1331 = arith.addi %mul3A_135, %add3A_1330 : i32
        %swap3A_1332 = arith.index_cast %add3A_1331 : i32 to index
        %swap3A_1333 = arith.constant 16 : index
        %swap3A_1334 = tpu.vector_load %arg16[%swap3A_1332, %swap3A_1333] {strides = array<i32>} : memref<128x128xf32, #tpu.memory_space<vmem>>, vector<16xf32>,
        tpu.vector_store %arg16[%swap3A_1332, %swap3A_1333], %mul3A_1329 {strides = array<i32>} : memref<128x128xf32, #tpu.memory_space<vmem>>, vector<16xf32>,
        %add3A_1335 = arith.constant 12 : i32
        %add3A_1336 = arith.addi %mul3A_135, %add3A_1335 : i32
        %get3A_1337 = arith.index_cast %add3A_1336 : i32 to index
        %get3A_1338 = arith.constant 32 : index
        %get3A_1339 = tpu.vector_load %arg16[%get3A_1337, %get3A_1338] {strides = array<i32>} : memref<128x128xf32, #tpu.memory_space<vmem>>, vector<16xf32>,
        %mul3A_1340 = vector.broadcast %squeeze3A_1310 : f32 to vector<16xf32>
        %mul3A_1341 = arith.mulf %get3A_1339, %mul3A_1340 : vector<16xf32>
        %add3A_1342 = arith.constant 12 : i32
        %add3A_1343 = arith.addi %mul3A_135, %add3A_1342 : i32
        %swap3A_1344 = arith.index_cast %add3A_1343 : i32 to index
        %swap3A_1345 = arith.constant 32 : index
        %swap3A_1346 = tpu.vector_load %arg16[%swap3A_1344, %swap3A_1345] {strides = array<i32>} : memref<128x128xf32, #tpu.memory_space<vmem>>, vector<16xf32>,
        tpu.vector_store %arg16[%swap3A_1344, %swap3A_1345], %mul3A_1341 {strides = array<i32>} : memref<128x128xf32, #tpu.memory_space<vmem>>, vector<16xf32>,
        %add3A_1347 = arith.constant 12 : i32
        %add3A_1348 = arith.addi %mul3A_135, %add3A_1347 : i32
        %get3A_1349 = arith.index_cast %add3A_1348 : i32 to index
        %get3A_1350 = arith.constant 48 : index
        %get3A_1351 = tpu.vector_load %arg16[%get3A_1349, %get3A_1350] {strides = array<i32>} : memref<128x128xf32, #tpu.memory_space<vmem>>, vector<16xf32>,
        %mul3A_1352 = vector.broadcast %squeeze3A_1310 : f32 to vector<16xf32>
        %mul3A_1353 = arith.mulf %get3A_1351, %mul3A_1352 : vector<16xf32>
        %add3A_1354 = arith.constant 12 : i32
        %add3A_1355 = arith.addi %mul3A_135, %add3A_1354 : i32
        %swap3A_1356 = arith.index_cast %add3A_1355 : i32 to index
        %swap3A_1357 = arith.constant 48 : index
        %swap3A_1358 = tpu.vector_load %arg16[%swap3A_1356, %swap3A_1357] {strides = array<i32>} : memref<128x128xf32, #tpu.memory_space<vmem>>, vector<16xf32>,
        tpu.vector_store %arg16[%swap3A_1356, %swap3A_1357], %mul3A_1353 {strides = array<i32>} : memref<128x128xf32, #tpu.memory_space<vmem>>, vector<16xf32>,
        %add3A_1359 = arith.constant 12 : i32
        %add3A_1360 = arith.addi %mul3A_135, %add3A_1359 : i32
        %get3A_1361 = arith.index_cast %add3A_1360 : i32 to index
        %get3A_1362 = arith.constant 64 : index
        %get3A_1363 = tpu.vector_load %arg16[%get3A_1361, %get3A_1362] {strides = array<i32>} : memref<128x128xf32, #tpu.memory_space<vmem>>, vector<16xf32>,
        %mul3A_1364 = vector.broadcast %squeeze3A_1310 : f32 to vector<16xf32>
        %mul3A_1365 = arith.mulf %get3A_1363, %mul3A_1364 : vector<16xf32>
        %add3A_1366 = arith.constant 12 : i32
        %add3A_1367 = arith.addi %mul3A_135, %add3A_1366 : i32
        %swap3A_1368 = arith.index_cast %add3A_1367 : i32 to index
        %swap3A_1369 = arith.constant 64 : index
        %swap3A_1370 = tpu.vector_load %arg16[%swap3A_1368, %swap3A_1369] {strides = array<i32>} : memref<128x128xf32, #tpu.memory_space<vmem>>, vector<16xf32>,
        tpu.vector_store %arg16[%swap3A_1368, %swap3A_1369], %mul3A_1365 {strides = array<i32>} : memref<128x128xf32, #tpu.memory_space<vmem>>, vector<16xf32>,
        %add3A_1371 = arith.constant 12 : i32
        %add3A_1372 = arith.addi %mul3A_135, %add3A_1371 : i32
        %get3A_1373 = arith.index_cast %add3A_1372 : i32 to index
        %get3A_1374 = arith.constant 80 : index
        %get3A_1375 = tpu.vector_load %arg16[%get3A_1373, %get3A_1374] {strides = array<i32>} : memref<128x128xf32, #tpu.memory_space<vmem>>, vector<16xf32>,
        %mul3A_1376 = vector.broadcast %squeeze3A_1310 : f32 to vector<16xf32>
        %mul3A_1377 = arith.mulf %get3A_1375, %mul3A_1376 : vector<16xf32>
        %add3A_1378 = arith.constant 12 : i32
        %add3A_1379 = arith.addi %mul3A_135, %add3A_1378 : i32
        %swap3A_1380 = arith.index_cast %add3A_1379 : i32 to index
        %swap3A_1381 = arith.constant 80 : index
        %swap3A_1382 = tpu.vector_load %arg16[%swap3A_1380, %swap3A_1381] {strides = array<i32>} : memref<128x128xf32, #tpu.memory_space<vmem>>, vector<16xf32>,
        tpu.vector_store %arg16[%swap3A_1380, %swap3A_1381], %mul3A_1377 {strides = array<i32>} : memref<128x128xf32, #tpu.memory_space<vmem>>, vector<16xf32>,
        %add3A_1383 = arith.constant 12 : i32
        %add3A_1384 = arith.addi %mul3A_135, %add3A_1383 : i32
        %get3A_1385 = arith.index_cast %add3A_1384 : i32 to index
        %get3A_1386 = arith.constant 96 : index
        %get3A_1387 = tpu.vector_load %arg16[%get3A_1385, %get3A_1386] {strides = array<i32>} : memref<128x128xf32, #tpu.memory_space<vmem>>, vector<16xf32>,
        %mul3A_1388 = vector.broadcast %squeeze3A_1310 : f32 to vector<16xf32>
        %mul3A_1389 = arith.mulf %get3A_1387, %mul3A_1388 : vector<16xf32>
        %add3A_1390 = arith.constant 12 : i32
        %add3A_1391 = arith.addi %mul3A_135, %add3A_1390 : i32
        %swap3A_1392 = arith.index_cast %add3A_1391 : i32 to index
        %swap3A_1393 = arith.constant 96 : index
        %swap3A_1394 = tpu.vector_load %arg16[%swap3A_1392, %swap3A_1393] {strides = array<i32>} : memref<128x128xf32, #tpu.memory_space<vmem>>, vector<16xf32>,
        tpu.vector_store %arg16[%swap3A_1392, %swap3A_1393], %mul3A_1389 {strides = array<i32>} : memref<128x128xf32, #tpu.memory_space<vmem>>, vector<16xf32>,
        %add3A_1395 = arith.constant 12 : i32
        %add3A_1396 = arith.addi %mul3A_135, %add3A_1395 : i32
        %get3A_1397 = arith.index_cast %add3A_1396 : i32 to index
        %get3A_1398 = arith.constant 112 : index
        %get3A_1399 = tpu.vector_load %arg16[%get3A_1397, %get3A_1398] {strides = array<i32>} : memref<128x128xf32, #tpu.memory_space<vmem>>, vector<16xf32>,
        %mul3A_1400 = vector.broadcast %squeeze3A_1310 : f32 to vector<16xf32>
        %mul3A_1401 = arith.mulf %get3A_1399, %mul3A_1400 : vector<16xf32>
        %add3A_1402 = arith.constant 12 : i32
        %add3A_1403 = arith.addi %mul3A_135, %add3A_1402 : i32
        %swap3A_1404 = arith.index_cast %add3A_1403 : i32 to index
        %swap3A_1405 = arith.constant 112 : index
        %swap3A_1406 = tpu.vector_load %arg16[%swap3A_1404, %swap3A_1405] {strides = array<i32>} : memref<128x128xf32, #tpu.memory_space<vmem>>, vector<16xf32>,
        tpu.vector_store %arg16[%swap3A_1404, %swap3A_1405], %mul3A_1401 {strides = array<i32>} : memref<128x128xf32, #tpu.memory_space<vmem>>, vector<16xf32>,
        %slice3A_1407 = vector.extract_strided_slice %get3A_133 {offsets = [13], sizes = [1], strides = [1]} : vector<16xf32> to vector<1xf32>
        %squeeze3A_1408 = vector.extract %slice3A_1407[0] : f32 from vector<1xf32>
        %add3A_1409 = arith.constant 13 : i32
        %add3A_1410 = arith.addi %mul3A_135, %add3A_1409 : i32
        %get3A_1411 = arith.index_cast %add3A_1410 : i32 to index
        %get3A_1412 = arith.constant 0 : index
        %get3A_1413 = tpu.vector_load %arg16[%get3A_1411, %get3A_1412] {strides = array<i32>} : memref<128x128xf32, #tpu.memory_space<vmem>>, vector<16xf32>,
        %mul3A_1414 = vector.broadcast %squeeze3A_1408 : f32 to vector<16xf32>
        %mul3A_1415 = arith.mulf %get3A_1413, %mul3A_1414 : vector<16xf32>
        %add3A_1416 = arith.constant 13 : i32
        %add3A_1417 = arith.addi %mul3A_135, %add3A_1416 : i32
        %swap3A_1418 = arith.index_cast %add3A_1417 : i32 to index
        %swap3A_1419 = arith.constant 0 : index
        %swap3A_1420 = tpu.vector_load %arg16[%swap3A_1418, %swap3A_1419] {strides = array<i32>} : memref<128x128xf32, #tpu.memory_space<vmem>>, vector<16xf32>,
        tpu.vector_store %arg16[%swap3A_1418, %swap3A_1419], %mul3A_1415 {strides = array<i32>} : memref<128x128xf32, #tpu.memory_space<vmem>>, vector<16xf32>,
        %add3A_1421 = arith.constant 13 : i32
        %add3A_1422 = arith.addi %mul3A_135, %add3A_1421 : i32
        %get3A_1423 = arith.index_cast %add3A_1422 : i32 to index
        %get3A_1424 = arith.constant 16 : index
        %get3A_1425 = tpu.vector_load %arg16[%get3A_1423, %get3A_1424] {strides = array<i32>} : memref<128x128xf32, #tpu.memory_space<vmem>>, vector<16xf32>,
        %mul3A_1426 = vector.broadcast %squeeze3A_1408 : f32 to vector<16xf32>
        %mul3A_1427 = arith.mulf %get3A_1425, %mul3A_1426 : vector<16xf32>
        %add3A_1428 = arith.constant 13 : i32
        %add3A_1429 = arith.addi %mul3A_135, %add3A_1428 : i32
        %swap3A_1430 = arith.index_cast %add3A_1429 : i32 to index
        %swap3A_1431 = arith.constant 16 : index
        %swap3A_1432 = tpu.vector_load %arg16[%swap3A_1430, %swap3A_1431] {strides = array<i32>} : memref<128x128xf32, #tpu.memory_space<vmem>>, vector<16xf32>,
        tpu.vector_store %arg16[%swap3A_1430, %swap3A_1431], %mul3A_1427 {strides = array<i32>} : memref<128x128xf32, #tpu.memory_space<vmem>>, vector<16xf32>,
        %add3A_1433 = arith.constant 13 : i32
        %add3A_1434 = arith.addi %mul3A_135, %add3A_1433 : i32
        %get3A_1435 = arith.index_cast %add3A_1434 : i32 to index
        %get3A_1436 = arith.constant 32 : index
        %get3A_1437 = tpu.vector_load %arg16[%get3A_1435, %get3A_1436] {strides = array<i32>} : memref<128x128xf32, #tpu.memory_space<vmem>>, vector<16xf32>,
        %mul3A_1438 = vector.broadcast %squeeze3A_1408 : f32 to vector<16xf32>
        %mul3A_1439 = arith.mulf %get3A_1437, %mul3A_1438 : vector<16xf32>
        %add3A_1440 = arith.constant 13 : i32
        %add3A_1441 = arith.addi %mul3A_135, %add3A_1440 : i32
        %swap3A_1442 = arith.index_cast %add3A_1441 : i32 to index
        %swap3A_1443 = arith.constant 32 : index
        %swap3A_1444 = tpu.vector_load %arg16[%swap3A_1442, %swap3A_1443] {strides = array<i32>} : memref<128x128xf32, #tpu.memory_space<vmem>>, vector<16xf32>,
        tpu.vector_store %arg16[%swap3A_1442, %swap3A_1443], %mul3A_1439 {strides = array<i32>} : memref<128x128xf32, #tpu.memory_space<vmem>>, vector<16xf32>,
        %add3A_1445 = arith.constant 13 : i32
        %add3A_1446 = arith.addi %mul3A_135, %add3A_1445 : i32
        %get3A_1447 = arith.index_cast %add3A_1446 : i32 to index
        %get3A_1448 = arith.constant 48 : index
        %get3A_1449 = tpu.vector_load %arg16[%get3A_1447, %get3A_1448] {strides = array<i32>} : memref<128x128xf32, #tpu.memory_space<vmem>>, vector<16xf32>,
        %mul3A_1450 = vector.broadcast %squeeze3A_1408 : f32 to vector<16xf32>
        %mul3A_1451 = arith.mulf %get3A_1449, %mul3A_1450 : vector<16xf32>
        %add3A_1452 = arith.constant 13 : i32
        %add3A_1453 = arith.addi %mul3A_135, %add3A_1452 : i32
        %swap3A_1454 = arith.index_cast %add3A_1453 : i32 to index
        %swap3A_1455 = arith.constant 48 : index
        %swap3A_1456 = tpu.vector_load %arg16[%swap3A_1454, %swap3A_1455] {strides = array<i32>} : memref<128x128xf32, #tpu.memory_space<vmem>>, vector<16xf32>,
        tpu.vector_store %arg16[%swap3A_1454, %swap3A_1455], %mul3A_1451 {strides = array<i32>} : memref<128x128xf32, #tpu.memory_space<vmem>>, vector<16xf32>,
        %add3A_1457 = arith.constant 13 : i32
        %add3A_1458 = arith.addi %mul3A_135, %add3A_1457 : i32
        %get3A_1459 = arith.index_cast %add3A_1458 : i32 to index
        %get3A_1460 = arith.constant 64 : index
        %get3A_1461 = tpu.vector_load %arg16[%get3A_1459, %get3A_1460] {strides = array<i32>} : memref<128x128xf32, #tpu.memory_space<vmem>>, vector<16xf32>,
        %mul3A_1462 = vector.broadcast %squeeze3A_1408 : f32 to vector<16xf32>
        %mul3A_1463 = arith.mulf %get3A_1461, %mul3A_1462 : vector<16xf32>
        %add3A_1464 = arith.constant 13 : i32
        %add3A_1465 = arith.addi %mul3A_135, %add3A_1464 : i32
        %swap3A_1466 = arith.index_cast %add3A_1465 : i32 to index
        %swap3A_1467 = arith.constant 64 : index
        %swap3A_1468 = tpu.vector_load %arg16[%swap3A_1466, %swap3A_1467] {strides = array<i32>} : memref<128x128xf32, #tpu.memory_space<vmem>>, vector<16xf32>,
        tpu.vector_store %arg16[%swap3A_1466, %swap3A_1467], %mul3A_1463 {strides = array<i32>} : memref<128x128xf32, #tpu.memory_space<vmem>>, vector<16xf32>,
        %add3A_1469 = arith.constant 13 : i32
        %add3A_1470 = arith.addi %mul3A_135, %add3A_1469 : i32
        %get3A_1471 = arith.index_cast %add3A_1470 : i32 to index
        %get3A_1472 = arith.constant 80 : index
        %get3A_1473 = tpu.vector_load %arg16[%get3A_1471, %get3A_1472] {strides = array<i32>} : memref<128x128xf32, #tpu.memory_space<vmem>>, vector<16xf32>,
        %mul3A_1474 = vector.broadcast %squeeze3A_1408 : f32 to vector<16xf32>
        %mul3A_1475 = arith.mulf %get3A_1473, %mul3A_1474 : vector<16xf32>
        %add3A_1476 = arith.constant 13 : i32
        %add3A_1477 = arith.addi %mul3A_135, %add3A_1476 : i32
        %swap3A_1478 = arith.index_cast %add3A_1477 : i32 to index
        %swap3A_1479 = arith.constant 80 : index
        %swap3A_1480 = tpu.vector_load %arg16[%swap3A_1478, %swap3A_1479] {strides = array<i32>} : memref<128x128xf32, #tpu.memory_space<vmem>>, vector<16xf32>,
        tpu.vector_store %arg16[%swap3A_1478, %swap3A_1479], %mul3A_1475 {strides = array<i32>} : memref<128x128xf32, #tpu.memory_space<vmem>>, vector<16xf32>,
        %add3A_1481 = arith.constant 13 : i32
        %add3A_1482 = arith.addi %mul3A_135, %add3A_1481 : i32
        %get3A_1483 = arith.index_cast %add3A_1482 : i32 to index
        %get3A_1484 = arith.constant 96 : index
        %get3A_1485 = tpu.vector_load %arg16[%get3A_1483, %get3A_1484] {strides = array<i32>} : memref<128x128xf32, #tpu.memory_space<vmem>>, vector<16xf32>,
        %mul3A_1486 = vector.broadcast %squeeze3A_1408 : f32 to vector<16xf32>
        %mul3A_1487 = arith.mulf %get3A_1485, %mul3A_1486 : vector<16xf32>
        %add3A_1488 = arith.constant 13 : i32
        %add3A_1489 = arith.addi %mul3A_135, %add3A_1488 : i32
        %swap3A_1490 = arith.index_cast %add3A_1489 : i32 to index
        %swap3A_1491 = arith.constant 96 : index
        %swap3A_1492 = tpu.vector_load %arg16[%swap3A_1490, %swap3A_1491] {strides = array<i32>} : memref<128x128xf32, #tpu.memory_space<vmem>>, vector<16xf32>,
        tpu.vector_store %arg16[%swap3A_1490, %swap3A_1491], %mul3A_1487 {strides = array<i32>} : memref<128x128xf32, #tpu.memory_space<vmem>>, vector<16xf32>,
        %add3A_1493 = arith.constant 13 : i32
        %add3A_1494 = arith.addi %mul3A_135, %add3A_1493 : i32
        %get3A_1495 = arith.index_cast %add3A_1494 : i32 to index
        %get3A_1496 = arith.constant 112 : index
        %get3A_1497 = tpu.vector_load %arg16[%get3A_1495, %get3A_1496] {strides = array<i32>} : memref<128x128xf32, #tpu.memory_space<vmem>>, vector<16xf32>,
        %mul3A_1498 = vector.broadcast %squeeze3A_1408 : f32 to vector<16xf32>
        %mul3A_1499 = arith.mulf %get3A_1497, %mul3A_1498 : vector<16xf32>
        %add3A_1500 = arith.constant 13 : i32
        %add3A_1501 = arith.addi %mul3A_135, %add3A_1500 : i32
        %swap3A_1502 = arith.index_cast %add3A_1501 : i32 to index
        %swap3A_1503 = arith.constant 112 : index
        %swap3A_1504 = tpu.vector_load %arg16[%swap3A_1502, %swap3A_1503] {strides = array<i32>} : memref<128x128xf32, #tpu.memory_space<vmem>>, vector<16xf32>,
        tpu.vector_store %arg16[%swap3A_1502, %swap3A_1503], %mul3A_1499 {strides = array<i32>} : memref<128x128xf32, #tpu.memory_space<vmem>>, vector<16xf32>,
        %slice3A_1505 = vector.extract_strided_slice %get3A_133 {offsets = [14], sizes = [1], strides = [1]} : vector<16xf32> to vector<1xf32>
        %squeeze3A_1506 = vector.extract %slice3A_1505[0] : f32 from vector<1xf32>
        %add3A_1507 = arith.constant 14 : i32
        %add3A_1508 = arith.addi %mul3A_135, %add3A_1507 : i32
        %get3A_1509 = arith.index_cast %add3A_1508 : i32 to index
        %get3A_1510 = arith.constant 0 : index
        %get3A_1511 = tpu.vector_load %arg16[%get3A_1509, %get3A_1510] {strides = array<i32>} : memref<128x128xf32, #tpu.memory_space<vmem>>, vector<16xf32>,
        %mul3A_1512 = vector.broadcast %squeeze3A_1506 : f32 to vector<16xf32>
        %mul3A_1513 = arith.mulf %get3A_1511, %mul3A_1512 : vector<16xf32>
        %add3A_1514 = arith.constant 14 : i32
        %add3A_1515 = arith.addi %mul3A_135, %add3A_1514 : i32
        %swap3A_1516 = arith.index_cast %add3A_1515 : i32 to index
        %swap3A_1517 = arith.constant 0 : index
        %swap3A_1518 = tpu.vector_load %arg16[%swap3A_1516, %swap3A_1517] {strides = array<i32>} : memref<128x128xf32, #tpu.memory_space<vmem>>, vector<16xf32>,
        tpu.vector_store %arg16[%swap3A_1516, %swap3A_1517], %mul3A_1513 {strides = array<i32>} : memref<128x128xf32, #tpu.memory_space<vmem>>, vector<16xf32>,
        %add3A_1519 = arith.constant 14 : i32
        %add3A_1520 = arith.addi %mul3A_135, %add3A_1519 : i32
        %get3A_1521 = arith.index_cast %add3A_1520 : i32 to index
        %get3A_1522 = arith.constant 16 : index
        %get3A_1523 = tpu.vector_load %arg16[%get3A_1521, %get3A_1522] {strides = array<i32>} : memref<128x128xf32, #tpu.memory_space<vmem>>, vector<16xf32>,
        %mul3A_1524 = vector.broadcast %squeeze3A_1506 : f32 to vector<16xf32>
        %mul3A_1525 = arith.mulf %get3A_1523, %mul3A_1524 : vector<16xf32>
        %add3A_1526 = arith.constant 14 : i32
        %add3A_1527 = arith.addi %mul3A_135, %add3A_1526 : i32
        %swap3A_1528 = arith.index_cast %add3A_1527 : i32 to index
        %swap3A_1529 = arith.constant 16 : index
        %swap3A_1530 = tpu.vector_load %arg16[%swap3A_1528, %swap3A_1529] {strides = array<i32>} : memref<128x128xf32, #tpu.memory_space<vmem>>, vector<16xf32>,
        tpu.vector_store %arg16[%swap3A_1528, %swap3A_1529], %mul3A_1525 {strides = array<i32>} : memref<128x128xf32, #tpu.memory_space<vmem>>, vector<16xf32>,
        %add3A_1531 = arith.constant 14 : i32
        %add3A_1532 = arith.addi %mul3A_135, %add3A_1531 : i32
        %get3A_1533 = arith.index_cast %add3A_1532 : i32 to index
        %get3A_1534 = arith.constant 32 : index
        %get3A_1535 = tpu.vector_load %arg16[%get3A_1533, %get3A_1534] {strides = array<i32>} : memref<128x128xf32, #tpu.memory_space<vmem>>, vector<16xf32>,
        %mul3A_1536 = vector.broadcast %squeeze3A_1506 : f32 to vector<16xf32>
        %mul3A_1537 = arith.mulf %get3A_1535, %mul3A_1536 : vector<16xf32>
        %add3A_1538 = arith.constant 14 : i32
        %add3A_1539 = arith.addi %mul3A_135, %add3A_1538 : i32
        %swap3A_1540 = arith.index_cast %add3A_1539 : i32 to index
        %swap3A_1541 = arith.constant 32 : index
        %swap3A_1542 = tpu.vector_load %arg16[%swap3A_1540, %swap3A_1541] {strides = array<i32>} : memref<128x128xf32, #tpu.memory_space<vmem>>, vector<16xf32>,
        tpu.vector_store %arg16[%swap3A_1540, %swap3A_1541], %mul3A_1537 {strides = array<i32>} : memref<128x128xf32, #tpu.memory_space<vmem>>, vector<16xf32>,
        %add3A_1543 = arith.constant 14 : i32
        %add3A_1544 = arith.addi %mul3A_135, %add3A_1543 : i32
        %get3A_1545 = arith.index_cast %add3A_1544 : i32 to index
        %get3A_1546 = arith.constant 48 : index
        %get3A_1547 = tpu.vector_load %arg16[%get3A_1545, %get3A_1546] {strides = array<i32>} : memref<128x128xf32, #tpu.memory_space<vmem>>, vector<16xf32>,
        %mul3A_1548 = vector.broadcast %squeeze3A_1506 : f32 to vector<16xf32>
        %mul3A_1549 = arith.mulf %get3A_1547, %mul3A_1548 : vector<16xf32>
        %add3A_1550 = arith.constant 14 : i32
        %add3A_1551 = arith.addi %mul3A_135, %add3A_1550 : i32
        %swap3A_1552 = arith.index_cast %add3A_1551 : i32 to index
        %swap3A_1553 = arith.constant 48 : index
        %swap3A_1554 = tpu.vector_load %arg16[%swap3A_1552, %swap3A_1553] {strides = array<i32>} : memref<128x128xf32, #tpu.memory_space<vmem>>, vector<16xf32>,
        tpu.vector_store %arg16[%swap3A_1552, %swap3A_1553], %mul3A_1549 {strides = array<i32>} : memref<128x128xf32, #tpu.memory_space<vmem>>, vector<16xf32>,
        %add3A_1555 = arith.constant 14 : i32
        %add3A_1556 = arith.addi %mul3A_135, %add3A_1555 : i32
        %get3A_1557 = arith.index_cast %add3A_1556 : i32 to index
        %get3A_1558 = arith.constant 64 : index
        %get3A_1559 = tpu.vector_load %arg16[%get3A_1557, %get3A_1558] {strides = array<i32>} : memref<128x128xf32, #tpu.memory_space<vmem>>, vector<16xf32>,
        %mul3A_1560 = vector.broadcast %squeeze3A_1506 : f32 to vector<16xf32>
        %mul3A_1561 = arith.mulf %get3A_1559, %mul3A_1560 : vector<16xf32>
        %add3A_1562 = arith.constant 14 : i32
        %add3A_1563 = arith.addi %mul3A_135, %add3A_1562 : i32
        %swap3A_1564 = arith.index_cast %add3A_1563 : i32 to index
        %swap3A_1565 = arith.constant 64 : index
        %swap3A_1566 = tpu.vector_load %arg16[%swap3A_1564, %swap3A_1565] {strides = array<i32>} : memref<128x128xf32, #tpu.memory_space<vmem>>, vector<16xf32>,
        tpu.vector_store %arg16[%swap3A_1564, %swap3A_1565], %mul3A_1561 {strides = array<i32>} : memref<128x128xf32, #tpu.memory_space<vmem>>, vector<16xf32>,
        %add3A_1567 = arith.constant 14 : i32
        %add3A_1568 = arith.addi %mul3A_135, %add3A_1567 : i32
        %get3A_1569 = arith.index_cast %add3A_1568 : i32 to index
        %get3A_1570 = arith.constant 80 : index
        %get3A_1571 = tpu.vector_load %arg16[%get3A_1569, %get3A_1570] {strides = array<i32>} : memref<128x128xf32, #tpu.memory_space<vmem>>, vector<16xf32>,
        %mul3A_1572 = vector.broadcast %squeeze3A_1506 : f32 to vector<16xf32>
        %mul3A_1573 = arith.mulf %get3A_1571, %mul3A_1572 : vector<16xf32>
        %add3A_1574 = arith.constant 14 : i32
        %add3A_1575 = arith.addi %mul3A_135, %add3A_1574 : i32
        %swap3A_1576 = arith.index_cast %add3A_1575 : i32 to index
        %swap3A_1577 = arith.constant 80 : index
        %swap3A_1578 = tpu.vector_load %arg16[%swap3A_1576, %swap3A_1577] {strides = array<i32>} : memref<128x128xf32, #tpu.memory_space<vmem>>, vector<16xf32>,
        tpu.vector_store %arg16[%swap3A_1576, %swap3A_1577], %mul3A_1573 {strides = array<i32>} : memref<128x128xf32, #tpu.memory_space<vmem>>, vector<16xf32>,
        %add3A_1579 = arith.constant 14 : i32
        %add3A_1580 = arith.addi %mul3A_135, %add3A_1579 : i32
        %get3A_1581 = arith.index_cast %add3A_1580 : i32 to index
        %get3A_1582 = arith.constant 96 : index
        %get3A_1583 = tpu.vector_load %arg16[%get3A_1581, %get3A_1582] {strides = array<i32>} : memref<128x128xf32, #tpu.memory_space<vmem>>, vector<16xf32>,
        %mul3A_1584 = vector.broadcast %squeeze3A_1506 : f32 to vector<16xf32>
        %mul3A_1585 = arith.mulf %get3A_1583, %mul3A_1584 : vector<16xf32>
        %add3A_1586 = arith.constant 14 : i32
        %add3A_1587 = arith.addi %mul3A_135, %add3A_1586 : i32
        %swap3A_1588 = arith.index_cast %add3A_1587 : i32 to index
        %swap3A_1589 = arith.constant 96 : index
        %swap3A_1590 = tpu.vector_load %arg16[%swap3A_1588, %swap3A_1589] {strides = array<i32>} : memref<128x128xf32, #tpu.memory_space<vmem>>, vector<16xf32>,
        tpu.vector_store %arg16[%swap3A_1588, %swap3A_1589], %mul3A_1585 {strides = array<i32>} : memref<128x128xf32, #tpu.memory_space<vmem>>, vector<16xf32>,
        %add3A_1591 = arith.constant 14 : i32
        %add3A_1592 = arith.addi %mul3A_135, %add3A_1591 : i32
        %get3A_1593 = arith.index_cast %add3A_1592 : i32 to index
        %get3A_1594 = arith.constant 112 : index
        %get3A_1595 = tpu.vector_load %arg16[%get3A_1593, %get3A_1594] {strides = array<i32>} : memref<128x128xf32, #tpu.memory_space<vmem>>, vector<16xf32>,
        %mul3A_1596 = vector.broadcast %squeeze3A_1506 : f32 to vector<16xf32>
        %mul3A_1597 = arith.mulf %get3A_1595, %mul3A_1596 : vector<16xf32>
        %add3A_1598 = arith.constant 14 : i32
        %add3A_1599 = arith.addi %mul3A_135, %add3A_1598 : i32
        %swap3A_1600 = arith.index_cast %add3A_1599 : i32 to index
        %swap3A_1601 = arith.constant 112 : index
        %swap3A_1602 = tpu.vector_load %arg16[%swap3A_1600, %swap3A_1601] {strides = array<i32>} : memref<128x128xf32, #tpu.memory_space<vmem>>, vector<16xf32>,
        tpu.vector_store %arg16[%swap3A_1600, %swap3A_1601], %mul3A_1597 {strides = array<i32>} : memref<128x128xf32, #tpu.memory_space<vmem>>, vector<16xf32>,
        %slice3A_1603 = vector.extract_strided_slice %get3A_133 {offsets = [15], sizes = [1], strides = [1]} : vector<16xf32> to vector<1xf32>
        %squeeze3A_1604 = vector.extract %slice3A_1603[0] : f32 from vector<1xf32>
        %add3A_1605 = arith.constant 15 : i32
        %add3A_1606 = arith.addi %mul3A_135, %add3A_1605 : i32
        %get3A_1607 = arith.index_cast %add3A_1606 : i32 to index
        %get3A_1608 = arith.constant 0 : index
        %get3A_1609 = tpu.vector_load %arg16[%get3A_1607, %get3A_1608] {strides = array<i32>} : memref<128x128xf32, #tpu.memory_space<vmem>>, vector<16xf32>,
        %mul3A_1610 = vector.broadcast %squeeze3A_1604 : f32 to vector<16xf32>
        %mul3A_1611 = arith.mulf %get3A_1609, %mul3A_1610 : vector<16xf32>
        %add3A_1612 = arith.constant 15 : i32
        %add3A_1613 = arith.addi %mul3A_135, %add3A_1612 : i32
        %swap3A_1614 = arith.index_cast %add3A_1613 : i32 to index
        %swap3A_1615 = arith.constant 0 : index
        %swap3A_1616 = tpu.vector_load %arg16[%swap3A_1614, %swap3A_1615] {strides = array<i32>} : memref<128x128xf32, #tpu.memory_space<vmem>>, vector<16xf32>,
        tpu.vector_store %arg16[%swap3A_1614, %swap3A_1615], %mul3A_1611 {strides = array<i32>} : memref<128x128xf32, #tpu.memory_space<vmem>>, vector<16xf32>,
        %add3A_1617 = arith.constant 15 : i32
        %add3A_1618 = arith.addi %mul3A_135, %add3A_1617 : i32
        %get3A_1619 = arith.index_cast %add3A_1618 : i32 to index
        %get3A_1620 = arith.constant 16 : index
        %get3A_1621 = tpu.vector_load %arg16[%get3A_1619, %get3A_1620] {strides = array<i32>} : memref<128x128xf32, #tpu.memory_space<vmem>>, vector<16xf32>,
        %mul3A_1622 = vector.broadcast %squeeze3A_1604 : f32 to vector<16xf32>
        %mul3A_1623 = arith.mulf %get3A_1621, %mul3A_1622 : vector<16xf32>
        %add3A_1624 = arith.constant 15 : i32
        %add3A_1625 = arith.addi %mul3A_135, %add3A_1624 : i32
        %swap3A_1626 = arith.index_cast %add3A_1625 : i32 to index
        %swap3A_1627 = arith.constant 16 : index
        %swap3A_1628 = tpu.vector_load %arg16[%swap3A_1626, %swap3A_1627] {strides = array<i32>} : memref<128x128xf32, #tpu.memory_space<vmem>>, vector<16xf32>,
        tpu.vector_store %arg16[%swap3A_1626, %swap3A_1627], %mul3A_1623 {strides = array<i32>} : memref<128x128xf32, #tpu.memory_space<vmem>>, vector<16xf32>,
        %add3A_1629 = arith.constant 15 : i32
        %add3A_1630 = arith.addi %mul3A_135, %add3A_1629 : i32
        %get3A_1631 = arith.index_cast %add3A_1630 : i32 to index
        %get3A_1632 = arith.constant 32 : index
        %get3A_1633 = tpu.vector_load %arg16[%get3A_1631, %get3A_1632] {strides = array<i32>} : memref<128x128xf32, #tpu.memory_space<vmem>>, vector<16xf32>,
        %mul3A_1634 = vector.broadcast %squeeze3A_1604 : f32 to vector<16xf32>
        %mul3A_1635 = arith.mulf %get3A_1633, %mul3A_1634 : vector<16xf32>
        %add3A_1636 = arith.constant 15 : i32
        %add3A_1637 = arith.addi %mul3A_135, %add3A_1636 : i32
        %swap3A_1638 = arith.index_cast %add3A_1637 : i32 to index
        %swap3A_1639 = arith.constant 32 : index
        %swap3A_1640 = tpu.vector_load %arg16[%swap3A_1638, %swap3A_1639] {strides = array<i32>} : memref<128x128xf32, #tpu.memory_space<vmem>>, vector<16xf32>,
        tpu.vector_store %arg16[%swap3A_1638, %swap3A_1639], %mul3A_1635 {strides = array<i32>} : memref<128x128xf32, #tpu.memory_space<vmem>>, vector<16xf32>,
        %add3A_1641 = arith.constant 15 : i32
        %add3A_1642 = arith.addi %mul3A_135, %add3A_1641 : i32
        %get3A_1643 = arith.index_cast %add3A_1642 : i32 to index
        %get3A_1644 = arith.constant 48 : index
        %get3A_1645 = tpu.vector_load %arg16[%get3A_1643, %get3A_1644] {strides = array<i32>} : memref<128x128xf32, #tpu.memory_space<vmem>>, vector<16xf32>,
        %mul3A_1646 = vector.broadcast %squeeze3A_1604 : f32 to vector<16xf32>
        %mul3A_1647 = arith.mulf %get3A_1645, %mul3A_1646 : vector<16xf32>
        %add3A_1648 = arith.constant 15 : i32
        %add3A_1649 = arith.addi %mul3A_135, %add3A_1648 : i32
        %swap3A_1650 = arith.index_cast %add3A_1649 : i32 to index
        %swap3A_1651 = arith.constant 48 : index
        %swap3A_1652 = tpu.vector_load %arg16[%swap3A_1650, %swap3A_1651] {strides = array<i32>} : memref<128x128xf32, #tpu.memory_space<vmem>>, vector<16xf32>,
        tpu.vector_store %arg16[%swap3A_1650, %swap3A_1651], %mul3A_1647 {strides = array<i32>} : memref<128x128xf32, #tpu.memory_space<vmem>>, vector<16xf32>,
        %add3A_1653 = arith.constant 15 : i32
        %add3A_1654 = arith.addi %mul3A_135, %add3A_1653 : i32
        %get3A_1655 = arith.index_cast %add3A_1654 : i32 to index
        %get3A_1656 = arith.constant 64 : index
        %get3A_1657 = tpu.vector_load %arg16[%get3A_1655, %get3A_1656] {strides = array<i32>} : memref<128x128xf32, #tpu.memory_space<vmem>>, vector<16xf32>,
        %mul3A_1658 = vector.broadcast %squeeze3A_1604 : f32 to vector<16xf32>
        %mul3A_1659 = arith.mulf %get3A_1657, %mul3A_1658 : vector<16xf32>
        %add3A_1660 = arith.constant 15 : i32
        %add3A_1661 = arith.addi %mul3A_135, %add3A_1660 : i32
        %swap3A_1662 = arith.index_cast %add3A_1661 : i32 to index
        %swap3A_1663 = arith.constant 64 : index
        %swap3A_1664 = tpu.vector_load %arg16[%swap3A_1662, %swap3A_1663] {strides = array<i32>} : memref<128x128xf32, #tpu.memory_space<vmem>>, vector<16xf32>,
        tpu.vector_store %arg16[%swap3A_1662, %swap3A_1663], %mul3A_1659 {strides = array<i32>} : memref<128x128xf32, #tpu.memory_space<vmem>>, vector<16xf32>,
        %add3A_1665 = arith.constant 15 : i32
        %add3A_1666 = arith.addi %mul3A_135, %add3A_1665 : i32
        %get3A_1667 = arith.index_cast %add3A_1666 : i32 to index
        %get3A_1668 = arith.constant 80 : index
        %get3A_1669 = tpu.vector_load %arg16[%get3A_1667, %get3A_1668] {strides = array<i32>} : memref<128x128xf32, #tpu.memory_space<vmem>>, vector<16xf32>,
        %mul3A_1670 = vector.broadcast %squeeze3A_1604 : f32 to vector<16xf32>
        %mul3A_1671 = arith.mulf %get3A_1669, %mul3A_1670 : vector<16xf32>
        %add3A_1672 = arith.constant 15 : i32
        %add3A_1673 = arith.addi %mul3A_135, %add3A_1672 : i32
        %swap3A_1674 = arith.index_cast %add3A_1673 : i32 to index
        %swap3A_1675 = arith.constant 80 : index
        %swap3A_1676 = tpu.vector_load %arg16[%swap3A_1674, %swap3A_1675] {strides = array<i32>} : memref<128x128xf32, #tpu.memory_space<vmem>>, vector<16xf32>,
        tpu.vector_store %arg16[%swap3A_1674, %swap3A_1675], %mul3A_1671 {strides = array<i32>} : memref<128x128xf32, #tpu.memory_space<vmem>>, vector<16xf32>,
        %add3A_1677 = arith.constant 15 : i32
        %add3A_1678 = arith.addi %mul3A_135, %add3A_1677 : i32
        %get3A_1679 = arith.index_cast %add3A_1678 : i32 to index
        %get3A_1680 = arith.constant 96 : index
        %get3A_1681 = tpu.vector_load %arg16[%get3A_1679, %get3A_1680] {strides = array<i32>} : memref<128x128xf32, #tpu.memory_space<vmem>>, vector<16xf32>,
        %mul3A_1682 = vector.broadcast %squeeze3A_1604 : f32 to vector<16xf32>
        %mul3A_1683 = arith.mulf %get3A_1681, %mul3A_1682 : vector<16xf32>
        %add3A_1684 = arith.constant 15 : i32
        %add3A_1685 = arith.addi %mul3A_135, %add3A_1684 : i32
        %swap3A_1686 = arith.index_cast %add3A_1685 : i32 to index
        %swap3A_1687 = arith.constant 96 : index
        %swap3A_1688 = tpu.vector_load %arg16[%swap3A_1686, %swap3A_1687] {strides = array<i32>} : memref<128x128xf32, #tpu.memory_space<vmem>>, vector<16xf32>,
        tpu.vector_store %arg16[%swap3A_1686, %swap3A_1687], %mul3A_1683 {strides = array<i32>} : memref<128x128xf32, #tpu.memory_space<vmem>>, vector<16xf32>,
        %add3A_1689 = arith.constant 15 : i32
        %add3A_1690 = arith.addi %mul3A_135, %add3A_1689 : i32
        %get3A_1691 = arith.index_cast %add3A_1690 : i32 to index
        %get3A_1692 = arith.constant 112 : index
        %get3A_1693 = tpu.vector_load %arg16[%get3A_1691, %get3A_1692] {strides = array<i32>} : memref<128x128xf32, #tpu.memory_space<vmem>>, vector<16xf32>,
        %mul3A_1694 = vector.broadcast %squeeze3A_1604 : f32 to vector<16xf32>
        %mul3A_1695 = arith.mulf %get3A_1693, %mul3A_1694 : vector<16xf32>
        %add3A_1696 = arith.constant 15 : i32
        %add3A_1697 = arith.addi %mul3A_135, %add3A_1696 : i32
        %swap3A_1698 = arith.index_cast %add3A_1697 : i32 to index
        %swap3A_1699 = arith.constant 112 : index
        %swap3A_1700 = tpu.vector_load %arg16[%swap3A_1698, %swap3A_1699] {strides = array<i32>} : memref<128x128xf32, #tpu.memory_space<vmem>>, vector<16xf32>,
        tpu.vector_store %arg16[%swap3A_1698, %swap3A_1699], %mul3A_1695 {strides = array<i32>} : memref<128x128xf32, #tpu.memory_space<vmem>>, vector<16xf32>,
        %scan3A_1701 = arith.constant 0 : i32
        scf.yield %scan3A_1701 : i32
      }
      %scan3A_87 = arith.constant 8 : i32
      "tpu.region"() ({
        %run_scoped3A_128 = tpu.sem_alloc : memref<!tpu.dma_semaphore, #tpu.memory_space<semaphore_mem>>
        %dma_start3A_129 = arith.constant 0 : i32
        %dma_start3A_130 = tpu.memref_slice %arg12[%rem3A_16, %dma_start3A_129] : memref<2x128xi32, #tpu.memory_space<vmem>> -> memref<1x128xi32, #tpu.memory_space<vmem>>
        %dma_start3A_131 = tpu.memref_squeeze %dma_start3A_130 : memref<1x128xi32, #tpu.memory_space<vmem>> -> memref<128xi32, #tpu.memory_space<vmem>>
        %dma_start3A_132 = arith.constant 0 : i32
        %dma_start3A_133 = arith.constant 0 : i32
        %dma_start3A_134 = tpu.memref_slice %arg18[%dma_start3A_132, %dma_start3A_133] : memref<10240x128xf32, #tpu.memory_space<vmem_shared>> -> memref<10240x128xf32, #tpu.memory_space<vmem_shared>>
        tpu.enqueue_indirect_dma source(%arg16 : memref<128x128xf32, #tpu.memory_space<vmem>>) target(%dma_start3A_134 : memref<10240x128xf32, #tpu.memory_space<vmem_shared>>) offsets(%dma_start3A_131 : memref<128xi32, #tpu.memory_space<vmem>>) semaphore(%run_scoped3A_128 : memref<!tpu.dma_semaphore, #tpu.memory_space<semaphore_mem>>) {add = true}
        %dma_wait3A_135 = arith.constant 0 : i32
        %dma_wait3A_136 = tpu.memref_slice %arg12[%rem3A_16, %dma_wait3A_135] : memref<2x128xi32, #tpu.memory_space<vmem>> -> memref<1x128xi32, #tpu.memory_space<vmem>>
        %dma_wait3A_137 = tpu.memref_squeeze %dma_wait3A_136 : memref<1x128xi32, #tpu.memory_space<vmem>> -> memref<128xi32, #tpu.memory_space<vmem>>
        %dma_wait3A_138 = arith.constant 0 : i32
        %dma_wait3A_139 = arith.constant 0 : i32
        %dma_wait3A_140 = tpu.memref_slice %arg18[%dma_wait3A_138, %dma_wait3A_139] : memref<10240x128xf32, #tpu.memory_space<vmem_shared>> -> memref<10240x128xf32, #tpu.memory_space<vmem_shared>>
        tpu.wait_indirect_dma semaphore(%run_scoped3A_128 : memref<!tpu.dma_semaphore, #tpu.memory_space<semaphore_mem>>) src(%arg16 : memref<128x128xf32, #tpu.memory_space<vmem>>) dst(%dma_wait3A_140 : memref<10240x128xf32, #tpu.memory_space<vmem_shared>>)
        tpu.yield
      }) : () -> ()
      %dma_wait3A_88 = arith.constant 0 : i32
      %dma_wait3A_89 = tpu.memref_slice %arg11[%rem3A_20, %dma_wait3A_88] : memref<2x128xi32, #tpu.memory_space<vmem>> -> memref<1x128xi32, #tpu.memory_space<vmem>>
      %dma_wait3A_90 = tpu.memref_squeeze %dma_wait3A_89 : memref<1x128xi32, #tpu.memory_space<vmem>> -> memref<128xi32, #tpu.memory_space<vmem>>
      %dma_wait3A_91 = arith.constant 0 : i32
      %dma_wait3A_92 = arith.constant 0 : i32
      %dma_wait3A_93 = tpu.memref_slice %arg5[%add3A, %dma_wait3A_91, %dma_wait3A_92] : memref<32x81x128xi32, #tpu.memory_space<hbm>> -> memref<1x81x128xi32, #tpu.memory_space<hbm>>
      %dma_wait3A_94 = tpu.memref_squeeze %dma_wait3A_93 : memref<1x81x128xi32, #tpu.memory_space<hbm>> -> memref<81x128xi32, #tpu.memory_space<hbm>>
      %dma_wait3A_95 = arith.constant 0 : i32
      %dma_wait3A_96 = tpu.memref_slice %dma_wait3A_94[%min3A_23, %dma_wait3A_95] : memref<81x128xi32, #tpu.memory_space<hbm>> -> memref<1x128xi32, #tpu.memory_space<hbm>>
      %dma_wait3A_97 = tpu.memref_squeeze %dma_wait3A_96 : memref<1x128xi32, #tpu.memory_space<hbm>> -> memref<128xi32, #tpu.memory_space<hbm>>
      %dma_wait3A_98 = arith.constant 0 : i32
      %dma_wait3A_99 = tpu.memref_slice %arg11[%rem3A_20, %dma_wait3A_98] : memref<2x128xi32, #tpu.memory_space<vmem>> -> memref<1x128xi32, #tpu.memory_space<vmem>>
      %dma_wait3A_100 = tpu.memref_squeeze %dma_wait3A_99 : memref<1x128xi32, #tpu.memory_space<vmem>> -> memref<128xi32, #tpu.memory_space<vmem>>
      %dma_wait3A_101 = arith.constant 0 : i32
      %dma_wait3A_102 = arith.constant 0 : i32
      %dma_wait3A_103 = tpu.memref_slice %arg5[%add3A, %dma_wait3A_101, %dma_wait3A_102] : memref<32x81x128xi32, #tpu.memory_space<hbm>> -> memref<1x81x128xi32, #tpu.memory_space<hbm>>
      %dma_wait3A_104 = tpu.memref_squeeze %dma_wait3A_103 : memref<1x81x128xi32, #tpu.memory_space<hbm>> -> memref<81x128xi32, #tpu.memory_space<hbm>>
      %dma_wait3A_105 = arith.constant 0 : i32
      %dma_wait3A_106 = tpu.memref_slice %dma_wait3A_104[%min3A_23, %dma_wait3A_105] : memref<81x128xi32, #tpu.memory_space<hbm>> -> memref<1x128xi32, #tpu.memory_space<hbm>>
      %dma_wait3A_107 = tpu.memref_squeeze %dma_wait3A_106 : memref<1x128xi32, #tpu.memory_space<hbm>> -> memref<128xi32, #tpu.memory_space<hbm>>
      tpu.wait_dma2 semaphore(%arg21 : memref<!tpu.dma_semaphore, #tpu.memory_space<semaphore_mem>>) src(%dma_wait3A_107 : memref<128xi32, #tpu.memory_space<hbm>>) dst(%dma_wait3A_100 : memref<128xi32, #tpu.memory_space<vmem>>)
      %dma_wait3A_108 = arith.constant 0 : i32
      %dma_wait3A_109 = tpu.memref_slice %arg12[%rem3A_20, %dma_wait3A_108] : memref<2x128xi32, #tpu.memory_space<vmem>> -> memref<1x128xi32, #tpu.memory_space<vmem>>
      %dma_wait3A_110 = tpu.memref_squeeze %dma_wait3A_109 : memref<1x128xi32, #tpu.memory_space<vmem>> -> memref<128xi32, #tpu.memory_space<vmem>>
      %dma_wait3A_111 = arith.constant 0 : i32
      %dma_wait3A_112 = arith.constant 0 : i32
      %dma_wait3A_113 = tpu.memref_slice %arg6[%add3A, %dma_wait3A_111, %dma_wait3A_112] : memref<32x81x128xi32, #tpu.memory_space<hbm>> -> memref<1x81x128xi32, #tpu.memory_space<hbm>>
      %dma_wait3A_114 = tpu.memref_squeeze %dma_wait3A_113 : memref<1x81x128xi32, #tpu.memory_space<hbm>> -> memref<81x128xi32, #tpu.memory_space<hbm>>
      %dma_wait3A_115 = arith.constant 0 : i32
      %dma_wait3A_116 = tpu.memref_slice %dma_wait3A_114[%min3A_23, %dma_wait3A_115] : memref<81x128xi32, #tpu.memory_space<hbm>> -> memref<1x128xi32, #tpu.memory_space<hbm>>
      %dma_wait3A_117 = tpu.memref_squeeze %dma_wait3A_116 : memref<1x128xi32, #tpu.memory_space<hbm>> -> memref<128xi32, #tpu.memory_space<hbm>>
      %dma_wait3A_118 = arith.constant 0 : i32
      %dma_wait3A_119 = tpu.memref_slice %arg12[%rem3A_20, %dma_wait3A_118] : memref<2x128xi32, #tpu.memory_space<vmem>> -> memref<1x128xi32, #tpu.memory_space<vmem>>
      %dma_wait3A_120 = tpu.memref_squeeze %dma_wait3A_119 : memref<1x128xi32, #tpu.memory_space<vmem>> -> memref<128xi32, #tpu.memory_space<vmem>>
      %dma_wait3A_121 = arith.constant 0 : i32
      %dma_wait3A_122 = arith.constant 0 : i32
      %dma_wait3A_123 = tpu.memref_slice %arg6[%add3A, %dma_wait3A_121, %dma_wait3A_122] : memref<32x81x128xi32, #tpu.memory_space<hbm>> -> memref<1x81x128xi32, #tpu.memory_space<hbm>>
      %dma_wait3A_124 = tpu.memref_squeeze %dma_wait3A_123 : memref<1x81x128xi32, #tpu.memory_space<hbm>> -> memref<81x128xi32, #tpu.memory_space<hbm>>
      %dma_wait3A_125 = arith.constant 0 : i32
      %dma_wait3A_126 = tpu.memref_slice %dma_wait3A_124[%min3A_23, %dma_wait3A_125] : memref<81x128xi32, #tpu.memory_space<hbm>> -> memref<1x128xi32, #tpu.memory_space<hbm>>
      %dma_wait3A_127 = tpu.memref_squeeze %dma_wait3A_126 : memref<1x128xi32, #tpu.memory_space<hbm>> -> memref<128xi32, #tpu.memory_space<hbm>>
      tpu.wait_dma2 semaphore(%arg21 : memref<!tpu.dma_semaphore, #tpu.memory_space<semaphore_mem>>) src(%dma_wait3A_127 : memref<128xi32, #tpu.memory_space<hbm>>) dst(%dma_wait3A_120 : memref<128xi32, #tpu.memory_space<vmem>>)
    }
    %scan3A_13 = arith.constant 81 : i32
    %barrier3A_14 = arith.constant 0 : index
    tpu.barrier barrier_id(%barrier3A_14)
    "tpu.region"() ({
      %run_scoped3A_15 = tpu.sem_alloc : memref<!tpu.dma_semaphore, #tpu.memory_space<semaphore_mem>>
      %dma_start3A = arith.constant 0 : i32
      %dma_start3A_16 = arith.constant 0 : i32
      %dma_start3A_17 = tpu.memref_slice %arg9[%arg0, %dma_start3A, %dma_start3A_16] : memref<2x10240x128xf32, #tpu.memory_space<hbm>> -> memref<1x10240x128xf32, #tpu.memory_space<hbm>>
      %dma_start3A_18 = tpu.memref_squeeze %dma_start3A_17 : memref<1x10240x128xf32, #tpu.memory_space<hbm>> -> memref<10240x128xf32, #tpu.memory_space<hbm>>
      %dma_start3A_19 = arith.constant 0 : i32
      %dma_start3A_20 = tpu.memref_slice %dma_start3A_18[%mul3A_2, %dma_start3A_19] : memref<10240x128xf32, #tpu.memory_space<hbm>> -> memref<640x128xf32, #tpu.memory_space<hbm>>
      %dma_start3A_21 = arith.constant 0 : i32
      %dma_start3A_22 = tpu.memref_slice %arg18[%mul3A_2, %dma_start3A_21] : memref<10240x128xf32, #tpu.memory_space<vmem_shared>> -> memref<640x128xf32, #tpu.memory_space<vmem_shared>>
      tpu.enqueue_dma source(%dma_start3A_22 : memref<640x128xf32, #tpu.memory_space<vmem_shared>>) target(%dma_start3A_20 : memref<640x128xf32, #tpu.memory_space<hbm>>) target_semaphore(%run_scoped3A_15 : memref<!tpu.dma_semaphore, #tpu.memory_space<semaphore_mem>>)
      %dma_wait3A = arith.constant 0 : i32
      %dma_wait3A_23 = arith.constant 0 : i32
      %dma_wait3A_24 = tpu.memref_slice %arg9[%arg0, %dma_wait3A, %dma_wait3A_23] : memref<2x10240x128xf32, #tpu.memory_space<hbm>> -> memref<1x10240x128xf32, #tpu.memory_space<hbm>>
      %dma_wait3A_25 = tpu.memref_squeeze %dma_wait3A_24 : memref<1x10240x128xf32, #tpu.memory_space<hbm>> -> memref<10240x128xf32, #tpu.memory_space<hbm>>
      %dma_wait3A_26 = arith.constant 0 : i32
      %dma_wait3A_27 = tpu.memref_slice %dma_wait3A_25[%mul3A_2, %dma_wait3A_26] : memref<10240x128xf32, #tpu.memory_space<hbm>> -> memref<640x128xf32, #tpu.memory_space<hbm>>
      %dma_wait3A_28 = arith.constant 0 : i32
      %dma_wait3A_29 = tpu.memref_slice %arg18[%mul3A_2, %dma_wait3A_28] : memref<10240x128xf32, #tpu.memory_space<vmem_shared>> -> memref<640x128xf32, #tpu.memory_space<vmem_shared>>
      tpu.wait_dma2 semaphore(%run_scoped3A_15 : memref<!tpu.dma_semaphore, #tpu.memory_space<semaphore_mem>>) src(%dma_wait3A_29 : memref<640x128xf32, #tpu.memory_space<vmem_shared>>) dst(%dma_wait3A_27 : memref<640x128xf32, #tpu.memory_space<hbm>>)
      tpu.yield
    }) : () -> ()
    "tpu.region"() ({
      %run_scoped3A_15 = tpu.sem_alloc : memref<!tpu.dma_semaphore, #tpu.memory_space<semaphore_mem>>
      %dma_start3A = arith.constant 0 : i32
      %dma_start3A_16 = tpu.memref_slice %arg10[%arg0, %dma_start3A] : memref<2x10240xf32, #tpu.memory_space<hbm>> -> memref<1x10240xf32, #tpu.memory_space<hbm>>
      %dma_start3A_17 = tpu.memref_squeeze %dma_start3A_16 : memref<1x10240xf32, #tpu.memory_space<hbm>> -> memref<10240xf32, #tpu.memory_space<hbm>>
      %dma_start3A_18 = tpu.memref_slice %dma_start3A_17[%mul3A_2] : memref<10240xf32, #tpu.memory_space<hbm>> -> memref<640xf32, #tpu.memory_space<hbm>>
      %dma_start3A_19 = tpu.memref_slice %arg19[%mul3A_2] : memref<10240xf32, #tpu.memory_space<vmem_shared>> -> memref<640xf32, #tpu.memory_space<vmem_shared>>
      tpu.enqueue_dma source(%dma_start3A_19 : memref<640xf32, #tpu.memory_space<vmem_shared>>) target(%dma_start3A_18 : memref<640xf32, #tpu.memory_space<hbm>>) target_semaphore(%run_scoped3A_15 : memref<!tpu.dma_semaphore, #tpu.memory_space<semaphore_mem>>)
      %dma_wait3A = arith.constant 0 : i32
      %dma_wait3A_20 = tpu.memref_slice %arg10[%arg0, %dma_wait3A] : memref<2x10240xf32, #tpu.memory_space<hbm>> -> memref<1x10240xf32, #tpu.memory_space<hbm>>
      %dma_wait3A_21 = tpu.memref_squeeze %dma_wait3A_20 : memref<1x10240xf32, #tpu.memory_space<hbm>> -> memref<10240xf32, #tpu.memory_space<hbm>>
      %dma_wait3A_22 = tpu.memref_slice %dma_wait3A_21[%mul3A_2] : memref<10240xf32, #tpu.memory_space<hbm>> -> memref<640xf32, #tpu.memory_space<hbm>>
      %dma_wait3A_23 = tpu.memref_slice %arg19[%mul3A_2] : memref<10240xf32, #tpu.memory_space<vmem_shared>> -> memref<640xf32, #tpu.memory_space<vmem_shared>>
      tpu.wait_dma2 semaphore(%run_scoped3A_15 : memref<!tpu.dma_semaphore, #tpu.memory_space<semaphore_mem>>) src(%dma_wait3A_23 : memref<640xf32, #tpu.memory_space<vmem_shared>>) dst(%dma_wait3A_22 : memref<640xf32, #tpu.memory_space<hbm>>)
      tpu.yield
    }) : () -> ()
    return
  }
}

#map = affine_map<(d0, d1) -> (0, 0)>
#map1 = affine_map<(d0, d1) -> (0)>
#map2 = affine_map<(d0, d1) -> (0, 0, 0)>
module attributes {stable_mosaic.version = 14 : i64} {
  func.func @_sc_edge(%arg0: i32, %arg1: i32, %arg2: memref<10240x128xf32, #tpu.memory_space<hbm>>, %arg3: memref<2x10240xf32, #tpu.memory_space<hbm>>, %arg4: memref<16xf32, #tpu.memory_space<hbm>>, %arg5: memref<32x81x128xi32, #tpu.memory_space<hbm>>, %arg6: memref<32x81x128xi32, #tpu.memory_space<hbm>>, %arg7: memref<10240x128xf32, #tpu.memory_space<hbm>>, %arg8: memref<10240xf32, #tpu.memory_space<hbm>>, %arg9: memref<2x10240x128xf32, #tpu.memory_space<hbm>>, %arg10: memref<2x10240xf32, #tpu.memory_space<hbm>>, %arg11: memref<2x128xi32, #tpu.memory_space<vmem>>, %arg12: memref<2x128xi32, #tpu.memory_space<vmem>>, %arg13: memref<10240xf32, #tpu.memory_space<vmem>>, %arg14: memref<10240xf32, #tpu.memory_space<vmem>>, %arg15: memref<128xf32, #tpu.memory_space<vmem>>, %arg16: memref<128x128xf32, #tpu.memory_space<vmem>>, %arg17: memref<16xf32, #tpu.memory_space<vmem>>, %arg18: memref<10240x128xf32, #tpu.memory_space<vmem_shared>>, %arg19: memref<10240xf32, #tpu.memory_space<vmem_shared>>, %arg20: memref<!tpu.dma_semaphore, #tpu.memory_space<semaphore_mem>>, %arg21: memref<!tpu.dma_semaphore, #tpu.memory_space<semaphore_mem>>) attributes {dimension_semantics = [#tpu.dimension_semantics<core_parallel>, #tpu.dimension_semantics<subcore_parallel>], iteration_bounds = array<i64: 2, 16>, scalar_prefetch = 0 : i64, scratch_operands = 11 : i64, tpu.core_type = #tpu.core_type<sc_vector_subcore>, window_params = [{transform_indices = #map}, {transform_indices = #map}, {transform_indices = #map1}, {transform_indices = #map2}, {transform_indices = #map2}, {transform_indices = #map}, {transform_indices = #map1}, {transform_indices = #map2}, {transform_indices = #map}]} {
    %mul3A = arith.constant 16 : i32
    %mul3A_0 = arith.muli %arg0, %mul3A : i32
    %add3A = arith.addi %mul3A_0, %arg1 : i32
    %mul3A_1 = arith.constant 640 : i32
    %mul3A_2 = arith.muli %arg1, %mul3A_1 : i32
    "tpu.region"() ({
      %run_scoped3A_15 = tpu.sem_alloc : memref<!tpu.dma_semaphore, #tpu.memory_space<semaphore_mem>>
      %dma_start3A = arith.constant 0 : i32
      %dma_start3A_16 = tpu.memref_slice %arg18[%mul3A_2, %dma_start3A] : memref<10240x128xf32, #tpu.memory_space<vmem_shared>> -> memref<640x128xf32, #tpu.memory_space<vmem_shared>>
      %dma_start3A_17 = arith.constant 0 : i32
      %dma_start3A_18 = tpu.memref_slice %arg7[%mul3A_2, %dma_start3A_17] : memref<10240x128xf32, #tpu.memory_space<hbm>> -> memref<640x128xf32, #tpu.memory_space<hbm>>
      tpu.enqueue_dma source(%dma_start3A_18 : memref<640x128xf32, #tpu.memory_space<hbm>>) target(%dma_start3A_16 : memref<640x128xf32, #tpu.memory_space<vmem_shared>>) target_semaphore(%run_scoped3A_15 : memref<!tpu.dma_semaphore, #tpu.memory_space<semaphore_mem>>)
      %dma_wait3A = arith.constant 0 : i32
      %dma_wait3A_19 = tpu.memref_slice %arg18[%mul3A_2, %dma_wait3A] : memref<10240x128xf32, #tpu.memory_space<vmem_shared>> -> memref<640x128xf32, #tpu.memory_space<vmem_shared>>
      %dma_wait3A_20 = arith.constant 0 : i32
      %dma_wait3A_21 = tpu.memref_slice %arg7[%mul3A_2, %dma_wait3A_20] : memref<10240x128xf32, #tpu.memory_space<hbm>> -> memref<640x128xf32, #tpu.memory_space<hbm>>
      tpu.wait_dma2 semaphore(%run_scoped3A_15 : memref<!tpu.dma_semaphore, #tpu.memory_space<semaphore_mem>>) src(%dma_wait3A_21 : memref<640x128xf32, #tpu.memory_space<hbm>>) dst(%dma_wait3A_19 : memref<640x128xf32, #tpu.memory_space<vmem_shared>>)
      tpu.yield
    }) : () -> ()
    "tpu.region"() ({
      %run_scoped3A_15 = tpu.sem_alloc : memref<!tpu.dma_semaphore, #tpu.memory_space<semaphore_mem>>
      %dma_start3A = tpu.memref_slice %arg19[%mul3A_2] : memref<10240xf32, #tpu.memory_space<vmem_shared>> -> memref<640xf32, #tpu.memory_space<vmem_shared>>
      %dma_start3A_16 = tpu.memref_slice %arg8[%mul3A_2] : memref<10240xf32, #tpu.memory_space<hbm>> -> memref<640xf32, #tpu.memory_space<hbm>>
      tpu.enqueue_dma source(%dma_start3A_16 : memref<640xf32, #tpu.memory_space<hbm>>) target(%dma_start3A : memref<640xf32, #tpu.memory_space<vmem_shared>>) target_semaphore(%run_scoped3A_15 : memref<!tpu.dma_semaphore, #tpu.memory_space<semaphore_mem>>)
      %dma_wait3A = tpu.memref_slice %arg19[%mul3A_2] : memref<10240xf32, #tpu.memory_space<vmem_shared>> -> memref<640xf32, #tpu.memory_space<vmem_shared>>
      %dma_wait3A_17 = tpu.memref_slice %arg8[%mul3A_2] : memref<10240xf32, #tpu.memory_space<hbm>> -> memref<640xf32, #tpu.memory_space<hbm>>
      tpu.wait_dma2 semaphore(%run_scoped3A_15 : memref<!tpu.dma_semaphore, #tpu.memory_space<semaphore_mem>>) src(%dma_wait3A_17 : memref<640xf32, #tpu.memory_space<hbm>>) dst(%dma_wait3A : memref<640xf32, #tpu.memory_space<vmem_shared>>)
      tpu.yield
    }) : () -> ()
    %run_scoped3A = arith.constant 0 : i32
    "tpu.region"() ({
      %run_scoped3A_15 = tpu.sem_alloc : memref<!tpu.dma_semaphore, #tpu.memory_space<semaphore_mem>>
      %dma_start3A = arith.constant 0 : i32
      %dma_start3A_16 = tpu.memref_slice %arg3[%run_scoped3A, %dma_start3A] : memref<2x10240xf32, #tpu.memory_space<hbm>> -> memref<1x10240xf32, #tpu.memory_space<hbm>>
      %dma_start3A_17 = tpu.memref_squeeze %dma_start3A_16 : memref<1x10240xf32, #tpu.memory_space<hbm>> -> memref<10240xf32, #tpu.memory_space<hbm>>
      %dma_start3A_18 = arith.constant 0 : i32
      %dma_start3A_19 = tpu.memref_slice %arg3[%run_scoped3A, %dma_start3A_18] : memref<2x10240xf32, #tpu.memory_space<hbm>> -> memref<1x10240xf32, #tpu.memory_space<hbm>>
      %dma_start3A_20 = tpu.memref_squeeze %dma_start3A_19 : memref<1x10240xf32, #tpu.memory_space<hbm>> -> memref<10240xf32, #tpu.memory_space<hbm>>
      tpu.enqueue_dma source(%dma_start3A_20 : memref<10240xf32, #tpu.memory_space<hbm>>) target(%arg13 : memref<10240xf32, #tpu.memory_space<vmem>>) target_semaphore(%run_scoped3A_15 : memref<!tpu.dma_semaphore, #tpu.memory_space<semaphore_mem>>)
      %dma_wait3A = arith.constant 0 : i32
      %dma_wait3A_21 = tpu.memref_slice %arg3[%run_scoped3A, %dma_wait3A] : memref<2x10240xf32, #tpu.memory_space<hbm>> -> memref<1x10240xf32, #tpu.memory_space<hbm>>
      %dma_wait3A_22 = tpu.memref_squeeze %dma_wait3A_21 : memref<1x10240xf32, #tpu.memory_space<hbm>> -> memref<10240xf32, #tpu.memory_space<hbm>>
      %dma_wait3A_23 = arith.constant 0 : i32
      %dma_wait3A_24 = tpu.memref_slice %arg3[%run_scoped3A, %dma_wait3A_23] : memref<2x10240xf32, #tpu.memory_space<hbm>> -> memref<1x10240xf32, #tpu.memory_space<hbm>>
      %dma_wait3A_25 = tpu.memref_squeeze %dma_wait3A_24 : memref<1x10240xf32, #tpu.memory_space<hbm>> -> memref<10240xf32, #tpu.memory_space<hbm>>
      tpu.wait_dma2 semaphore(%run_scoped3A_15 : memref<!tpu.dma_semaphore, #tpu.memory_space<semaphore_mem>>) src(%dma_wait3A_25 : memref<10240xf32, #tpu.memory_space<hbm>>) dst(%arg13 : memref<10240xf32, #tpu.memory_space<vmem>>)
      tpu.yield
    }) : () -> ()
    %run_scoped3A_3 = arith.constant 1 : i32
    "tpu.region"() ({
      %run_scoped3A_15 = tpu.sem_alloc : memref<!tpu.dma_semaphore, #tpu.memory_space<semaphore_mem>>
      %dma_start3A = arith.constant 0 : i32
      %dma_start3A_16 = tpu.memref_slice %arg3[%run_scoped3A_3, %dma_start3A] : memref<2x10240xf32, #tpu.memory_space<hbm>> -> memref<1x10240xf32, #tpu.memory_space<hbm>>
      %dma_start3A_17 = tpu.memref_squeeze %dma_start3A_16 : memref<1x10240xf32, #tpu.memory_space<hbm>> -> memref<10240xf32, #tpu.memory_space<hbm>>
      %dma_start3A_18 = arith.constant 0 : i32
      %dma_start3A_19 = tpu.memref_slice %arg3[%run_scoped3A_3, %dma_start3A_18] : memref<2x10240xf32, #tpu.memory_space<hbm>> -> memref<1x10240xf32, #tpu.memory_space<hbm>>
      %dma_start3A_20 = tpu.memref_squeeze %dma_start3A_19 : memref<1x10240xf32, #tpu.memory_space<hbm>> -> memref<10240xf32, #tpu.memory_space<hbm>>
      tpu.enqueue_dma source(%dma_start3A_20 : memref<10240xf32, #tpu.memory_space<hbm>>) target(%arg14 : memref<10240xf32, #tpu.memory_space<vmem>>) target_semaphore(%run_scoped3A_15 : memref<!tpu.dma_semaphore, #tpu.memory_space<semaphore_mem>>)
      %dma_wait3A = arith.constant 0 : i32
      %dma_wait3A_21 = tpu.memref_slice %arg3[%run_scoped3A_3, %dma_wait3A] : memref<2x10240xf32, #tpu.memory_space<hbm>> -> memref<1x10240xf32, #tpu.memory_space<hbm>>
      %dma_wait3A_22 = tpu.memref_squeeze %dma_wait3A_21 : memref<1x10240xf32, #tpu.memory_space<hbm>> -> memref<10240xf32, #tpu.memory_space<hbm>>
      %dma_wait3A_23 = arith.constant 0 : i32
      %dma_wait3A_24 = tpu.memref_slice %arg3[%run_scoped3A_3, %dma_wait3A_23] : memref<2x10240xf32, #tpu.memory_space<hbm>> -> memref<1x10240xf32, #tpu.memory_space<hbm>>
      %dma_wait3A_25 = tpu.memref_squeeze %dma_wait3A_24 : memref<1x10240xf32, #tpu.memory_space<hbm>> -> memref<10240xf32, #tpu.memory_space<hbm>>
      tpu.wait_dma2 semaphore(%run_scoped3A_15 : memref<!tpu.dma_semaphore, #tpu.memory_space<semaphore_mem>>) src(%dma_wait3A_25 : memref<10240xf32, #tpu.memory_space<hbm>>) dst(%arg14 : memref<10240xf32, #tpu.memory_space<vmem>>)
      tpu.yield
    }) : () -> ()
    "tpu.region"() ({
      %run_scoped3A_15 = tpu.sem_alloc : memref<!tpu.dma_semaphore, #tpu.memory_space<semaphore_mem>>
      tpu.enqueue_dma source(%arg4 : memref<16xf32, #tpu.memory_space<hbm>>) target(%arg17 : memref<16xf32, #tpu.memory_space<vmem>>) target_semaphore(%run_scoped3A_15 : memref<!tpu.dma_semaphore, #tpu.memory_space<semaphore_mem>>)
      tpu.wait_dma2 semaphore(%run_scoped3A_15 : memref<!tpu.dma_semaphore, #tpu.memory_space<semaphore_mem>>) src(%arg4 : memref<16xf32, #tpu.memory_space<hbm>>) dst(%arg17 : memref<16xf32, #tpu.memory_space<vmem>>)
      tpu.yield
    }) : () -> ()
    %run_scoped3A_4 = arith.constant 0 : i32
    %run_scoped3A_5 = arith.constant 0 : i32
    "tpu.region"() ({
      %run_scoped3A_15 = tpu.sem_alloc : memref<!tpu.dma_semaphore, #tpu.memory_space<semaphore_mem>>
      %dma_start3A = arith.constant 0 : i32
      %dma_start3A_16 = tpu.memref_slice %arg11[%run_scoped3A_5, %dma_start3A] : memref<2x128xi32, #tpu.memory_space<vmem>> -> memref<1x128xi32, #tpu.memory_space<vmem>>
      %dma_start3A_17 = tpu.memref_squeeze %dma_start3A_16 : memref<1x128xi32, #tpu.memory_space<vmem>> -> memref<128xi32, #tpu.memory_space<vmem>>
      %dma_start3A_18 = arith.constant 0 : i32
      %dma_start3A_19 = arith.constant 0 : i32
      %dma_start3A_20 = tpu.memref_slice %arg5[%add3A, %dma_start3A_18, %dma_start3A_19] : memref<32x81x128xi32, #tpu.memory_space<hbm>> -> memref<1x81x128xi32, #tpu.memory_space<hbm>>
      %dma_start3A_21 = tpu.memref_squeeze %dma_start3A_20 : memref<1x81x128xi32, #tpu.memory_space<hbm>> -> memref<81x128xi32, #tpu.memory_space<hbm>>
      %dma_start3A_22 = arith.constant 0 : i32
      %dma_start3A_23 = tpu.memref_slice %dma_start3A_21[%run_scoped3A_4, %dma_start3A_22] : memref<81x128xi32, #tpu.memory_space<hbm>> -> memref<1x128xi32, #tpu.memory_space<hbm>>
      %dma_start3A_24 = tpu.memref_squeeze %dma_start3A_23 : memref<1x128xi32, #tpu.memory_space<hbm>> -> memref<128xi32, #tpu.memory_space<hbm>>
      %dma_start3A_25 = arith.constant 0 : i32
      %dma_start3A_26 = tpu.memref_slice %arg11[%run_scoped3A_5, %dma_start3A_25] : memref<2x128xi32, #tpu.memory_space<vmem>> -> memref<1x128xi32, #tpu.memory_space<vmem>>
      %dma_start3A_27 = tpu.memref_squeeze %dma_start3A_26 : memref<1x128xi32, #tpu.memory_space<vmem>> -> memref<128xi32, #tpu.memory_space<vmem>>
      %dma_start3A_28 = arith.constant 0 : i32
      %dma_start3A_29 = arith.constant 0 : i32
      %dma_start3A_30 = tpu.memref_slice %arg5[%add3A, %dma_start3A_28, %dma_start3A_29] : memref<32x81x128xi32, #tpu.memory_space<hbm>> -> memref<1x81x128xi32, #tpu.memory_space<hbm>>
      %dma_start3A_31 = tpu.memref_squeeze %dma_start3A_30 : memref<1x81x128xi32, #tpu.memory_space<hbm>> -> memref<81x128xi32, #tpu.memory_space<hbm>>
      %dma_start3A_32 = arith.constant 0 : i32
      %dma_start3A_33 = tpu.memref_slice %dma_start3A_31[%run_scoped3A_4, %dma_start3A_32] : memref<81x128xi32, #tpu.memory_space<hbm>> -> memref<1x128xi32, #tpu.memory_space<hbm>>
      %dma_start3A_34 = tpu.memref_squeeze %dma_start3A_33 : memref<1x128xi32, #tpu.memory_space<hbm>> -> memref<128xi32, #tpu.memory_space<hbm>>
      tpu.enqueue_dma source(%dma_start3A_34 : memref<128xi32, #tpu.memory_space<hbm>>) target(%dma_start3A_27 : memref<128xi32, #tpu.memory_space<vmem>>) target_semaphore(%run_scoped3A_15 : memref<!tpu.dma_semaphore, #tpu.memory_space<semaphore_mem>>)
      %dma_wait3A = arith.constant 0 : i32
      %dma_wait3A_35 = tpu.memref_slice %arg11[%run_scoped3A_5, %dma_wait3A] : memref<2x128xi32, #tpu.memory_space<vmem>> -> memref<1x128xi32, #tpu.memory_space<vmem>>
      %dma_wait3A_36 = tpu.memref_squeeze %dma_wait3A_35 : memref<1x128xi32, #tpu.memory_space<vmem>> -> memref<128xi32, #tpu.memory_space<vmem>>
      %dma_wait3A_37 = arith.constant 0 : i32
      %dma_wait3A_38 = arith.constant 0 : i32
      %dma_wait3A_39 = tpu.memref_slice %arg5[%add3A, %dma_wait3A_37, %dma_wait3A_38] : memref<32x81x128xi32, #tpu.memory_space<hbm>> -> memref<1x81x128xi32, #tpu.memory_space<hbm>>
      %dma_wait3A_40 = tpu.memref_squeeze %dma_wait3A_39 : memref<1x81x128xi32, #tpu.memory_space<hbm>> -> memref<81x128xi32, #tpu.memory_space<hbm>>
      %dma_wait3A_41 = arith.constant 0 : i32
      %dma_wait3A_42 = tpu.memref_slice %dma_wait3A_40[%run_scoped3A_4, %dma_wait3A_41] : memref<81x128xi32, #tpu.memory_space<hbm>> -> memref<1x128xi32, #tpu.memory_space<hbm>>
      %dma_wait3A_43 = tpu.memref_squeeze %dma_wait3A_42 : memref<1x128xi32, #tpu.memory_space<hbm>> -> memref<128xi32, #tpu.memory_space<hbm>>
      %dma_wait3A_44 = arith.constant 0 : i32
      %dma_wait3A_45 = tpu.memref_slice %arg11[%run_scoped3A_5, %dma_wait3A_44] : memref<2x128xi32, #tpu.memory_space<vmem>> -> memref<1x128xi32, #tpu.memory_space<vmem>>
      %dma_wait3A_46 = tpu.memref_squeeze %dma_wait3A_45 : memref<1x128xi32, #tpu.memory_space<vmem>> -> memref<128xi32, #tpu.memory_space<vmem>>
      %dma_wait3A_47 = arith.constant 0 : i32
      %dma_wait3A_48 = arith.constant 0 : i32
      %dma_wait3A_49 = tpu.memref_slice %arg5[%add3A, %dma_wait3A_47, %dma_wait3A_48] : memref<32x81x128xi32, #tpu.memory_space<hbm>> -> memref<1x81x128xi32, #tpu.memory_space<hbm>>
      %dma_wait3A_50 = tpu.memref_squeeze %dma_wait3A_49 : memref<1x81x128xi32, #tpu.memory_space<hbm>> -> memref<81x128xi32, #tpu.memory_space<hbm>>
      %dma_wait3A_51 = arith.constant 0 : i32
      %dma_wait3A_52 = tpu.memref_slice %dma_wait3A_50[%run_scoped3A_4, %dma_wait3A_51] : memref<81x128xi32, #tpu.memory_space<hbm>> -> memref<1x128xi32, #tpu.memory_space<hbm>>
      %dma_wait3A_53 = tpu.memref_squeeze %dma_wait3A_52 : memref<1x128xi32, #tpu.memory_space<hbm>> -> memref<128xi32, #tpu.memory_space<hbm>>
      tpu.wait_dma2 semaphore(%run_scoped3A_15 : memref<!tpu.dma_semaphore, #tpu.memory_space<semaphore_mem>>) src(%dma_wait3A_53 : memref<128xi32, #tpu.memory_space<hbm>>) dst(%dma_wait3A_46 : memref<128xi32, #tpu.memory_space<vmem>>)
      tpu.yield
    }) : () -> ()
    %run_scoped3A_6 = arith.constant 0 : i32
    %run_scoped3A_7 = arith.constant 0 : i32
    "tpu.region"() ({
      %run_scoped3A_15 = tpu.sem_alloc : memref<!tpu.dma_semaphore, #tpu.memory_space<semaphore_mem>>
      %dma_start3A = arith.constant 0 : i32
      %dma_start3A_16 = tpu.memref_slice %arg12[%run_scoped3A_7, %dma_start3A] : memref<2x128xi32, #tpu.memory_space<vmem>> -> memref<1x128xi32, #tpu.memory_space<vmem>>
      %dma_start3A_17 = tpu.memref_squeeze %dma_start3A_16 : memref<1x128xi32, #tpu.memory_space<vmem>> -> memref<128xi32, #tpu.memory_space<vmem>>
      %dma_start3A_18 = arith.constant 0 : i32
      %dma_start3A_19 = arith.constant 0 : i32
      %dma_start3A_20 = tpu.memref_slice %arg6[%add3A, %dma_start3A_18, %dma_start3A_19] : memref<32x81x128xi32, #tpu.memory_space<hbm>> -> memref<1x81x128xi32, #tpu.memory_space<hbm>>
      %dma_start3A_21 = tpu.memref_squeeze %dma_start3A_20 : memref<1x81x128xi32, #tpu.memory_space<hbm>> -> memref<81x128xi32, #tpu.memory_space<hbm>>
      %dma_start3A_22 = arith.constant 0 : i32
      %dma_start3A_23 = tpu.memref_slice %dma_start3A_21[%run_scoped3A_6, %dma_start3A_22] : memref<81x128xi32, #tpu.memory_space<hbm>> -> memref<1x128xi32, #tpu.memory_space<hbm>>
      %dma_start3A_24 = tpu.memref_squeeze %dma_start3A_23 : memref<1x128xi32, #tpu.memory_space<hbm>> -> memref<128xi32, #tpu.memory_space<hbm>>
      %dma_start3A_25 = arith.constant 0 : i32
      %dma_start3A_26 = tpu.memref_slice %arg12[%run_scoped3A_7, %dma_start3A_25] : memref<2x128xi32, #tpu.memory_space<vmem>> -> memref<1x128xi32, #tpu.memory_space<vmem>>
      %dma_start3A_27 = tpu.memref_squeeze %dma_start3A_26 : memref<1x128xi32, #tpu.memory_space<vmem>> -> memref<128xi32, #tpu.memory_space<vmem>>
      %dma_start3A_28 = arith.constant 0 : i32
      %dma_start3A_29 = arith.constant 0 : i32
      %dma_start3A_30 = tpu.memref_slice %arg6[%add3A, %dma_start3A_28, %dma_start3A_29] : memref<32x81x128xi32, #tpu.memory_space<hbm>> -> memref<1x81x128xi32, #tpu.memory_space<hbm>>
      %dma_start3A_31 = tpu.memref_squeeze %dma_start3A_30 : memref<1x81x128xi32, #tpu.memory_space<hbm>> -> memref<81x128xi32, #tpu.memory_space<hbm>>
      %dma_start3A_32 = arith.constant 0 : i32
      %dma_start3A_33 = tpu.memref_slice %dma_start3A_31[%run_scoped3A_6, %dma_start3A_32] : memref<81x128xi32, #tpu.memory_space<hbm>> -> memref<1x128xi32, #tpu.memory_space<hbm>>
      %dma_start3A_34 = tpu.memref_squeeze %dma_start3A_33 : memref<1x128xi32, #tpu.memory_space<hbm>> -> memref<128xi32, #tpu.memory_space<hbm>>
      tpu.enqueue_dma source(%dma_start3A_34 : memref<128xi32, #tpu.memory_space<hbm>>) target(%dma_start3A_27 : memref<128xi32, #tpu.memory_space<vmem>>) target_semaphore(%run_scoped3A_15 : memref<!tpu.dma_semaphore, #tpu.memory_space<semaphore_mem>>)
      %dma_wait3A = arith.constant 0 : i32
      %dma_wait3A_35 = tpu.memref_slice %arg12[%run_scoped3A_7, %dma_wait3A] : memref<2x128xi32, #tpu.memory_space<vmem>> -> memref<1x128xi32, #tpu.memory_space<vmem>>
      %dma_wait3A_36 = tpu.memref_squeeze %dma_wait3A_35 : memref<1x128xi32, #tpu.memory_space<vmem>> -> memref<128xi32, #tpu.memory_space<vmem>>
      %dma_wait3A_37 = arith.constant 0 : i32
      %dma_wait3A_38 = arith.constant 0 : i32
      %dma_wait3A_39 = tpu.memref_slice %arg6[%add3A, %dma_wait3A_37, %dma_wait3A_38] : memref<32x81x128xi32, #tpu.memory_space<hbm>> -> memref<1x81x128xi32, #tpu.memory_space<hbm>>
      %dma_wait3A_40 = tpu.memref_squeeze %dma_wait3A_39 : memref<1x81x128xi32, #tpu.memory_space<hbm>> -> memref<81x128xi32, #tpu.memory_space<hbm>>
      %dma_wait3A_41 = arith.constant 0 : i32
      %dma_wait3A_42 = tpu.memref_slice %dma_wait3A_40[%run_scoped3A_6, %dma_wait3A_41] : memref<81x128xi32, #tpu.memory_space<hbm>> -> memref<1x128xi32, #tpu.memory_space<hbm>>
      %dma_wait3A_43 = tpu.memref_squeeze %dma_wait3A_42 : memref<1x128xi32, #tpu.memory_space<hbm>> -> memref<128xi32, #tpu.memory_space<hbm>>
      %dma_wait3A_44 = arith.constant 0 : i32
      %dma_wait3A_45 = tpu.memref_slice %arg12[%run_scoped3A_7, %dma_wait3A_44] : memref<2x128xi32, #tpu.memory_space<vmem>> -> memref<1x128xi32, #tpu.memory_space<vmem>>
      %dma_wait3A_46 = tpu.memref_squeeze %dma_wait3A_45 : memref<1x128xi32, #tpu.memory_space<vmem>> -> memref<128xi32, #tpu.memory_space<vmem>>
      %dma_wait3A_47 = arith.constant 0 : i32
      %dma_wait3A_48 = arith.constant 0 : i32
      %dma_wait3A_49 = tpu.memref_slice %arg6[%add3A, %dma_wait3A_47, %dma_wait3A_48] : memref<32x81x128xi32, #tpu.memory_space<hbm>> -> memref<1x81x128xi32, #tpu.memory_space<hbm>>
      %dma_wait3A_50 = tpu.memref_squeeze %dma_wait3A_49 : memref<1x81x128xi32, #tpu.memory_space<hbm>> -> memref<81x128xi32, #tpu.memory_space<hbm>>
      %dma_wait3A_51 = arith.constant 0 : i32
      %dma_wait3A_52 = tpu.memref_slice %dma_wait3A_50[%run_scoped3A_6, %dma_wait3A_51] : memref<81x128xi32, #tpu.memory_space<hbm>> -> memref<1x128xi32, #tpu.memory_space<hbm>>
      %dma_wait3A_53 = tpu.memref_squeeze %dma_wait3A_52 : memref<1x128xi32, #tpu.memory_space<hbm>> -> memref<128xi32, #tpu.memory_space<hbm>>
      tpu.wait_dma2 semaphore(%run_scoped3A_15 : memref<!tpu.dma_semaphore, #tpu.memory_space<semaphore_mem>>) src(%dma_wait3A_53 : memref<128xi32, #tpu.memory_space<hbm>>) dst(%dma_wait3A_46 : memref<128xi32, #tpu.memory_space<vmem>>)
      tpu.yield
    }) : () -> ()
    %barrier3A = arith.constant 0 : index
    tpu.barrier barrier_id(%barrier3A)
    %get3A = arith.constant 0 : index
    %get3A_8 = tpu.vector_load %arg17[%get3A] {strides = array<i32>} : memref<16xf32, #tpu.memory_space<vmem>>, vector<16xf32>,
    %scan3A = arith.constant 0 : i32
    %scan3A_9 = arith.constant 0 : i32
    %scan3A_10 = arith.constant 81 : i32
    %scan3A_11 = arith.addi %scan3A_9, %scan3A_10 : i32
    %scan3A_12 = arith.constant 1 : i32
    scf.for %scan3A_15 = %scan3A_9 to %scan3A_11 step %scan3A_12  : i32 {
      %rem3A = arith.constant 2 : i32
      %rem3A_16 = arith.remsi %scan3A_15, %rem3A : i32
      %add3A_17 = arith.constant 1 : i32
      %add3A_18 = arith.addi %scan3A_15, %add3A_17 : i32
      %rem3A_19 = arith.constant 2 : i32
      %rem3A_20 = arith.remsi %add3A_18, %rem3A_19 : i32
      %add3A_21 = arith.constant 1 : i32
      %add3A_22 = arith.addi %scan3A_15, %add3A_21 : i32
      %min3A = arith.constant 80 : i32
      %min3A_23 = arith.minsi %add3A_22, %min3A : i32
      %dma_start3A = arith.constant 0 : i32
      %dma_start3A_24 = tpu.memref_slice %arg11[%rem3A_20, %dma_start3A] : memref<2x128xi32, #tpu.memory_space<vmem>> -> memref<1x128xi32, #tpu.memory_space<vmem>>
      %dma_start3A_25 = tpu.memref_squeeze %dma_start3A_24 : memref<1x128xi32, #tpu.memory_space<vmem>> -> memref<128xi32, #tpu.memory_space<vmem>>
      %dma_start3A_26 = arith.constant 0 : i32
      %dma_start3A_27 = arith.constant 0 : i32
      %dma_start3A_28 = tpu.memref_slice %arg5[%add3A, %dma_start3A_26, %dma_start3A_27] : memref<32x81x128xi32, #tpu.memory_space<hbm>> -> memref<1x81x128xi32, #tpu.memory_space<hbm>>
      %dma_start3A_29 = tpu.memref_squeeze %dma_start3A_28 : memref<1x81x128xi32, #tpu.memory_space<hbm>> -> memref<81x128xi32, #tpu.memory_space<hbm>>
      %dma_start3A_30 = arith.constant 0 : i32
      %dma_start3A_31 = tpu.memref_slice %dma_start3A_29[%min3A_23, %dma_start3A_30] : memref<81x128xi32, #tpu.memory_space<hbm>> -> memref<1x128xi32, #tpu.memory_space<hbm>>
      %dma_start3A_32 = tpu.memref_squeeze %dma_start3A_31 : memref<1x128xi32, #tpu.memory_space<hbm>> -> memref<128xi32, #tpu.memory_space<hbm>>
      %dma_start3A_33 = arith.constant 0 : i32
      %dma_start3A_34 = tpu.memref_slice %arg11[%rem3A_20, %dma_start3A_33] : memref<2x128xi32, #tpu.memory_space<vmem>> -> memref<1x128xi32, #tpu.memory_space<vmem>>
      %dma_start3A_35 = tpu.memref_squeeze %dma_start3A_34 : memref<1x128xi32, #tpu.memory_space<vmem>> -> memref<128xi32, #tpu.memory_space<vmem>>
      %dma_start3A_36 = arith.constant 0 : i32
      %dma_start3A_37 = arith.constant 0 : i32
      %dma_start3A_38 = tpu.memref_slice %arg5[%add3A, %dma_start3A_36, %dma_start3A_37] : memref<32x81x128xi32, #tpu.memory_space<hbm>> -> memref<1x81x128xi32, #tpu.memory_space<hbm>>
      %dma_start3A_39 = tpu.memref_squeeze %dma_start3A_38 : memref<1x81x128xi32, #tpu.memory_space<hbm>> -> memref<81x128xi32, #tpu.memory_space<hbm>>
      %dma_start3A_40 = arith.constant 0 : i32
      %dma_start3A_41 = tpu.memref_slice %dma_start3A_39[%min3A_23, %dma_start3A_40] : memref<81x128xi32, #tpu.memory_space<hbm>> -> memref<1x128xi32, #tpu.memory_space<hbm>>
      %dma_start3A_42 = tpu.memref_squeeze %dma_start3A_41 : memref<1x128xi32, #tpu.memory_space<hbm>> -> memref<128xi32, #tpu.memory_space<hbm>>
      tpu.enqueue_dma source(%dma_start3A_42 : memref<128xi32, #tpu.memory_space<hbm>>) target(%dma_start3A_35 : memref<128xi32, #tpu.memory_space<vmem>>) target_semaphore(%arg21 : memref<!tpu.dma_semaphore, #tpu.memory_space<semaphore_mem>>)
      %dma_start3A_43 = arith.constant 0 : i32
      %dma_start3A_44 = tpu.memref_slice %arg12[%rem3A_20, %dma_start3A_43] : memref<2x128xi32, #tpu.memory_space<vmem>> -> memref<1x128xi32, #tpu.memory_space<vmem>>
      %dma_start3A_45 = tpu.memref_squeeze %dma_start3A_44 : memref<1x128xi32, #tpu.memory_space<vmem>> -> memref<128xi32, #tpu.memory_space<vmem>>
      %dma_start3A_46 = arith.constant 0 : i32
      %dma_start3A_47 = arith.constant 0 : i32
      %dma_start3A_48 = tpu.memref_slice %arg6[%add3A, %dma_start3A_46, %dma_start3A_47] : memref<32x81x128xi32, #tpu.memory_space<hbm>> -> memref<1x81x128xi32, #tpu.memory_space<hbm>>
      %dma_start3A_49 = tpu.memref_squeeze %dma_start3A_48 : memref<1x81x128xi32, #tpu.memory_space<hbm>> -> memref<81x128xi32, #tpu.memory_space<hbm>>
      %dma_start3A_50 = arith.constant 0 : i32
      %dma_start3A_51 = tpu.memref_slice %dma_start3A_49[%min3A_23, %dma_start3A_50] : memref<81x128xi32, #tpu.memory_space<hbm>> -> memref<1x128xi32, #tpu.memory_space<hbm>>
      %dma_start3A_52 = tpu.memref_squeeze %dma_start3A_51 : memref<1x128xi32, #tpu.memory_space<hbm>> -> memref<128xi32, #tpu.memory_space<hbm>>
      %dma_start3A_53 = arith.constant 0 : i32
      %dma_start3A_54 = tpu.memref_slice %arg12[%rem3A_20, %dma_start3A_53] : memref<2x128xi32, #tpu.memory_space<vmem>> -> memref<1x128xi32, #tpu.memory_space<vmem>>
      %dma_start3A_55 = tpu.memref_squeeze %dma_start3A_54 : memref<1x128xi32, #tpu.memory_space<vmem>> -> memref<128xi32, #tpu.memory_space<vmem>>
      %dma_start3A_56 = arith.constant 0 : i32
      %dma_start3A_57 = arith.constant 0 : i32
      %dma_start3A_58 = tpu.memref_slice %arg6[%add3A, %dma_start3A_56, %dma_start3A_57] : memref<32x81x128xi32, #tpu.memory_space<hbm>> -> memref<1x81x128xi32, #tpu.memory_space<hbm>>
      %dma_start3A_59 = tpu.memref_squeeze %dma_start3A_58 : memref<1x81x128xi32, #tpu.memory_space<hbm>> -> memref<81x128xi32, #tpu.memory_space<hbm>>
      %dma_start3A_60 = arith.constant 0 : i32
      %dma_start3A_61 = tpu.memref_slice %dma_start3A_59[%min3A_23, %dma_start3A_60] : memref<81x128xi32, #tpu.memory_space<hbm>> -> memref<1x128xi32, #tpu.memory_space<hbm>>
      %dma_start3A_62 = tpu.memref_squeeze %dma_start3A_61 : memref<1x128xi32, #tpu.memory_space<hbm>> -> memref<128xi32, #tpu.memory_space<hbm>>
      tpu.enqueue_dma source(%dma_start3A_62 : memref<128xi32, #tpu.memory_space<hbm>>) target(%dma_start3A_55 : memref<128xi32, #tpu.memory_space<vmem>>) target_semaphore(%arg21 : memref<!tpu.dma_semaphore, #tpu.memory_space<semaphore_mem>>)
      %dma_start3A_63 = arith.constant 0 : i32
      %dma_start3A_64 = tpu.memref_slice %arg11[%rem3A_16, %dma_start3A_63] : memref<2x128xi32, #tpu.memory_space<vmem>> -> memref<1x128xi32, #tpu.memory_space<vmem>>
      %dma_start3A_65 = tpu.memref_squeeze %dma_start3A_64 : memref<1x128xi32, #tpu.memory_space<vmem>> -> memref<128xi32, #tpu.memory_space<vmem>>
      %dma_start3A_66 = arith.constant 0 : i32
      %dma_start3A_67 = arith.constant 0 : i32
      %dma_start3A_68 = tpu.memref_slice %arg2[%dma_start3A_66, %dma_start3A_67] : memref<10240x128xf32, #tpu.memory_space<hbm>> -> memref<10240x128xf32, #tpu.memory_space<hbm>>
      tpu.enqueue_indirect_dma source(%dma_start3A_68 : memref<10240x128xf32, #tpu.memory_space<hbm>>) target(%arg16 : memref<128x128xf32, #tpu.memory_space<vmem>>) offsets(%dma_start3A_65 : memref<128xi32, #tpu.memory_space<vmem>>) semaphore(%arg20 : memref<!tpu.dma_semaphore, #tpu.memory_space<semaphore_mem>>)
      %scan3A_69 = arith.constant 0 : i32
      %scan3A_70 = arith.constant 0 : i32
      %scan3A_71 = arith.constant 8 : i32
      %scan3A_72 = arith.addi %scan3A_70, %scan3A_71 : i32
      %scan3A_73 = arith.constant 1 : i32
      %scan3A_74 = scf.for %scan3A_128 = %scan3A_70 to %scan3A_72 step %scan3A_73 iter_args(%scan3A_129 = %scan3A_69) -> (i32)  : i32 {
        %mul3A_130 = arith.constant 16 : i32
        %mul3A_131 = arith.muli %scan3A_128, %mul3A_130 : i32
        %get3A_132 = arith.index_cast %rem3A_16 : i32 to index
        %get3A_133 = arith.index_cast %mul3A_131 : i32 to index
        %get3A_134 = tpu.vector_load %arg11[%get3A_132, %get3A_133] {strides = array<i32>} : memref<2x128xi32, #tpu.memory_space<vmem>>, vector<16xi32>,
        %get3A_135 = arith.index_cast %rem3A_16 : i32 to index
        %get3A_136 = arith.index_cast %mul3A_131 : i32 to index
        %get3A_137 = tpu.vector_load %arg12[%get3A_135, %get3A_136] {strides = array<i32>} : memref<2x128xi32, #tpu.memory_space<vmem>>, vector<16xi32>,
        %gather3A = tpu.vector_load_idx %arg13[%get3A_134] : memref<10240xf32, #tpu.memory_space<vmem>>[vector<16xi32>], vector<16xf32>,
        %gather3A_138 = tpu.vector_load_idx %arg14[%get3A_137] : memref<10240xf32, #tpu.memory_space<vmem>>[vector<16xi32>], vector<16xf32>,
        %add3A_139 = arith.addf %gather3A, %gather3A_138 : vector<16xf32>
        %ge3A = arith.constant 0.000000e+00 : f32
        %ge3A_140 = vector.broadcast %ge3A : f32 to vector<16xf32>
        %ge3A_141 = arith.cmpf oge, %add3A_139, %ge3A_140 : vector<16xf32>
        %mul3A_142 = arith.constant 2.000000e-01 : f32
        %mul3A_143 = vector.broadcast %mul3A_142 : f32 to vector<16xf32>
        %mul3A_144 = arith.mulf %add3A_139, %mul3A_143 : vector<16xf32>
        %select_n3A = arith.select %ge3A_141, %add3A_139, %mul3A_144 : vector<16xi1>, vector<16xf32>
        %sub3A = arith.subf %select_n3A, %get3A_8 : vector<16xf32>
        %exp3A = math.exp %sub3A : vector<16xf32>
        %swap3A = arith.index_cast %mul3A_131 : i32 to index
        %swap3A_145 = tpu.vector_load %arg15[%swap3A] {strides = array<i32>} : memref<128xf32, #tpu.memory_space<vmem>>, vector<16xf32>,
        tpu.vector_store %arg15[%swap3A], %exp3A {strides = array<i32>} : memref<128xf32, #tpu.memory_space<vmem>>, vector<16xf32>,
        %scan3A_146 = arith.constant 0 : i32
        scf.yield %scan3A_146 : i32
      }
      %scan3A_75 = arith.constant 8 : i32
      "tpu.region"() ({
        %run_scoped3A_128 = tpu.sem_alloc : memref<!tpu.dma_semaphore, #tpu.memory_space<semaphore_mem>>
        %dma_start3A_129 = arith.constant 0 : i32
        %dma_start3A_130 = tpu.memref_slice %arg12[%rem3A_16, %dma_start3A_129] : memref<2x128xi32, #tpu.memory_space<vmem>> -> memref<1x128xi32, #tpu.memory_space<vmem>>
        %dma_start3A_131 = tpu.memref_squeeze %dma_start3A_130 : memref<1x128xi32, #tpu.memory_space<vmem>> -> memref<128xi32, #tpu.memory_space<vmem>>
        %dma_start3A_132 = arith.constant 0 : i32
        %dma_start3A_133 = tpu.memref_slice %arg19[%dma_start3A_132] : memref<10240xf32, #tpu.memory_space<vmem_shared>> -> memref<10240xf32, #tpu.memory_space<vmem_shared>>
        tpu.enqueue_indirect_dma source(%arg15 : memref<128xf32, #tpu.memory_space<vmem>>) target(%dma_start3A_133 : memref<10240xf32, #tpu.memory_space<vmem_shared>>) offsets(%dma_start3A_131 : memref<128xi32, #tpu.memory_space<vmem>>) semaphore(%run_scoped3A_128 : memref<!tpu.dma_semaphore, #tpu.memory_space<semaphore_mem>>) {add = true}
        %dma_wait3A_134 = arith.constant 0 : i32
        %dma_wait3A_135 = tpu.memref_slice %arg12[%rem3A_16, %dma_wait3A_134] : memref<2x128xi32, #tpu.memory_space<vmem>> -> memref<1x128xi32, #tpu.memory_space<vmem>>
        %dma_wait3A_136 = tpu.memref_squeeze %dma_wait3A_135 : memref<1x128xi32, #tpu.memory_space<vmem>> -> memref<128xi32, #tpu.memory_space<vmem>>
        %dma_wait3A_137 = arith.constant 0 : i32
        %dma_wait3A_138 = tpu.memref_slice %arg19[%dma_wait3A_137] : memref<10240xf32, #tpu.memory_space<vmem_shared>> -> memref<10240xf32, #tpu.memory_space<vmem_shared>>
        tpu.wait_indirect_dma semaphore(%run_scoped3A_128 : memref<!tpu.dma_semaphore, #tpu.memory_space<semaphore_mem>>) src(%arg15 : memref<128xf32, #tpu.memory_space<vmem>>) dst(%dma_wait3A_138 : memref<10240xf32, #tpu.memory_space<vmem_shared>>)
        tpu.yield
      }) : () -> ()
      %dma_wait3A = arith.constant 0 : i32
      %dma_wait3A_76 = tpu.memref_slice %arg11[%rem3A_16, %dma_wait3A] : memref<2x128xi32, #tpu.memory_space<vmem>> -> memref<1x128xi32, #tpu.memory_space<vmem>>
      %dma_wait3A_77 = tpu.memref_squeeze %dma_wait3A_76 : memref<1x128xi32, #tpu.memory_space<vmem>> -> memref<128xi32, #tpu.memory_space<vmem>>
      %dma_wait3A_78 = arith.constant 0 : i32
      %dma_wait3A_79 = arith.constant 0 : i32
      %dma_wait3A_80 = tpu.memref_slice %arg2[%dma_wait3A_78, %dma_wait3A_79] : memref<10240x128xf32, #tpu.memory_space<hbm>> -> memref<10240x128xf32, #tpu.memory_space<hbm>>
      tpu.wait_indirect_dma semaphore(%arg20 : memref<!tpu.dma_semaphore, #tpu.memory_space<semaphore_mem>>) src(%dma_wait3A_80 : memref<10240x128xf32, #tpu.memory_space<hbm>>) dst(%arg16 : memref<128x128xf32, #tpu.memory_space<vmem>>)
      %scan3A_81 = arith.constant 0 : i32
      %scan3A_82 = arith.constant 0 : i32
      %scan3A_83 = arith.constant 8 : i32
      %scan3A_84 = arith.addi %scan3A_82, %scan3A_83 : i32
      %scan3A_85 = arith.constant 1 : i32
      %scan3A_86 = scf.for %scan3A_128 = %scan3A_82 to %scan3A_84 step %scan3A_85 iter_args(%scan3A_129 = %scan3A_81) -> (i32)  : i32 {
        %mul3A_130 = arith.constant 16 : i32
        %mul3A_131 = arith.muli %scan3A_128, %mul3A_130 : i32
        %get3A_132 = arith.index_cast %mul3A_131 : i32 to index
        %get3A_133 = tpu.vector_load %arg15[%get3A_132] {strides = array<i32>} : memref<128xf32, #tpu.memory_space<vmem>>, vector<16xf32>,
        %mul3A_134 = arith.constant 16 : i32
        %mul3A_135 = arith.muli %scan3A_128, %mul3A_134 : i32
        %slice3A = vector.extract_strided_slice %get3A_133 {offsets = [0], sizes = [1], strides = [1]} : vector<16xf32> to vector<1xf32>
        %squeeze3A = vector.extract %slice3A[0] : f32 from vector<1xf32>
        %add3A_136 = arith.constant 0 : i32
        %add3A_137 = arith.addi %mul3A_135, %add3A_136 : i32
        %get3A_138 = arith.index_cast %add3A_137 : i32 to index
        %get3A_139 = arith.constant 0 : index
        %get3A_140 = tpu.vector_load %arg16[%get3A_138, %get3A_139] {strides = array<i32>} : memref<128x128xf32, #tpu.memory_space<vmem>>, vector<16xf32>,
        %mul3A_141 = vector.broadcast %squeeze3A : f32 to vector<16xf32>
        %mul3A_142 = arith.mulf %get3A_140, %mul3A_141 : vector<16xf32>
        %add3A_143 = arith.constant 0 : i32
        %add3A_144 = arith.addi %mul3A_135, %add3A_143 : i32
        %swap3A = arith.index_cast %add3A_144 : i32 to index
        %swap3A_145 = arith.constant 0 : index
        %swap3A_146 = tpu.vector_load %arg16[%swap3A, %swap3A_145] {strides = array<i32>} : memref<128x128xf32, #tpu.memory_space<vmem>>, vector<16xf32>,
        tpu.vector_store %arg16[%swap3A, %swap3A_145], %mul3A_142 {strides = array<i32>} : memref<128x128xf32, #tpu.memory_space<vmem>>, vector<16xf32>,
        %add3A_147 = arith.constant 0 : i32
        %add3A_148 = arith.addi %mul3A_135, %add3A_147 : i32
        %get3A_149 = arith.index_cast %add3A_148 : i32 to index
        %get3A_150 = arith.constant 16 : index
        %get3A_151 = tpu.vector_load %arg16[%get3A_149, %get3A_150] {strides = array<i32>} : memref<128x128xf32, #tpu.memory_space<vmem>>, vector<16xf32>,
        %mul3A_152 = vector.broadcast %squeeze3A : f32 to vector<16xf32>
        %mul3A_153 = arith.mulf %get3A_151, %mul3A_152 : vector<16xf32>
        %add3A_154 = arith.constant 0 : i32
        %add3A_155 = arith.addi %mul3A_135, %add3A_154 : i32
        %swap3A_156 = arith.index_cast %add3A_155 : i32 to index
        %swap3A_157 = arith.constant 16 : index
        %swap3A_158 = tpu.vector_load %arg16[%swap3A_156, %swap3A_157] {strides = array<i32>} : memref<128x128xf32, #tpu.memory_space<vmem>>, vector<16xf32>,
        tpu.vector_store %arg16[%swap3A_156, %swap3A_157], %mul3A_153 {strides = array<i32>} : memref<128x128xf32, #tpu.memory_space<vmem>>, vector<16xf32>,
        %add3A_159 = arith.constant 0 : i32
        %add3A_160 = arith.addi %mul3A_135, %add3A_159 : i32
        %get3A_161 = arith.index_cast %add3A_160 : i32 to index
        %get3A_162 = arith.constant 32 : index
        %get3A_163 = tpu.vector_load %arg16[%get3A_161, %get3A_162] {strides = array<i32>} : memref<128x128xf32, #tpu.memory_space<vmem>>, vector<16xf32>,
        %mul3A_164 = vector.broadcast %squeeze3A : f32 to vector<16xf32>
        %mul3A_165 = arith.mulf %get3A_163, %mul3A_164 : vector<16xf32>
        %add3A_166 = arith.constant 0 : i32
        %add3A_167 = arith.addi %mul3A_135, %add3A_166 : i32
        %swap3A_168 = arith.index_cast %add3A_167 : i32 to index
        %swap3A_169 = arith.constant 32 : index
        %swap3A_170 = tpu.vector_load %arg16[%swap3A_168, %swap3A_169] {strides = array<i32>} : memref<128x128xf32, #tpu.memory_space<vmem>>, vector<16xf32>,
        tpu.vector_store %arg16[%swap3A_168, %swap3A_169], %mul3A_165 {strides = array<i32>} : memref<128x128xf32, #tpu.memory_space<vmem>>, vector<16xf32>,
        %add3A_171 = arith.constant 0 : i32
        %add3A_172 = arith.addi %mul3A_135, %add3A_171 : i32
        %get3A_173 = arith.index_cast %add3A_172 : i32 to index
        %get3A_174 = arith.constant 48 : index
        %get3A_175 = tpu.vector_load %arg16[%get3A_173, %get3A_174] {strides = array<i32>} : memref<128x128xf32, #tpu.memory_space<vmem>>, vector<16xf32>,
        %mul3A_176 = vector.broadcast %squeeze3A : f32 to vector<16xf32>
        %mul3A_177 = arith.mulf %get3A_175, %mul3A_176 : vector<16xf32>
        %add3A_178 = arith.constant 0 : i32
        %add3A_179 = arith.addi %mul3A_135, %add3A_178 : i32
        %swap3A_180 = arith.index_cast %add3A_179 : i32 to index
        %swap3A_181 = arith.constant 48 : index
        %swap3A_182 = tpu.vector_load %arg16[%swap3A_180, %swap3A_181] {strides = array<i32>} : memref<128x128xf32, #tpu.memory_space<vmem>>, vector<16xf32>,
        tpu.vector_store %arg16[%swap3A_180, %swap3A_181], %mul3A_177 {strides = array<i32>} : memref<128x128xf32, #tpu.memory_space<vmem>>, vector<16xf32>,
        %add3A_183 = arith.constant 0 : i32
        %add3A_184 = arith.addi %mul3A_135, %add3A_183 : i32
        %get3A_185 = arith.index_cast %add3A_184 : i32 to index
        %get3A_186 = arith.constant 64 : index
        %get3A_187 = tpu.vector_load %arg16[%get3A_185, %get3A_186] {strides = array<i32>} : memref<128x128xf32, #tpu.memory_space<vmem>>, vector<16xf32>,
        %mul3A_188 = vector.broadcast %squeeze3A : f32 to vector<16xf32>
        %mul3A_189 = arith.mulf %get3A_187, %mul3A_188 : vector<16xf32>
        %add3A_190 = arith.constant 0 : i32
        %add3A_191 = arith.addi %mul3A_135, %add3A_190 : i32
        %swap3A_192 = arith.index_cast %add3A_191 : i32 to index
        %swap3A_193 = arith.constant 64 : index
        %swap3A_194 = tpu.vector_load %arg16[%swap3A_192, %swap3A_193] {strides = array<i32>} : memref<128x128xf32, #tpu.memory_space<vmem>>, vector<16xf32>,
        tpu.vector_store %arg16[%swap3A_192, %swap3A_193], %mul3A_189 {strides = array<i32>} : memref<128x128xf32, #tpu.memory_space<vmem>>, vector<16xf32>,
        %add3A_195 = arith.constant 0 : i32
        %add3A_196 = arith.addi %mul3A_135, %add3A_195 : i32
        %get3A_197 = arith.index_cast %add3A_196 : i32 to index
        %get3A_198 = arith.constant 80 : index
        %get3A_199 = tpu.vector_load %arg16[%get3A_197, %get3A_198] {strides = array<i32>} : memref<128x128xf32, #tpu.memory_space<vmem>>, vector<16xf32>,
        %mul3A_200 = vector.broadcast %squeeze3A : f32 to vector<16xf32>
        %mul3A_201 = arith.mulf %get3A_199, %mul3A_200 : vector<16xf32>
        %add3A_202 = arith.constant 0 : i32
        %add3A_203 = arith.addi %mul3A_135, %add3A_202 : i32
        %swap3A_204 = arith.index_cast %add3A_203 : i32 to index
        %swap3A_205 = arith.constant 80 : index
        %swap3A_206 = tpu.vector_load %arg16[%swap3A_204, %swap3A_205] {strides = array<i32>} : memref<128x128xf32, #tpu.memory_space<vmem>>, vector<16xf32>,
        tpu.vector_store %arg16[%swap3A_204, %swap3A_205], %mul3A_201 {strides = array<i32>} : memref<128x128xf32, #tpu.memory_space<vmem>>, vector<16xf32>,
        %add3A_207 = arith.constant 0 : i32
        %add3A_208 = arith.addi %mul3A_135, %add3A_207 : i32
        %get3A_209 = arith.index_cast %add3A_208 : i32 to index
        %get3A_210 = arith.constant 96 : index
        %get3A_211 = tpu.vector_load %arg16[%get3A_209, %get3A_210] {strides = array<i32>} : memref<128x128xf32, #tpu.memory_space<vmem>>, vector<16xf32>,
        %mul3A_212 = vector.broadcast %squeeze3A : f32 to vector<16xf32>
        %mul3A_213 = arith.mulf %get3A_211, %mul3A_212 : vector<16xf32>
        %add3A_214 = arith.constant 0 : i32
        %add3A_215 = arith.addi %mul3A_135, %add3A_214 : i32
        %swap3A_216 = arith.index_cast %add3A_215 : i32 to index
        %swap3A_217 = arith.constant 96 : index
        %swap3A_218 = tpu.vector_load %arg16[%swap3A_216, %swap3A_217] {strides = array<i32>} : memref<128x128xf32, #tpu.memory_space<vmem>>, vector<16xf32>,
        tpu.vector_store %arg16[%swap3A_216, %swap3A_217], %mul3A_213 {strides = array<i32>} : memref<128x128xf32, #tpu.memory_space<vmem>>, vector<16xf32>,
        %add3A_219 = arith.constant 0 : i32
        %add3A_220 = arith.addi %mul3A_135, %add3A_219 : i32
        %get3A_221 = arith.index_cast %add3A_220 : i32 to index
        %get3A_222 = arith.constant 112 : index
        %get3A_223 = tpu.vector_load %arg16[%get3A_221, %get3A_222] {strides = array<i32>} : memref<128x128xf32, #tpu.memory_space<vmem>>, vector<16xf32>,
        %mul3A_224 = vector.broadcast %squeeze3A : f32 to vector<16xf32>
        %mul3A_225 = arith.mulf %get3A_223, %mul3A_224 : vector<16xf32>
        %add3A_226 = arith.constant 0 : i32
        %add3A_227 = arith.addi %mul3A_135, %add3A_226 : i32
        %swap3A_228 = arith.index_cast %add3A_227 : i32 to index
        %swap3A_229 = arith.constant 112 : index
        %swap3A_230 = tpu.vector_load %arg16[%swap3A_228, %swap3A_229] {strides = array<i32>} : memref<128x128xf32, #tpu.memory_space<vmem>>, vector<16xf32>,
        tpu.vector_store %arg16[%swap3A_228, %swap3A_229], %mul3A_225 {strides = array<i32>} : memref<128x128xf32, #tpu.memory_space<vmem>>, vector<16xf32>,
        %slice3A_231 = vector.extract_strided_slice %get3A_133 {offsets = [1], sizes = [1], strides = [1]} : vector<16xf32> to vector<1xf32>
        %squeeze3A_232 = vector.extract %slice3A_231[0] : f32 from vector<1xf32>
        %add3A_233 = arith.constant 1 : i32
        %add3A_234 = arith.addi %mul3A_135, %add3A_233 : i32
        %get3A_235 = arith.index_cast %add3A_234 : i32 to index
        %get3A_236 = arith.constant 0 : index
        %get3A_237 = tpu.vector_load %arg16[%get3A_235, %get3A_236] {strides = array<i32>} : memref<128x128xf32, #tpu.memory_space<vmem>>, vector<16xf32>,
        %mul3A_238 = vector.broadcast %squeeze3A_232 : f32 to vector<16xf32>
        %mul3A_239 = arith.mulf %get3A_237, %mul3A_238 : vector<16xf32>
        %add3A_240 = arith.constant 1 : i32
        %add3A_241 = arith.addi %mul3A_135, %add3A_240 : i32
        %swap3A_242 = arith.index_cast %add3A_241 : i32 to index
        %swap3A_243 = arith.constant 0 : index
        %swap3A_244 = tpu.vector_load %arg16[%swap3A_242, %swap3A_243] {strides = array<i32>} : memref<128x128xf32, #tpu.memory_space<vmem>>, vector<16xf32>,
        tpu.vector_store %arg16[%swap3A_242, %swap3A_243], %mul3A_239 {strides = array<i32>} : memref<128x128xf32, #tpu.memory_space<vmem>>, vector<16xf32>,
        %add3A_245 = arith.constant 1 : i32
        %add3A_246 = arith.addi %mul3A_135, %add3A_245 : i32
        %get3A_247 = arith.index_cast %add3A_246 : i32 to index
        %get3A_248 = arith.constant 16 : index
        %get3A_249 = tpu.vector_load %arg16[%get3A_247, %get3A_248] {strides = array<i32>} : memref<128x128xf32, #tpu.memory_space<vmem>>, vector<16xf32>,
        %mul3A_250 = vector.broadcast %squeeze3A_232 : f32 to vector<16xf32>
        %mul3A_251 = arith.mulf %get3A_249, %mul3A_250 : vector<16xf32>
        %add3A_252 = arith.constant 1 : i32
        %add3A_253 = arith.addi %mul3A_135, %add3A_252 : i32
        %swap3A_254 = arith.index_cast %add3A_253 : i32 to index
        %swap3A_255 = arith.constant 16 : index
        %swap3A_256 = tpu.vector_load %arg16[%swap3A_254, %swap3A_255] {strides = array<i32>} : memref<128x128xf32, #tpu.memory_space<vmem>>, vector<16xf32>,
        tpu.vector_store %arg16[%swap3A_254, %swap3A_255], %mul3A_251 {strides = array<i32>} : memref<128x128xf32, #tpu.memory_space<vmem>>, vector<16xf32>,
        %add3A_257 = arith.constant 1 : i32
        %add3A_258 = arith.addi %mul3A_135, %add3A_257 : i32
        %get3A_259 = arith.index_cast %add3A_258 : i32 to index
        %get3A_260 = arith.constant 32 : index
        %get3A_261 = tpu.vector_load %arg16[%get3A_259, %get3A_260] {strides = array<i32>} : memref<128x128xf32, #tpu.memory_space<vmem>>, vector<16xf32>,
        %mul3A_262 = vector.broadcast %squeeze3A_232 : f32 to vector<16xf32>
        %mul3A_263 = arith.mulf %get3A_261, %mul3A_262 : vector<16xf32>
        %add3A_264 = arith.constant 1 : i32
        %add3A_265 = arith.addi %mul3A_135, %add3A_264 : i32
        %swap3A_266 = arith.index_cast %add3A_265 : i32 to index
        %swap3A_267 = arith.constant 32 : index
        %swap3A_268 = tpu.vector_load %arg16[%swap3A_266, %swap3A_267] {strides = array<i32>} : memref<128x128xf32, #tpu.memory_space<vmem>>, vector<16xf32>,
        tpu.vector_store %arg16[%swap3A_266, %swap3A_267], %mul3A_263 {strides = array<i32>} : memref<128x128xf32, #tpu.memory_space<vmem>>, vector<16xf32>,
        %add3A_269 = arith.constant 1 : i32
        %add3A_270 = arith.addi %mul3A_135, %add3A_269 : i32
        %get3A_271 = arith.index_cast %add3A_270 : i32 to index
        %get3A_272 = arith.constant 48 : index
        %get3A_273 = tpu.vector_load %arg16[%get3A_271, %get3A_272] {strides = array<i32>} : memref<128x128xf32, #tpu.memory_space<vmem>>, vector<16xf32>,
        %mul3A_274 = vector.broadcast %squeeze3A_232 : f32 to vector<16xf32>
        %mul3A_275 = arith.mulf %get3A_273, %mul3A_274 : vector<16xf32>
        %add3A_276 = arith.constant 1 : i32
        %add3A_277 = arith.addi %mul3A_135, %add3A_276 : i32
        %swap3A_278 = arith.index_cast %add3A_277 : i32 to index
        %swap3A_279 = arith.constant 48 : index
        %swap3A_280 = tpu.vector_load %arg16[%swap3A_278, %swap3A_279] {strides = array<i32>} : memref<128x128xf32, #tpu.memory_space<vmem>>, vector<16xf32>,
        tpu.vector_store %arg16[%swap3A_278, %swap3A_279], %mul3A_275 {strides = array<i32>} : memref<128x128xf32, #tpu.memory_space<vmem>>, vector<16xf32>,
        %add3A_281 = arith.constant 1 : i32
        %add3A_282 = arith.addi %mul3A_135, %add3A_281 : i32
        %get3A_283 = arith.index_cast %add3A_282 : i32 to index
        %get3A_284 = arith.constant 64 : index
        %get3A_285 = tpu.vector_load %arg16[%get3A_283, %get3A_284] {strides = array<i32>} : memref<128x128xf32, #tpu.memory_space<vmem>>, vector<16xf32>,
        %mul3A_286 = vector.broadcast %squeeze3A_232 : f32 to vector<16xf32>
        %mul3A_287 = arith.mulf %get3A_285, %mul3A_286 : vector<16xf32>
        %add3A_288 = arith.constant 1 : i32
        %add3A_289 = arith.addi %mul3A_135, %add3A_288 : i32
        %swap3A_290 = arith.index_cast %add3A_289 : i32 to index
        %swap3A_291 = arith.constant 64 : index
        %swap3A_292 = tpu.vector_load %arg16[%swap3A_290, %swap3A_291] {strides = array<i32>} : memref<128x128xf32, #tpu.memory_space<vmem>>, vector<16xf32>,
        tpu.vector_store %arg16[%swap3A_290, %swap3A_291], %mul3A_287 {strides = array<i32>} : memref<128x128xf32, #tpu.memory_space<vmem>>, vector<16xf32>,
        %add3A_293 = arith.constant 1 : i32
        %add3A_294 = arith.addi %mul3A_135, %add3A_293 : i32
        %get3A_295 = arith.index_cast %add3A_294 : i32 to index
        %get3A_296 = arith.constant 80 : index
        %get3A_297 = tpu.vector_load %arg16[%get3A_295, %get3A_296] {strides = array<i32>} : memref<128x128xf32, #tpu.memory_space<vmem>>, vector<16xf32>,
        %mul3A_298 = vector.broadcast %squeeze3A_232 : f32 to vector<16xf32>
        %mul3A_299 = arith.mulf %get3A_297, %mul3A_298 : vector<16xf32>
        %add3A_300 = arith.constant 1 : i32
        %add3A_301 = arith.addi %mul3A_135, %add3A_300 : i32
        %swap3A_302 = arith.index_cast %add3A_301 : i32 to index
        %swap3A_303 = arith.constant 80 : index
        %swap3A_304 = tpu.vector_load %arg16[%swap3A_302, %swap3A_303] {strides = array<i32>} : memref<128x128xf32, #tpu.memory_space<vmem>>, vector<16xf32>,
        tpu.vector_store %arg16[%swap3A_302, %swap3A_303], %mul3A_299 {strides = array<i32>} : memref<128x128xf32, #tpu.memory_space<vmem>>, vector<16xf32>,
        %add3A_305 = arith.constant 1 : i32
        %add3A_306 = arith.addi %mul3A_135, %add3A_305 : i32
        %get3A_307 = arith.index_cast %add3A_306 : i32 to index
        %get3A_308 = arith.constant 96 : index
        %get3A_309 = tpu.vector_load %arg16[%get3A_307, %get3A_308] {strides = array<i32>} : memref<128x128xf32, #tpu.memory_space<vmem>>, vector<16xf32>,
        %mul3A_310 = vector.broadcast %squeeze3A_232 : f32 to vector<16xf32>
        %mul3A_311 = arith.mulf %get3A_309, %mul3A_310 : vector<16xf32>
        %add3A_312 = arith.constant 1 : i32
        %add3A_313 = arith.addi %mul3A_135, %add3A_312 : i32
        %swap3A_314 = arith.index_cast %add3A_313 : i32 to index
        %swap3A_315 = arith.constant 96 : index
        %swap3A_316 = tpu.vector_load %arg16[%swap3A_314, %swap3A_315] {strides = array<i32>} : memref<128x128xf32, #tpu.memory_space<vmem>>, vector<16xf32>,
        tpu.vector_store %arg16[%swap3A_314, %swap3A_315], %mul3A_311 {strides = array<i32>} : memref<128x128xf32, #tpu.memory_space<vmem>>, vector<16xf32>,
        %add3A_317 = arith.constant 1 : i32
        %add3A_318 = arith.addi %mul3A_135, %add3A_317 : i32
        %get3A_319 = arith.index_cast %add3A_318 : i32 to index
        %get3A_320 = arith.constant 112 : index
        %get3A_321 = tpu.vector_load %arg16[%get3A_319, %get3A_320] {strides = array<i32>} : memref<128x128xf32, #tpu.memory_space<vmem>>, vector<16xf32>,
        %mul3A_322 = vector.broadcast %squeeze3A_232 : f32 to vector<16xf32>
        %mul3A_323 = arith.mulf %get3A_321, %mul3A_322 : vector<16xf32>
        %add3A_324 = arith.constant 1 : i32
        %add3A_325 = arith.addi %mul3A_135, %add3A_324 : i32
        %swap3A_326 = arith.index_cast %add3A_325 : i32 to index
        %swap3A_327 = arith.constant 112 : index
        %swap3A_328 = tpu.vector_load %arg16[%swap3A_326, %swap3A_327] {strides = array<i32>} : memref<128x128xf32, #tpu.memory_space<vmem>>, vector<16xf32>,
        tpu.vector_store %arg16[%swap3A_326, %swap3A_327], %mul3A_323 {strides = array<i32>} : memref<128x128xf32, #tpu.memory_space<vmem>>, vector<16xf32>,
        %slice3A_329 = vector.extract_strided_slice %get3A_133 {offsets = [2], sizes = [1], strides = [1]} : vector<16xf32> to vector<1xf32>
        %squeeze3A_330 = vector.extract %slice3A_329[0] : f32 from vector<1xf32>
        %add3A_331 = arith.constant 2 : i32
        %add3A_332 = arith.addi %mul3A_135, %add3A_331 : i32
        %get3A_333 = arith.index_cast %add3A_332 : i32 to index
        %get3A_334 = arith.constant 0 : index
        %get3A_335 = tpu.vector_load %arg16[%get3A_333, %get3A_334] {strides = array<i32>} : memref<128x128xf32, #tpu.memory_space<vmem>>, vector<16xf32>,
        %mul3A_336 = vector.broadcast %squeeze3A_330 : f32 to vector<16xf32>
        %mul3A_337 = arith.mulf %get3A_335, %mul3A_336 : vector<16xf32>
        %add3A_338 = arith.constant 2 : i32
        %add3A_339 = arith.addi %mul3A_135, %add3A_338 : i32
        %swap3A_340 = arith.index_cast %add3A_339 : i32 to index
        %swap3A_341 = arith.constant 0 : index
        %swap3A_342 = tpu.vector_load %arg16[%swap3A_340, %swap3A_341] {strides = array<i32>} : memref<128x128xf32, #tpu.memory_space<vmem>>, vector<16xf32>,
        tpu.vector_store %arg16[%swap3A_340, %swap3A_341], %mul3A_337 {strides = array<i32>} : memref<128x128xf32, #tpu.memory_space<vmem>>, vector<16xf32>,
        %add3A_343 = arith.constant 2 : i32
        %add3A_344 = arith.addi %mul3A_135, %add3A_343 : i32
        %get3A_345 = arith.index_cast %add3A_344 : i32 to index
        %get3A_346 = arith.constant 16 : index
        %get3A_347 = tpu.vector_load %arg16[%get3A_345, %get3A_346] {strides = array<i32>} : memref<128x128xf32, #tpu.memory_space<vmem>>, vector<16xf32>,
        %mul3A_348 = vector.broadcast %squeeze3A_330 : f32 to vector<16xf32>
        %mul3A_349 = arith.mulf %get3A_347, %mul3A_348 : vector<16xf32>
        %add3A_350 = arith.constant 2 : i32
        %add3A_351 = arith.addi %mul3A_135, %add3A_350 : i32
        %swap3A_352 = arith.index_cast %add3A_351 : i32 to index
        %swap3A_353 = arith.constant 16 : index
        %swap3A_354 = tpu.vector_load %arg16[%swap3A_352, %swap3A_353] {strides = array<i32>} : memref<128x128xf32, #tpu.memory_space<vmem>>, vector<16xf32>,
        tpu.vector_store %arg16[%swap3A_352, %swap3A_353], %mul3A_349 {strides = array<i32>} : memref<128x128xf32, #tpu.memory_space<vmem>>, vector<16xf32>,
        %add3A_355 = arith.constant 2 : i32
        %add3A_356 = arith.addi %mul3A_135, %add3A_355 : i32
        %get3A_357 = arith.index_cast %add3A_356 : i32 to index
        %get3A_358 = arith.constant 32 : index
        %get3A_359 = tpu.vector_load %arg16[%get3A_357, %get3A_358] {strides = array<i32>} : memref<128x128xf32, #tpu.memory_space<vmem>>, vector<16xf32>,
        %mul3A_360 = vector.broadcast %squeeze3A_330 : f32 to vector<16xf32>
        %mul3A_361 = arith.mulf %get3A_359, %mul3A_360 : vector<16xf32>
        %add3A_362 = arith.constant 2 : i32
        %add3A_363 = arith.addi %mul3A_135, %add3A_362 : i32
        %swap3A_364 = arith.index_cast %add3A_363 : i32 to index
        %swap3A_365 = arith.constant 32 : index
        %swap3A_366 = tpu.vector_load %arg16[%swap3A_364, %swap3A_365] {strides = array<i32>} : memref<128x128xf32, #tpu.memory_space<vmem>>, vector<16xf32>,
        tpu.vector_store %arg16[%swap3A_364, %swap3A_365], %mul3A_361 {strides = array<i32>} : memref<128x128xf32, #tpu.memory_space<vmem>>, vector<16xf32>,
        %add3A_367 = arith.constant 2 : i32
        %add3A_368 = arith.addi %mul3A_135, %add3A_367 : i32
        %get3A_369 = arith.index_cast %add3A_368 : i32 to index
        %get3A_370 = arith.constant 48 : index
        %get3A_371 = tpu.vector_load %arg16[%get3A_369, %get3A_370] {strides = array<i32>} : memref<128x128xf32, #tpu.memory_space<vmem>>, vector<16xf32>,
        %mul3A_372 = vector.broadcast %squeeze3A_330 : f32 to vector<16xf32>
        %mul3A_373 = arith.mulf %get3A_371, %mul3A_372 : vector<16xf32>
        %add3A_374 = arith.constant 2 : i32
        %add3A_375 = arith.addi %mul3A_135, %add3A_374 : i32
        %swap3A_376 = arith.index_cast %add3A_375 : i32 to index
        %swap3A_377 = arith.constant 48 : index
        %swap3A_378 = tpu.vector_load %arg16[%swap3A_376, %swap3A_377] {strides = array<i32>} : memref<128x128xf32, #tpu.memory_space<vmem>>, vector<16xf32>,
        tpu.vector_store %arg16[%swap3A_376, %swap3A_377], %mul3A_373 {strides = array<i32>} : memref<128x128xf32, #tpu.memory_space<vmem>>, vector<16xf32>,
        %add3A_379 = arith.constant 2 : i32
        %add3A_380 = arith.addi %mul3A_135, %add3A_379 : i32
        %get3A_381 = arith.index_cast %add3A_380 : i32 to index
        %get3A_382 = arith.constant 64 : index
        %get3A_383 = tpu.vector_load %arg16[%get3A_381, %get3A_382] {strides = array<i32>} : memref<128x128xf32, #tpu.memory_space<vmem>>, vector<16xf32>,
        %mul3A_384 = vector.broadcast %squeeze3A_330 : f32 to vector<16xf32>
        %mul3A_385 = arith.mulf %get3A_383, %mul3A_384 : vector<16xf32>
        %add3A_386 = arith.constant 2 : i32
        %add3A_387 = arith.addi %mul3A_135, %add3A_386 : i32
        %swap3A_388 = arith.index_cast %add3A_387 : i32 to index
        %swap3A_389 = arith.constant 64 : index
        %swap3A_390 = tpu.vector_load %arg16[%swap3A_388, %swap3A_389] {strides = array<i32>} : memref<128x128xf32, #tpu.memory_space<vmem>>, vector<16xf32>,
        tpu.vector_store %arg16[%swap3A_388, %swap3A_389], %mul3A_385 {strides = array<i32>} : memref<128x128xf32, #tpu.memory_space<vmem>>, vector<16xf32>,
        %add3A_391 = arith.constant 2 : i32
        %add3A_392 = arith.addi %mul3A_135, %add3A_391 : i32
        %get3A_393 = arith.index_cast %add3A_392 : i32 to index
        %get3A_394 = arith.constant 80 : index
        %get3A_395 = tpu.vector_load %arg16[%get3A_393, %get3A_394] {strides = array<i32>} : memref<128x128xf32, #tpu.memory_space<vmem>>, vector<16xf32>,
        %mul3A_396 = vector.broadcast %squeeze3A_330 : f32 to vector<16xf32>
        %mul3A_397 = arith.mulf %get3A_395, %mul3A_396 : vector<16xf32>
        %add3A_398 = arith.constant 2 : i32
        %add3A_399 = arith.addi %mul3A_135, %add3A_398 : i32
        %swap3A_400 = arith.index_cast %add3A_399 : i32 to index
        %swap3A_401 = arith.constant 80 : index
        %swap3A_402 = tpu.vector_load %arg16[%swap3A_400, %swap3A_401] {strides = array<i32>} : memref<128x128xf32, #tpu.memory_space<vmem>>, vector<16xf32>,
        tpu.vector_store %arg16[%swap3A_400, %swap3A_401], %mul3A_397 {strides = array<i32>} : memref<128x128xf32, #tpu.memory_space<vmem>>, vector<16xf32>,
        %add3A_403 = arith.constant 2 : i32
        %add3A_404 = arith.addi %mul3A_135, %add3A_403 : i32
        %get3A_405 = arith.index_cast %add3A_404 : i32 to index
        %get3A_406 = arith.constant 96 : index
        %get3A_407 = tpu.vector_load %arg16[%get3A_405, %get3A_406] {strides = array<i32>} : memref<128x128xf32, #tpu.memory_space<vmem>>, vector<16xf32>,
        %mul3A_408 = vector.broadcast %squeeze3A_330 : f32 to vector<16xf32>
        %mul3A_409 = arith.mulf %get3A_407, %mul3A_408 : vector<16xf32>
        %add3A_410 = arith.constant 2 : i32
        %add3A_411 = arith.addi %mul3A_135, %add3A_410 : i32
        %swap3A_412 = arith.index_cast %add3A_411 : i32 to index
        %swap3A_413 = arith.constant 96 : index
        %swap3A_414 = tpu.vector_load %arg16[%swap3A_412, %swap3A_413] {strides = array<i32>} : memref<128x128xf32, #tpu.memory_space<vmem>>, vector<16xf32>,
        tpu.vector_store %arg16[%swap3A_412, %swap3A_413], %mul3A_409 {strides = array<i32>} : memref<128x128xf32, #tpu.memory_space<vmem>>, vector<16xf32>,
        %add3A_415 = arith.constant 2 : i32
        %add3A_416 = arith.addi %mul3A_135, %add3A_415 : i32
        %get3A_417 = arith.index_cast %add3A_416 : i32 to index
        %get3A_418 = arith.constant 112 : index
        %get3A_419 = tpu.vector_load %arg16[%get3A_417, %get3A_418] {strides = array<i32>} : memref<128x128xf32, #tpu.memory_space<vmem>>, vector<16xf32>,
        %mul3A_420 = vector.broadcast %squeeze3A_330 : f32 to vector<16xf32>
        %mul3A_421 = arith.mulf %get3A_419, %mul3A_420 : vector<16xf32>
        %add3A_422 = arith.constant 2 : i32
        %add3A_423 = arith.addi %mul3A_135, %add3A_422 : i32
        %swap3A_424 = arith.index_cast %add3A_423 : i32 to index
        %swap3A_425 = arith.constant 112 : index
        %swap3A_426 = tpu.vector_load %arg16[%swap3A_424, %swap3A_425] {strides = array<i32>} : memref<128x128xf32, #tpu.memory_space<vmem>>, vector<16xf32>,
        tpu.vector_store %arg16[%swap3A_424, %swap3A_425], %mul3A_421 {strides = array<i32>} : memref<128x128xf32, #tpu.memory_space<vmem>>, vector<16xf32>,
        %slice3A_427 = vector.extract_strided_slice %get3A_133 {offsets = [3], sizes = [1], strides = [1]} : vector<16xf32> to vector<1xf32>
        %squeeze3A_428 = vector.extract %slice3A_427[0] : f32 from vector<1xf32>
        %add3A_429 = arith.constant 3 : i32
        %add3A_430 = arith.addi %mul3A_135, %add3A_429 : i32
        %get3A_431 = arith.index_cast %add3A_430 : i32 to index
        %get3A_432 = arith.constant 0 : index
        %get3A_433 = tpu.vector_load %arg16[%get3A_431, %get3A_432] {strides = array<i32>} : memref<128x128xf32, #tpu.memory_space<vmem>>, vector<16xf32>,
        %mul3A_434 = vector.broadcast %squeeze3A_428 : f32 to vector<16xf32>
        %mul3A_435 = arith.mulf %get3A_433, %mul3A_434 : vector<16xf32>
        %add3A_436 = arith.constant 3 : i32
        %add3A_437 = arith.addi %mul3A_135, %add3A_436 : i32
        %swap3A_438 = arith.index_cast %add3A_437 : i32 to index
        %swap3A_439 = arith.constant 0 : index
        %swap3A_440 = tpu.vector_load %arg16[%swap3A_438, %swap3A_439] {strides = array<i32>} : memref<128x128xf32, #tpu.memory_space<vmem>>, vector<16xf32>,
        tpu.vector_store %arg16[%swap3A_438, %swap3A_439], %mul3A_435 {strides = array<i32>} : memref<128x128xf32, #tpu.memory_space<vmem>>, vector<16xf32>,
        %add3A_441 = arith.constant 3 : i32
        %add3A_442 = arith.addi %mul3A_135, %add3A_441 : i32
        %get3A_443 = arith.index_cast %add3A_442 : i32 to index
        %get3A_444 = arith.constant 16 : index
        %get3A_445 = tpu.vector_load %arg16[%get3A_443, %get3A_444] {strides = array<i32>} : memref<128x128xf32, #tpu.memory_space<vmem>>, vector<16xf32>,
        %mul3A_446 = vector.broadcast %squeeze3A_428 : f32 to vector<16xf32>
        %mul3A_447 = arith.mulf %get3A_445, %mul3A_446 : vector<16xf32>
        %add3A_448 = arith.constant 3 : i32
        %add3A_449 = arith.addi %mul3A_135, %add3A_448 : i32
        %swap3A_450 = arith.index_cast %add3A_449 : i32 to index
        %swap3A_451 = arith.constant 16 : index
        %swap3A_452 = tpu.vector_load %arg16[%swap3A_450, %swap3A_451] {strides = array<i32>} : memref<128x128xf32, #tpu.memory_space<vmem>>, vector<16xf32>,
        tpu.vector_store %arg16[%swap3A_450, %swap3A_451], %mul3A_447 {strides = array<i32>} : memref<128x128xf32, #tpu.memory_space<vmem>>, vector<16xf32>,
        %add3A_453 = arith.constant 3 : i32
        %add3A_454 = arith.addi %mul3A_135, %add3A_453 : i32
        %get3A_455 = arith.index_cast %add3A_454 : i32 to index
        %get3A_456 = arith.constant 32 : index
        %get3A_457 = tpu.vector_load %arg16[%get3A_455, %get3A_456] {strides = array<i32>} : memref<128x128xf32, #tpu.memory_space<vmem>>, vector<16xf32>,
        %mul3A_458 = vector.broadcast %squeeze3A_428 : f32 to vector<16xf32>
        %mul3A_459 = arith.mulf %get3A_457, %mul3A_458 : vector<16xf32>
        %add3A_460 = arith.constant 3 : i32
        %add3A_461 = arith.addi %mul3A_135, %add3A_460 : i32
        %swap3A_462 = arith.index_cast %add3A_461 : i32 to index
        %swap3A_463 = arith.constant 32 : index
        %swap3A_464 = tpu.vector_load %arg16[%swap3A_462, %swap3A_463] {strides = array<i32>} : memref<128x128xf32, #tpu.memory_space<vmem>>, vector<16xf32>,
        tpu.vector_store %arg16[%swap3A_462, %swap3A_463], %mul3A_459 {strides = array<i32>} : memref<128x128xf32, #tpu.memory_space<vmem>>, vector<16xf32>,
        %add3A_465 = arith.constant 3 : i32
        %add3A_466 = arith.addi %mul3A_135, %add3A_465 : i32
        %get3A_467 = arith.index_cast %add3A_466 : i32 to index
        %get3A_468 = arith.constant 48 : index
        %get3A_469 = tpu.vector_load %arg16[%get3A_467, %get3A_468] {strides = array<i32>} : memref<128x128xf32, #tpu.memory_space<vmem>>, vector<16xf32>,
        %mul3A_470 = vector.broadcast %squeeze3A_428 : f32 to vector<16xf32>
        %mul3A_471 = arith.mulf %get3A_469, %mul3A_470 : vector<16xf32>
        %add3A_472 = arith.constant 3 : i32
        %add3A_473 = arith.addi %mul3A_135, %add3A_472 : i32
        %swap3A_474 = arith.index_cast %add3A_473 : i32 to index
        %swap3A_475 = arith.constant 48 : index
        %swap3A_476 = tpu.vector_load %arg16[%swap3A_474, %swap3A_475] {strides = array<i32>} : memref<128x128xf32, #tpu.memory_space<vmem>>, vector<16xf32>,
        tpu.vector_store %arg16[%swap3A_474, %swap3A_475], %mul3A_471 {strides = array<i32>} : memref<128x128xf32, #tpu.memory_space<vmem>>, vector<16xf32>,
        %add3A_477 = arith.constant 3 : i32
        %add3A_478 = arith.addi %mul3A_135, %add3A_477 : i32
        %get3A_479 = arith.index_cast %add3A_478 : i32 to index
        %get3A_480 = arith.constant 64 : index
        %get3A_481 = tpu.vector_load %arg16[%get3A_479, %get3A_480] {strides = array<i32>} : memref<128x128xf32, #tpu.memory_space<vmem>>, vector<16xf32>,
        %mul3A_482 = vector.broadcast %squeeze3A_428 : f32 to vector<16xf32>
        %mul3A_483 = arith.mulf %get3A_481, %mul3A_482 : vector<16xf32>
        %add3A_484 = arith.constant 3 : i32
        %add3A_485 = arith.addi %mul3A_135, %add3A_484 : i32
        %swap3A_486 = arith.index_cast %add3A_485 : i32 to index
        %swap3A_487 = arith.constant 64 : index
        %swap3A_488 = tpu.vector_load %arg16[%swap3A_486, %swap3A_487] {strides = array<i32>} : memref<128x128xf32, #tpu.memory_space<vmem>>, vector<16xf32>,
        tpu.vector_store %arg16[%swap3A_486, %swap3A_487], %mul3A_483 {strides = array<i32>} : memref<128x128xf32, #tpu.memory_space<vmem>>, vector<16xf32>,
        %add3A_489 = arith.constant 3 : i32
        %add3A_490 = arith.addi %mul3A_135, %add3A_489 : i32
        %get3A_491 = arith.index_cast %add3A_490 : i32 to index
        %get3A_492 = arith.constant 80 : index
        %get3A_493 = tpu.vector_load %arg16[%get3A_491, %get3A_492] {strides = array<i32>} : memref<128x128xf32, #tpu.memory_space<vmem>>, vector<16xf32>,
        %mul3A_494 = vector.broadcast %squeeze3A_428 : f32 to vector<16xf32>
        %mul3A_495 = arith.mulf %get3A_493, %mul3A_494 : vector<16xf32>
        %add3A_496 = arith.constant 3 : i32
        %add3A_497 = arith.addi %mul3A_135, %add3A_496 : i32
        %swap3A_498 = arith.index_cast %add3A_497 : i32 to index
        %swap3A_499 = arith.constant 80 : index
        %swap3A_500 = tpu.vector_load %arg16[%swap3A_498, %swap3A_499] {strides = array<i32>} : memref<128x128xf32, #tpu.memory_space<vmem>>, vector<16xf32>,
        tpu.vector_store %arg16[%swap3A_498, %swap3A_499], %mul3A_495 {strides = array<i32>} : memref<128x128xf32, #tpu.memory_space<vmem>>, vector<16xf32>,
        %add3A_501 = arith.constant 3 : i32
        %add3A_502 = arith.addi %mul3A_135, %add3A_501 : i32
        %get3A_503 = arith.index_cast %add3A_502 : i32 to index
        %get3A_504 = arith.constant 96 : index
        %get3A_505 = tpu.vector_load %arg16[%get3A_503, %get3A_504] {strides = array<i32>} : memref<128x128xf32, #tpu.memory_space<vmem>>, vector<16xf32>,
        %mul3A_506 = vector.broadcast %squeeze3A_428 : f32 to vector<16xf32>
        %mul3A_507 = arith.mulf %get3A_505, %mul3A_506 : vector<16xf32>
        %add3A_508 = arith.constant 3 : i32
        %add3A_509 = arith.addi %mul3A_135, %add3A_508 : i32
        %swap3A_510 = arith.index_cast %add3A_509 : i32 to index
        %swap3A_511 = arith.constant 96 : index
        %swap3A_512 = tpu.vector_load %arg16[%swap3A_510, %swap3A_511] {strides = array<i32>} : memref<128x128xf32, #tpu.memory_space<vmem>>, vector<16xf32>,
        tpu.vector_store %arg16[%swap3A_510, %swap3A_511], %mul3A_507 {strides = array<i32>} : memref<128x128xf32, #tpu.memory_space<vmem>>, vector<16xf32>,
        %add3A_513 = arith.constant 3 : i32
        %add3A_514 = arith.addi %mul3A_135, %add3A_513 : i32
        %get3A_515 = arith.index_cast %add3A_514 : i32 to index
        %get3A_516 = arith.constant 112 : index
        %get3A_517 = tpu.vector_load %arg16[%get3A_515, %get3A_516] {strides = array<i32>} : memref<128x128xf32, #tpu.memory_space<vmem>>, vector<16xf32>,
        %mul3A_518 = vector.broadcast %squeeze3A_428 : f32 to vector<16xf32>
        %mul3A_519 = arith.mulf %get3A_517, %mul3A_518 : vector<16xf32>
        %add3A_520 = arith.constant 3 : i32
        %add3A_521 = arith.addi %mul3A_135, %add3A_520 : i32
        %swap3A_522 = arith.index_cast %add3A_521 : i32 to index
        %swap3A_523 = arith.constant 112 : index
        %swap3A_524 = tpu.vector_load %arg16[%swap3A_522, %swap3A_523] {strides = array<i32>} : memref<128x128xf32, #tpu.memory_space<vmem>>, vector<16xf32>,
        tpu.vector_store %arg16[%swap3A_522, %swap3A_523], %mul3A_519 {strides = array<i32>} : memref<128x128xf32, #tpu.memory_space<vmem>>, vector<16xf32>,
        %slice3A_525 = vector.extract_strided_slice %get3A_133 {offsets = [4], sizes = [1], strides = [1]} : vector<16xf32> to vector<1xf32>
        %squeeze3A_526 = vector.extract %slice3A_525[0] : f32 from vector<1xf32>
        %add3A_527 = arith.constant 4 : i32
        %add3A_528 = arith.addi %mul3A_135, %add3A_527 : i32
        %get3A_529 = arith.index_cast %add3A_528 : i32 to index
        %get3A_530 = arith.constant 0 : index
        %get3A_531 = tpu.vector_load %arg16[%get3A_529, %get3A_530] {strides = array<i32>} : memref<128x128xf32, #tpu.memory_space<vmem>>, vector<16xf32>,
        %mul3A_532 = vector.broadcast %squeeze3A_526 : f32 to vector<16xf32>
        %mul3A_533 = arith.mulf %get3A_531, %mul3A_532 : vector<16xf32>
        %add3A_534 = arith.constant 4 : i32
        %add3A_535 = arith.addi %mul3A_135, %add3A_534 : i32
        %swap3A_536 = arith.index_cast %add3A_535 : i32 to index
        %swap3A_537 = arith.constant 0 : index
        %swap3A_538 = tpu.vector_load %arg16[%swap3A_536, %swap3A_537] {strides = array<i32>} : memref<128x128xf32, #tpu.memory_space<vmem>>, vector<16xf32>,
        tpu.vector_store %arg16[%swap3A_536, %swap3A_537], %mul3A_533 {strides = array<i32>} : memref<128x128xf32, #tpu.memory_space<vmem>>, vector<16xf32>,
        %add3A_539 = arith.constant 4 : i32
        %add3A_540 = arith.addi %mul3A_135, %add3A_539 : i32
        %get3A_541 = arith.index_cast %add3A_540 : i32 to index
        %get3A_542 = arith.constant 16 : index
        %get3A_543 = tpu.vector_load %arg16[%get3A_541, %get3A_542] {strides = array<i32>} : memref<128x128xf32, #tpu.memory_space<vmem>>, vector<16xf32>,
        %mul3A_544 = vector.broadcast %squeeze3A_526 : f32 to vector<16xf32>
        %mul3A_545 = arith.mulf %get3A_543, %mul3A_544 : vector<16xf32>
        %add3A_546 = arith.constant 4 : i32
        %add3A_547 = arith.addi %mul3A_135, %add3A_546 : i32
        %swap3A_548 = arith.index_cast %add3A_547 : i32 to index
        %swap3A_549 = arith.constant 16 : index
        %swap3A_550 = tpu.vector_load %arg16[%swap3A_548, %swap3A_549] {strides = array<i32>} : memref<128x128xf32, #tpu.memory_space<vmem>>, vector<16xf32>,
        tpu.vector_store %arg16[%swap3A_548, %swap3A_549], %mul3A_545 {strides = array<i32>} : memref<128x128xf32, #tpu.memory_space<vmem>>, vector<16xf32>,
        %add3A_551 = arith.constant 4 : i32
        %add3A_552 = arith.addi %mul3A_135, %add3A_551 : i32
        %get3A_553 = arith.index_cast %add3A_552 : i32 to index
        %get3A_554 = arith.constant 32 : index
        %get3A_555 = tpu.vector_load %arg16[%get3A_553, %get3A_554] {strides = array<i32>} : memref<128x128xf32, #tpu.memory_space<vmem>>, vector<16xf32>,
        %mul3A_556 = vector.broadcast %squeeze3A_526 : f32 to vector<16xf32>
        %mul3A_557 = arith.mulf %get3A_555, %mul3A_556 : vector<16xf32>
        %add3A_558 = arith.constant 4 : i32
        %add3A_559 = arith.addi %mul3A_135, %add3A_558 : i32
        %swap3A_560 = arith.index_cast %add3A_559 : i32 to index
        %swap3A_561 = arith.constant 32 : index
        %swap3A_562 = tpu.vector_load %arg16[%swap3A_560, %swap3A_561] {strides = array<i32>} : memref<128x128xf32, #tpu.memory_space<vmem>>, vector<16xf32>,
        tpu.vector_store %arg16[%swap3A_560, %swap3A_561], %mul3A_557 {strides = array<i32>} : memref<128x128xf32, #tpu.memory_space<vmem>>, vector<16xf32>,
        %add3A_563 = arith.constant 4 : i32
        %add3A_564 = arith.addi %mul3A_135, %add3A_563 : i32
        %get3A_565 = arith.index_cast %add3A_564 : i32 to index
        %get3A_566 = arith.constant 48 : index
        %get3A_567 = tpu.vector_load %arg16[%get3A_565, %get3A_566] {strides = array<i32>} : memref<128x128xf32, #tpu.memory_space<vmem>>, vector<16xf32>,
        %mul3A_568 = vector.broadcast %squeeze3A_526 : f32 to vector<16xf32>
        %mul3A_569 = arith.mulf %get3A_567, %mul3A_568 : vector<16xf32>
        %add3A_570 = arith.constant 4 : i32
        %add3A_571 = arith.addi %mul3A_135, %add3A_570 : i32
        %swap3A_572 = arith.index_cast %add3A_571 : i32 to index
        %swap3A_573 = arith.constant 48 : index
        %swap3A_574 = tpu.vector_load %arg16[%swap3A_572, %swap3A_573] {strides = array<i32>} : memref<128x128xf32, #tpu.memory_space<vmem>>, vector<16xf32>,
        tpu.vector_store %arg16[%swap3A_572, %swap3A_573], %mul3A_569 {strides = array<i32>} : memref<128x128xf32, #tpu.memory_space<vmem>>, vector<16xf32>,
        %add3A_575 = arith.constant 4 : i32
        %add3A_576 = arith.addi %mul3A_135, %add3A_575 : i32
        %get3A_577 = arith.index_cast %add3A_576 : i32 to index
        %get3A_578 = arith.constant 64 : index
        %get3A_579 = tpu.vector_load %arg16[%get3A_577, %get3A_578] {strides = array<i32>} : memref<128x128xf32, #tpu.memory_space<vmem>>, vector<16xf32>,
        %mul3A_580 = vector.broadcast %squeeze3A_526 : f32 to vector<16xf32>
        %mul3A_581 = arith.mulf %get3A_579, %mul3A_580 : vector<16xf32>
        %add3A_582 = arith.constant 4 : i32
        %add3A_583 = arith.addi %mul3A_135, %add3A_582 : i32
        %swap3A_584 = arith.index_cast %add3A_583 : i32 to index
        %swap3A_585 = arith.constant 64 : index
        %swap3A_586 = tpu.vector_load %arg16[%swap3A_584, %swap3A_585] {strides = array<i32>} : memref<128x128xf32, #tpu.memory_space<vmem>>, vector<16xf32>,
        tpu.vector_store %arg16[%swap3A_584, %swap3A_585], %mul3A_581 {strides = array<i32>} : memref<128x128xf32, #tpu.memory_space<vmem>>, vector<16xf32>,
        %add3A_587 = arith.constant 4 : i32
        %add3A_588 = arith.addi %mul3A_135, %add3A_587 : i32
        %get3A_589 = arith.index_cast %add3A_588 : i32 to index
        %get3A_590 = arith.constant 80 : index
        %get3A_591 = tpu.vector_load %arg16[%get3A_589, %get3A_590] {strides = array<i32>} : memref<128x128xf32, #tpu.memory_space<vmem>>, vector<16xf32>,
        %mul3A_592 = vector.broadcast %squeeze3A_526 : f32 to vector<16xf32>
        %mul3A_593 = arith.mulf %get3A_591, %mul3A_592 : vector<16xf32>
        %add3A_594 = arith.constant 4 : i32
        %add3A_595 = arith.addi %mul3A_135, %add3A_594 : i32
        %swap3A_596 = arith.index_cast %add3A_595 : i32 to index
        %swap3A_597 = arith.constant 80 : index
        %swap3A_598 = tpu.vector_load %arg16[%swap3A_596, %swap3A_597] {strides = array<i32>} : memref<128x128xf32, #tpu.memory_space<vmem>>, vector<16xf32>,
        tpu.vector_store %arg16[%swap3A_596, %swap3A_597], %mul3A_593 {strides = array<i32>} : memref<128x128xf32, #tpu.memory_space<vmem>>, vector<16xf32>,
        %add3A_599 = arith.constant 4 : i32
        %add3A_600 = arith.addi %mul3A_135, %add3A_599 : i32
        %get3A_601 = arith.index_cast %add3A_600 : i32 to index
        %get3A_602 = arith.constant 96 : index
        %get3A_603 = tpu.vector_load %arg16[%get3A_601, %get3A_602] {strides = array<i32>} : memref<128x128xf32, #tpu.memory_space<vmem>>, vector<16xf32>,
        %mul3A_604 = vector.broadcast %squeeze3A_526 : f32 to vector<16xf32>
        %mul3A_605 = arith.mulf %get3A_603, %mul3A_604 : vector<16xf32>
        %add3A_606 = arith.constant 4 : i32
        %add3A_607 = arith.addi %mul3A_135, %add3A_606 : i32
        %swap3A_608 = arith.index_cast %add3A_607 : i32 to index
        %swap3A_609 = arith.constant 96 : index
        %swap3A_610 = tpu.vector_load %arg16[%swap3A_608, %swap3A_609] {strides = array<i32>} : memref<128x128xf32, #tpu.memory_space<vmem>>, vector<16xf32>,
        tpu.vector_store %arg16[%swap3A_608, %swap3A_609], %mul3A_605 {strides = array<i32>} : memref<128x128xf32, #tpu.memory_space<vmem>>, vector<16xf32>,
        %add3A_611 = arith.constant 4 : i32
        %add3A_612 = arith.addi %mul3A_135, %add3A_611 : i32
        %get3A_613 = arith.index_cast %add3A_612 : i32 to index
        %get3A_614 = arith.constant 112 : index
        %get3A_615 = tpu.vector_load %arg16[%get3A_613, %get3A_614] {strides = array<i32>} : memref<128x128xf32, #tpu.memory_space<vmem>>, vector<16xf32>,
        %mul3A_616 = vector.broadcast %squeeze3A_526 : f32 to vector<16xf32>
        %mul3A_617 = arith.mulf %get3A_615, %mul3A_616 : vector<16xf32>
        %add3A_618 = arith.constant 4 : i32
        %add3A_619 = arith.addi %mul3A_135, %add3A_618 : i32
        %swap3A_620 = arith.index_cast %add3A_619 : i32 to index
        %swap3A_621 = arith.constant 112 : index
        %swap3A_622 = tpu.vector_load %arg16[%swap3A_620, %swap3A_621] {strides = array<i32>} : memref<128x128xf32, #tpu.memory_space<vmem>>, vector<16xf32>,
        tpu.vector_store %arg16[%swap3A_620, %swap3A_621], %mul3A_617 {strides = array<i32>} : memref<128x128xf32, #tpu.memory_space<vmem>>, vector<16xf32>,
        %slice3A_623 = vector.extract_strided_slice %get3A_133 {offsets = [5], sizes = [1], strides = [1]} : vector<16xf32> to vector<1xf32>
        %squeeze3A_624 = vector.extract %slice3A_623[0] : f32 from vector<1xf32>
        %add3A_625 = arith.constant 5 : i32
        %add3A_626 = arith.addi %mul3A_135, %add3A_625 : i32
        %get3A_627 = arith.index_cast %add3A_626 : i32 to index
        %get3A_628 = arith.constant 0 : index
        %get3A_629 = tpu.vector_load %arg16[%get3A_627, %get3A_628] {strides = array<i32>} : memref<128x128xf32, #tpu.memory_space<vmem>>, vector<16xf32>,
        %mul3A_630 = vector.broadcast %squeeze3A_624 : f32 to vector<16xf32>
        %mul3A_631 = arith.mulf %get3A_629, %mul3A_630 : vector<16xf32>
        %add3A_632 = arith.constant 5 : i32
        %add3A_633 = arith.addi %mul3A_135, %add3A_632 : i32
        %swap3A_634 = arith.index_cast %add3A_633 : i32 to index
        %swap3A_635 = arith.constant 0 : index
        %swap3A_636 = tpu.vector_load %arg16[%swap3A_634, %swap3A_635] {strides = array<i32>} : memref<128x128xf32, #tpu.memory_space<vmem>>, vector<16xf32>,
        tpu.vector_store %arg16[%swap3A_634, %swap3A_635], %mul3A_631 {strides = array<i32>} : memref<128x128xf32, #tpu.memory_space<vmem>>, vector<16xf32>,
        %add3A_637 = arith.constant 5 : i32
        %add3A_638 = arith.addi %mul3A_135, %add3A_637 : i32
        %get3A_639 = arith.index_cast %add3A_638 : i32 to index
        %get3A_640 = arith.constant 16 : index
        %get3A_641 = tpu.vector_load %arg16[%get3A_639, %get3A_640] {strides = array<i32>} : memref<128x128xf32, #tpu.memory_space<vmem>>, vector<16xf32>,
        %mul3A_642 = vector.broadcast %squeeze3A_624 : f32 to vector<16xf32>
        %mul3A_643 = arith.mulf %get3A_641, %mul3A_642 : vector<16xf32>
        %add3A_644 = arith.constant 5 : i32
        %add3A_645 = arith.addi %mul3A_135, %add3A_644 : i32
        %swap3A_646 = arith.index_cast %add3A_645 : i32 to index
        %swap3A_647 = arith.constant 16 : index
        %swap3A_648 = tpu.vector_load %arg16[%swap3A_646, %swap3A_647] {strides = array<i32>} : memref<128x128xf32, #tpu.memory_space<vmem>>, vector<16xf32>,
        tpu.vector_store %arg16[%swap3A_646, %swap3A_647], %mul3A_643 {strides = array<i32>} : memref<128x128xf32, #tpu.memory_space<vmem>>, vector<16xf32>,
        %add3A_649 = arith.constant 5 : i32
        %add3A_650 = arith.addi %mul3A_135, %add3A_649 : i32
        %get3A_651 = arith.index_cast %add3A_650 : i32 to index
        %get3A_652 = arith.constant 32 : index
        %get3A_653 = tpu.vector_load %arg16[%get3A_651, %get3A_652] {strides = array<i32>} : memref<128x128xf32, #tpu.memory_space<vmem>>, vector<16xf32>,
        %mul3A_654 = vector.broadcast %squeeze3A_624 : f32 to vector<16xf32>
        %mul3A_655 = arith.mulf %get3A_653, %mul3A_654 : vector<16xf32>
        %add3A_656 = arith.constant 5 : i32
        %add3A_657 = arith.addi %mul3A_135, %add3A_656 : i32
        %swap3A_658 = arith.index_cast %add3A_657 : i32 to index
        %swap3A_659 = arith.constant 32 : index
        %swap3A_660 = tpu.vector_load %arg16[%swap3A_658, %swap3A_659] {strides = array<i32>} : memref<128x128xf32, #tpu.memory_space<vmem>>, vector<16xf32>,
        tpu.vector_store %arg16[%swap3A_658, %swap3A_659], %mul3A_655 {strides = array<i32>} : memref<128x128xf32, #tpu.memory_space<vmem>>, vector<16xf32>,
        %add3A_661 = arith.constant 5 : i32
        %add3A_662 = arith.addi %mul3A_135, %add3A_661 : i32
        %get3A_663 = arith.index_cast %add3A_662 : i32 to index
        %get3A_664 = arith.constant 48 : index
        %get3A_665 = tpu.vector_load %arg16[%get3A_663, %get3A_664] {strides = array<i32>} : memref<128x128xf32, #tpu.memory_space<vmem>>, vector<16xf32>,
        %mul3A_666 = vector.broadcast %squeeze3A_624 : f32 to vector<16xf32>
        %mul3A_667 = arith.mulf %get3A_665, %mul3A_666 : vector<16xf32>
        %add3A_668 = arith.constant 5 : i32
        %add3A_669 = arith.addi %mul3A_135, %add3A_668 : i32
        %swap3A_670 = arith.index_cast %add3A_669 : i32 to index
        %swap3A_671 = arith.constant 48 : index
        %swap3A_672 = tpu.vector_load %arg16[%swap3A_670, %swap3A_671] {strides = array<i32>} : memref<128x128xf32, #tpu.memory_space<vmem>>, vector<16xf32>,
        tpu.vector_store %arg16[%swap3A_670, %swap3A_671], %mul3A_667 {strides = array<i32>} : memref<128x128xf32, #tpu.memory_space<vmem>>, vector<16xf32>,
        %add3A_673 = arith.constant 5 : i32
        %add3A_674 = arith.addi %mul3A_135, %add3A_673 : i32
        %get3A_675 = arith.index_cast %add3A_674 : i32 to index
        %get3A_676 = arith.constant 64 : index
        %get3A_677 = tpu.vector_load %arg16[%get3A_675, %get3A_676] {strides = array<i32>} : memref<128x128xf32, #tpu.memory_space<vmem>>, vector<16xf32>,
        %mul3A_678 = vector.broadcast %squeeze3A_624 : f32 to vector<16xf32>
        %mul3A_679 = arith.mulf %get3A_677, %mul3A_678 : vector<16xf32>
        %add3A_680 = arith.constant 5 : i32
        %add3A_681 = arith.addi %mul3A_135, %add3A_680 : i32
        %swap3A_682 = arith.index_cast %add3A_681 : i32 to index
        %swap3A_683 = arith.constant 64 : index
        %swap3A_684 = tpu.vector_load %arg16[%swap3A_682, %swap3A_683] {strides = array<i32>} : memref<128x128xf32, #tpu.memory_space<vmem>>, vector<16xf32>,
        tpu.vector_store %arg16[%swap3A_682, %swap3A_683], %mul3A_679 {strides = array<i32>} : memref<128x128xf32, #tpu.memory_space<vmem>>, vector<16xf32>,
        %add3A_685 = arith.constant 5 : i32
        %add3A_686 = arith.addi %mul3A_135, %add3A_685 : i32
        %get3A_687 = arith.index_cast %add3A_686 : i32 to index
        %get3A_688 = arith.constant 80 : index
        %get3A_689 = tpu.vector_load %arg16[%get3A_687, %get3A_688] {strides = array<i32>} : memref<128x128xf32, #tpu.memory_space<vmem>>, vector<16xf32>,
        %mul3A_690 = vector.broadcast %squeeze3A_624 : f32 to vector<16xf32>
        %mul3A_691 = arith.mulf %get3A_689, %mul3A_690 : vector<16xf32>
        %add3A_692 = arith.constant 5 : i32
        %add3A_693 = arith.addi %mul3A_135, %add3A_692 : i32
        %swap3A_694 = arith.index_cast %add3A_693 : i32 to index
        %swap3A_695 = arith.constant 80 : index
        %swap3A_696 = tpu.vector_load %arg16[%swap3A_694, %swap3A_695] {strides = array<i32>} : memref<128x128xf32, #tpu.memory_space<vmem>>, vector<16xf32>,
        tpu.vector_store %arg16[%swap3A_694, %swap3A_695], %mul3A_691 {strides = array<i32>} : memref<128x128xf32, #tpu.memory_space<vmem>>, vector<16xf32>,
        %add3A_697 = arith.constant 5 : i32
        %add3A_698 = arith.addi %mul3A_135, %add3A_697 : i32
        %get3A_699 = arith.index_cast %add3A_698 : i32 to index
        %get3A_700 = arith.constant 96 : index
        %get3A_701 = tpu.vector_load %arg16[%get3A_699, %get3A_700] {strides = array<i32>} : memref<128x128xf32, #tpu.memory_space<vmem>>, vector<16xf32>,
        %mul3A_702 = vector.broadcast %squeeze3A_624 : f32 to vector<16xf32>
        %mul3A_703 = arith.mulf %get3A_701, %mul3A_702 : vector<16xf32>
        %add3A_704 = arith.constant 5 : i32
        %add3A_705 = arith.addi %mul3A_135, %add3A_704 : i32
        %swap3A_706 = arith.index_cast %add3A_705 : i32 to index
        %swap3A_707 = arith.constant 96 : index
        %swap3A_708 = tpu.vector_load %arg16[%swap3A_706, %swap3A_707] {strides = array<i32>} : memref<128x128xf32, #tpu.memory_space<vmem>>, vector<16xf32>,
        tpu.vector_store %arg16[%swap3A_706, %swap3A_707], %mul3A_703 {strides = array<i32>} : memref<128x128xf32, #tpu.memory_space<vmem>>, vector<16xf32>,
        %add3A_709 = arith.constant 5 : i32
        %add3A_710 = arith.addi %mul3A_135, %add3A_709 : i32
        %get3A_711 = arith.index_cast %add3A_710 : i32 to index
        %get3A_712 = arith.constant 112 : index
        %get3A_713 = tpu.vector_load %arg16[%get3A_711, %get3A_712] {strides = array<i32>} : memref<128x128xf32, #tpu.memory_space<vmem>>, vector<16xf32>,
        %mul3A_714 = vector.broadcast %squeeze3A_624 : f32 to vector<16xf32>
        %mul3A_715 = arith.mulf %get3A_713, %mul3A_714 : vector<16xf32>
        %add3A_716 = arith.constant 5 : i32
        %add3A_717 = arith.addi %mul3A_135, %add3A_716 : i32
        %swap3A_718 = arith.index_cast %add3A_717 : i32 to index
        %swap3A_719 = arith.constant 112 : index
        %swap3A_720 = tpu.vector_load %arg16[%swap3A_718, %swap3A_719] {strides = array<i32>} : memref<128x128xf32, #tpu.memory_space<vmem>>, vector<16xf32>,
        tpu.vector_store %arg16[%swap3A_718, %swap3A_719], %mul3A_715 {strides = array<i32>} : memref<128x128xf32, #tpu.memory_space<vmem>>, vector<16xf32>,
        %slice3A_721 = vector.extract_strided_slice %get3A_133 {offsets = [6], sizes = [1], strides = [1]} : vector<16xf32> to vector<1xf32>
        %squeeze3A_722 = vector.extract %slice3A_721[0] : f32 from vector<1xf32>
        %add3A_723 = arith.constant 6 : i32
        %add3A_724 = arith.addi %mul3A_135, %add3A_723 : i32
        %get3A_725 = arith.index_cast %add3A_724 : i32 to index
        %get3A_726 = arith.constant 0 : index
        %get3A_727 = tpu.vector_load %arg16[%get3A_725, %get3A_726] {strides = array<i32>} : memref<128x128xf32, #tpu.memory_space<vmem>>, vector<16xf32>,
        %mul3A_728 = vector.broadcast %squeeze3A_722 : f32 to vector<16xf32>
        %mul3A_729 = arith.mulf %get3A_727, %mul3A_728 : vector<16xf32>
        %add3A_730 = arith.constant 6 : i32
        %add3A_731 = arith.addi %mul3A_135, %add3A_730 : i32
        %swap3A_732 = arith.index_cast %add3A_731 : i32 to index
        %swap3A_733 = arith.constant 0 : index
        %swap3A_734 = tpu.vector_load %arg16[%swap3A_732, %swap3A_733] {strides = array<i32>} : memref<128x128xf32, #tpu.memory_space<vmem>>, vector<16xf32>,
        tpu.vector_store %arg16[%swap3A_732, %swap3A_733], %mul3A_729 {strides = array<i32>} : memref<128x128xf32, #tpu.memory_space<vmem>>, vector<16xf32>,
        %add3A_735 = arith.constant 6 : i32
        %add3A_736 = arith.addi %mul3A_135, %add3A_735 : i32
        %get3A_737 = arith.index_cast %add3A_736 : i32 to index
        %get3A_738 = arith.constant 16 : index
        %get3A_739 = tpu.vector_load %arg16[%get3A_737, %get3A_738] {strides = array<i32>} : memref<128x128xf32, #tpu.memory_space<vmem>>, vector<16xf32>,
        %mul3A_740 = vector.broadcast %squeeze3A_722 : f32 to vector<16xf32>
        %mul3A_741 = arith.mulf %get3A_739, %mul3A_740 : vector<16xf32>
        %add3A_742 = arith.constant 6 : i32
        %add3A_743 = arith.addi %mul3A_135, %add3A_742 : i32
        %swap3A_744 = arith.index_cast %add3A_743 : i32 to index
        %swap3A_745 = arith.constant 16 : index
        %swap3A_746 = tpu.vector_load %arg16[%swap3A_744, %swap3A_745] {strides = array<i32>} : memref<128x128xf32, #tpu.memory_space<vmem>>, vector<16xf32>,
        tpu.vector_store %arg16[%swap3A_744, %swap3A_745], %mul3A_741 {strides = array<i32>} : memref<128x128xf32, #tpu.memory_space<vmem>>, vector<16xf32>,
        %add3A_747 = arith.constant 6 : i32
        %add3A_748 = arith.addi %mul3A_135, %add3A_747 : i32
        %get3A_749 = arith.index_cast %add3A_748 : i32 to index
        %get3A_750 = arith.constant 32 : index
        %get3A_751 = tpu.vector_load %arg16[%get3A_749, %get3A_750] {strides = array<i32>} : memref<128x128xf32, #tpu.memory_space<vmem>>, vector<16xf32>,
        %mul3A_752 = vector.broadcast %squeeze3A_722 : f32 to vector<16xf32>
        %mul3A_753 = arith.mulf %get3A_751, %mul3A_752 : vector<16xf32>
        %add3A_754 = arith.constant 6 : i32
        %add3A_755 = arith.addi %mul3A_135, %add3A_754 : i32
        %swap3A_756 = arith.index_cast %add3A_755 : i32 to index
        %swap3A_757 = arith.constant 32 : index
        %swap3A_758 = tpu.vector_load %arg16[%swap3A_756, %swap3A_757] {strides = array<i32>} : memref<128x128xf32, #tpu.memory_space<vmem>>, vector<16xf32>,
        tpu.vector_store %arg16[%swap3A_756, %swap3A_757], %mul3A_753 {strides = array<i32>} : memref<128x128xf32, #tpu.memory_space<vmem>>, vector<16xf32>,
        %add3A_759 = arith.constant 6 : i32
        %add3A_760 = arith.addi %mul3A_135, %add3A_759 : i32
        %get3A_761 = arith.index_cast %add3A_760 : i32 to index
        %get3A_762 = arith.constant 48 : index
        %get3A_763 = tpu.vector_load %arg16[%get3A_761, %get3A_762] {strides = array<i32>} : memref<128x128xf32, #tpu.memory_space<vmem>>, vector<16xf32>,
        %mul3A_764 = vector.broadcast %squeeze3A_722 : f32 to vector<16xf32>
        %mul3A_765 = arith.mulf %get3A_763, %mul3A_764 : vector<16xf32>
        %add3A_766 = arith.constant 6 : i32
        %add3A_767 = arith.addi %mul3A_135, %add3A_766 : i32
        %swap3A_768 = arith.index_cast %add3A_767 : i32 to index
        %swap3A_769 = arith.constant 48 : index
        %swap3A_770 = tpu.vector_load %arg16[%swap3A_768, %swap3A_769] {strides = array<i32>} : memref<128x128xf32, #tpu.memory_space<vmem>>, vector<16xf32>,
        tpu.vector_store %arg16[%swap3A_768, %swap3A_769], %mul3A_765 {strides = array<i32>} : memref<128x128xf32, #tpu.memory_space<vmem>>, vector<16xf32>,
        %add3A_771 = arith.constant 6 : i32
        %add3A_772 = arith.addi %mul3A_135, %add3A_771 : i32
        %get3A_773 = arith.index_cast %add3A_772 : i32 to index
        %get3A_774 = arith.constant 64 : index
        %get3A_775 = tpu.vector_load %arg16[%get3A_773, %get3A_774] {strides = array<i32>} : memref<128x128xf32, #tpu.memory_space<vmem>>, vector<16xf32>,
        %mul3A_776 = vector.broadcast %squeeze3A_722 : f32 to vector<16xf32>
        %mul3A_777 = arith.mulf %get3A_775, %mul3A_776 : vector<16xf32>
        %add3A_778 = arith.constant 6 : i32
        %add3A_779 = arith.addi %mul3A_135, %add3A_778 : i32
        %swap3A_780 = arith.index_cast %add3A_779 : i32 to index
        %swap3A_781 = arith.constant 64 : index
        %swap3A_782 = tpu.vector_load %arg16[%swap3A_780, %swap3A_781] {strides = array<i32>} : memref<128x128xf32, #tpu.memory_space<vmem>>, vector<16xf32>,
        tpu.vector_store %arg16[%swap3A_780, %swap3A_781], %mul3A_777 {strides = array<i32>} : memref<128x128xf32, #tpu.memory_space<vmem>>, vector<16xf32>,
        %add3A_783 = arith.constant 6 : i32
        %add3A_784 = arith.addi %mul3A_135, %add3A_783 : i32
        %get3A_785 = arith.index_cast %add3A_784 : i32 to index
        %get3A_786 = arith.constant 80 : index
        %get3A_787 = tpu.vector_load %arg16[%get3A_785, %get3A_786] {strides = array<i32>} : memref<128x128xf32, #tpu.memory_space<vmem>>, vector<16xf32>,
        %mul3A_788 = vector.broadcast %squeeze3A_722 : f32 to vector<16xf32>
        %mul3A_789 = arith.mulf %get3A_787, %mul3A_788 : vector<16xf32>
        %add3A_790 = arith.constant 6 : i32
        %add3A_791 = arith.addi %mul3A_135, %add3A_790 : i32
        %swap3A_792 = arith.index_cast %add3A_791 : i32 to index
        %swap3A_793 = arith.constant 80 : index
        %swap3A_794 = tpu.vector_load %arg16[%swap3A_792, %swap3A_793] {strides = array<i32>} : memref<128x128xf32, #tpu.memory_space<vmem>>, vector<16xf32>,
        tpu.vector_store %arg16[%swap3A_792, %swap3A_793], %mul3A_789 {strides = array<i32>} : memref<128x128xf32, #tpu.memory_space<vmem>>, vector<16xf32>,
        %add3A_795 = arith.constant 6 : i32
        %add3A_796 = arith.addi %mul3A_135, %add3A_795 : i32
        %get3A_797 = arith.index_cast %add3A_796 : i32 to index
        %get3A_798 = arith.constant 96 : index
        %get3A_799 = tpu.vector_load %arg16[%get3A_797, %get3A_798] {strides = array<i32>} : memref<128x128xf32, #tpu.memory_space<vmem>>, vector<16xf32>,
        %mul3A_800 = vector.broadcast %squeeze3A_722 : f32 to vector<16xf32>
        %mul3A_801 = arith.mulf %get3A_799, %mul3A_800 : vector<16xf32>
        %add3A_802 = arith.constant 6 : i32
        %add3A_803 = arith.addi %mul3A_135, %add3A_802 : i32
        %swap3A_804 = arith.index_cast %add3A_803 : i32 to index
        %swap3A_805 = arith.constant 96 : index
        %swap3A_806 = tpu.vector_load %arg16[%swap3A_804, %swap3A_805] {strides = array<i32>} : memref<128x128xf32, #tpu.memory_space<vmem>>, vector<16xf32>,
        tpu.vector_store %arg16[%swap3A_804, %swap3A_805], %mul3A_801 {strides = array<i32>} : memref<128x128xf32, #tpu.memory_space<vmem>>, vector<16xf32>,
        %add3A_807 = arith.constant 6 : i32
        %add3A_808 = arith.addi %mul3A_135, %add3A_807 : i32
        %get3A_809 = arith.index_cast %add3A_808 : i32 to index
        %get3A_810 = arith.constant 112 : index
        %get3A_811 = tpu.vector_load %arg16[%get3A_809, %get3A_810] {strides = array<i32>} : memref<128x128xf32, #tpu.memory_space<vmem>>, vector<16xf32>,
        %mul3A_812 = vector.broadcast %squeeze3A_722 : f32 to vector<16xf32>
        %mul3A_813 = arith.mulf %get3A_811, %mul3A_812 : vector<16xf32>
        %add3A_814 = arith.constant 6 : i32
        %add3A_815 = arith.addi %mul3A_135, %add3A_814 : i32
        %swap3A_816 = arith.index_cast %add3A_815 : i32 to index
        %swap3A_817 = arith.constant 112 : index
        %swap3A_818 = tpu.vector_load %arg16[%swap3A_816, %swap3A_817] {strides = array<i32>} : memref<128x128xf32, #tpu.memory_space<vmem>>, vector<16xf32>,
        tpu.vector_store %arg16[%swap3A_816, %swap3A_817], %mul3A_813 {strides = array<i32>} : memref<128x128xf32, #tpu.memory_space<vmem>>, vector<16xf32>,
        %slice3A_819 = vector.extract_strided_slice %get3A_133 {offsets = [7], sizes = [1], strides = [1]} : vector<16xf32> to vector<1xf32>
        %squeeze3A_820 = vector.extract %slice3A_819[0] : f32 from vector<1xf32>
        %add3A_821 = arith.constant 7 : i32
        %add3A_822 = arith.addi %mul3A_135, %add3A_821 : i32
        %get3A_823 = arith.index_cast %add3A_822 : i32 to index
        %get3A_824 = arith.constant 0 : index
        %get3A_825 = tpu.vector_load %arg16[%get3A_823, %get3A_824] {strides = array<i32>} : memref<128x128xf32, #tpu.memory_space<vmem>>, vector<16xf32>,
        %mul3A_826 = vector.broadcast %squeeze3A_820 : f32 to vector<16xf32>
        %mul3A_827 = arith.mulf %get3A_825, %mul3A_826 : vector<16xf32>
        %add3A_828 = arith.constant 7 : i32
        %add3A_829 = arith.addi %mul3A_135, %add3A_828 : i32
        %swap3A_830 = arith.index_cast %add3A_829 : i32 to index
        %swap3A_831 = arith.constant 0 : index
        %swap3A_832 = tpu.vector_load %arg16[%swap3A_830, %swap3A_831] {strides = array<i32>} : memref<128x128xf32, #tpu.memory_space<vmem>>, vector<16xf32>,
        tpu.vector_store %arg16[%swap3A_830, %swap3A_831], %mul3A_827 {strides = array<i32>} : memref<128x128xf32, #tpu.memory_space<vmem>>, vector<16xf32>,
        %add3A_833 = arith.constant 7 : i32
        %add3A_834 = arith.addi %mul3A_135, %add3A_833 : i32
        %get3A_835 = arith.index_cast %add3A_834 : i32 to index
        %get3A_836 = arith.constant 16 : index
        %get3A_837 = tpu.vector_load %arg16[%get3A_835, %get3A_836] {strides = array<i32>} : memref<128x128xf32, #tpu.memory_space<vmem>>, vector<16xf32>,
        %mul3A_838 = vector.broadcast %squeeze3A_820 : f32 to vector<16xf32>
        %mul3A_839 = arith.mulf %get3A_837, %mul3A_838 : vector<16xf32>
        %add3A_840 = arith.constant 7 : i32
        %add3A_841 = arith.addi %mul3A_135, %add3A_840 : i32
        %swap3A_842 = arith.index_cast %add3A_841 : i32 to index
        %swap3A_843 = arith.constant 16 : index
        %swap3A_844 = tpu.vector_load %arg16[%swap3A_842, %swap3A_843] {strides = array<i32>} : memref<128x128xf32, #tpu.memory_space<vmem>>, vector<16xf32>,
        tpu.vector_store %arg16[%swap3A_842, %swap3A_843], %mul3A_839 {strides = array<i32>} : memref<128x128xf32, #tpu.memory_space<vmem>>, vector<16xf32>,
        %add3A_845 = arith.constant 7 : i32
        %add3A_846 = arith.addi %mul3A_135, %add3A_845 : i32
        %get3A_847 = arith.index_cast %add3A_846 : i32 to index
        %get3A_848 = arith.constant 32 : index
        %get3A_849 = tpu.vector_load %arg16[%get3A_847, %get3A_848] {strides = array<i32>} : memref<128x128xf32, #tpu.memory_space<vmem>>, vector<16xf32>,
        %mul3A_850 = vector.broadcast %squeeze3A_820 : f32 to vector<16xf32>
        %mul3A_851 = arith.mulf %get3A_849, %mul3A_850 : vector<16xf32>
        %add3A_852 = arith.constant 7 : i32
        %add3A_853 = arith.addi %mul3A_135, %add3A_852 : i32
        %swap3A_854 = arith.index_cast %add3A_853 : i32 to index
        %swap3A_855 = arith.constant 32 : index
        %swap3A_856 = tpu.vector_load %arg16[%swap3A_854, %swap3A_855] {strides = array<i32>} : memref<128x128xf32, #tpu.memory_space<vmem>>, vector<16xf32>,
        tpu.vector_store %arg16[%swap3A_854, %swap3A_855], %mul3A_851 {strides = array<i32>} : memref<128x128xf32, #tpu.memory_space<vmem>>, vector<16xf32>,
        %add3A_857 = arith.constant 7 : i32
        %add3A_858 = arith.addi %mul3A_135, %add3A_857 : i32
        %get3A_859 = arith.index_cast %add3A_858 : i32 to index
        %get3A_860 = arith.constant 48 : index
        %get3A_861 = tpu.vector_load %arg16[%get3A_859, %get3A_860] {strides = array<i32>} : memref<128x128xf32, #tpu.memory_space<vmem>>, vector<16xf32>,
        %mul3A_862 = vector.broadcast %squeeze3A_820 : f32 to vector<16xf32>
        %mul3A_863 = arith.mulf %get3A_861, %mul3A_862 : vector<16xf32>
        %add3A_864 = arith.constant 7 : i32
        %add3A_865 = arith.addi %mul3A_135, %add3A_864 : i32
        %swap3A_866 = arith.index_cast %add3A_865 : i32 to index
        %swap3A_867 = arith.constant 48 : index
        %swap3A_868 = tpu.vector_load %arg16[%swap3A_866, %swap3A_867] {strides = array<i32>} : memref<128x128xf32, #tpu.memory_space<vmem>>, vector<16xf32>,
        tpu.vector_store %arg16[%swap3A_866, %swap3A_867], %mul3A_863 {strides = array<i32>} : memref<128x128xf32, #tpu.memory_space<vmem>>, vector<16xf32>,
        %add3A_869 = arith.constant 7 : i32
        %add3A_870 = arith.addi %mul3A_135, %add3A_869 : i32
        %get3A_871 = arith.index_cast %add3A_870 : i32 to index
        %get3A_872 = arith.constant 64 : index
        %get3A_873 = tpu.vector_load %arg16[%get3A_871, %get3A_872] {strides = array<i32>} : memref<128x128xf32, #tpu.memory_space<vmem>>, vector<16xf32>,
        %mul3A_874 = vector.broadcast %squeeze3A_820 : f32 to vector<16xf32>
        %mul3A_875 = arith.mulf %get3A_873, %mul3A_874 : vector<16xf32>
        %add3A_876 = arith.constant 7 : i32
        %add3A_877 = arith.addi %mul3A_135, %add3A_876 : i32
        %swap3A_878 = arith.index_cast %add3A_877 : i32 to index
        %swap3A_879 = arith.constant 64 : index
        %swap3A_880 = tpu.vector_load %arg16[%swap3A_878, %swap3A_879] {strides = array<i32>} : memref<128x128xf32, #tpu.memory_space<vmem>>, vector<16xf32>,
        tpu.vector_store %arg16[%swap3A_878, %swap3A_879], %mul3A_875 {strides = array<i32>} : memref<128x128xf32, #tpu.memory_space<vmem>>, vector<16xf32>,
        %add3A_881 = arith.constant 7 : i32
        %add3A_882 = arith.addi %mul3A_135, %add3A_881 : i32
        %get3A_883 = arith.index_cast %add3A_882 : i32 to index
        %get3A_884 = arith.constant 80 : index
        %get3A_885 = tpu.vector_load %arg16[%get3A_883, %get3A_884] {strides = array<i32>} : memref<128x128xf32, #tpu.memory_space<vmem>>, vector<16xf32>,
        %mul3A_886 = vector.broadcast %squeeze3A_820 : f32 to vector<16xf32>
        %mul3A_887 = arith.mulf %get3A_885, %mul3A_886 : vector<16xf32>
        %add3A_888 = arith.constant 7 : i32
        %add3A_889 = arith.addi %mul3A_135, %add3A_888 : i32
        %swap3A_890 = arith.index_cast %add3A_889 : i32 to index
        %swap3A_891 = arith.constant 80 : index
        %swap3A_892 = tpu.vector_load %arg16[%swap3A_890, %swap3A_891] {strides = array<i32>} : memref<128x128xf32, #tpu.memory_space<vmem>>, vector<16xf32>,
        tpu.vector_store %arg16[%swap3A_890, %swap3A_891], %mul3A_887 {strides = array<i32>} : memref<128x128xf32, #tpu.memory_space<vmem>>, vector<16xf32>,
        %add3A_893 = arith.constant 7 : i32
        %add3A_894 = arith.addi %mul3A_135, %add3A_893 : i32
        %get3A_895 = arith.index_cast %add3A_894 : i32 to index
        %get3A_896 = arith.constant 96 : index
        %get3A_897 = tpu.vector_load %arg16[%get3A_895, %get3A_896] {strides = array<i32>} : memref<128x128xf32, #tpu.memory_space<vmem>>, vector<16xf32>,
        %mul3A_898 = vector.broadcast %squeeze3A_820 : f32 to vector<16xf32>
        %mul3A_899 = arith.mulf %get3A_897, %mul3A_898 : vector<16xf32>
        %add3A_900 = arith.constant 7 : i32
        %add3A_901 = arith.addi %mul3A_135, %add3A_900 : i32
        %swap3A_902 = arith.index_cast %add3A_901 : i32 to index
        %swap3A_903 = arith.constant 96 : index
        %swap3A_904 = tpu.vector_load %arg16[%swap3A_902, %swap3A_903] {strides = array<i32>} : memref<128x128xf32, #tpu.memory_space<vmem>>, vector<16xf32>,
        tpu.vector_store %arg16[%swap3A_902, %swap3A_903], %mul3A_899 {strides = array<i32>} : memref<128x128xf32, #tpu.memory_space<vmem>>, vector<16xf32>,
        %add3A_905 = arith.constant 7 : i32
        %add3A_906 = arith.addi %mul3A_135, %add3A_905 : i32
        %get3A_907 = arith.index_cast %add3A_906 : i32 to index
        %get3A_908 = arith.constant 112 : index
        %get3A_909 = tpu.vector_load %arg16[%get3A_907, %get3A_908] {strides = array<i32>} : memref<128x128xf32, #tpu.memory_space<vmem>>, vector<16xf32>,
        %mul3A_910 = vector.broadcast %squeeze3A_820 : f32 to vector<16xf32>
        %mul3A_911 = arith.mulf %get3A_909, %mul3A_910 : vector<16xf32>
        %add3A_912 = arith.constant 7 : i32
        %add3A_913 = arith.addi %mul3A_135, %add3A_912 : i32
        %swap3A_914 = arith.index_cast %add3A_913 : i32 to index
        %swap3A_915 = arith.constant 112 : index
        %swap3A_916 = tpu.vector_load %arg16[%swap3A_914, %swap3A_915] {strides = array<i32>} : memref<128x128xf32, #tpu.memory_space<vmem>>, vector<16xf32>,
        tpu.vector_store %arg16[%swap3A_914, %swap3A_915], %mul3A_911 {strides = array<i32>} : memref<128x128xf32, #tpu.memory_space<vmem>>, vector<16xf32>,
        %slice3A_917 = vector.extract_strided_slice %get3A_133 {offsets = [8], sizes = [1], strides = [1]} : vector<16xf32> to vector<1xf32>
        %squeeze3A_918 = vector.extract %slice3A_917[0] : f32 from vector<1xf32>
        %add3A_919 = arith.constant 8 : i32
        %add3A_920 = arith.addi %mul3A_135, %add3A_919 : i32
        %get3A_921 = arith.index_cast %add3A_920 : i32 to index
        %get3A_922 = arith.constant 0 : index
        %get3A_923 = tpu.vector_load %arg16[%get3A_921, %get3A_922] {strides = array<i32>} : memref<128x128xf32, #tpu.memory_space<vmem>>, vector<16xf32>,
        %mul3A_924 = vector.broadcast %squeeze3A_918 : f32 to vector<16xf32>
        %mul3A_925 = arith.mulf %get3A_923, %mul3A_924 : vector<16xf32>
        %add3A_926 = arith.constant 8 : i32
        %add3A_927 = arith.addi %mul3A_135, %add3A_926 : i32
        %swap3A_928 = arith.index_cast %add3A_927 : i32 to index
        %swap3A_929 = arith.constant 0 : index
        %swap3A_930 = tpu.vector_load %arg16[%swap3A_928, %swap3A_929] {strides = array<i32>} : memref<128x128xf32, #tpu.memory_space<vmem>>, vector<16xf32>,
        tpu.vector_store %arg16[%swap3A_928, %swap3A_929], %mul3A_925 {strides = array<i32>} : memref<128x128xf32, #tpu.memory_space<vmem>>, vector<16xf32>,
        %add3A_931 = arith.constant 8 : i32
        %add3A_932 = arith.addi %mul3A_135, %add3A_931 : i32
        %get3A_933 = arith.index_cast %add3A_932 : i32 to index
        %get3A_934 = arith.constant 16 : index
        %get3A_935 = tpu.vector_load %arg16[%get3A_933, %get3A_934] {strides = array<i32>} : memref<128x128xf32, #tpu.memory_space<vmem>>, vector<16xf32>,
        %mul3A_936 = vector.broadcast %squeeze3A_918 : f32 to vector<16xf32>
        %mul3A_937 = arith.mulf %get3A_935, %mul3A_936 : vector<16xf32>
        %add3A_938 = arith.constant 8 : i32
        %add3A_939 = arith.addi %mul3A_135, %add3A_938 : i32
        %swap3A_940 = arith.index_cast %add3A_939 : i32 to index
        %swap3A_941 = arith.constant 16 : index
        %swap3A_942 = tpu.vector_load %arg16[%swap3A_940, %swap3A_941] {strides = array<i32>} : memref<128x128xf32, #tpu.memory_space<vmem>>, vector<16xf32>,
        tpu.vector_store %arg16[%swap3A_940, %swap3A_941], %mul3A_937 {strides = array<i32>} : memref<128x128xf32, #tpu.memory_space<vmem>>, vector<16xf32>,
        %add3A_943 = arith.constant 8 : i32
        %add3A_944 = arith.addi %mul3A_135, %add3A_943 : i32
        %get3A_945 = arith.index_cast %add3A_944 : i32 to index
        %get3A_946 = arith.constant 32 : index
        %get3A_947 = tpu.vector_load %arg16[%get3A_945, %get3A_946] {strides = array<i32>} : memref<128x128xf32, #tpu.memory_space<vmem>>, vector<16xf32>,
        %mul3A_948 = vector.broadcast %squeeze3A_918 : f32 to vector<16xf32>
        %mul3A_949 = arith.mulf %get3A_947, %mul3A_948 : vector<16xf32>
        %add3A_950 = arith.constant 8 : i32
        %add3A_951 = arith.addi %mul3A_135, %add3A_950 : i32
        %swap3A_952 = arith.index_cast %add3A_951 : i32 to index
        %swap3A_953 = arith.constant 32 : index
        %swap3A_954 = tpu.vector_load %arg16[%swap3A_952, %swap3A_953] {strides = array<i32>} : memref<128x128xf32, #tpu.memory_space<vmem>>, vector<16xf32>,
        tpu.vector_store %arg16[%swap3A_952, %swap3A_953], %mul3A_949 {strides = array<i32>} : memref<128x128xf32, #tpu.memory_space<vmem>>, vector<16xf32>,
        %add3A_955 = arith.constant 8 : i32
        %add3A_956 = arith.addi %mul3A_135, %add3A_955 : i32
        %get3A_957 = arith.index_cast %add3A_956 : i32 to index
        %get3A_958 = arith.constant 48 : index
        %get3A_959 = tpu.vector_load %arg16[%get3A_957, %get3A_958] {strides = array<i32>} : memref<128x128xf32, #tpu.memory_space<vmem>>, vector<16xf32>,
        %mul3A_960 = vector.broadcast %squeeze3A_918 : f32 to vector<16xf32>
        %mul3A_961 = arith.mulf %get3A_959, %mul3A_960 : vector<16xf32>
        %add3A_962 = arith.constant 8 : i32
        %add3A_963 = arith.addi %mul3A_135, %add3A_962 : i32
        %swap3A_964 = arith.index_cast %add3A_963 : i32 to index
        %swap3A_965 = arith.constant 48 : index
        %swap3A_966 = tpu.vector_load %arg16[%swap3A_964, %swap3A_965] {strides = array<i32>} : memref<128x128xf32, #tpu.memory_space<vmem>>, vector<16xf32>,
        tpu.vector_store %arg16[%swap3A_964, %swap3A_965], %mul3A_961 {strides = array<i32>} : memref<128x128xf32, #tpu.memory_space<vmem>>, vector<16xf32>,
        %add3A_967 = arith.constant 8 : i32
        %add3A_968 = arith.addi %mul3A_135, %add3A_967 : i32
        %get3A_969 = arith.index_cast %add3A_968 : i32 to index
        %get3A_970 = arith.constant 64 : index
        %get3A_971 = tpu.vector_load %arg16[%get3A_969, %get3A_970] {strides = array<i32>} : memref<128x128xf32, #tpu.memory_space<vmem>>, vector<16xf32>,
        %mul3A_972 = vector.broadcast %squeeze3A_918 : f32 to vector<16xf32>
        %mul3A_973 = arith.mulf %get3A_971, %mul3A_972 : vector<16xf32>
        %add3A_974 = arith.constant 8 : i32
        %add3A_975 = arith.addi %mul3A_135, %add3A_974 : i32
        %swap3A_976 = arith.index_cast %add3A_975 : i32 to index
        %swap3A_977 = arith.constant 64 : index
        %swap3A_978 = tpu.vector_load %arg16[%swap3A_976, %swap3A_977] {strides = array<i32>} : memref<128x128xf32, #tpu.memory_space<vmem>>, vector<16xf32>,
        tpu.vector_store %arg16[%swap3A_976, %swap3A_977], %mul3A_973 {strides = array<i32>} : memref<128x128xf32, #tpu.memory_space<vmem>>, vector<16xf32>,
        %add3A_979 = arith.constant 8 : i32
        %add3A_980 = arith.addi %mul3A_135, %add3A_979 : i32
        %get3A_981 = arith.index_cast %add3A_980 : i32 to index
        %get3A_982 = arith.constant 80 : index
        %get3A_983 = tpu.vector_load %arg16[%get3A_981, %get3A_982] {strides = array<i32>} : memref<128x128xf32, #tpu.memory_space<vmem>>, vector<16xf32>,
        %mul3A_984 = vector.broadcast %squeeze3A_918 : f32 to vector<16xf32>
        %mul3A_985 = arith.mulf %get3A_983, %mul3A_984 : vector<16xf32>
        %add3A_986 = arith.constant 8 : i32
        %add3A_987 = arith.addi %mul3A_135, %add3A_986 : i32
        %swap3A_988 = arith.index_cast %add3A_987 : i32 to index
        %swap3A_989 = arith.constant 80 : index
        %swap3A_990 = tpu.vector_load %arg16[%swap3A_988, %swap3A_989] {strides = array<i32>} : memref<128x128xf32, #tpu.memory_space<vmem>>, vector<16xf32>,
        tpu.vector_store %arg16[%swap3A_988, %swap3A_989], %mul3A_985 {strides = array<i32>} : memref<128x128xf32, #tpu.memory_space<vmem>>, vector<16xf32>,
        %add3A_991 = arith.constant 8 : i32
        %add3A_992 = arith.addi %mul3A_135, %add3A_991 : i32
        %get3A_993 = arith.index_cast %add3A_992 : i32 to index
        %get3A_994 = arith.constant 96 : index
        %get3A_995 = tpu.vector_load %arg16[%get3A_993, %get3A_994] {strides = array<i32>} : memref<128x128xf32, #tpu.memory_space<vmem>>, vector<16xf32>,
        %mul3A_996 = vector.broadcast %squeeze3A_918 : f32 to vector<16xf32>
        %mul3A_997 = arith.mulf %get3A_995, %mul3A_996 : vector<16xf32>
        %add3A_998 = arith.constant 8 : i32
        %add3A_999 = arith.addi %mul3A_135, %add3A_998 : i32
        %swap3A_1000 = arith.index_cast %add3A_999 : i32 to index
        %swap3A_1001 = arith.constant 96 : index
        %swap3A_1002 = tpu.vector_load %arg16[%swap3A_1000, %swap3A_1001] {strides = array<i32>} : memref<128x128xf32, #tpu.memory_space<vmem>>, vector<16xf32>,
        tpu.vector_store %arg16[%swap3A_1000, %swap3A_1001], %mul3A_997 {strides = array<i32>} : memref<128x128xf32, #tpu.memory_space<vmem>>, vector<16xf32>,
        %add3A_1003 = arith.constant 8 : i32
        %add3A_1004 = arith.addi %mul3A_135, %add3A_1003 : i32
        %get3A_1005 = arith.index_cast %add3A_1004 : i32 to index
        %get3A_1006 = arith.constant 112 : index
        %get3A_1007 = tpu.vector_load %arg16[%get3A_1005, %get3A_1006] {strides = array<i32>} : memref<128x128xf32, #tpu.memory_space<vmem>>, vector<16xf32>,
        %mul3A_1008 = vector.broadcast %squeeze3A_918 : f32 to vector<16xf32>
        %mul3A_1009 = arith.mulf %get3A_1007, %mul3A_1008 : vector<16xf32>
        %add3A_1010 = arith.constant 8 : i32
        %add3A_1011 = arith.addi %mul3A_135, %add3A_1010 : i32
        %swap3A_1012 = arith.index_cast %add3A_1011 : i32 to index
        %swap3A_1013 = arith.constant 112 : index
        %swap3A_1014 = tpu.vector_load %arg16[%swap3A_1012, %swap3A_1013] {strides = array<i32>} : memref<128x128xf32, #tpu.memory_space<vmem>>, vector<16xf32>,
        tpu.vector_store %arg16[%swap3A_1012, %swap3A_1013], %mul3A_1009 {strides = array<i32>} : memref<128x128xf32, #tpu.memory_space<vmem>>, vector<16xf32>,
        %slice3A_1015 = vector.extract_strided_slice %get3A_133 {offsets = [9], sizes = [1], strides = [1]} : vector<16xf32> to vector<1xf32>
        %squeeze3A_1016 = vector.extract %slice3A_1015[0] : f32 from vector<1xf32>
        %add3A_1017 = arith.constant 9 : i32
        %add3A_1018 = arith.addi %mul3A_135, %add3A_1017 : i32
        %get3A_1019 = arith.index_cast %add3A_1018 : i32 to index
        %get3A_1020 = arith.constant 0 : index
        %get3A_1021 = tpu.vector_load %arg16[%get3A_1019, %get3A_1020] {strides = array<i32>} : memref<128x128xf32, #tpu.memory_space<vmem>>, vector<16xf32>,
        %mul3A_1022 = vector.broadcast %squeeze3A_1016 : f32 to vector<16xf32>
        %mul3A_1023 = arith.mulf %get3A_1021, %mul3A_1022 : vector<16xf32>
        %add3A_1024 = arith.constant 9 : i32
        %add3A_1025 = arith.addi %mul3A_135, %add3A_1024 : i32
        %swap3A_1026 = arith.index_cast %add3A_1025 : i32 to index
        %swap3A_1027 = arith.constant 0 : index
        %swap3A_1028 = tpu.vector_load %arg16[%swap3A_1026, %swap3A_1027] {strides = array<i32>} : memref<128x128xf32, #tpu.memory_space<vmem>>, vector<16xf32>,
        tpu.vector_store %arg16[%swap3A_1026, %swap3A_1027], %mul3A_1023 {strides = array<i32>} : memref<128x128xf32, #tpu.memory_space<vmem>>, vector<16xf32>,
        %add3A_1029 = arith.constant 9 : i32
        %add3A_1030 = arith.addi %mul3A_135, %add3A_1029 : i32
        %get3A_1031 = arith.index_cast %add3A_1030 : i32 to index
        %get3A_1032 = arith.constant 16 : index
        %get3A_1033 = tpu.vector_load %arg16[%get3A_1031, %get3A_1032] {strides = array<i32>} : memref<128x128xf32, #tpu.memory_space<vmem>>, vector<16xf32>,
        %mul3A_1034 = vector.broadcast %squeeze3A_1016 : f32 to vector<16xf32>
        %mul3A_1035 = arith.mulf %get3A_1033, %mul3A_1034 : vector<16xf32>
        %add3A_1036 = arith.constant 9 : i32
        %add3A_1037 = arith.addi %mul3A_135, %add3A_1036 : i32
        %swap3A_1038 = arith.index_cast %add3A_1037 : i32 to index
        %swap3A_1039 = arith.constant 16 : index
        %swap3A_1040 = tpu.vector_load %arg16[%swap3A_1038, %swap3A_1039] {strides = array<i32>} : memref<128x128xf32, #tpu.memory_space<vmem>>, vector<16xf32>,
        tpu.vector_store %arg16[%swap3A_1038, %swap3A_1039], %mul3A_1035 {strides = array<i32>} : memref<128x128xf32, #tpu.memory_space<vmem>>, vector<16xf32>,
        %add3A_1041 = arith.constant 9 : i32
        %add3A_1042 = arith.addi %mul3A_135, %add3A_1041 : i32
        %get3A_1043 = arith.index_cast %add3A_1042 : i32 to index
        %get3A_1044 = arith.constant 32 : index
        %get3A_1045 = tpu.vector_load %arg16[%get3A_1043, %get3A_1044] {strides = array<i32>} : memref<128x128xf32, #tpu.memory_space<vmem>>, vector<16xf32>,
        %mul3A_1046 = vector.broadcast %squeeze3A_1016 : f32 to vector<16xf32>
        %mul3A_1047 = arith.mulf %get3A_1045, %mul3A_1046 : vector<16xf32>
        %add3A_1048 = arith.constant 9 : i32
        %add3A_1049 = arith.addi %mul3A_135, %add3A_1048 : i32
        %swap3A_1050 = arith.index_cast %add3A_1049 : i32 to index
        %swap3A_1051 = arith.constant 32 : index
        %swap3A_1052 = tpu.vector_load %arg16[%swap3A_1050, %swap3A_1051] {strides = array<i32>} : memref<128x128xf32, #tpu.memory_space<vmem>>, vector<16xf32>,
        tpu.vector_store %arg16[%swap3A_1050, %swap3A_1051], %mul3A_1047 {strides = array<i32>} : memref<128x128xf32, #tpu.memory_space<vmem>>, vector<16xf32>,
        %add3A_1053 = arith.constant 9 : i32
        %add3A_1054 = arith.addi %mul3A_135, %add3A_1053 : i32
        %get3A_1055 = arith.index_cast %add3A_1054 : i32 to index
        %get3A_1056 = arith.constant 48 : index
        %get3A_1057 = tpu.vector_load %arg16[%get3A_1055, %get3A_1056] {strides = array<i32>} : memref<128x128xf32, #tpu.memory_space<vmem>>, vector<16xf32>,
        %mul3A_1058 = vector.broadcast %squeeze3A_1016 : f32 to vector<16xf32>
        %mul3A_1059 = arith.mulf %get3A_1057, %mul3A_1058 : vector<16xf32>
        %add3A_1060 = arith.constant 9 : i32
        %add3A_1061 = arith.addi %mul3A_135, %add3A_1060 : i32
        %swap3A_1062 = arith.index_cast %add3A_1061 : i32 to index
        %swap3A_1063 = arith.constant 48 : index
        %swap3A_1064 = tpu.vector_load %arg16[%swap3A_1062, %swap3A_1063] {strides = array<i32>} : memref<128x128xf32, #tpu.memory_space<vmem>>, vector<16xf32>,
        tpu.vector_store %arg16[%swap3A_1062, %swap3A_1063], %mul3A_1059 {strides = array<i32>} : memref<128x128xf32, #tpu.memory_space<vmem>>, vector<16xf32>,
        %add3A_1065 = arith.constant 9 : i32
        %add3A_1066 = arith.addi %mul3A_135, %add3A_1065 : i32
        %get3A_1067 = arith.index_cast %add3A_1066 : i32 to index
        %get3A_1068 = arith.constant 64 : index
        %get3A_1069 = tpu.vector_load %arg16[%get3A_1067, %get3A_1068] {strides = array<i32>} : memref<128x128xf32, #tpu.memory_space<vmem>>, vector<16xf32>,
        %mul3A_1070 = vector.broadcast %squeeze3A_1016 : f32 to vector<16xf32>
        %mul3A_1071 = arith.mulf %get3A_1069, %mul3A_1070 : vector<16xf32>
        %add3A_1072 = arith.constant 9 : i32
        %add3A_1073 = arith.addi %mul3A_135, %add3A_1072 : i32
        %swap3A_1074 = arith.index_cast %add3A_1073 : i32 to index
        %swap3A_1075 = arith.constant 64 : index
        %swap3A_1076 = tpu.vector_load %arg16[%swap3A_1074, %swap3A_1075] {strides = array<i32>} : memref<128x128xf32, #tpu.memory_space<vmem>>, vector<16xf32>,
        tpu.vector_store %arg16[%swap3A_1074, %swap3A_1075], %mul3A_1071 {strides = array<i32>} : memref<128x128xf32, #tpu.memory_space<vmem>>, vector<16xf32>,
        %add3A_1077 = arith.constant 9 : i32
        %add3A_1078 = arith.addi %mul3A_135, %add3A_1077 : i32
        %get3A_1079 = arith.index_cast %add3A_1078 : i32 to index
        %get3A_1080 = arith.constant 80 : index
        %get3A_1081 = tpu.vector_load %arg16[%get3A_1079, %get3A_1080] {strides = array<i32>} : memref<128x128xf32, #tpu.memory_space<vmem>>, vector<16xf32>,
        %mul3A_1082 = vector.broadcast %squeeze3A_1016 : f32 to vector<16xf32>
        %mul3A_1083 = arith.mulf %get3A_1081, %mul3A_1082 : vector<16xf32>
        %add3A_1084 = arith.constant 9 : i32
        %add3A_1085 = arith.addi %mul3A_135, %add3A_1084 : i32
        %swap3A_1086 = arith.index_cast %add3A_1085 : i32 to index
        %swap3A_1087 = arith.constant 80 : index
        %swap3A_1088 = tpu.vector_load %arg16[%swap3A_1086, %swap3A_1087] {strides = array<i32>} : memref<128x128xf32, #tpu.memory_space<vmem>>, vector<16xf32>,
        tpu.vector_store %arg16[%swap3A_1086, %swap3A_1087], %mul3A_1083 {strides = array<i32>} : memref<128x128xf32, #tpu.memory_space<vmem>>, vector<16xf32>,
        %add3A_1089 = arith.constant 9 : i32
        %add3A_1090 = arith.addi %mul3A_135, %add3A_1089 : i32
        %get3A_1091 = arith.index_cast %add3A_1090 : i32 to index
        %get3A_1092 = arith.constant 96 : index
        %get3A_1093 = tpu.vector_load %arg16[%get3A_1091, %get3A_1092] {strides = array<i32>} : memref<128x128xf32, #tpu.memory_space<vmem>>, vector<16xf32>,
        %mul3A_1094 = vector.broadcast %squeeze3A_1016 : f32 to vector<16xf32>
        %mul3A_1095 = arith.mulf %get3A_1093, %mul3A_1094 : vector<16xf32>
        %add3A_1096 = arith.constant 9 : i32
        %add3A_1097 = arith.addi %mul3A_135, %add3A_1096 : i32
        %swap3A_1098 = arith.index_cast %add3A_1097 : i32 to index
        %swap3A_1099 = arith.constant 96 : index
        %swap3A_1100 = tpu.vector_load %arg16[%swap3A_1098, %swap3A_1099] {strides = array<i32>} : memref<128x128xf32, #tpu.memory_space<vmem>>, vector<16xf32>,
        tpu.vector_store %arg16[%swap3A_1098, %swap3A_1099], %mul3A_1095 {strides = array<i32>} : memref<128x128xf32, #tpu.memory_space<vmem>>, vector<16xf32>,
        %add3A_1101 = arith.constant 9 : i32
        %add3A_1102 = arith.addi %mul3A_135, %add3A_1101 : i32
        %get3A_1103 = arith.index_cast %add3A_1102 : i32 to index
        %get3A_1104 = arith.constant 112 : index
        %get3A_1105 = tpu.vector_load %arg16[%get3A_1103, %get3A_1104] {strides = array<i32>} : memref<128x128xf32, #tpu.memory_space<vmem>>, vector<16xf32>,
        %mul3A_1106 = vector.broadcast %squeeze3A_1016 : f32 to vector<16xf32>
        %mul3A_1107 = arith.mulf %get3A_1105, %mul3A_1106 : vector<16xf32>
        %add3A_1108 = arith.constant 9 : i32
        %add3A_1109 = arith.addi %mul3A_135, %add3A_1108 : i32
        %swap3A_1110 = arith.index_cast %add3A_1109 : i32 to index
        %swap3A_1111 = arith.constant 112 : index
        %swap3A_1112 = tpu.vector_load %arg16[%swap3A_1110, %swap3A_1111] {strides = array<i32>} : memref<128x128xf32, #tpu.memory_space<vmem>>, vector<16xf32>,
        tpu.vector_store %arg16[%swap3A_1110, %swap3A_1111], %mul3A_1107 {strides = array<i32>} : memref<128x128xf32, #tpu.memory_space<vmem>>, vector<16xf32>,
        %slice3A_1113 = vector.extract_strided_slice %get3A_133 {offsets = [10], sizes = [1], strides = [1]} : vector<16xf32> to vector<1xf32>
        %squeeze3A_1114 = vector.extract %slice3A_1113[0] : f32 from vector<1xf32>
        %add3A_1115 = arith.constant 10 : i32
        %add3A_1116 = arith.addi %mul3A_135, %add3A_1115 : i32
        %get3A_1117 = arith.index_cast %add3A_1116 : i32 to index
        %get3A_1118 = arith.constant 0 : index
        %get3A_1119 = tpu.vector_load %arg16[%get3A_1117, %get3A_1118] {strides = array<i32>} : memref<128x128xf32, #tpu.memory_space<vmem>>, vector<16xf32>,
        %mul3A_1120 = vector.broadcast %squeeze3A_1114 : f32 to vector<16xf32>
        %mul3A_1121 = arith.mulf %get3A_1119, %mul3A_1120 : vector<16xf32>
        %add3A_1122 = arith.constant 10 : i32
        %add3A_1123 = arith.addi %mul3A_135, %add3A_1122 : i32
        %swap3A_1124 = arith.index_cast %add3A_1123 : i32 to index
        %swap3A_1125 = arith.constant 0 : index
        %swap3A_1126 = tpu.vector_load %arg16[%swap3A_1124, %swap3A_1125] {strides = array<i32>} : memref<128x128xf32, #tpu.memory_space<vmem>>, vector<16xf32>,
        tpu.vector_store %arg16[%swap3A_1124, %swap3A_1125], %mul3A_1121 {strides = array<i32>} : memref<128x128xf32, #tpu.memory_space<vmem>>, vector<16xf32>,
        %add3A_1127 = arith.constant 10 : i32
        %add3A_1128 = arith.addi %mul3A_135, %add3A_1127 : i32
        %get3A_1129 = arith.index_cast %add3A_1128 : i32 to index
        %get3A_1130 = arith.constant 16 : index
        %get3A_1131 = tpu.vector_load %arg16[%get3A_1129, %get3A_1130] {strides = array<i32>} : memref<128x128xf32, #tpu.memory_space<vmem>>, vector<16xf32>,
        %mul3A_1132 = vector.broadcast %squeeze3A_1114 : f32 to vector<16xf32>
        %mul3A_1133 = arith.mulf %get3A_1131, %mul3A_1132 : vector<16xf32>
        %add3A_1134 = arith.constant 10 : i32
        %add3A_1135 = arith.addi %mul3A_135, %add3A_1134 : i32
        %swap3A_1136 = arith.index_cast %add3A_1135 : i32 to index
        %swap3A_1137 = arith.constant 16 : index
        %swap3A_1138 = tpu.vector_load %arg16[%swap3A_1136, %swap3A_1137] {strides = array<i32>} : memref<128x128xf32, #tpu.memory_space<vmem>>, vector<16xf32>,
        tpu.vector_store %arg16[%swap3A_1136, %swap3A_1137], %mul3A_1133 {strides = array<i32>} : memref<128x128xf32, #tpu.memory_space<vmem>>, vector<16xf32>,
        %add3A_1139 = arith.constant 10 : i32
        %add3A_1140 = arith.addi %mul3A_135, %add3A_1139 : i32
        %get3A_1141 = arith.index_cast %add3A_1140 : i32 to index
        %get3A_1142 = arith.constant 32 : index
        %get3A_1143 = tpu.vector_load %arg16[%get3A_1141, %get3A_1142] {strides = array<i32>} : memref<128x128xf32, #tpu.memory_space<vmem>>, vector<16xf32>,
        %mul3A_1144 = vector.broadcast %squeeze3A_1114 : f32 to vector<16xf32>
        %mul3A_1145 = arith.mulf %get3A_1143, %mul3A_1144 : vector<16xf32>
        %add3A_1146 = arith.constant 10 : i32
        %add3A_1147 = arith.addi %mul3A_135, %add3A_1146 : i32
        %swap3A_1148 = arith.index_cast %add3A_1147 : i32 to index
        %swap3A_1149 = arith.constant 32 : index
        %swap3A_1150 = tpu.vector_load %arg16[%swap3A_1148, %swap3A_1149] {strides = array<i32>} : memref<128x128xf32, #tpu.memory_space<vmem>>, vector<16xf32>,
        tpu.vector_store %arg16[%swap3A_1148, %swap3A_1149], %mul3A_1145 {strides = array<i32>} : memref<128x128xf32, #tpu.memory_space<vmem>>, vector<16xf32>,
        %add3A_1151 = arith.constant 10 : i32
        %add3A_1152 = arith.addi %mul3A_135, %add3A_1151 : i32
        %get3A_1153 = arith.index_cast %add3A_1152 : i32 to index
        %get3A_1154 = arith.constant 48 : index
        %get3A_1155 = tpu.vector_load %arg16[%get3A_1153, %get3A_1154] {strides = array<i32>} : memref<128x128xf32, #tpu.memory_space<vmem>>, vector<16xf32>,
        %mul3A_1156 = vector.broadcast %squeeze3A_1114 : f32 to vector<16xf32>
        %mul3A_1157 = arith.mulf %get3A_1155, %mul3A_1156 : vector<16xf32>
        %add3A_1158 = arith.constant 10 : i32
        %add3A_1159 = arith.addi %mul3A_135, %add3A_1158 : i32
        %swap3A_1160 = arith.index_cast %add3A_1159 : i32 to index
        %swap3A_1161 = arith.constant 48 : index
        %swap3A_1162 = tpu.vector_load %arg16[%swap3A_1160, %swap3A_1161] {strides = array<i32>} : memref<128x128xf32, #tpu.memory_space<vmem>>, vector<16xf32>,
        tpu.vector_store %arg16[%swap3A_1160, %swap3A_1161], %mul3A_1157 {strides = array<i32>} : memref<128x128xf32, #tpu.memory_space<vmem>>, vector<16xf32>,
        %add3A_1163 = arith.constant 10 : i32
        %add3A_1164 = arith.addi %mul3A_135, %add3A_1163 : i32
        %get3A_1165 = arith.index_cast %add3A_1164 : i32 to index
        %get3A_1166 = arith.constant 64 : index
        %get3A_1167 = tpu.vector_load %arg16[%get3A_1165, %get3A_1166] {strides = array<i32>} : memref<128x128xf32, #tpu.memory_space<vmem>>, vector<16xf32>,
        %mul3A_1168 = vector.broadcast %squeeze3A_1114 : f32 to vector<16xf32>
        %mul3A_1169 = arith.mulf %get3A_1167, %mul3A_1168 : vector<16xf32>
        %add3A_1170 = arith.constant 10 : i32
        %add3A_1171 = arith.addi %mul3A_135, %add3A_1170 : i32
        %swap3A_1172 = arith.index_cast %add3A_1171 : i32 to index
        %swap3A_1173 = arith.constant 64 : index
        %swap3A_1174 = tpu.vector_load %arg16[%swap3A_1172, %swap3A_1173] {strides = array<i32>} : memref<128x128xf32, #tpu.memory_space<vmem>>, vector<16xf32>,
        tpu.vector_store %arg16[%swap3A_1172, %swap3A_1173], %mul3A_1169 {strides = array<i32>} : memref<128x128xf32, #tpu.memory_space<vmem>>, vector<16xf32>,
        %add3A_1175 = arith.constant 10 : i32
        %add3A_1176 = arith.addi %mul3A_135, %add3A_1175 : i32
        %get3A_1177 = arith.index_cast %add3A_1176 : i32 to index
        %get3A_1178 = arith.constant 80 : index
        %get3A_1179 = tpu.vector_load %arg16[%get3A_1177, %get3A_1178] {strides = array<i32>} : memref<128x128xf32, #tpu.memory_space<vmem>>, vector<16xf32>,
        %mul3A_1180 = vector.broadcast %squeeze3A_1114 : f32 to vector<16xf32>
        %mul3A_1181 = arith.mulf %get3A_1179, %mul3A_1180 : vector<16xf32>
        %add3A_1182 = arith.constant 10 : i32
        %add3A_1183 = arith.addi %mul3A_135, %add3A_1182 : i32
        %swap3A_1184 = arith.index_cast %add3A_1183 : i32 to index
        %swap3A_1185 = arith.constant 80 : index
        %swap3A_1186 = tpu.vector_load %arg16[%swap3A_1184, %swap3A_1185] {strides = array<i32>} : memref<128x128xf32, #tpu.memory_space<vmem>>, vector<16xf32>,
        tpu.vector_store %arg16[%swap3A_1184, %swap3A_1185], %mul3A_1181 {strides = array<i32>} : memref<128x128xf32, #tpu.memory_space<vmem>>, vector<16xf32>,
        %add3A_1187 = arith.constant 10 : i32
        %add3A_1188 = arith.addi %mul3A_135, %add3A_1187 : i32
        %get3A_1189 = arith.index_cast %add3A_1188 : i32 to index
        %get3A_1190 = arith.constant 96 : index
        %get3A_1191 = tpu.vector_load %arg16[%get3A_1189, %get3A_1190] {strides = array<i32>} : memref<128x128xf32, #tpu.memory_space<vmem>>, vector<16xf32>,
        %mul3A_1192 = vector.broadcast %squeeze3A_1114 : f32 to vector<16xf32>
        %mul3A_1193 = arith.mulf %get3A_1191, %mul3A_1192 : vector<16xf32>
        %add3A_1194 = arith.constant 10 : i32
        %add3A_1195 = arith.addi %mul3A_135, %add3A_1194 : i32
        %swap3A_1196 = arith.index_cast %add3A_1195 : i32 to index
        %swap3A_1197 = arith.constant 96 : index
        %swap3A_1198 = tpu.vector_load %arg16[%swap3A_1196, %swap3A_1197] {strides = array<i32>} : memref<128x128xf32, #tpu.memory_space<vmem>>, vector<16xf32>,
        tpu.vector_store %arg16[%swap3A_1196, %swap3A_1197], %mul3A_1193 {strides = array<i32>} : memref<128x128xf32, #tpu.memory_space<vmem>>, vector<16xf32>,
        %add3A_1199 = arith.constant 10 : i32
        %add3A_1200 = arith.addi %mul3A_135, %add3A_1199 : i32
        %get3A_1201 = arith.index_cast %add3A_1200 : i32 to index
        %get3A_1202 = arith.constant 112 : index
        %get3A_1203 = tpu.vector_load %arg16[%get3A_1201, %get3A_1202] {strides = array<i32>} : memref<128x128xf32, #tpu.memory_space<vmem>>, vector<16xf32>,
        %mul3A_1204 = vector.broadcast %squeeze3A_1114 : f32 to vector<16xf32>
        %mul3A_1205 = arith.mulf %get3A_1203, %mul3A_1204 : vector<16xf32>
        %add3A_1206 = arith.constant 10 : i32
        %add3A_1207 = arith.addi %mul3A_135, %add3A_1206 : i32
        %swap3A_1208 = arith.index_cast %add3A_1207 : i32 to index
        %swap3A_1209 = arith.constant 112 : index
        %swap3A_1210 = tpu.vector_load %arg16[%swap3A_1208, %swap3A_1209] {strides = array<i32>} : memref<128x128xf32, #tpu.memory_space<vmem>>, vector<16xf32>,
        tpu.vector_store %arg16[%swap3A_1208, %swap3A_1209], %mul3A_1205 {strides = array<i32>} : memref<128x128xf32, #tpu.memory_space<vmem>>, vector<16xf32>,
        %slice3A_1211 = vector.extract_strided_slice %get3A_133 {offsets = [11], sizes = [1], strides = [1]} : vector<16xf32> to vector<1xf32>
        %squeeze3A_1212 = vector.extract %slice3A_1211[0] : f32 from vector<1xf32>
        %add3A_1213 = arith.constant 11 : i32
        %add3A_1214 = arith.addi %mul3A_135, %add3A_1213 : i32
        %get3A_1215 = arith.index_cast %add3A_1214 : i32 to index
        %get3A_1216 = arith.constant 0 : index
        %get3A_1217 = tpu.vector_load %arg16[%get3A_1215, %get3A_1216] {strides = array<i32>} : memref<128x128xf32, #tpu.memory_space<vmem>>, vector<16xf32>,
        %mul3A_1218 = vector.broadcast %squeeze3A_1212 : f32 to vector<16xf32>
        %mul3A_1219 = arith.mulf %get3A_1217, %mul3A_1218 : vector<16xf32>
        %add3A_1220 = arith.constant 11 : i32
        %add3A_1221 = arith.addi %mul3A_135, %add3A_1220 : i32
        %swap3A_1222 = arith.index_cast %add3A_1221 : i32 to index
        %swap3A_1223 = arith.constant 0 : index
        %swap3A_1224 = tpu.vector_load %arg16[%swap3A_1222, %swap3A_1223] {strides = array<i32>} : memref<128x128xf32, #tpu.memory_space<vmem>>, vector<16xf32>,
        tpu.vector_store %arg16[%swap3A_1222, %swap3A_1223], %mul3A_1219 {strides = array<i32>} : memref<128x128xf32, #tpu.memory_space<vmem>>, vector<16xf32>,
        %add3A_1225 = arith.constant 11 : i32
        %add3A_1226 = arith.addi %mul3A_135, %add3A_1225 : i32
        %get3A_1227 = arith.index_cast %add3A_1226 : i32 to index
        %get3A_1228 = arith.constant 16 : index
        %get3A_1229 = tpu.vector_load %arg16[%get3A_1227, %get3A_1228] {strides = array<i32>} : memref<128x128xf32, #tpu.memory_space<vmem>>, vector<16xf32>,
        %mul3A_1230 = vector.broadcast %squeeze3A_1212 : f32 to vector<16xf32>
        %mul3A_1231 = arith.mulf %get3A_1229, %mul3A_1230 : vector<16xf32>
        %add3A_1232 = arith.constant 11 : i32
        %add3A_1233 = arith.addi %mul3A_135, %add3A_1232 : i32
        %swap3A_1234 = arith.index_cast %add3A_1233 : i32 to index
        %swap3A_1235 = arith.constant 16 : index
        %swap3A_1236 = tpu.vector_load %arg16[%swap3A_1234, %swap3A_1235] {strides = array<i32>} : memref<128x128xf32, #tpu.memory_space<vmem>>, vector<16xf32>,
        tpu.vector_store %arg16[%swap3A_1234, %swap3A_1235], %mul3A_1231 {strides = array<i32>} : memref<128x128xf32, #tpu.memory_space<vmem>>, vector<16xf32>,
        %add3A_1237 = arith.constant 11 : i32
        %add3A_1238 = arith.addi %mul3A_135, %add3A_1237 : i32
        %get3A_1239 = arith.index_cast %add3A_1238 : i32 to index
        %get3A_1240 = arith.constant 32 : index
        %get3A_1241 = tpu.vector_load %arg16[%get3A_1239, %get3A_1240] {strides = array<i32>} : memref<128x128xf32, #tpu.memory_space<vmem>>, vector<16xf32>,
        %mul3A_1242 = vector.broadcast %squeeze3A_1212 : f32 to vector<16xf32>
        %mul3A_1243 = arith.mulf %get3A_1241, %mul3A_1242 : vector<16xf32>
        %add3A_1244 = arith.constant 11 : i32
        %add3A_1245 = arith.addi %mul3A_135, %add3A_1244 : i32
        %swap3A_1246 = arith.index_cast %add3A_1245 : i32 to index
        %swap3A_1247 = arith.constant 32 : index
        %swap3A_1248 = tpu.vector_load %arg16[%swap3A_1246, %swap3A_1247] {strides = array<i32>} : memref<128x128xf32, #tpu.memory_space<vmem>>, vector<16xf32>,
        tpu.vector_store %arg16[%swap3A_1246, %swap3A_1247], %mul3A_1243 {strides = array<i32>} : memref<128x128xf32, #tpu.memory_space<vmem>>, vector<16xf32>,
        %add3A_1249 = arith.constant 11 : i32
        %add3A_1250 = arith.addi %mul3A_135, %add3A_1249 : i32
        %get3A_1251 = arith.index_cast %add3A_1250 : i32 to index
        %get3A_1252 = arith.constant 48 : index
        %get3A_1253 = tpu.vector_load %arg16[%get3A_1251, %get3A_1252] {strides = array<i32>} : memref<128x128xf32, #tpu.memory_space<vmem>>, vector<16xf32>,
        %mul3A_1254 = vector.broadcast %squeeze3A_1212 : f32 to vector<16xf32>
        %mul3A_1255 = arith.mulf %get3A_1253, %mul3A_1254 : vector<16xf32>
        %add3A_1256 = arith.constant 11 : i32
        %add3A_1257 = arith.addi %mul3A_135, %add3A_1256 : i32
        %swap3A_1258 = arith.index_cast %add3A_1257 : i32 to index
        %swap3A_1259 = arith.constant 48 : index
        %swap3A_1260 = tpu.vector_load %arg16[%swap3A_1258, %swap3A_1259] {strides = array<i32>} : memref<128x128xf32, #tpu.memory_space<vmem>>, vector<16xf32>,
        tpu.vector_store %arg16[%swap3A_1258, %swap3A_1259], %mul3A_1255 {strides = array<i32>} : memref<128x128xf32, #tpu.memory_space<vmem>>, vector<16xf32>,
        %add3A_1261 = arith.constant 11 : i32
        %add3A_1262 = arith.addi %mul3A_135, %add3A_1261 : i32
        %get3A_1263 = arith.index_cast %add3A_1262 : i32 to index
        %get3A_1264 = arith.constant 64 : index
        %get3A_1265 = tpu.vector_load %arg16[%get3A_1263, %get3A_1264] {strides = array<i32>} : memref<128x128xf32, #tpu.memory_space<vmem>>, vector<16xf32>,
        %mul3A_1266 = vector.broadcast %squeeze3A_1212 : f32 to vector<16xf32>
        %mul3A_1267 = arith.mulf %get3A_1265, %mul3A_1266 : vector<16xf32>
        %add3A_1268 = arith.constant 11 : i32
        %add3A_1269 = arith.addi %mul3A_135, %add3A_1268 : i32
        %swap3A_1270 = arith.index_cast %add3A_1269 : i32 to index
        %swap3A_1271 = arith.constant 64 : index
        %swap3A_1272 = tpu.vector_load %arg16[%swap3A_1270, %swap3A_1271] {strides = array<i32>} : memref<128x128xf32, #tpu.memory_space<vmem>>, vector<16xf32>,
        tpu.vector_store %arg16[%swap3A_1270, %swap3A_1271], %mul3A_1267 {strides = array<i32>} : memref<128x128xf32, #tpu.memory_space<vmem>>, vector<16xf32>,
        %add3A_1273 = arith.constant 11 : i32
        %add3A_1274 = arith.addi %mul3A_135, %add3A_1273 : i32
        %get3A_1275 = arith.index_cast %add3A_1274 : i32 to index
        %get3A_1276 = arith.constant 80 : index
        %get3A_1277 = tpu.vector_load %arg16[%get3A_1275, %get3A_1276] {strides = array<i32>} : memref<128x128xf32, #tpu.memory_space<vmem>>, vector<16xf32>,
        %mul3A_1278 = vector.broadcast %squeeze3A_1212 : f32 to vector<16xf32>
        %mul3A_1279 = arith.mulf %get3A_1277, %mul3A_1278 : vector<16xf32>
        %add3A_1280 = arith.constant 11 : i32
        %add3A_1281 = arith.addi %mul3A_135, %add3A_1280 : i32
        %swap3A_1282 = arith.index_cast %add3A_1281 : i32 to index
        %swap3A_1283 = arith.constant 80 : index
        %swap3A_1284 = tpu.vector_load %arg16[%swap3A_1282, %swap3A_1283] {strides = array<i32>} : memref<128x128xf32, #tpu.memory_space<vmem>>, vector<16xf32>,
        tpu.vector_store %arg16[%swap3A_1282, %swap3A_1283], %mul3A_1279 {strides = array<i32>} : memref<128x128xf32, #tpu.memory_space<vmem>>, vector<16xf32>,
        %add3A_1285 = arith.constant 11 : i32
        %add3A_1286 = arith.addi %mul3A_135, %add3A_1285 : i32
        %get3A_1287 = arith.index_cast %add3A_1286 : i32 to index
        %get3A_1288 = arith.constant 96 : index
        %get3A_1289 = tpu.vector_load %arg16[%get3A_1287, %get3A_1288] {strides = array<i32>} : memref<128x128xf32, #tpu.memory_space<vmem>>, vector<16xf32>,
        %mul3A_1290 = vector.broadcast %squeeze3A_1212 : f32 to vector<16xf32>
        %mul3A_1291 = arith.mulf %get3A_1289, %mul3A_1290 : vector<16xf32>
        %add3A_1292 = arith.constant 11 : i32
        %add3A_1293 = arith.addi %mul3A_135, %add3A_1292 : i32
        %swap3A_1294 = arith.index_cast %add3A_1293 : i32 to index
        %swap3A_1295 = arith.constant 96 : index
        %swap3A_1296 = tpu.vector_load %arg16[%swap3A_1294, %swap3A_1295] {strides = array<i32>} : memref<128x128xf32, #tpu.memory_space<vmem>>, vector<16xf32>,
        tpu.vector_store %arg16[%swap3A_1294, %swap3A_1295], %mul3A_1291 {strides = array<i32>} : memref<128x128xf32, #tpu.memory_space<vmem>>, vector<16xf32>,
        %add3A_1297 = arith.constant 11 : i32
        %add3A_1298 = arith.addi %mul3A_135, %add3A_1297 : i32
        %get3A_1299 = arith.index_cast %add3A_1298 : i32 to index
        %get3A_1300 = arith.constant 112 : index
        %get3A_1301 = tpu.vector_load %arg16[%get3A_1299, %get3A_1300] {strides = array<i32>} : memref<128x128xf32, #tpu.memory_space<vmem>>, vector<16xf32>,
        %mul3A_1302 = vector.broadcast %squeeze3A_1212 : f32 to vector<16xf32>
        %mul3A_1303 = arith.mulf %get3A_1301, %mul3A_1302 : vector<16xf32>
        %add3A_1304 = arith.constant 11 : i32
        %add3A_1305 = arith.addi %mul3A_135, %add3A_1304 : i32
        %swap3A_1306 = arith.index_cast %add3A_1305 : i32 to index
        %swap3A_1307 = arith.constant 112 : index
        %swap3A_1308 = tpu.vector_load %arg16[%swap3A_1306, %swap3A_1307] {strides = array<i32>} : memref<128x128xf32, #tpu.memory_space<vmem>>, vector<16xf32>,
        tpu.vector_store %arg16[%swap3A_1306, %swap3A_1307], %mul3A_1303 {strides = array<i32>} : memref<128x128xf32, #tpu.memory_space<vmem>>, vector<16xf32>,
        %slice3A_1309 = vector.extract_strided_slice %get3A_133 {offsets = [12], sizes = [1], strides = [1]} : vector<16xf32> to vector<1xf32>
        %squeeze3A_1310 = vector.extract %slice3A_1309[0] : f32 from vector<1xf32>
        %add3A_1311 = arith.constant 12 : i32
        %add3A_1312 = arith.addi %mul3A_135, %add3A_1311 : i32
        %get3A_1313 = arith.index_cast %add3A_1312 : i32 to index
        %get3A_1314 = arith.constant 0 : index
        %get3A_1315 = tpu.vector_load %arg16[%get3A_1313, %get3A_1314] {strides = array<i32>} : memref<128x128xf32, #tpu.memory_space<vmem>>, vector<16xf32>,
        %mul3A_1316 = vector.broadcast %squeeze3A_1310 : f32 to vector<16xf32>
        %mul3A_1317 = arith.mulf %get3A_1315, %mul3A_1316 : vector<16xf32>
        %add3A_1318 = arith.constant 12 : i32
        %add3A_1319 = arith.addi %mul3A_135, %add3A_1318 : i32
        %swap3A_1320 = arith.index_cast %add3A_1319 : i32 to index
        %swap3A_1321 = arith.constant 0 : index
        %swap3A_1322 = tpu.vector_load %arg16[%swap3A_1320, %swap3A_1321] {strides = array<i32>} : memref<128x128xf32, #tpu.memory_space<vmem>>, vector<16xf32>,
        tpu.vector_store %arg16[%swap3A_1320, %swap3A_1321], %mul3A_1317 {strides = array<i32>} : memref<128x128xf32, #tpu.memory_space<vmem>>, vector<16xf32>,
        %add3A_1323 = arith.constant 12 : i32
        %add3A_1324 = arith.addi %mul3A_135, %add3A_1323 : i32
        %get3A_1325 = arith.index_cast %add3A_1324 : i32 to index
        %get3A_1326 = arith.constant 16 : index
        %get3A_1327 = tpu.vector_load %arg16[%get3A_1325, %get3A_1326] {strides = array<i32>} : memref<128x128xf32, #tpu.memory_space<vmem>>, vector<16xf32>,
        %mul3A_1328 = vector.broadcast %squeeze3A_1310 : f32 to vector<16xf32>
        %mul3A_1329 = arith.mulf %get3A_1327, %mul3A_1328 : vector<16xf32>
        %add3A_1330 = arith.constant 12 : i32
        %add3A_1331 = arith.addi %mul3A_135, %add3A_1330 : i32
        %swap3A_1332 = arith.index_cast %add3A_1331 : i32 to index
        %swap3A_1333 = arith.constant 16 : index
        %swap3A_1334 = tpu.vector_load %arg16[%swap3A_1332, %swap3A_1333] {strides = array<i32>} : memref<128x128xf32, #tpu.memory_space<vmem>>, vector<16xf32>,
        tpu.vector_store %arg16[%swap3A_1332, %swap3A_1333], %mul3A_1329 {strides = array<i32>} : memref<128x128xf32, #tpu.memory_space<vmem>>, vector<16xf32>,
        %add3A_1335 = arith.constant 12 : i32
        %add3A_1336 = arith.addi %mul3A_135, %add3A_1335 : i32
        %get3A_1337 = arith.index_cast %add3A_1336 : i32 to index
        %get3A_1338 = arith.constant 32 : index
        %get3A_1339 = tpu.vector_load %arg16[%get3A_1337, %get3A_1338] {strides = array<i32>} : memref<128x128xf32, #tpu.memory_space<vmem>>, vector<16xf32>,
        %mul3A_1340 = vector.broadcast %squeeze3A_1310 : f32 to vector<16xf32>
        %mul3A_1341 = arith.mulf %get3A_1339, %mul3A_1340 : vector<16xf32>
        %add3A_1342 = arith.constant 12 : i32
        %add3A_1343 = arith.addi %mul3A_135, %add3A_1342 : i32
        %swap3A_1344 = arith.index_cast %add3A_1343 : i32 to index
        %swap3A_1345 = arith.constant 32 : index
        %swap3A_1346 = tpu.vector_load %arg16[%swap3A_1344, %swap3A_1345] {strides = array<i32>} : memref<128x128xf32, #tpu.memory_space<vmem>>, vector<16xf32>,
        tpu.vector_store %arg16[%swap3A_1344, %swap3A_1345], %mul3A_1341 {strides = array<i32>} : memref<128x128xf32, #tpu.memory_space<vmem>>, vector<16xf32>,
        %add3A_1347 = arith.constant 12 : i32
        %add3A_1348 = arith.addi %mul3A_135, %add3A_1347 : i32
        %get3A_1349 = arith.index_cast %add3A_1348 : i32 to index
        %get3A_1350 = arith.constant 48 : index
        %get3A_1351 = tpu.vector_load %arg16[%get3A_1349, %get3A_1350] {strides = array<i32>} : memref<128x128xf32, #tpu.memory_space<vmem>>, vector<16xf32>,
        %mul3A_1352 = vector.broadcast %squeeze3A_1310 : f32 to vector<16xf32>
        %mul3A_1353 = arith.mulf %get3A_1351, %mul3A_1352 : vector<16xf32>
        %add3A_1354 = arith.constant 12 : i32
        %add3A_1355 = arith.addi %mul3A_135, %add3A_1354 : i32
        %swap3A_1356 = arith.index_cast %add3A_1355 : i32 to index
        %swap3A_1357 = arith.constant 48 : index
        %swap3A_1358 = tpu.vector_load %arg16[%swap3A_1356, %swap3A_1357] {strides = array<i32>} : memref<128x128xf32, #tpu.memory_space<vmem>>, vector<16xf32>,
        tpu.vector_store %arg16[%swap3A_1356, %swap3A_1357], %mul3A_1353 {strides = array<i32>} : memref<128x128xf32, #tpu.memory_space<vmem>>, vector<16xf32>,
        %add3A_1359 = arith.constant 12 : i32
        %add3A_1360 = arith.addi %mul3A_135, %add3A_1359 : i32
        %get3A_1361 = arith.index_cast %add3A_1360 : i32 to index
        %get3A_1362 = arith.constant 64 : index
        %get3A_1363 = tpu.vector_load %arg16[%get3A_1361, %get3A_1362] {strides = array<i32>} : memref<128x128xf32, #tpu.memory_space<vmem>>, vector<16xf32>,
        %mul3A_1364 = vector.broadcast %squeeze3A_1310 : f32 to vector<16xf32>
        %mul3A_1365 = arith.mulf %get3A_1363, %mul3A_1364 : vector<16xf32>
        %add3A_1366 = arith.constant 12 : i32
        %add3A_1367 = arith.addi %mul3A_135, %add3A_1366 : i32
        %swap3A_1368 = arith.index_cast %add3A_1367 : i32 to index
        %swap3A_1369 = arith.constant 64 : index
        %swap3A_1370 = tpu.vector_load %arg16[%swap3A_1368, %swap3A_1369] {strides = array<i32>} : memref<128x128xf32, #tpu.memory_space<vmem>>, vector<16xf32>,
        tpu.vector_store %arg16[%swap3A_1368, %swap3A_1369], %mul3A_1365 {strides = array<i32>} : memref<128x128xf32, #tpu.memory_space<vmem>>, vector<16xf32>,
        %add3A_1371 = arith.constant 12 : i32
        %add3A_1372 = arith.addi %mul3A_135, %add3A_1371 : i32
        %get3A_1373 = arith.index_cast %add3A_1372 : i32 to index
        %get3A_1374 = arith.constant 80 : index
        %get3A_1375 = tpu.vector_load %arg16[%get3A_1373, %get3A_1374] {strides = array<i32>} : memref<128x128xf32, #tpu.memory_space<vmem>>, vector<16xf32>,
        %mul3A_1376 = vector.broadcast %squeeze3A_1310 : f32 to vector<16xf32>
        %mul3A_1377 = arith.mulf %get3A_1375, %mul3A_1376 : vector<16xf32>
        %add3A_1378 = arith.constant 12 : i32
        %add3A_1379 = arith.addi %mul3A_135, %add3A_1378 : i32
        %swap3A_1380 = arith.index_cast %add3A_1379 : i32 to index
        %swap3A_1381 = arith.constant 80 : index
        %swap3A_1382 = tpu.vector_load %arg16[%swap3A_1380, %swap3A_1381] {strides = array<i32>} : memref<128x128xf32, #tpu.memory_space<vmem>>, vector<16xf32>,
        tpu.vector_store %arg16[%swap3A_1380, %swap3A_1381], %mul3A_1377 {strides = array<i32>} : memref<128x128xf32, #tpu.memory_space<vmem>>, vector<16xf32>,
        %add3A_1383 = arith.constant 12 : i32
        %add3A_1384 = arith.addi %mul3A_135, %add3A_1383 : i32
        %get3A_1385 = arith.index_cast %add3A_1384 : i32 to index
        %get3A_1386 = arith.constant 96 : index
        %get3A_1387 = tpu.vector_load %arg16[%get3A_1385, %get3A_1386] {strides = array<i32>} : memref<128x128xf32, #tpu.memory_space<vmem>>, vector<16xf32>,
        %mul3A_1388 = vector.broadcast %squeeze3A_1310 : f32 to vector<16xf32>
        %mul3A_1389 = arith.mulf %get3A_1387, %mul3A_1388 : vector<16xf32>
        %add3A_1390 = arith.constant 12 : i32
        %add3A_1391 = arith.addi %mul3A_135, %add3A_1390 : i32
        %swap3A_1392 = arith.index_cast %add3A_1391 : i32 to index
        %swap3A_1393 = arith.constant 96 : index
        %swap3A_1394 = tpu.vector_load %arg16[%swap3A_1392, %swap3A_1393] {strides = array<i32>} : memref<128x128xf32, #tpu.memory_space<vmem>>, vector<16xf32>,
        tpu.vector_store %arg16[%swap3A_1392, %swap3A_1393], %mul3A_1389 {strides = array<i32>} : memref<128x128xf32, #tpu.memory_space<vmem>>, vector<16xf32>,
        %add3A_1395 = arith.constant 12 : i32
        %add3A_1396 = arith.addi %mul3A_135, %add3A_1395 : i32
        %get3A_1397 = arith.index_cast %add3A_1396 : i32 to index
        %get3A_1398 = arith.constant 112 : index
        %get3A_1399 = tpu.vector_load %arg16[%get3A_1397, %get3A_1398] {strides = array<i32>} : memref<128x128xf32, #tpu.memory_space<vmem>>, vector<16xf32>,
        %mul3A_1400 = vector.broadcast %squeeze3A_1310 : f32 to vector<16xf32>
        %mul3A_1401 = arith.mulf %get3A_1399, %mul3A_1400 : vector<16xf32>
        %add3A_1402 = arith.constant 12 : i32
        %add3A_1403 = arith.addi %mul3A_135, %add3A_1402 : i32
        %swap3A_1404 = arith.index_cast %add3A_1403 : i32 to index
        %swap3A_1405 = arith.constant 112 : index
        %swap3A_1406 = tpu.vector_load %arg16[%swap3A_1404, %swap3A_1405] {strides = array<i32>} : memref<128x128xf32, #tpu.memory_space<vmem>>, vector<16xf32>,
        tpu.vector_store %arg16[%swap3A_1404, %swap3A_1405], %mul3A_1401 {strides = array<i32>} : memref<128x128xf32, #tpu.memory_space<vmem>>, vector<16xf32>,
        %slice3A_1407 = vector.extract_strided_slice %get3A_133 {offsets = [13], sizes = [1], strides = [1]} : vector<16xf32> to vector<1xf32>
        %squeeze3A_1408 = vector.extract %slice3A_1407[0] : f32 from vector<1xf32>
        %add3A_1409 = arith.constant 13 : i32
        %add3A_1410 = arith.addi %mul3A_135, %add3A_1409 : i32
        %get3A_1411 = arith.index_cast %add3A_1410 : i32 to index
        %get3A_1412 = arith.constant 0 : index
        %get3A_1413 = tpu.vector_load %arg16[%get3A_1411, %get3A_1412] {strides = array<i32>} : memref<128x128xf32, #tpu.memory_space<vmem>>, vector<16xf32>,
        %mul3A_1414 = vector.broadcast %squeeze3A_1408 : f32 to vector<16xf32>
        %mul3A_1415 = arith.mulf %get3A_1413, %mul3A_1414 : vector<16xf32>
        %add3A_1416 = arith.constant 13 : i32
        %add3A_1417 = arith.addi %mul3A_135, %add3A_1416 : i32
        %swap3A_1418 = arith.index_cast %add3A_1417 : i32 to index
        %swap3A_1419 = arith.constant 0 : index
        %swap3A_1420 = tpu.vector_load %arg16[%swap3A_1418, %swap3A_1419] {strides = array<i32>} : memref<128x128xf32, #tpu.memory_space<vmem>>, vector<16xf32>,
        tpu.vector_store %arg16[%swap3A_1418, %swap3A_1419], %mul3A_1415 {strides = array<i32>} : memref<128x128xf32, #tpu.memory_space<vmem>>, vector<16xf32>,
        %add3A_1421 = arith.constant 13 : i32
        %add3A_1422 = arith.addi %mul3A_135, %add3A_1421 : i32
        %get3A_1423 = arith.index_cast %add3A_1422 : i32 to index
        %get3A_1424 = arith.constant 16 : index
        %get3A_1425 = tpu.vector_load %arg16[%get3A_1423, %get3A_1424] {strides = array<i32>} : memref<128x128xf32, #tpu.memory_space<vmem>>, vector<16xf32>,
        %mul3A_1426 = vector.broadcast %squeeze3A_1408 : f32 to vector<16xf32>
        %mul3A_1427 = arith.mulf %get3A_1425, %mul3A_1426 : vector<16xf32>
        %add3A_1428 = arith.constant 13 : i32
        %add3A_1429 = arith.addi %mul3A_135, %add3A_1428 : i32
        %swap3A_1430 = arith.index_cast %add3A_1429 : i32 to index
        %swap3A_1431 = arith.constant 16 : index
        %swap3A_1432 = tpu.vector_load %arg16[%swap3A_1430, %swap3A_1431] {strides = array<i32>} : memref<128x128xf32, #tpu.memory_space<vmem>>, vector<16xf32>,
        tpu.vector_store %arg16[%swap3A_1430, %swap3A_1431], %mul3A_1427 {strides = array<i32>} : memref<128x128xf32, #tpu.memory_space<vmem>>, vector<16xf32>,
        %add3A_1433 = arith.constant 13 : i32
        %add3A_1434 = arith.addi %mul3A_135, %add3A_1433 : i32
        %get3A_1435 = arith.index_cast %add3A_1434 : i32 to index
        %get3A_1436 = arith.constant 32 : index
        %get3A_1437 = tpu.vector_load %arg16[%get3A_1435, %get3A_1436] {strides = array<i32>} : memref<128x128xf32, #tpu.memory_space<vmem>>, vector<16xf32>,
        %mul3A_1438 = vector.broadcast %squeeze3A_1408 : f32 to vector<16xf32>
        %mul3A_1439 = arith.mulf %get3A_1437, %mul3A_1438 : vector<16xf32>
        %add3A_1440 = arith.constant 13 : i32
        %add3A_1441 = arith.addi %mul3A_135, %add3A_1440 : i32
        %swap3A_1442 = arith.index_cast %add3A_1441 : i32 to index
        %swap3A_1443 = arith.constant 32 : index
        %swap3A_1444 = tpu.vector_load %arg16[%swap3A_1442, %swap3A_1443] {strides = array<i32>} : memref<128x128xf32, #tpu.memory_space<vmem>>, vector<16xf32>,
        tpu.vector_store %arg16[%swap3A_1442, %swap3A_1443], %mul3A_1439 {strides = array<i32>} : memref<128x128xf32, #tpu.memory_space<vmem>>, vector<16xf32>,
        %add3A_1445 = arith.constant 13 : i32
        %add3A_1446 = arith.addi %mul3A_135, %add3A_1445 : i32
        %get3A_1447 = arith.index_cast %add3A_1446 : i32 to index
        %get3A_1448 = arith.constant 48 : index
        %get3A_1449 = tpu.vector_load %arg16[%get3A_1447, %get3A_1448] {strides = array<i32>} : memref<128x128xf32, #tpu.memory_space<vmem>>, vector<16xf32>,
        %mul3A_1450 = vector.broadcast %squeeze3A_1408 : f32 to vector<16xf32>
        %mul3A_1451 = arith.mulf %get3A_1449, %mul3A_1450 : vector<16xf32>
        %add3A_1452 = arith.constant 13 : i32
        %add3A_1453 = arith.addi %mul3A_135, %add3A_1452 : i32
        %swap3A_1454 = arith.index_cast %add3A_1453 : i32 to index
        %swap3A_1455 = arith.constant 48 : index
        %swap3A_1456 = tpu.vector_load %arg16[%swap3A_1454, %swap3A_1455] {strides = array<i32>} : memref<128x128xf32, #tpu.memory_space<vmem>>, vector<16xf32>,
        tpu.vector_store %arg16[%swap3A_1454, %swap3A_1455], %mul3A_1451 {strides = array<i32>} : memref<128x128xf32, #tpu.memory_space<vmem>>, vector<16xf32>,
        %add3A_1457 = arith.constant 13 : i32
        %add3A_1458 = arith.addi %mul3A_135, %add3A_1457 : i32
        %get3A_1459 = arith.index_cast %add3A_1458 : i32 to index
        %get3A_1460 = arith.constant 64 : index
        %get3A_1461 = tpu.vector_load %arg16[%get3A_1459, %get3A_1460] {strides = array<i32>} : memref<128x128xf32, #tpu.memory_space<vmem>>, vector<16xf32>,
        %mul3A_1462 = vector.broadcast %squeeze3A_1408 : f32 to vector<16xf32>
        %mul3A_1463 = arith.mulf %get3A_1461, %mul3A_1462 : vector<16xf32>
        %add3A_1464 = arith.constant 13 : i32
        %add3A_1465 = arith.addi %mul3A_135, %add3A_1464 : i32
        %swap3A_1466 = arith.index_cast %add3A_1465 : i32 to index
        %swap3A_1467 = arith.constant 64 : index
        %swap3A_1468 = tpu.vector_load %arg16[%swap3A_1466, %swap3A_1467] {strides = array<i32>} : memref<128x128xf32, #tpu.memory_space<vmem>>, vector<16xf32>,
        tpu.vector_store %arg16[%swap3A_1466, %swap3A_1467], %mul3A_1463 {strides = array<i32>} : memref<128x128xf32, #tpu.memory_space<vmem>>, vector<16xf32>,
        %add3A_1469 = arith.constant 13 : i32
        %add3A_1470 = arith.addi %mul3A_135, %add3A_1469 : i32
        %get3A_1471 = arith.index_cast %add3A_1470 : i32 to index
        %get3A_1472 = arith.constant 80 : index
        %get3A_1473 = tpu.vector_load %arg16[%get3A_1471, %get3A_1472] {strides = array<i32>} : memref<128x128xf32, #tpu.memory_space<vmem>>, vector<16xf32>,
        %mul3A_1474 = vector.broadcast %squeeze3A_1408 : f32 to vector<16xf32>
        %mul3A_1475 = arith.mulf %get3A_1473, %mul3A_1474 : vector<16xf32>
        %add3A_1476 = arith.constant 13 : i32
        %add3A_1477 = arith.addi %mul3A_135, %add3A_1476 : i32
        %swap3A_1478 = arith.index_cast %add3A_1477 : i32 to index
        %swap3A_1479 = arith.constant 80 : index
        %swap3A_1480 = tpu.vector_load %arg16[%swap3A_1478, %swap3A_1479] {strides = array<i32>} : memref<128x128xf32, #tpu.memory_space<vmem>>, vector<16xf32>,
        tpu.vector_store %arg16[%swap3A_1478, %swap3A_1479], %mul3A_1475 {strides = array<i32>} : memref<128x128xf32, #tpu.memory_space<vmem>>, vector<16xf32>,
        %add3A_1481 = arith.constant 13 : i32
        %add3A_1482 = arith.addi %mul3A_135, %add3A_1481 : i32
        %get3A_1483 = arith.index_cast %add3A_1482 : i32 to index
        %get3A_1484 = arith.constant 96 : index
        %get3A_1485 = tpu.vector_load %arg16[%get3A_1483, %get3A_1484] {strides = array<i32>} : memref<128x128xf32, #tpu.memory_space<vmem>>, vector<16xf32>,
        %mul3A_1486 = vector.broadcast %squeeze3A_1408 : f32 to vector<16xf32>
        %mul3A_1487 = arith.mulf %get3A_1485, %mul3A_1486 : vector<16xf32>
        %add3A_1488 = arith.constant 13 : i32
        %add3A_1489 = arith.addi %mul3A_135, %add3A_1488 : i32
        %swap3A_1490 = arith.index_cast %add3A_1489 : i32 to index
        %swap3A_1491 = arith.constant 96 : index
        %swap3A_1492 = tpu.vector_load %arg16[%swap3A_1490, %swap3A_1491] {strides = array<i32>} : memref<128x128xf32, #tpu.memory_space<vmem>>, vector<16xf32>,
        tpu.vector_store %arg16[%swap3A_1490, %swap3A_1491], %mul3A_1487 {strides = array<i32>} : memref<128x128xf32, #tpu.memory_space<vmem>>, vector<16xf32>,
        %add3A_1493 = arith.constant 13 : i32
        %add3A_1494 = arith.addi %mul3A_135, %add3A_1493 : i32
        %get3A_1495 = arith.index_cast %add3A_1494 : i32 to index
        %get3A_1496 = arith.constant 112 : index
        %get3A_1497 = tpu.vector_load %arg16[%get3A_1495, %get3A_1496] {strides = array<i32>} : memref<128x128xf32, #tpu.memory_space<vmem>>, vector<16xf32>,
        %mul3A_1498 = vector.broadcast %squeeze3A_1408 : f32 to vector<16xf32>
        %mul3A_1499 = arith.mulf %get3A_1497, %mul3A_1498 : vector<16xf32>
        %add3A_1500 = arith.constant 13 : i32
        %add3A_1501 = arith.addi %mul3A_135, %add3A_1500 : i32
        %swap3A_1502 = arith.index_cast %add3A_1501 : i32 to index
        %swap3A_1503 = arith.constant 112 : index
        %swap3A_1504 = tpu.vector_load %arg16[%swap3A_1502, %swap3A_1503] {strides = array<i32>} : memref<128x128xf32, #tpu.memory_space<vmem>>, vector<16xf32>,
        tpu.vector_store %arg16[%swap3A_1502, %swap3A_1503], %mul3A_1499 {strides = array<i32>} : memref<128x128xf32, #tpu.memory_space<vmem>>, vector<16xf32>,
        %slice3A_1505 = vector.extract_strided_slice %get3A_133 {offsets = [14], sizes = [1], strides = [1]} : vector<16xf32> to vector<1xf32>
        %squeeze3A_1506 = vector.extract %slice3A_1505[0] : f32 from vector<1xf32>
        %add3A_1507 = arith.constant 14 : i32
        %add3A_1508 = arith.addi %mul3A_135, %add3A_1507 : i32
        %get3A_1509 = arith.index_cast %add3A_1508 : i32 to index
        %get3A_1510 = arith.constant 0 : index
        %get3A_1511 = tpu.vector_load %arg16[%get3A_1509, %get3A_1510] {strides = array<i32>} : memref<128x128xf32, #tpu.memory_space<vmem>>, vector<16xf32>,
        %mul3A_1512 = vector.broadcast %squeeze3A_1506 : f32 to vector<16xf32>
        %mul3A_1513 = arith.mulf %get3A_1511, %mul3A_1512 : vector<16xf32>
        %add3A_1514 = arith.constant 14 : i32
        %add3A_1515 = arith.addi %mul3A_135, %add3A_1514 : i32
        %swap3A_1516 = arith.index_cast %add3A_1515 : i32 to index
        %swap3A_1517 = arith.constant 0 : index
        %swap3A_1518 = tpu.vector_load %arg16[%swap3A_1516, %swap3A_1517] {strides = array<i32>} : memref<128x128xf32, #tpu.memory_space<vmem>>, vector<16xf32>,
        tpu.vector_store %arg16[%swap3A_1516, %swap3A_1517], %mul3A_1513 {strides = array<i32>} : memref<128x128xf32, #tpu.memory_space<vmem>>, vector<16xf32>,
        %add3A_1519 = arith.constant 14 : i32
        %add3A_1520 = arith.addi %mul3A_135, %add3A_1519 : i32
        %get3A_1521 = arith.index_cast %add3A_1520 : i32 to index
        %get3A_1522 = arith.constant 16 : index
        %get3A_1523 = tpu.vector_load %arg16[%get3A_1521, %get3A_1522] {strides = array<i32>} : memref<128x128xf32, #tpu.memory_space<vmem>>, vector<16xf32>,
        %mul3A_1524 = vector.broadcast %squeeze3A_1506 : f32 to vector<16xf32>
        %mul3A_1525 = arith.mulf %get3A_1523, %mul3A_1524 : vector<16xf32>
        %add3A_1526 = arith.constant 14 : i32
        %add3A_1527 = arith.addi %mul3A_135, %add3A_1526 : i32
        %swap3A_1528 = arith.index_cast %add3A_1527 : i32 to index
        %swap3A_1529 = arith.constant 16 : index
        %swap3A_1530 = tpu.vector_load %arg16[%swap3A_1528, %swap3A_1529] {strides = array<i32>} : memref<128x128xf32, #tpu.memory_space<vmem>>, vector<16xf32>,
        tpu.vector_store %arg16[%swap3A_1528, %swap3A_1529], %mul3A_1525 {strides = array<i32>} : memref<128x128xf32, #tpu.memory_space<vmem>>, vector<16xf32>,
        %add3A_1531 = arith.constant 14 : i32
        %add3A_1532 = arith.addi %mul3A_135, %add3A_1531 : i32
        %get3A_1533 = arith.index_cast %add3A_1532 : i32 to index
        %get3A_1534 = arith.constant 32 : index
        %get3A_1535 = tpu.vector_load %arg16[%get3A_1533, %get3A_1534] {strides = array<i32>} : memref<128x128xf32, #tpu.memory_space<vmem>>, vector<16xf32>,
        %mul3A_1536 = vector.broadcast %squeeze3A_1506 : f32 to vector<16xf32>
        %mul3A_1537 = arith.mulf %get3A_1535, %mul3A_1536 : vector<16xf32>
        %add3A_1538 = arith.constant 14 : i32
        %add3A_1539 = arith.addi %mul3A_135, %add3A_1538 : i32
        %swap3A_1540 = arith.index_cast %add3A_1539 : i32 to index
        %swap3A_1541 = arith.constant 32 : index
        %swap3A_1542 = tpu.vector_load %arg16[%swap3A_1540, %swap3A_1541] {strides = array<i32>} : memref<128x128xf32, #tpu.memory_space<vmem>>, vector<16xf32>,
        tpu.vector_store %arg16[%swap3A_1540, %swap3A_1541], %mul3A_1537 {strides = array<i32>} : memref<128x128xf32, #tpu.memory_space<vmem>>, vector<16xf32>,
        %add3A_1543 = arith.constant 14 : i32
        %add3A_1544 = arith.addi %mul3A_135, %add3A_1543 : i32
        %get3A_1545 = arith.index_cast %add3A_1544 : i32 to index
        %get3A_1546 = arith.constant 48 : index
        %get3A_1547 = tpu.vector_load %arg16[%get3A_1545, %get3A_1546] {strides = array<i32>} : memref<128x128xf32, #tpu.memory_space<vmem>>, vector<16xf32>,
        %mul3A_1548 = vector.broadcast %squeeze3A_1506 : f32 to vector<16xf32>
        %mul3A_1549 = arith.mulf %get3A_1547, %mul3A_1548 : vector<16xf32>
        %add3A_1550 = arith.constant 14 : i32
        %add3A_1551 = arith.addi %mul3A_135, %add3A_1550 : i32
        %swap3A_1552 = arith.index_cast %add3A_1551 : i32 to index
        %swap3A_1553 = arith.constant 48 : index
        %swap3A_1554 = tpu.vector_load %arg16[%swap3A_1552, %swap3A_1553] {strides = array<i32>} : memref<128x128xf32, #tpu.memory_space<vmem>>, vector<16xf32>,
        tpu.vector_store %arg16[%swap3A_1552, %swap3A_1553], %mul3A_1549 {strides = array<i32>} : memref<128x128xf32, #tpu.memory_space<vmem>>, vector<16xf32>,
        %add3A_1555 = arith.constant 14 : i32
        %add3A_1556 = arith.addi %mul3A_135, %add3A_1555 : i32
        %get3A_1557 = arith.index_cast %add3A_1556 : i32 to index
        %get3A_1558 = arith.constant 64 : index
        %get3A_1559 = tpu.vector_load %arg16[%get3A_1557, %get3A_1558] {strides = array<i32>} : memref<128x128xf32, #tpu.memory_space<vmem>>, vector<16xf32>,
        %mul3A_1560 = vector.broadcast %squeeze3A_1506 : f32 to vector<16xf32>
        %mul3A_1561 = arith.mulf %get3A_1559, %mul3A_1560 : vector<16xf32>
        %add3A_1562 = arith.constant 14 : i32
        %add3A_1563 = arith.addi %mul3A_135, %add3A_1562 : i32
        %swap3A_1564 = arith.index_cast %add3A_1563 : i32 to index
        %swap3A_1565 = arith.constant 64 : index
        %swap3A_1566 = tpu.vector_load %arg16[%swap3A_1564, %swap3A_1565] {strides = array<i32>} : memref<128x128xf32, #tpu.memory_space<vmem>>, vector<16xf32>,
        tpu.vector_store %arg16[%swap3A_1564, %swap3A_1565], %mul3A_1561 {strides = array<i32>} : memref<128x128xf32, #tpu.memory_space<vmem>>, vector<16xf32>,
        %add3A_1567 = arith.constant 14 : i32
        %add3A_1568 = arith.addi %mul3A_135, %add3A_1567 : i32
        %get3A_1569 = arith.index_cast %add3A_1568 : i32 to index
        %get3A_1570 = arith.constant 80 : index
        %get3A_1571 = tpu.vector_load %arg16[%get3A_1569, %get3A_1570] {strides = array<i32>} : memref<128x128xf32, #tpu.memory_space<vmem>>, vector<16xf32>,
        %mul3A_1572 = vector.broadcast %squeeze3A_1506 : f32 to vector<16xf32>
        %mul3A_1573 = arith.mulf %get3A_1571, %mul3A_1572 : vector<16xf32>
        %add3A_1574 = arith.constant 14 : i32
        %add3A_1575 = arith.addi %mul3A_135, %add3A_1574 : i32
        %swap3A_1576 = arith.index_cast %add3A_1575 : i32 to index
        %swap3A_1577 = arith.constant 80 : index
        %swap3A_1578 = tpu.vector_load %arg16[%swap3A_1576, %swap3A_1577] {strides = array<i32>} : memref<128x128xf32, #tpu.memory_space<vmem>>, vector<16xf32>,
        tpu.vector_store %arg16[%swap3A_1576, %swap3A_1577], %mul3A_1573 {strides = array<i32>} : memref<128x128xf32, #tpu.memory_space<vmem>>, vector<16xf32>,
        %add3A_1579 = arith.constant 14 : i32
        %add3A_1580 = arith.addi %mul3A_135, %add3A_1579 : i32
        %get3A_1581 = arith.index_cast %add3A_1580 : i32 to index
        %get3A_1582 = arith.constant 96 : index
        %get3A_1583 = tpu.vector_load %arg16[%get3A_1581, %get3A_1582] {strides = array<i32>} : memref<128x128xf32, #tpu.memory_space<vmem>>, vector<16xf32>,
        %mul3A_1584 = vector.broadcast %squeeze3A_1506 : f32 to vector<16xf32>
        %mul3A_1585 = arith.mulf %get3A_1583, %mul3A_1584 : vector<16xf32>
        %add3A_1586 = arith.constant 14 : i32
        %add3A_1587 = arith.addi %mul3A_135, %add3A_1586 : i32
        %swap3A_1588 = arith.index_cast %add3A_1587 : i32 to index
        %swap3A_1589 = arith.constant 96 : index
        %swap3A_1590 = tpu.vector_load %arg16[%swap3A_1588, %swap3A_1589] {strides = array<i32>} : memref<128x128xf32, #tpu.memory_space<vmem>>, vector<16xf32>,
        tpu.vector_store %arg16[%swap3A_1588, %swap3A_1589], %mul3A_1585 {strides = array<i32>} : memref<128x128xf32, #tpu.memory_space<vmem>>, vector<16xf32>,
        %add3A_1591 = arith.constant 14 : i32
        %add3A_1592 = arith.addi %mul3A_135, %add3A_1591 : i32
        %get3A_1593 = arith.index_cast %add3A_1592 : i32 to index
        %get3A_1594 = arith.constant 112 : index
        %get3A_1595 = tpu.vector_load %arg16[%get3A_1593, %get3A_1594] {strides = array<i32>} : memref<128x128xf32, #tpu.memory_space<vmem>>, vector<16xf32>,
        %mul3A_1596 = vector.broadcast %squeeze3A_1506 : f32 to vector<16xf32>
        %mul3A_1597 = arith.mulf %get3A_1595, %mul3A_1596 : vector<16xf32>
        %add3A_1598 = arith.constant 14 : i32
        %add3A_1599 = arith.addi %mul3A_135, %add3A_1598 : i32
        %swap3A_1600 = arith.index_cast %add3A_1599 : i32 to index
        %swap3A_1601 = arith.constant 112 : index
        %swap3A_1602 = tpu.vector_load %arg16[%swap3A_1600, %swap3A_1601] {strides = array<i32>} : memref<128x128xf32, #tpu.memory_space<vmem>>, vector<16xf32>,
        tpu.vector_store %arg16[%swap3A_1600, %swap3A_1601], %mul3A_1597 {strides = array<i32>} : memref<128x128xf32, #tpu.memory_space<vmem>>, vector<16xf32>,
        %slice3A_1603 = vector.extract_strided_slice %get3A_133 {offsets = [15], sizes = [1], strides = [1]} : vector<16xf32> to vector<1xf32>
        %squeeze3A_1604 = vector.extract %slice3A_1603[0] : f32 from vector<1xf32>
        %add3A_1605 = arith.constant 15 : i32
        %add3A_1606 = arith.addi %mul3A_135, %add3A_1605 : i32
        %get3A_1607 = arith.index_cast %add3A_1606 : i32 to index
        %get3A_1608 = arith.constant 0 : index
        %get3A_1609 = tpu.vector_load %arg16[%get3A_1607, %get3A_1608] {strides = array<i32>} : memref<128x128xf32, #tpu.memory_space<vmem>>, vector<16xf32>,
        %mul3A_1610 = vector.broadcast %squeeze3A_1604 : f32 to vector<16xf32>
        %mul3A_1611 = arith.mulf %get3A_1609, %mul3A_1610 : vector<16xf32>
        %add3A_1612 = arith.constant 15 : i32
        %add3A_1613 = arith.addi %mul3A_135, %add3A_1612 : i32
        %swap3A_1614 = arith.index_cast %add3A_1613 : i32 to index
        %swap3A_1615 = arith.constant 0 : index
        %swap3A_1616 = tpu.vector_load %arg16[%swap3A_1614, %swap3A_1615] {strides = array<i32>} : memref<128x128xf32, #tpu.memory_space<vmem>>, vector<16xf32>,
        tpu.vector_store %arg16[%swap3A_1614, %swap3A_1615], %mul3A_1611 {strides = array<i32>} : memref<128x128xf32, #tpu.memory_space<vmem>>, vector<16xf32>,
        %add3A_1617 = arith.constant 15 : i32
        %add3A_1618 = arith.addi %mul3A_135, %add3A_1617 : i32
        %get3A_1619 = arith.index_cast %add3A_1618 : i32 to index
        %get3A_1620 = arith.constant 16 : index
        %get3A_1621 = tpu.vector_load %arg16[%get3A_1619, %get3A_1620] {strides = array<i32>} : memref<128x128xf32, #tpu.memory_space<vmem>>, vector<16xf32>,
        %mul3A_1622 = vector.broadcast %squeeze3A_1604 : f32 to vector<16xf32>
        %mul3A_1623 = arith.mulf %get3A_1621, %mul3A_1622 : vector<16xf32>
        %add3A_1624 = arith.constant 15 : i32
        %add3A_1625 = arith.addi %mul3A_135, %add3A_1624 : i32
        %swap3A_1626 = arith.index_cast %add3A_1625 : i32 to index
        %swap3A_1627 = arith.constant 16 : index
        %swap3A_1628 = tpu.vector_load %arg16[%swap3A_1626, %swap3A_1627] {strides = array<i32>} : memref<128x128xf32, #tpu.memory_space<vmem>>, vector<16xf32>,
        tpu.vector_store %arg16[%swap3A_1626, %swap3A_1627], %mul3A_1623 {strides = array<i32>} : memref<128x128xf32, #tpu.memory_space<vmem>>, vector<16xf32>,
        %add3A_1629 = arith.constant 15 : i32
        %add3A_1630 = arith.addi %mul3A_135, %add3A_1629 : i32
        %get3A_1631 = arith.index_cast %add3A_1630 : i32 to index
        %get3A_1632 = arith.constant 32 : index
        %get3A_1633 = tpu.vector_load %arg16[%get3A_1631, %get3A_1632] {strides = array<i32>} : memref<128x128xf32, #tpu.memory_space<vmem>>, vector<16xf32>,
        %mul3A_1634 = vector.broadcast %squeeze3A_1604 : f32 to vector<16xf32>
        %mul3A_1635 = arith.mulf %get3A_1633, %mul3A_1634 : vector<16xf32>
        %add3A_1636 = arith.constant 15 : i32
        %add3A_1637 = arith.addi %mul3A_135, %add3A_1636 : i32
        %swap3A_1638 = arith.index_cast %add3A_1637 : i32 to index
        %swap3A_1639 = arith.constant 32 : index
        %swap3A_1640 = tpu.vector_load %arg16[%swap3A_1638, %swap3A_1639] {strides = array<i32>} : memref<128x128xf32, #tpu.memory_space<vmem>>, vector<16xf32>,
        tpu.vector_store %arg16[%swap3A_1638, %swap3A_1639], %mul3A_1635 {strides = array<i32>} : memref<128x128xf32, #tpu.memory_space<vmem>>, vector<16xf32>,
        %add3A_1641 = arith.constant 15 : i32
        %add3A_1642 = arith.addi %mul3A_135, %add3A_1641 : i32
        %get3A_1643 = arith.index_cast %add3A_1642 : i32 to index
        %get3A_1644 = arith.constant 48 : index
        %get3A_1645 = tpu.vector_load %arg16[%get3A_1643, %get3A_1644] {strides = array<i32>} : memref<128x128xf32, #tpu.memory_space<vmem>>, vector<16xf32>,
        %mul3A_1646 = vector.broadcast %squeeze3A_1604 : f32 to vector<16xf32>
        %mul3A_1647 = arith.mulf %get3A_1645, %mul3A_1646 : vector<16xf32>
        %add3A_1648 = arith.constant 15 : i32
        %add3A_1649 = arith.addi %mul3A_135, %add3A_1648 : i32
        %swap3A_1650 = arith.index_cast %add3A_1649 : i32 to index
        %swap3A_1651 = arith.constant 48 : index
        %swap3A_1652 = tpu.vector_load %arg16[%swap3A_1650, %swap3A_1651] {strides = array<i32>} : memref<128x128xf32, #tpu.memory_space<vmem>>, vector<16xf32>,
        tpu.vector_store %arg16[%swap3A_1650, %swap3A_1651], %mul3A_1647 {strides = array<i32>} : memref<128x128xf32, #tpu.memory_space<vmem>>, vector<16xf32>,
        %add3A_1653 = arith.constant 15 : i32
        %add3A_1654 = arith.addi %mul3A_135, %add3A_1653 : i32
        %get3A_1655 = arith.index_cast %add3A_1654 : i32 to index
        %get3A_1656 = arith.constant 64 : index
        %get3A_1657 = tpu.vector_load %arg16[%get3A_1655, %get3A_1656] {strides = array<i32>} : memref<128x128xf32, #tpu.memory_space<vmem>>, vector<16xf32>,
        %mul3A_1658 = vector.broadcast %squeeze3A_1604 : f32 to vector<16xf32>
        %mul3A_1659 = arith.mulf %get3A_1657, %mul3A_1658 : vector<16xf32>
        %add3A_1660 = arith.constant 15 : i32
        %add3A_1661 = arith.addi %mul3A_135, %add3A_1660 : i32
        %swap3A_1662 = arith.index_cast %add3A_1661 : i32 to index
        %swap3A_1663 = arith.constant 64 : index
        %swap3A_1664 = tpu.vector_load %arg16[%swap3A_1662, %swap3A_1663] {strides = array<i32>} : memref<128x128xf32, #tpu.memory_space<vmem>>, vector<16xf32>,
        tpu.vector_store %arg16[%swap3A_1662, %swap3A_1663], %mul3A_1659 {strides = array<i32>} : memref<128x128xf32, #tpu.memory_space<vmem>>, vector<16xf32>,
        %add3A_1665 = arith.constant 15 : i32
        %add3A_1666 = arith.addi %mul3A_135, %add3A_1665 : i32
        %get3A_1667 = arith.index_cast %add3A_1666 : i32 to index
        %get3A_1668 = arith.constant 80 : index
        %get3A_1669 = tpu.vector_load %arg16[%get3A_1667, %get3A_1668] {strides = array<i32>} : memref<128x128xf32, #tpu.memory_space<vmem>>, vector<16xf32>,
        %mul3A_1670 = vector.broadcast %squeeze3A_1604 : f32 to vector<16xf32>
        %mul3A_1671 = arith.mulf %get3A_1669, %mul3A_1670 : vector<16xf32>
        %add3A_1672 = arith.constant 15 : i32
        %add3A_1673 = arith.addi %mul3A_135, %add3A_1672 : i32
        %swap3A_1674 = arith.index_cast %add3A_1673 : i32 to index
        %swap3A_1675 = arith.constant 80 : index
        %swap3A_1676 = tpu.vector_load %arg16[%swap3A_1674, %swap3A_1675] {strides = array<i32>} : memref<128x128xf32, #tpu.memory_space<vmem>>, vector<16xf32>,
        tpu.vector_store %arg16[%swap3A_1674, %swap3A_1675], %mul3A_1671 {strides = array<i32>} : memref<128x128xf32, #tpu.memory_space<vmem>>, vector<16xf32>,
        %add3A_1677 = arith.constant 15 : i32
        %add3A_1678 = arith.addi %mul3A_135, %add3A_1677 : i32
        %get3A_1679 = arith.index_cast %add3A_1678 : i32 to index
        %get3A_1680 = arith.constant 96 : index
        %get3A_1681 = tpu.vector_load %arg16[%get3A_1679, %get3A_1680] {strides = array<i32>} : memref<128x128xf32, #tpu.memory_space<vmem>>, vector<16xf32>,
        %mul3A_1682 = vector.broadcast %squeeze3A_1604 : f32 to vector<16xf32>
        %mul3A_1683 = arith.mulf %get3A_1681, %mul3A_1682 : vector<16xf32>
        %add3A_1684 = arith.constant 15 : i32
        %add3A_1685 = arith.addi %mul3A_135, %add3A_1684 : i32
        %swap3A_1686 = arith.index_cast %add3A_1685 : i32 to index
        %swap3A_1687 = arith.constant 96 : index
        %swap3A_1688 = tpu.vector_load %arg16[%swap3A_1686, %swap3A_1687] {strides = array<i32>} : memref<128x128xf32, #tpu.memory_space<vmem>>, vector<16xf32>,
        tpu.vector_store %arg16[%swap3A_1686, %swap3A_1687], %mul3A_1683 {strides = array<i32>} : memref<128x128xf32, #tpu.memory_space<vmem>>, vector<16xf32>,
        %add3A_1689 = arith.constant 15 : i32
        %add3A_1690 = arith.addi %mul3A_135, %add3A_1689 : i32
        %get3A_1691 = arith.index_cast %add3A_1690 : i32 to index
        %get3A_1692 = arith.constant 112 : index
        %get3A_1693 = tpu.vector_load %arg16[%get3A_1691, %get3A_1692] {strides = array<i32>} : memref<128x128xf32, #tpu.memory_space<vmem>>, vector<16xf32>,
        %mul3A_1694 = vector.broadcast %squeeze3A_1604 : f32 to vector<16xf32>
        %mul3A_1695 = arith.mulf %get3A_1693, %mul3A_1694 : vector<16xf32>
        %add3A_1696 = arith.constant 15 : i32
        %add3A_1697 = arith.addi %mul3A_135, %add3A_1696 : i32
        %swap3A_1698 = arith.index_cast %add3A_1697 : i32 to index
        %swap3A_1699 = arith.constant 112 : index
        %swap3A_1700 = tpu.vector_load %arg16[%swap3A_1698, %swap3A_1699] {strides = array<i32>} : memref<128x128xf32, #tpu.memory_space<vmem>>, vector<16xf32>,
        tpu.vector_store %arg16[%swap3A_1698, %swap3A_1699], %mul3A_1695 {strides = array<i32>} : memref<128x128xf32, #tpu.memory_space<vmem>>, vector<16xf32>,
        %scan3A_1701 = arith.constant 0 : i32
        scf.yield %scan3A_1701 : i32
      }
      %scan3A_87 = arith.constant 8 : i32
      "tpu.region"() ({
        %run_scoped3A_128 = tpu.sem_alloc : memref<!tpu.dma_semaphore, #tpu.memory_space<semaphore_mem>>
        %dma_start3A_129 = arith.constant 0 : i32
        %dma_start3A_130 = tpu.memref_slice %arg12[%rem3A_16, %dma_start3A_129] : memref<2x128xi32, #tpu.memory_space<vmem>> -> memref<1x128xi32, #tpu.memory_space<vmem>>
        %dma_start3A_131 = tpu.memref_squeeze %dma_start3A_130 : memref<1x128xi32, #tpu.memory_space<vmem>> -> memref<128xi32, #tpu.memory_space<vmem>>
        %dma_start3A_132 = arith.constant 0 : i32
        %dma_start3A_133 = arith.constant 0 : i32
        %dma_start3A_134 = tpu.memref_slice %arg18[%dma_start3A_132, %dma_start3A_133] : memref<10240x128xf32, #tpu.memory_space<vmem_shared>> -> memref<10240x128xf32, #tpu.memory_space<vmem_shared>>
        tpu.enqueue_indirect_dma source(%arg16 : memref<128x128xf32, #tpu.memory_space<vmem>>) target(%dma_start3A_134 : memref<10240x128xf32, #tpu.memory_space<vmem_shared>>) offsets(%dma_start3A_131 : memref<128xi32, #tpu.memory_space<vmem>>) semaphore(%run_scoped3A_128 : memref<!tpu.dma_semaphore, #tpu.memory_space<semaphore_mem>>) {add = true}
        %dma_wait3A_135 = arith.constant 0 : i32
        %dma_wait3A_136 = tpu.memref_slice %arg12[%rem3A_16, %dma_wait3A_135] : memref<2x128xi32, #tpu.memory_space<vmem>> -> memref<1x128xi32, #tpu.memory_space<vmem>>
        %dma_wait3A_137 = tpu.memref_squeeze %dma_wait3A_136 : memref<1x128xi32, #tpu.memory_space<vmem>> -> memref<128xi32, #tpu.memory_space<vmem>>
        %dma_wait3A_138 = arith.constant 0 : i32
        %dma_wait3A_139 = arith.constant 0 : i32
        %dma_wait3A_140 = tpu.memref_slice %arg18[%dma_wait3A_138, %dma_wait3A_139] : memref<10240x128xf32, #tpu.memory_space<vmem_shared>> -> memref<10240x128xf32, #tpu.memory_space<vmem_shared>>
        tpu.wait_indirect_dma semaphore(%run_scoped3A_128 : memref<!tpu.dma_semaphore, #tpu.memory_space<semaphore_mem>>) src(%arg16 : memref<128x128xf32, #tpu.memory_space<vmem>>) dst(%dma_wait3A_140 : memref<10240x128xf32, #tpu.memory_space<vmem_shared>>)
        tpu.yield
      }) : () -> ()
      %dma_wait3A_88 = arith.constant 0 : i32
      %dma_wait3A_89 = tpu.memref_slice %arg11[%rem3A_20, %dma_wait3A_88] : memref<2x128xi32, #tpu.memory_space<vmem>> -> memref<1x128xi32, #tpu.memory_space<vmem>>
      %dma_wait3A_90 = tpu.memref_squeeze %dma_wait3A_89 : memref<1x128xi32, #tpu.memory_space<vmem>> -> memref<128xi32, #tpu.memory_space<vmem>>
      %dma_wait3A_91 = arith.constant 0 : i32
      %dma_wait3A_92 = arith.constant 0 : i32
      %dma_wait3A_93 = tpu.memref_slice %arg5[%add3A, %dma_wait3A_91, %dma_wait3A_92] : memref<32x81x128xi32, #tpu.memory_space<hbm>> -> memref<1x81x128xi32, #tpu.memory_space<hbm>>
      %dma_wait3A_94 = tpu.memref_squeeze %dma_wait3A_93 : memref<1x81x128xi32, #tpu.memory_space<hbm>> -> memref<81x128xi32, #tpu.memory_space<hbm>>
      %dma_wait3A_95 = arith.constant 0 : i32
      %dma_wait3A_96 = tpu.memref_slice %dma_wait3A_94[%min3A_23, %dma_wait3A_95] : memref<81x128xi32, #tpu.memory_space<hbm>> -> memref<1x128xi32, #tpu.memory_space<hbm>>
      %dma_wait3A_97 = tpu.memref_squeeze %dma_wait3A_96 : memref<1x128xi32, #tpu.memory_space<hbm>> -> memref<128xi32, #tpu.memory_space<hbm>>
      %dma_wait3A_98 = arith.constant 0 : i32
      %dma_wait3A_99 = tpu.memref_slice %arg11[%rem3A_20, %dma_wait3A_98] : memref<2x128xi32, #tpu.memory_space<vmem>> -> memref<1x128xi32, #tpu.memory_space<vmem>>
      %dma_wait3A_100 = tpu.memref_squeeze %dma_wait3A_99 : memref<1x128xi32, #tpu.memory_space<vmem>> -> memref<128xi32, #tpu.memory_space<vmem>>
      %dma_wait3A_101 = arith.constant 0 : i32
      %dma_wait3A_102 = arith.constant 0 : i32
      %dma_wait3A_103 = tpu.memref_slice %arg5[%add3A, %dma_wait3A_101, %dma_wait3A_102] : memref<32x81x128xi32, #tpu.memory_space<hbm>> -> memref<1x81x128xi32, #tpu.memory_space<hbm>>
      %dma_wait3A_104 = tpu.memref_squeeze %dma_wait3A_103 : memref<1x81x128xi32, #tpu.memory_space<hbm>> -> memref<81x128xi32, #tpu.memory_space<hbm>>
      %dma_wait3A_105 = arith.constant 0 : i32
      %dma_wait3A_106 = tpu.memref_slice %dma_wait3A_104[%min3A_23, %dma_wait3A_105] : memref<81x128xi32, #tpu.memory_space<hbm>> -> memref<1x128xi32, #tpu.memory_space<hbm>>
      %dma_wait3A_107 = tpu.memref_squeeze %dma_wait3A_106 : memref<1x128xi32, #tpu.memory_space<hbm>> -> memref<128xi32, #tpu.memory_space<hbm>>
      tpu.wait_dma2 semaphore(%arg21 : memref<!tpu.dma_semaphore, #tpu.memory_space<semaphore_mem>>) src(%dma_wait3A_107 : memref<128xi32, #tpu.memory_space<hbm>>) dst(%dma_wait3A_100 : memref<128xi32, #tpu.memory_space<vmem>>)
      %dma_wait3A_108 = arith.constant 0 : i32
      %dma_wait3A_109 = tpu.memref_slice %arg12[%rem3A_20, %dma_wait3A_108] : memref<2x128xi32, #tpu.memory_space<vmem>> -> memref<1x128xi32, #tpu.memory_space<vmem>>
      %dma_wait3A_110 = tpu.memref_squeeze %dma_wait3A_109 : memref<1x128xi32, #tpu.memory_space<vmem>> -> memref<128xi32, #tpu.memory_space<vmem>>
      %dma_wait3A_111 = arith.constant 0 : i32
      %dma_wait3A_112 = arith.constant 0 : i32
      %dma_wait3A_113 = tpu.memref_slice %arg6[%add3A, %dma_wait3A_111, %dma_wait3A_112] : memref<32x81x128xi32, #tpu.memory_space<hbm>> -> memref<1x81x128xi32, #tpu.memory_space<hbm>>
      %dma_wait3A_114 = tpu.memref_squeeze %dma_wait3A_113 : memref<1x81x128xi32, #tpu.memory_space<hbm>> -> memref<81x128xi32, #tpu.memory_space<hbm>>
      %dma_wait3A_115 = arith.constant 0 : i32
      %dma_wait3A_116 = tpu.memref_slice %dma_wait3A_114[%min3A_23, %dma_wait3A_115] : memref<81x128xi32, #tpu.memory_space<hbm>> -> memref<1x128xi32, #tpu.memory_space<hbm>>
      %dma_wait3A_117 = tpu.memref_squeeze %dma_wait3A_116 : memref<1x128xi32, #tpu.memory_space<hbm>> -> memref<128xi32, #tpu.memory_space<hbm>>
      %dma_wait3A_118 = arith.constant 0 : i32
      %dma_wait3A_119 = tpu.memref_slice %arg12[%rem3A_20, %dma_wait3A_118] : memref<2x128xi32, #tpu.memory_space<vmem>> -> memref<1x128xi32, #tpu.memory_space<vmem>>
      %dma_wait3A_120 = tpu.memref_squeeze %dma_wait3A_119 : memref<1x128xi32, #tpu.memory_space<vmem>> -> memref<128xi32, #tpu.memory_space<vmem>>
      %dma_wait3A_121 = arith.constant 0 : i32
      %dma_wait3A_122 = arith.constant 0 : i32
      %dma_wait3A_123 = tpu.memref_slice %arg6[%add3A, %dma_wait3A_121, %dma_wait3A_122] : memref<32x81x128xi32, #tpu.memory_space<hbm>> -> memref<1x81x128xi32, #tpu.memory_space<hbm>>
      %dma_wait3A_124 = tpu.memref_squeeze %dma_wait3A_123 : memref<1x81x128xi32, #tpu.memory_space<hbm>> -> memref<81x128xi32, #tpu.memory_space<hbm>>
      %dma_wait3A_125 = arith.constant 0 : i32
      %dma_wait3A_126 = tpu.memref_slice %dma_wait3A_124[%min3A_23, %dma_wait3A_125] : memref<81x128xi32, #tpu.memory_space<hbm>> -> memref<1x128xi32, #tpu.memory_space<hbm>>
      %dma_wait3A_127 = tpu.memref_squeeze %dma_wait3A_126 : memref<1x128xi32, #tpu.memory_space<hbm>> -> memref<128xi32, #tpu.memory_space<hbm>>
      tpu.wait_dma2 semaphore(%arg21 : memref<!tpu.dma_semaphore, #tpu.memory_space<semaphore_mem>>) src(%dma_wait3A_127 : memref<128xi32, #tpu.memory_space<hbm>>) dst(%dma_wait3A_120 : memref<128xi32, #tpu.memory_space<vmem>>)
    }
    %scan3A_13 = arith.constant 81 : i32
    %barrier3A_14 = arith.constant 0 : index
    tpu.barrier barrier_id(%barrier3A_14)
    "tpu.region"() ({
      %run_scoped3A_15 = tpu.sem_alloc : memref<!tpu.dma_semaphore, #tpu.memory_space<semaphore_mem>>
      %dma_start3A = arith.constant 0 : i32
      %dma_start3A_16 = arith.constant 0 : i32
      %dma_start3A_17 = tpu.memref_slice %arg9[%arg0, %dma_start3A, %dma_start3A_16] : memref<2x10240x128xf32, #tpu.memory_space<hbm>> -> memref<1x10240x128xf32, #tpu.memory_space<hbm>>
      %dma_start3A_18 = tpu.memref_squeeze %dma_start3A_17 : memref<1x10240x128xf32, #tpu.memory_space<hbm>> -> memref<10240x128xf32, #tpu.memory_space<hbm>>
      %dma_start3A_19 = arith.constant 0 : i32
      %dma_start3A_20 = tpu.memref_slice %dma_start3A_18[%mul3A_2, %dma_start3A_19] : memref<10240x128xf32, #tpu.memory_space<hbm>> -> memref<640x128xf32, #tpu.memory_space<hbm>>
      %dma_start3A_21 = arith.constant 0 : i32
      %dma_start3A_22 = tpu.memref_slice %arg18[%mul3A_2, %dma_start3A_21] : memref<10240x128xf32, #tpu.memory_space<vmem_shared>> -> memref<640x128xf32, #tpu.memory_space<vmem_shared>>
      tpu.enqueue_dma source(%dma_start3A_22 : memref<640x128xf32, #tpu.memory_space<vmem_shared>>) target(%dma_start3A_20 : memref<640x128xf32, #tpu.memory_space<hbm>>) target_semaphore(%run_scoped3A_15 : memref<!tpu.dma_semaphore, #tpu.memory_space<semaphore_mem>>)
      %dma_wait3A = arith.constant 0 : i32
      %dma_wait3A_23 = arith.constant 0 : i32
      %dma_wait3A_24 = tpu.memref_slice %arg9[%arg0, %dma_wait3A, %dma_wait3A_23] : memref<2x10240x128xf32, #tpu.memory_space<hbm>> -> memref<1x10240x128xf32, #tpu.memory_space<hbm>>
      %dma_wait3A_25 = tpu.memref_squeeze %dma_wait3A_24 : memref<1x10240x128xf32, #tpu.memory_space<hbm>> -> memref<10240x128xf32, #tpu.memory_space<hbm>>
      %dma_wait3A_26 = arith.constant 0 : i32
      %dma_wait3A_27 = tpu.memref_slice %dma_wait3A_25[%mul3A_2, %dma_wait3A_26] : memref<10240x128xf32, #tpu.memory_space<hbm>> -> memref<640x128xf32, #tpu.memory_space<hbm>>
      %dma_wait3A_28 = arith.constant 0 : i32
      %dma_wait3A_29 = tpu.memref_slice %arg18[%mul3A_2, %dma_wait3A_28] : memref<10240x128xf32, #tpu.memory_space<vmem_shared>> -> memref<640x128xf32, #tpu.memory_space<vmem_shared>>
      tpu.wait_dma2 semaphore(%run_scoped3A_15 : memref<!tpu.dma_semaphore, #tpu.memory_space<semaphore_mem>>) src(%dma_wait3A_29 : memref<640x128xf32, #tpu.memory_space<vmem_shared>>) dst(%dma_wait3A_27 : memref<640x128xf32, #tpu.memory_space<hbm>>)
      tpu.yield
    }) : () -> ()
    "tpu.region"() ({
      %run_scoped3A_15 = tpu.sem_alloc : memref<!tpu.dma_semaphore, #tpu.memory_space<semaphore_mem>>
      %dma_start3A = arith.constant 0 : i32
      %dma_start3A_16 = tpu.memref_slice %arg10[%arg0, %dma_start3A] : memref<2x10240xf32, #tpu.memory_space<hbm>> -> memref<1x10240xf32, #tpu.memory_space<hbm>>
      %dma_start3A_17 = tpu.memref_squeeze %dma_start3A_16 : memref<1x10240xf32, #tpu.memory_space<hbm>> -> memref<10240xf32, #tpu.memory_space<hbm>>
      %dma_start3A_18 = tpu.memref_slice %dma_start3A_17[%mul3A_2] : memref<10240xf32, #tpu.memory_space<hbm>> -> memref<640xf32, #tpu.memory_space<hbm>>
      %dma_start3A_19 = tpu.memref_slice %arg19[%mul3A_2] : memref<10240xf32, #tpu.memory_space<vmem_shared>> -> memref<640xf32, #tpu.memory_space<vmem_shared>>
      tpu.enqueue_dma source(%dma_start3A_19 : memref<640xf32, #tpu.memory_space<vmem_shared>>) target(%dma_start3A_18 : memref<640xf32, #tpu.memory_space<hbm>>) target_semaphore(%run_scoped3A_15 : memref<!tpu.dma_semaphore, #tpu.memory_space<semaphore_mem>>)
      %dma_wait3A = arith.constant 0 : i32
      %dma_wait3A_20 = tpu.memref_slice %arg10[%arg0, %dma_wait3A] : memref<2x10240xf32, #tpu.memory_space<hbm>> -> memref<1x10240xf32, #tpu.memory_space<hbm>>
      %dma_wait3A_21 = tpu.memref_squeeze %dma_wait3A_20 : memref<1x10240xf32, #tpu.memory_space<hbm>> -> memref<10240xf32, #tpu.memory_space<hbm>>
      %dma_wait3A_22 = tpu.memref_slice %dma_wait3A_21[%mul3A_2] : memref<10240xf32, #tpu.memory_space<hbm>> -> memref<640xf32, #tpu.memory_space<hbm>>
      %dma_wait3A_23 = tpu.memref_slice %arg19[%mul3A_2] : memref<10240xf32, #tpu.memory_space<vmem_shared>> -> memref<640xf32, #tpu.memory_space<vmem_shared>>
      tpu.wait_dma2 semaphore(%run_scoped3A_15 : memref<!tpu.dma_semaphore, #tpu.memory_space<semaphore_mem>>) src(%dma_wait3A_23 : memref<640xf32, #tpu.memory_space<vmem_shared>>) dst(%dma_wait3A_22 : memref<640xf32, #tpu.memory_space<hbm>>)
      tpu.yield
    }) : () -> ()
    return
  }
}

module attributes {stable_mosaic.version = 14 : i64} {
  func.func @_tc_prep_body(%arg0: memref<10240x128xf32, #tpu.memory_space<vmem>>, %arg1: memref<128x128xf32, #tpu.memory_space<vmem>>, %arg2: memref<128xf32, #tpu.memory_space<vmem>>, %arg3: memref<128xf32, #tpu.memory_space<vmem>>, %arg4: memref<10240x128xf32, #tpu.memory_space<vmem>>, %arg5: memref<2x10240xf32, #tpu.memory_space<vmem>>, %arg6: memref<16xf32, #tpu.memory_space<vmem>>) attributes {dimension_semantics = [], scalar_prefetch = 0 : i64, scratch_operands = 0 : i64, tpu.core_type = #tpu.core_type<tc>} {
    %get3A = arith.constant 0 : index
    %get3A_0 = arith.constant 0 : index
    %get3A_1 = vector.load %arg0[%get3A, %get3A_0] : memref<10240x128xf32, #tpu.memory_space<vmem>>, vector<10240x128xf32>
    %get3A_2 = arith.constant 0 : index
    %get3A_3 = arith.constant 0 : index
    %get3A_4 = vector.load %arg1[%get3A_2, %get3A_3] : memref<128x128xf32, #tpu.memory_space<vmem>>, vector<128x128xf32>
    %transpose3A = tpu.transpose %get3A_4, [1, 0] : vector<128x128xf32> -> vector<128x128xf32>
    %dot_general3A = arith.constant dense<0.000000e+00> : vector<10240x128xf32>
    %dot_general3A_5 = tpu.matmul %get3A_1, %transpose3A, %dot_general3A {dimension_numbers = #tpu.dot_dimension_numbers<[1], [0], [0], [1], [0, 0, 1, 1], [], []>, transpose_lhs_hint = false} : vector<10240x128xf32>, vector<128x128xf32>, vector<10240x128xf32> -> vector<10240x128xf32>
    %swap3A = arith.constant 0 : index
    %swap3A_6 = arith.constant 0 : index
    %swap3A_7 = vector.load %arg4[%swap3A, %swap3A_6] : memref<10240x128xf32, #tpu.memory_space<vmem>>, vector<10240x128xf32>
    tpu.vector_store %arg4[%swap3A, %swap3A_6], %dot_general3A_5 {strides = array<i32>} : memref<10240x128xf32, #tpu.memory_space<vmem>>, vector<10240x128xf32>,
    %get3A_8 = arith.constant 0 : index
    %get3A_9 = vector.load %arg2[%get3A_8] : memref<128xf32, #tpu.memory_space<vmem>>, vector<128xf32>
    %broadcast_in_dim3A = vector.shape_cast %get3A_9 : vector<128xf32> to vector<1x128xf32>
    %mul3A = vector.broadcast %broadcast_in_dim3A : vector<1x128xf32> to vector<10240x128xf32>
    %mul3A_10 = arith.mulf %dot_general3A_5, %mul3A : vector<10240x128xf32>
    %reduce_sum3A = arith.constant dense<0.000000e+00> : vector<10240xf32>
    %reduce_sum3A_11 = vector.multi_reduction <add>, %mul3A_10, %reduce_sum3A [1] : vector<10240x128xf32> to vector<10240xf32>
    %get3A_12 = arith.constant 0 : index
    %get3A_13 = vector.load %arg3[%get3A_12] : memref<128xf32, #tpu.memory_space<vmem>>, vector<128xf32>
    %broadcast_in_dim3A_14 = vector.shape_cast %get3A_13 : vector<128xf32> to vector<1x128xf32>
    %mul3A_15 = vector.broadcast %broadcast_in_dim3A_14 : vector<1x128xf32> to vector<10240x128xf32>
    %mul3A_16 = arith.mulf %dot_general3A_5, %mul3A_15 : vector<10240x128xf32>
    %reduce_sum3A_17 = arith.constant dense<0.000000e+00> : vector<10240xf32>
    %reduce_sum3A_18 = vector.multi_reduction <add>, %mul3A_16, %reduce_sum3A_17 [1] : vector<10240x128xf32> to vector<10240xf32>
    %stack3A = vector.shape_cast %reduce_sum3A_11 : vector<10240xf32> to vector<1x10240xf32>
    %stack3A_19 = vector.shape_cast %reduce_sum3A_18 : vector<10240xf32> to vector<1x10240xf32>
    %stack3A_20 = tpu.concatenate %stack3A, %stack3A_19 in 0 : vector<1x10240xf32>, vector<1x10240xf32> -> vector<2x10240xf32>
    %swap3A_21 = arith.constant 0 : index
    %swap3A_22 = arith.constant 0 : index
    %swap3A_23 = vector.load %arg5[%swap3A_21, %swap3A_22] : memref<2x10240xf32, #tpu.memory_space<vmem>>, vector<2x10240xf32>
    tpu.vector_store %arg5[%swap3A_21, %swap3A_22], %stack3A_20 {strides = array<i32>} : memref<2x10240xf32, #tpu.memory_space<vmem>>, vector<2x10240xf32>,
    %reduce_max3A = vector.shape_cast %reduce_sum3A_11 : vector<10240xf32> to vector<1x10240xf32>
    %reduce_max3A_24 = arith.constant dense<0xFF800000> : vector<1xf32>
    %reduce_max3A_25 = vector.multi_reduction <maximumf>, %reduce_max3A, %reduce_max3A_24 [1] : vector<1x10240xf32> to vector<1xf32>
    %reduce_max3A_26 = vector.shape_cast %reduce_max3A_25 : vector<1xf32> to vector<1x1xf32>
    %reduce_max3A_27 = vector.extract %reduce_max3A_26[0, 0] : f32 from vector<1x1xf32>
    %reduce_max3A_28 = vector.shape_cast %reduce_sum3A_18 : vector<10240xf32> to vector<1x10240xf32>
    %reduce_max3A_29 = arith.constant dense<0xFF800000> : vector<1xf32>
    %reduce_max3A_30 = vector.multi_reduction <maximumf>, %reduce_max3A_28, %reduce_max3A_29 [1] : vector<1x10240xf32> to vector<1xf32>
    %reduce_max3A_31 = vector.shape_cast %reduce_max3A_30 : vector<1xf32> to vector<1x1xf32>
    %reduce_max3A_32 = vector.extract %reduce_max3A_31[0, 0] : f32 from vector<1x1xf32>
    %add3A = arith.addf %reduce_max3A_27, %reduce_max3A_32 : f32
    %ge3A = arith.constant 0.000000e+00 : f32
    %ge3A_33 = arith.cmpf oge, %add3A, %ge3A : f32
    %mul3A_34 = arith.constant 2.000000e-01 : f32
    %mul3A_35 = arith.mulf %mul3A_34, %add3A : f32
    %select_n3A = arith.select %ge3A_33, %add3A, %mul3A_35 : f32
    %broadcast_in_dim3A_36 = vector.broadcast %select_n3A : f32 to vector<16xf32>
    %swap3A_37 = arith.constant 0 : index
    %swap3A_38 = vector.load %arg6[%swap3A_37] : memref<16xf32, #tpu.memory_space<vmem>>, vector<16xf32>
    tpu.vector_store %arg6[%swap3A_37], %broadcast_in_dim3A_36 {strides = array<i32>} : memref<16xf32, #tpu.memory_space<vmem>>, vector<16xf32>,
    return
  }
}

module attributes {stable_mosaic.version = 14 : i64} {
  func.func @_tc_mid_body(%arg0: memref<2x10240x128xf32, #tpu.memory_space<vmem>>, %arg1: memref<2x10240xf32, #tpu.memory_space<vmem>>, %arg2: memref<128xf32, #tpu.memory_space<vmem>>, %arg3: memref<1x128xf32, #tpu.memory_space<vmem>>, %arg4: memref<128x128xf32, #tpu.memory_space<vmem>>, %arg5: memref<128xf32, #tpu.memory_space<vmem>>, %arg6: memref<128xf32, #tpu.memory_space<vmem>>, %arg7: memref<10240x128xf32, #tpu.memory_space<vmem>>, %arg8: memref<2x10240xf32, #tpu.memory_space<vmem>>, %arg9: memref<16xf32, #tpu.memory_space<vmem>>) attributes {dimension_semantics = [], scalar_prefetch = 0 : i64, scratch_operands = 0 : i64, tpu.core_type = #tpu.core_type<tc>} {
    %get3A = arith.constant 0 : index
    %get3A_0 = arith.constant 0 : index
    %get3A_1 = arith.constant 0 : index
    %get3A_2 = vector.load %arg0[%get3A, %get3A_0, %get3A_1] : memref<2x10240x128xf32, #tpu.memory_space<vmem>>, vector<1x10240x128xf32>
    %get3A_3 = vector.shape_cast %get3A_2 : vector<1x10240x128xf32> to vector<10240x128xf32>
    %get3A_4 = arith.constant 1 : index
    %get3A_5 = arith.constant 0 : index
    %get3A_6 = arith.constant 0 : index
    %get3A_7 = vector.load %arg0[%get3A_4, %get3A_5, %get3A_6] : memref<2x10240x128xf32, #tpu.memory_space<vmem>>, vector<1x10240x128xf32>
    %get3A_8 = vector.shape_cast %get3A_7 : vector<1x10240x128xf32> to vector<10240x128xf32>
    %add3A = arith.addf %get3A_3, %get3A_8 : vector<10240x128xf32>
    %get3A_9 = arith.constant 0 : index
    %get3A_10 = arith.constant 0 : index
    %get3A_11 = vector.load %arg1[%get3A_9, %get3A_10] : memref<2x10240xf32, #tpu.memory_space<vmem>>, vector<1x10240xf32>
    %get3A_12 = vector.shape_cast %get3A_11 : vector<1x10240xf32> to vector<10240xf32>
    %get3A_13 = arith.constant 1 : index
    %get3A_14 = arith.constant 0 : index
    %get3A_15 = vector.load %arg1[%get3A_13, %get3A_14] : memref<2x10240xf32, #tpu.memory_space<vmem>>, vector<1x10240xf32>
    %get3A_16 = vector.shape_cast %get3A_15 : vector<1x10240xf32> to vector<10240xf32>
    %add3A_17 = arith.addf %get3A_12, %get3A_16 : vector<10240xf32>
    %add3A_18 = arith.constant 1.000000e-16 : f32
    %add3A_19 = vector.broadcast %add3A_18 : f32 to vector<10240xf32>
    %add3A_20 = arith.addf %add3A_17, %add3A_19 : vector<10240xf32>
    %broadcast_in_dim3A = vector.shape_cast %add3A_20 : vector<10240xf32> to vector<10240x1xf32>
    %div3A = vector.broadcast %broadcast_in_dim3A : vector<10240x1xf32> to vector<10240x128xf32>
    %div3A_21 = arith.divf %add3A, %div3A : vector<10240x128xf32>
    %get3A_22 = arith.constant 0 : index
    %get3A_23 = vector.load %arg2[%get3A_22] : memref<128xf32, #tpu.memory_space<vmem>>, vector<128xf32>
    %broadcast_in_dim3A_24 = vector.shape_cast %get3A_23 : vector<128xf32> to vector<1x128xf32>
    %add3A_25 = vector.broadcast %broadcast_in_dim3A_24 : vector<1x128xf32> to vector<10240x128xf32>
    %add3A_26 = arith.addf %div3A_21, %add3A_25 : vector<10240x128xf32>
    %get3A_27 = arith.constant 0 : index
    %get3A_28 = arith.constant 0 : index
    %get3A_29 = vector.load %arg3[%get3A_27, %get3A_28] : memref<1x128xf32, #tpu.memory_space<vmem>>, vector<1x128xf32>
    %get3A_30 = vector.shape_cast %get3A_29 : vector<1x128xf32> to vector<128xf32>
    %broadcast_in_dim3A_31 = vector.shape_cast %get3A_30 : vector<128xf32> to vector<1x128xf32>
    %add3A_32 = vector.broadcast %broadcast_in_dim3A_31 : vector<1x128xf32> to vector<10240x128xf32>
    %add3A_33 = arith.addf %add3A_26, %add3A_32 : vector<10240x128xf32>
    %iota3A = tpu.iota {dimensions = array<i32: 0>} : vector<10240x128xi32>
    %lt3A = arith.constant 10000 : i32
    %lt3A_34 = vector.broadcast %lt3A : i32 to vector<10240x128xi32>
    %lt3A_35 = arith.cmpi slt, %iota3A, %lt3A_34 : vector<10240x128xi32>
    %jit3A = arith.constant 0.000000e+00 : f32
    %broadcast_in_dim3A_36 = vector.broadcast %jit3A : f32 to vector<10240x128xf32>
    %select_n3A = arith.select %lt3A_35, %add3A_33, %broadcast_in_dim3A_36 : vector<10240x128xi1>, vector<10240x128xf32>
    %get3A_37 = arith.constant 0 : index
    %get3A_38 = arith.constant 0 : index
    %get3A_39 = vector.load %arg4[%get3A_37, %get3A_38] : memref<128x128xf32, #tpu.memory_space<vmem>>, vector<128x128xf32>
    %transpose3A = tpu.transpose %get3A_39, [1, 0] : vector<128x128xf32> -> vector<128x128xf32>
    %dot_general3A = arith.constant dense<0.000000e+00> : vector<10240x128xf32>
    %dot_general3A_40 = tpu.matmul %select_n3A, %transpose3A, %dot_general3A {dimension_numbers = #tpu.dot_dimension_numbers<[1], [0], [0], [1], [0, 0, 1, 1], [], []>, transpose_lhs_hint = false} : vector<10240x128xf32>, vector<128x128xf32>, vector<10240x128xf32> -> vector<10240x128xf32>
    %swap3A = arith.constant 0 : index
    %swap3A_41 = arith.constant 0 : index
    %swap3A_42 = vector.load %arg7[%swap3A, %swap3A_41] : memref<10240x128xf32, #tpu.memory_space<vmem>>, vector<10240x128xf32>
    tpu.vector_store %arg7[%swap3A, %swap3A_41], %dot_general3A_40 {strides = array<i32>} : memref<10240x128xf32, #tpu.memory_space<vmem>>, vector<10240x128xf32>,
    %get3A_43 = arith.constant 0 : index
    %get3A_44 = vector.load %arg5[%get3A_43] : memref<128xf32, #tpu.memory_space<vmem>>, vector<128xf32>
    %broadcast_in_dim3A_45 = vector.shape_cast %get3A_44 : vector<128xf32> to vector<1x128xf32>
    %mul3A = vector.broadcast %broadcast_in_dim3A_45 : vector<1x128xf32> to vector<10240x128xf32>
    %mul3A_46 = arith.mulf %dot_general3A_40, %mul3A : vector<10240x128xf32>
    %reduce_sum3A = arith.constant dense<0.000000e+00> : vector<10240xf32>
    %reduce_sum3A_47 = vector.multi_reduction <add>, %mul3A_46, %reduce_sum3A [1] : vector<10240x128xf32> to vector<10240xf32>
    %get3A_48 = arith.constant 0 : index
    %get3A_49 = vector.load %arg6[%get3A_48] : memref<128xf32, #tpu.memory_space<vmem>>, vector<128xf32>
    %broadcast_in_dim3A_50 = vector.shape_cast %get3A_49 : vector<128xf32> to vector<1x128xf32>
    %mul3A_51 = vector.broadcast %broadcast_in_dim3A_50 : vector<1x128xf32> to vector<10240x128xf32>
    %mul3A_52 = arith.mulf %dot_general3A_40, %mul3A_51 : vector<10240x128xf32>
    %reduce_sum3A_53 = arith.constant dense<0.000000e+00> : vector<10240xf32>
    %reduce_sum3A_54 = vector.multi_reduction <add>, %mul3A_52, %reduce_sum3A_53 [1] : vector<10240x128xf32> to vector<10240xf32>
    %stack3A = vector.shape_cast %reduce_sum3A_47 : vector<10240xf32> to vector<1x10240xf32>
    %stack3A_55 = vector.shape_cast %reduce_sum3A_54 : vector<10240xf32> to vector<1x10240xf32>
    %stack3A_56 = tpu.concatenate %stack3A, %stack3A_55 in 0 : vector<1x10240xf32>, vector<1x10240xf32> -> vector<2x10240xf32>
    %swap3A_57 = arith.constant 0 : index
    %swap3A_58 = arith.constant 0 : index
    %swap3A_59 = vector.load %arg8[%swap3A_57, %swap3A_58] : memref<2x10240xf32, #tpu.memory_space<vmem>>, vector<2x10240xf32>
    tpu.vector_store %arg8[%swap3A_57, %swap3A_58], %stack3A_56 {strides = array<i32>} : memref<2x10240xf32, #tpu.memory_space<vmem>>, vector<2x10240xf32>,
    %reduce_max3A = vector.shape_cast %reduce_sum3A_47 : vector<10240xf32> to vector<1x10240xf32>
    %reduce_max3A_60 = arith.constant dense<0xFF800000> : vector<1xf32>
    %reduce_max3A_61 = vector.multi_reduction <maximumf>, %reduce_max3A, %reduce_max3A_60 [1] : vector<1x10240xf32> to vector<1xf32>
    %reduce_max3A_62 = vector.shape_cast %reduce_max3A_61 : vector<1xf32> to vector<1x1xf32>
    %reduce_max3A_63 = vector.extract %reduce_max3A_62[0, 0] : f32 from vector<1x1xf32>
    %reduce_max3A_64 = vector.shape_cast %reduce_sum3A_54 : vector<10240xf32> to vector<1x10240xf32>
    %reduce_max3A_65 = arith.constant dense<0xFF800000> : vector<1xf32>
    %reduce_max3A_66 = vector.multi_reduction <maximumf>, %reduce_max3A_64, %reduce_max3A_65 [1] : vector<1x10240xf32> to vector<1xf32>
    %reduce_max3A_67 = vector.shape_cast %reduce_max3A_66 : vector<1xf32> to vector<1x1xf32>
    %reduce_max3A_68 = vector.extract %reduce_max3A_67[0, 0] : f32 from vector<1x1xf32>
    %add3A_69 = arith.addf %reduce_max3A_63, %reduce_max3A_68 : f32
    %ge3A = arith.constant 0.000000e+00 : f32
    %ge3A_70 = arith.cmpf oge, %add3A_69, %ge3A : f32
    %mul3A_71 = arith.constant 2.000000e-01 : f32
    %mul3A_72 = arith.mulf %mul3A_71, %add3A_69 : f32
    %select_n3A_73 = arith.select %ge3A_70, %add3A_69, %mul3A_72 : f32
    %broadcast_in_dim3A_74 = vector.broadcast %select_n3A_73 : f32 to vector<16xf32>
    %swap3A_75 = arith.constant 0 : index
    %swap3A_76 = vector.load %arg9[%swap3A_75] : memref<16xf32, #tpu.memory_space<vmem>>, vector<16xf32>
    tpu.vector_store %arg9[%swap3A_75], %broadcast_in_dim3A_74 {strides = array<i32>} : memref<16xf32, #tpu.memory_space<vmem>>, vector<16xf32>,
    return
  }
}

module attributes {stable_mosaic.version = 14 : i64} {
  func.func @_tc_final_body(%arg0: memref<2x10240x128xf32, #tpu.memory_space<vmem>>, %arg1: memref<2x10240xf32, #tpu.memory_space<vmem>>, %arg2: memref<128xf32, #tpu.memory_space<vmem>>, %arg3: memref<128x128xf32, #tpu.memory_space<vmem>>, %arg4: memref<128xf32, #tpu.memory_space<vmem>>, %arg5: memref<10240x128xf32, #tpu.memory_space<vmem>>) attributes {dimension_semantics = [], scalar_prefetch = 0 : i64, scratch_operands = 0 : i64, tpu.core_type = #tpu.core_type<tc>} {
    %get3A = arith.constant 0 : index
    %get3A_0 = arith.constant 0 : index
    %get3A_1 = arith.constant 0 : index
    %get3A_2 = vector.load %arg0[%get3A, %get3A_0, %get3A_1] : memref<2x10240x128xf32, #tpu.memory_space<vmem>>, vector<1x10240x128xf32>
    %get3A_3 = vector.shape_cast %get3A_2 : vector<1x10240x128xf32> to vector<10240x128xf32>
    %get3A_4 = arith.constant 1 : index
    %get3A_5 = arith.constant 0 : index
    %get3A_6 = arith.constant 0 : index
    %get3A_7 = vector.load %arg0[%get3A_4, %get3A_5, %get3A_6] : memref<2x10240x128xf32, #tpu.memory_space<vmem>>, vector<1x10240x128xf32>
    %get3A_8 = vector.shape_cast %get3A_7 : vector<1x10240x128xf32> to vector<10240x128xf32>
    %add3A = arith.addf %get3A_3, %get3A_8 : vector<10240x128xf32>
    %get3A_9 = arith.constant 0 : index
    %get3A_10 = arith.constant 0 : index
    %get3A_11 = vector.load %arg1[%get3A_9, %get3A_10] : memref<2x10240xf32, #tpu.memory_space<vmem>>, vector<1x10240xf32>
    %get3A_12 = vector.shape_cast %get3A_11 : vector<1x10240xf32> to vector<10240xf32>
    %get3A_13 = arith.constant 1 : index
    %get3A_14 = arith.constant 0 : index
    %get3A_15 = vector.load %arg1[%get3A_13, %get3A_14] : memref<2x10240xf32, #tpu.memory_space<vmem>>, vector<1x10240xf32>
    %get3A_16 = vector.shape_cast %get3A_15 : vector<1x10240xf32> to vector<10240xf32>
    %add3A_17 = arith.addf %get3A_12, %get3A_16 : vector<10240xf32>
    %add3A_18 = arith.constant 1.000000e-16 : f32
    %add3A_19 = vector.broadcast %add3A_18 : f32 to vector<10240xf32>
    %add3A_20 = arith.addf %add3A_17, %add3A_19 : vector<10240xf32>
    %broadcast_in_dim3A = vector.shape_cast %add3A_20 : vector<10240xf32> to vector<10240x1xf32>
    %div3A = vector.broadcast %broadcast_in_dim3A : vector<10240x1xf32> to vector<10240x128xf32>
    %div3A_21 = arith.divf %add3A, %div3A : vector<10240x128xf32>
    %get3A_22 = arith.constant 0 : index
    %get3A_23 = vector.load %arg2[%get3A_22] : memref<128xf32, #tpu.memory_space<vmem>>, vector<128xf32>
    %broadcast_in_dim3A_24 = vector.shape_cast %get3A_23 : vector<128xf32> to vector<1x128xf32>
    %add3A_25 = vector.broadcast %broadcast_in_dim3A_24 : vector<1x128xf32> to vector<10240x128xf32>
    %add3A_26 = arith.addf %div3A_21, %add3A_25 : vector<10240x128xf32>
    %get3A_27 = arith.constant 0 : index
    %get3A_28 = arith.constant 0 : index
    %get3A_29 = vector.load %arg3[%get3A_27, %get3A_28] : memref<128x128xf32, #tpu.memory_space<vmem>>, vector<128x128xf32>
    %transpose3A = tpu.transpose %get3A_29, [1, 0] : vector<128x128xf32> -> vector<128x128xf32>
    %dot_general3A = arith.constant dense<0.000000e+00> : vector<10240x128xf32>
    %dot_general3A_30 = tpu.matmul %add3A_26, %transpose3A, %dot_general3A {dimension_numbers = #tpu.dot_dimension_numbers<[1], [0], [0], [1], [0, 0, 1, 1], [], []>, transpose_lhs_hint = false} : vector<10240x128xf32>, vector<128x128xf32>, vector<10240x128xf32> -> vector<10240x128xf32>
    %get3A_31 = arith.constant 0 : index
    %get3A_32 = vector.load %arg4[%get3A_31] : memref<128xf32, #tpu.memory_space<vmem>>, vector<128xf32>
    %broadcast_in_dim3A_33 = vector.shape_cast %get3A_32 : vector<128xf32> to vector<1x128xf32>
    %add3A_34 = vector.broadcast %broadcast_in_dim3A_33 : vector<1x128xf32> to vector<10240x128xf32>
    %add3A_35 = arith.addf %dot_general3A_30, %add3A_34 : vector<10240x128xf32>
    %swap3A = arith.constant 0 : index
    %swap3A_36 = arith.constant 0 : index
    %swap3A_37 = vector.load %arg5[%swap3A, %swap3A_36] : memref<10240x128xf32, #tpu.memory_space<vmem>>, vector<10240x128xf32>
    tpu.vector_store %arg5[%swap3A, %swap3A_36], %add3A_35 {strides = array<i32>} : memref<10240x128xf32, #tpu.memory_space<vmem>>, vector<10240x128xf32>,
    return
  }
}

</mosaic_0001>

<sc_bundles>
// kernel: kernel.10.cloned.1.call-start
scs
__scs_entry_jumppad:
0x0: {  	(pc) =	sbr.rel $0x88, $3  }
0x1: {  	(tag) =	ssettag $0x0;
	lr =	simm.s32 $0x1  }
0x2: {  	[smem:$0x3F94] =	sst lr;
	_ =	strace $0xD0000000  }
0x3: {  	_ = 	snop  }
0x4: {  	_ = 	snop  }
0x5: {  	_ = 	snop  }
0x6: {  	_ = 	snop  }
0x7: {  	_ = 	snop  }
__scs_overlays_trampoline_lowered:
0x8: {  	[smem:$0x3FA3] =	sst s0  }
0x9: {  	[smem:$0x3FA4] =	sst s1  }
0xa: {  	[smem:$0x3FA5] =	sst s2  }
0xb: {  	[smem:$0x3FA6] =	sst s3  }
0xc: {  	[smem:$0x3FA7] =	sst s4  }
0xd: {  	[smem:$0x3FA8] =	sst s5  }
0xe: {  	[smem:$0x3FA9] =	sst s6  }
0xf: {  	[smem:$0x3FAA] =	sst s7  }
0x10: {  	[smem:$0x3FAB] =	sst s8  }
0x11: {  	[smem:$0x3FAC] =	sst s9;
	s0 =	simm.s32 @!p0 $0x0  }
0x12: {  	s1 =	sld [smem:$0x3F92];
	s0 =	simm.s32 @p0 $0x1  }
0x13: {  	[smem:$0x3FAD] =	sst s0;
	s0 =	simm.s32 @!p1 $0x0  }
0x14: {  	s2 =	sld [smem:$0x3F91];
	s0 =	simm.s32 @p1 $0x1  }
0x15: {  	[smem:$0x3FAE] =	sst s0;
	s0 =	simm.s32 @!p2 $0x0  }
0x16: {  	s3 =	sld [smem:$0x3FDB];
	s0 =	simm.s32 @p2 $0x1  }
0x17: {  	s4 =	simm.s32 $0x1BF5;
	[smem:$0x3FB0] =	sst s0  }
0x18: {  	s0 =	sld [smem:$0x3F93];
	_ =	swait.ge [sflag:s4], $0x0  }
0x19: {  	s7 =	sld [smem:$0x3F94]  }
0x1a: {  	s8 =	sadd.s32 $0xFFFFE003, lr  }
0x1b: {  	s9 =	sadd.s32 $0xFFFFFEF7, lr;
	s5 =	simm.s32 $0xFFFFFFFF;
	p2 =	slt.u32 s8, $0xFFFFF086  }
0x1c: {  	p1 =	slt.u32 s9, $0xF7A;
	s5 =	simm.s32 @!p2 $0x0  }
0x1d: {  	s5 =	simm.s32 @p1 $0x1;
	p0 =	seq.s32 s7, s2  }
0x1e: {  	s7 =	smul.u32 @!p0 $0xF7A, s2;
	p2 =	seq.s32 @!p0 s5, $0x0  }
0x1f: {  	s9 =	smul.u32 $0xF7A, s1;
	s8 =	simm.s32 @!p0 $0x1BF5;
	p2 =	por !p2, p0  }
0x20: {  	[sflag:s8] =	ssyncset.s32 @!p0 $0xFFFFF086;
	s6 =	sadd.s32 @!p0 s3, s7;
	s7 =	simm.s32 @!p0 $0x108  }
0x21: {  	s3 =	sadd.s32 s3, s9;
	s6 =	sadd.s32 @!p0 $0x88, s6;
	s7 =	simm.s32 @p2 $0x1082  }
0x22: {  	[simem:s7], [sflag:s8] =	dma.local @!p0 [hbm:s6], $0xF7A  }
0x23: {  	s9 =	sor.u32 $0xD0000000, s2;
	s6 =	simm.s32 $0x108;
	_ =	swait.ge @!p0 [sflag:s8], $0x0  }
0x24: {  	s3 =	sadd.s32 $0x88, s3;
	s6 =	simm.s32 @!p1 $0x1082;
	[sflag:s4] =	ssyncset.s32 $0xFFFFF086  }
0x25: {  	[simem:s6], [sflag:s4] =	dma.local [hbm:s3], $0xF7A  }
0x26: {  	[smem:$0x3F94] =	sst s1;
	(tag) =	ssettag s2;
	_ =	strace s9  }
0x27: {  	s1 =	sld [smem:$0x3FA4]  }
0x28: {  	s2 =	sld [smem:$0x3FA5]  }
0x29: {  	s4 =	sld [smem:$0x3FA7]  }
0x2a: {  	p0 =	seq.s32 s5, $0x0;
	s5 =	sld [smem:$0x3FA8]  }
0x2b: {  	s6 =	sld [smem:$0x3FA9]  }
0x2c: {  	s7 =	sld [smem:$0x3FAA]  }
0x2d: {  	s3 =	simm.s32 $0x108;
	s8 =	sld [smem:$0x3FAB]  }
0x2e: {  	s3 =	simm.s32 @!p0 $0x1082;
	s9 =	sld [smem:$0x3FAC]  }
0x2f: {  	lr =	sadd.s32 s0, s3;
	s0 =	sld [smem:$0x3FA3]  }
0x30: {  	s3 =	sld [smem:$0x3FA6]  }
0x31: {  	[smem:$0x3FAF] =	sst s10  }
0x32: {  	s10 =	sld [smem:$0x3FAD];
	_ =	sdelay $0x3  }
0x33: {  	p0 =	seq.s32 s10, $0x1;
	s10 =	sld [smem:$0x3FAF];
	_ =	sdelay $0x3  }
0x34: {  	[smem:$0x3FAF] =	sst s10  }
0x35: {  	s10 =	sld [smem:$0x3FAE];
	_ =	sdelay $0x3  }
0x36: {  	p1 =	seq.s32 s10, $0x1;
	s10 =	sld [smem:$0x3FAF];
	_ =	sdelay $0x3  }
0x37: {  	[smem:$0x3FAF] =	sst s10  }
0x38: {  	s10 =	sld [smem:$0x3FB0]  }
0x39: {  	_ = 	snop;
	(pc) =	sbr.ind lr, $3  }
0x3a: {  	_ = 	snop  }
0x3b: {  	_ = 	snop  }
0x3c: {  	p2 =	seq.s32 s10, $0x1;
	s10 =	sld [smem:$0x3FAF]  }
0x3d: {  	_ =	shalt  }
0x3e: {  	_ =	shalt  }
0x3f: {  	_ =	shalt  }
0x40: {  	_ =	shalt  }
0x41: {  	_ =	shalt  }
0x42: {  	_ =	shalt  }
0x43: {  	_ =	shalt  }
0x44: {  	_ =	shalt  }
0x45: {  	_ =	shalt  }
0x46: {  	_ =	shalt  }
0x47: {  	_ =	shalt  }
0x48: {  	_ =	shalt  }
0x49: {  	_ =	shalt  }
0x4a: {  	_ =	shalt  }
0x4b: {  	_ =	shalt  }
0x4c: {  	_ =	shalt  }
0x4d: {  	_ =	shalt  }
0x4e: {  	_ =	shalt  }
0x4f: {  	_ =	shalt  }
0x50: {  	_ =	shalt  }
0x51: {  	_ =	shalt  }
0x52: {  	_ =	shalt  }
0x53: {  	_ =	shalt  }
0x54: {  	_ =	shalt  }
0x55: {  	_ =	shalt  }
0x56: {  	_ =	shalt  }
0x57: {  	_ =	shalt  }
0x58: {  	_ =	shalt  }
0x59: {  	_ =	shalt  }
0x5a: {  	_ =	shalt  }
0x5b: {  	_ =	shalt  }
0x5c: {  	_ =	shalt  }
0x5d: {  	_ =	shalt  }
0x5e: {  	_ =	shalt  }
0x5f: {  	_ =	shalt  }
0x60: {  	_ =	shalt  }
0x61: {  	_ =	shalt  }
0x62: {  	_ =	shalt  }
0x63: {  	_ =	shalt  }
0x64: {  	_ =	shalt  }
0x65: {  	_ =	shalt  }
0x66: {  	_ =	shalt  }
0x67: {  	_ =	shalt  }
0x68: {  	_ =	shalt  }
0x69: {  	_ =	shalt  }
0x6a: {  	_ =	shalt  }
0x6b: {  	_ =	shalt  }
0x6c: {  	_ =	shalt  }
0x6d: {  	_ =	shalt  }
0x6e: {  	_ =	shalt  }
0x6f: {  	_ =	shalt  }
0x70: {  	_ =	shalt  }
0x71: {  	_ =	shalt  }
0x72: {  	_ =	shalt  }
0x73: {  	_ =	shalt  }
0x74: {  	_ =	shalt  }
0x75: {  	_ =	shalt  }
0x76: {  	_ =	shalt  }
0x77: {  	_ =	shalt  }
0x78: {  	_ =	shalt  }
0x79: {  	_ =	shalt  }
0x7a: {  	_ =	shalt  }
0x7b: {  	_ =	shalt  }
0x7c: {  	_ =	shalt  }
0x7d: {  	_ =	shalt  }
0x7e: {  	_ =	shalt  }
0x7f: {  	_ =	shalt  }
0x80: {  	_ =	shalt  }
0x81: {  	_ =	shalt  }
0x82: {  	_ =	shalt  }
0x83: {  	_ =	shalt  }
0x84: {  	_ =	shalt  }
0x85: {  	_ =	shalt  }
0x86: {  	_ =	shalt  }
0x87: {  	_ =	shalt  }
.Lfunc_end0:
.L_simem_size_0:
called_computation.1_lowered:
.L_overlay_start_0:
0x88: {  	s2 =	sld [smem:$0x3FD9]  }
0x89: {  	s3 =	sld [smem:$0x3FFE];
	_ =	sdelay $0x1  }
0x8a: {  	s1 =	srdreg.scid  }
0x8b: {  	s0 =	sand.u32 $0x1, s1  }
0x8c: {  	s17 =	sshll.u32 s0, $0xA;
	s2 =	sadd.s32 s3, s2  }
0x8d: {  	s2 =	sadd.s32 s2, s17  }
0x8e: {  	[smem:$0x3FBB] =	sst s2  }
0x8f: {  	_ = 	snop  }
0x90: {  	s2 =	sld [smem:$0x3FD0];
	(tm) =	ssettm $0x1  }
0x91: {  	s18 =	sld [smem:$0x3FFB];
	_ =	sdelay $0x3  }
0x92: {  	_ =	strace s18  }
0x93: {  	s3 =	sld [smem:$0x3FFC];
	_ =	sdelay $0x3  }
0x94: {  	_ =	strace s3  }
0x95: {  	s3 =	sld [smem:$0x3FFD];
	_ =	sdelay $0x3  }
0x96: {  	_ =	strace s3  }
0x97: {  	_ =	strace $0x8FFFFFFF  }
0x98: {  	s19 =	sld [smem:$0x3FDB];
	_ =	sdelay $0x1  }
0x99: {  	s4 =	simm.s32 $_scs_section_size  }
0x9a: {  	s5 =	simm.s32 $_size__tile_overlayer_lowered;
	s6 =	simm.s32 $_tile_overlayer_lowered  }
0x9b: {  	s22 =	simm.s32 $0x1BFF;
	s21 =	sshll.u32 s6, $0x1;
	s3 =	sadd.s32 s4, s19  }
0x9c: {  	s7 =	simm.s32 $0x0;
	s20 =	sshll.u32 s5, $0x1;
	s5 =	sadd.s32 s21, s3  }
0x9d: {  	[timem:s7], [sflag:s22] =	dma.local [hbm:s5], s20  }
0x9e: {  	_ =	swait.ge [sflag:s22], s20  }
0x9f: {  	s4 =	ssub.s32 $0x0, s20;
	[sflag:s22] =	ssyncset.done $0x0  }
0xa0: {  	[sflag:s22] =	ssyncadd.s32 s4;
	_ =	sdelay $0x1  }
0xa1: {  	s23 =	simm.s32 $0x1B8B  }
0xa2: {  	_ =	swait.ge [sflag:s23], $0x1  }
0xa3: {  	[sflag:s23] =	ssyncset.done $0x0  }
0xa4: {  	s25 =	simm.s32 $0x1B8E;
	s24 =	sld [smem:$0x3FFE];
	[sflag:s23] =	ssyncadd.s32 $0xFFFFFFFF  }
0xa5: {  	s26 =	simm.s32 $execute0_lowered;
	[smem:$0x3FD2] =	sst s25  }
0xa6: {  	s5 =	sshll.u32 s26, $0x1;
	_ =	strace $0x80000049;
	[dreg:$0x1] =	wrdreg $0xFFFFFFFF  }
0xa7: {  	s28 =	simm.s32 $_size_execute0_lowered;
	s3 =	sadd.s32 s3, s5;
	[dreg:$0x0] =	wrdreg $0x0  }
0xa8: {  	s5 =	sshll.u32 s28, $0x1;
	[dreg:$0x2] =	wrdreg s3  }
0xa9: {  	[dreg:$0x3] =	wrdreg s5  }
0xaa: {  	[dreg:$0x4] =	wrdreg $0xC0  }
0xab: {  	_ =	task [dreg:s7], $0x5FFFF  }
0xac: {  	[dreg:$0x1] =	wrdreg $0xFFFFFFFF  }
0xad: {  	[dreg:$0x0] =	wrdreg $0x60  }
0xae: {  	[dreg:$0x2] =	wrdreg s24  }
0xaf: {  	[dreg:$0x3] =	wrdreg s2  }
0xb0: {  	[dreg:$0x4] =	wrdreg $0x93000  }
0xb1: {  	[dreg:$0x5] =	wrdreg $0x1D3000  }
0xb2: {  	[dreg:$0x6] =	wrdreg $0x9  }
0xb3: {  	_ =	task.clear_ibuf [dreg:s7], $0x7FFFF;
	_ =	strace $0x90000049  }
0xb4: {  	s29 =	simm.s32 $0x9;
	_ =	strace $0x8000004B  }
0xb5: {  	_ =	swait.ge [sflag:s29], $0x1  }
0xb6: {  	[sflag:s29] =	ssyncadd.s32 $0xFFFFFFFF  }
0xb7: {  	_ =	strace $0x9000004B  }
0xb8: {  	_ =	sfence  }
0xb9: {  	s30 =	sld [smem:$0x0];
	_ =	sdelay $0x2  }
0xba: {  	s31 =	sshll.u32 s1, $0xD;
	s1 =	sshrl.u32 s1, $0x2  }
0xbb: {  	s3 =	sand.u32 $0x4000, s31;
	s1 =	sadd.s32 s1, s30  }
0xbc: {  	s0 =	sor.u32 s3, s0;
	s1 =	sshll.u32 s1, $0x11  }
0xbd: {  	s0 =	sor.u32 s1, s0  }
0xbe: {  	s0 =	sadd.s32 $0x8F2B, s0  }
0xbf: {  	[sflag:s0] =	ssyncadd.remote.s32 $0x1  }
0xc0: {  	_ =	sfence.sel $0xFFFF  }
0xc1: {  	[dreg:$0x0] =	wrdreg $0xFFFFFFFF;
	(pc) =	sbr.abs _section_cstart, $3  }
0xc2: {  	[dreg:$0x1] =	wrdreg $0xFFFFFFFF  }
0xc3: {  	_ =	task.clear_ibuf [dreg:s7], $0x2FFFF;
	_ =	strace $0x9FFFFFFF  }
0xc4: {  	(tm) =	ssettm $0x7FFFFFFF  }
0xc5: {  	_ =	shalt  }
tec
execute0_lowered:
.L_overlay_start_1:
0x0: {  	(tag) =	ssettag $0x1  }
0x1: {  	s0 =	rddreg [dreg:$0x0]  }
0x2: {  	s1 =	rddreg [dreg:$0x1];
	s3 =	srdreg.scid  }
0x3: {  	s2 =	rddreg [dreg:$0x2];
	s6 =	stileid.u32  }
0x4: {  	s4 =	simm.s32 $0x0;
	s20 =	simm.s32 $0x200;
	s21 =	simm.s32 $0x2A00  }
0x5: {  	s28 =	simm.s32 $0x1;
	s29 =	simm.s32 $0x2;
	s22 =	smul.u32 $0x2800, s6  }
0x6: {  	s8 =	sand.u32 $0x1, s3;
	s3 =	rddreg [dreg:$0x3];
	s10 =	smul.u32 $0x280, s6  }
0x7: {  	[smem:$0x7FF] =	sst s4;
	s7 =	sadd.s32 $0x36E00, s0;
	s16 =	smul.u32 $0x50000, s6  }
0x8: {  	s24 =	sadd.s32 $0x37800, s0;
	s26 =	sshll.u32 s6, $0x6;
	s23 =	smul.u32 $0xA0, s6  }
0x9: {  	s9 =	sshll.u32 s8, $0x4;
	_ =	strace $0x8000004A;
	[dreg:$0x5] =	wrdreg s7  }
0xa: {  	[dreg:$0x6] =	wrdreg s24;
	s14 =	smul.u32 $0x28000, s8;
	s8 =	ssub.s32 $0x2, s8  }
0xb: {  	s5 =	sor.u32 s6, s9;
	s11 =	sadd.s32 s22, s0;
	s15 =	sshrl.u32 s10, $0x3  }
0xc: {  	s17 =	sshrl.u32 s8, $0x1;
	s18 =	sadd.s32 s9, s0;
	s25 =	sshrl.u32 s16, $0x2  }
0xd: {  	s9 =	sor.u32 $0x1C03, s26;
	s19 =	sadd.s32 s10, s3;
	s26 =	simm.s32 $0x5200  }
0xe: {  	s12 =	smul.u32 $0x580, s5;
	s5 =	sadd.s32 $0xEE00, s0;
	s15 =	sadd.s32 s15, s0  }
0xf: {  	s14 =	sadd.s32 s14, s0;
	s17 =	ssub.s32 s8, s17;
	s16 =	sadd.s32 s25, s2  }
0x10: {  	s8 =	sadd.s32 $0x38000, s11;
	s11 =	sadd.s32 $0x36E10, s0;
	s31 =	sadd.s32 $0xB0000, s18  }
0x11: {  	s18 =	simm.s32 $0x80;
	s25 =	simm.s32 $0x5280;
	s10 =	sadd.s32 $0x37A00, s15  }
0x12: {  	s30 =	sadd.s32 $0x60000, s14;
	s14 =	smax.u32 s17, $0x1;
	s15 =	sshrl.u32 s16, $0x3  }
0x13: {  	s16 =	simm.s32 $0x3;
	s17 =	sshrl.u32 s19, $0x3;
	s19 =	simm.s32 $0x100  }
0x14: {  	s24 =	sadd.s32 s23, s31;
	s13 =	sadd.s32 s12, s0;
	s12 =	sadd.s32 s1, s12  }
0x15: {  	s22 =	sadd.s32 s22, s30;
	s0 =	simm.s32 $0x0;
	s13 =	sadd.s32 $0x3E00, s13  }
.LBB2_1:
0x16: {  	[spmem:s15], [sflag:s9] =	dma.local [hbm:s8], $0x2800  }
0x17: {  	_ =	swait.ge [sflag:s16], $0x2800  }
0x18: {  	[sflag:s16] =	ssyncset.done $0x0  }
0x19: {  	[sflag:s16] =	ssyncadd.s32 $0xFFFFD800  }
0x1a: {  	[spmem:s17], [sflag:s9] =	dma.local [hbm:s10], $0x50  }
0x1b: {  	_ =	swait.ge [sflag:s16], $0x50  }
0x1c: {  	[sflag:s16] =	ssyncset.done $0x0  }
0x1d: {  	s1 =	rddreg [dreg:$0x5];
	[sflag:s16] =	ssyncadd.s32 $0xFFFFFFB0  }
0x1e: {  	[tilespmem:s20], [sflag:$0x3] =	stream.strided.gather [hbm4b:s1+s18], $0x2800, s19, s18, $0x38;
	[tilespmem:$0x1D580] =	vst v63  }
0x1f: {  	_ =	swait.ge [sflag:s16], $0x2800  }
0x20: {  	[sflag:s16] =	ssyncset.done $0x0  }
0x21: {  	[sflag:s16] =	ssyncadd.s32 $0xFFFFD800  }
0x22: {  	[tilespmem:s21], [sflag:$0x3] =	stream.strided.gather [hbm4b:s11+s18], $0x2800, s19, s18, $0x38;
	[tilespmem:$0x1D580] =	vst v63  }
0x23: {  	_ =	swait.ge [sflag:s16], $0x2800  }
0x24: {  	[sflag:s16] =	ssyncset.done $0x0  }
0x25: {  	s6 =	simm.s32 $0x9280;
	s31 =	rddreg [dreg:$0x6];
	[sflag:s16] =	ssyncadd.s32 $0xFFFFD800  }
0x26: {  	[tilespmem:s6], [sflag:$0x3] =	stream.linear.gather [hbm4b:s31+s4], $0x80, $0x38;
	[tilespmem:$0x1D580] =	vst v63  }
0x27: {  	_ =	swait.ge [sflag:s16], $0x80  }
0x28: {  	[sflag:s16] =	ssyncset.done $0x0  }
0x29: {  	[sflag:s16] =	ssyncadd.s32 $0xFFFFFF80  }
0x2a: {  	[tilespmem:s4], [sflag:$0x3] =	stream.linear.gather [hbm4b:s12+s4], $0x80, $0x38;
	[tilespmem:$0x1D580] =	vst v63  }
0x2b: {  	_ =	swait.ge [sflag:s16], $0x80  }
0x2c: {  	[sflag:s16] =	ssyncset.done $0x0  }
0x2d: {  	[sflag:s16] =	ssyncadd.s32 $0xFFFFFF80  }
0x2e: {  	[tilespmem:s19], [sflag:$0x3] =	stream.linear.gather [hbm4b:s13+s4], $0x80, $0x38;
	[tilespmem:$0x1D580] =	vst v63  }
0x2f: {  	_ =	swait.ge [sflag:s16], $0x80  }
0x30: {  	[sflag:s16] =	ssyncset.done $0x0  }
0x31: {  	[sflag:s16] =	ssyncadd.s32 $0xFFFFFF80  }
0x32: {  	[bflag:$0x0] =	sbarrier.arrive $0xFFFF  }
0x33: {  	s1 =	simm.s32 $0x0;
	v0 =	vld [tilespmem:$0x9280]  }
.LBB2_2:
0x34: {  	s23 =	smov.u32 s1;
	s1 =	sadd.s32 $0x1, s1  }
0x35: {  	s30 =	smin.u32 s1, $0x50  }
0x36: {  	s31 =	sshll.u32 s1, $0x7;
	s30 =	sshll.u32 s30, $0x4  }
0x37: {  	s7 =	simm.s32 $0x0;
	s31 =	sand.u32 $0x80, s31;
	s6 =	sadd.s32 s12, s30  }
0x38: {  	[tilespmem:s31], [sflag:$0x2] =	stream.linear.gather [hbm4b:s6+s7], $0x80, $0x38;
	[tilespmem:$0x1D580] =	vst v63  }
0x39: {  	s23 =	sshll.u32 s23, $0x7;
	s30 =	sadd.s32 s13, s30;
	s6 =	sor.u32 $0x100, s31  }
0x3a: {  	[tilespmem:s6], [sflag:$0x2] =	stream.linear.gather [hbm4b:s30+s7], $0x80, $0x38;
	[tilespmem:$0x1D580] =	vst v63  }
0x3b: {  	s23 =	sand.u32 $0x80, s23  }
0x3c: {  	[tilespmem:s25], [sflag:$0x1] =	stream.indirect.gather [hbm4b:s5+s18], $0x80, s23, s18, $0xb8;
	[tilespmem:$0x1D580] =	vst v63  }
0x3d: {  	v1 =	vld [tilespmem:s23+$0x0]  }
0x3e: {  	v2 =	vld [tilespmem:s23+$0x100];
	_ =	sdelay $0x6  }
0x3f: {  	v1 =	vld.idx.msk [tilespmem:v1+s20+$0x0], $0xffff  }
0x40: {  	v2 =	vld.idx.msk [tilespmem:v2+s21+$0x0], $0xffff;
	_ =	sdelay $0x4  }
0x41: {  	v1 =	vadd.f32 v2, v1;
	_ =	sdelay $0x1  }
0x42: {  	v2 =	vmul.f32 $2.000000030e-01, v1  }
0x43: {  	vm0 =	vge.f32 v1, $0.0e+00  }
0x44: {  	v1 =	vsel vm0, v1, v2  }
0x45: {  	v1 =	vsub.f32 v1, v0;
	_ =	sdelay $0x1  }
0x46: {  	v1 =	vmul.f32 $1.442695020e+00, v1;
	_ =	sdelay $0x1  }
0x47: {  	(erf) = vpow2.f32 v1;
	_ =	sdelay $0x8  }
0x48: {  	v1 =	vpop (erf)  }
0x49: {  	[tilespmem:$0x5200] =	vst v1  }
0x4a: {  	v1 =	vld [tilespmem:s23+$0x10]  }
0x4b: {  	v2 =	vld [tilespmem:s23+$0x110];
	_ =	sdelay $0x6  }
0x4c: {  	v1 =	vld.idx.msk [tilespmem:v1+s20+$0x0], $0xffff  }
0x4d: {  	v2 =	vld.idx.msk [tilespmem:v2+s21+$0x0], $0xffff;
	_ =	sdelay $0x4  }
0x4e: {  	v1 =	vadd.f32 v2, v1;
	_ =	sdelay $0x1  }
0x4f: {  	v2 =	vmul.f32 $2.000000030e-01, v1  }
0x50: {  	vm9 =	vge.f32 v1, $0.0e+00  }
0x51: {  	v1 =	vsel vm9, v1, v2  }
0x52: {  	v1 =	vsub.f32 v1, v0;
	_ =	sdelay $0x1  }
0x53: {  	v1 =	vmul.f32 $1.442695020e+00, v1;
	_ =	sdelay $0x1  }
0x54: {  	(erf) = vpow2.f32 v1;
	_ =	sdelay $0x8  }
0x55: {  	v1 =	vpop (erf)  }
0x56: {  	[tilespmem:$0x5210] =	vst v1  }
0x57: {  	v1 =	vld [tilespmem:s23+$0x20]  }
0x58: {  	v2 =	vld [tilespmem:s23+$0x120];
	_ =	sdelay $0x6  }
0x59: {  	v1 =	vld.idx.msk [tilespmem:v1+s20+$0x0], $0xffff  }
0x5a: {  	v2 =	vld.idx.msk [tilespmem:v2+s21+$0x0], $0xffff;
	_ =	sdelay $0x4  }
0x5b: {  	v1 =	vadd.f32 v2, v1;
	_ =	sdelay $0x1  }
0x5c: {  	v2 =	vmul.f32 $2.000000030e-01, v1  }
0x5d: {  	vm10 =	vge.f32 v1, $0.0e+00  }
0x5e: {  	v1 =	vsel vm10, v1, v2  }
0x5f: {  	v1 =	vsub.f32 v1, v0;
	_ =	sdelay $0x1  }
0x60: {  	v1 =	vmul.f32 $1.442695020e+00, v1;
	_ =	sdelay $0x1  }
0x61: {  	(erf) = vpow2.f32 v1;
	_ =	sdelay $0x8  }
0x62: {  	v1 =	vpop (erf)  }
0x63: {  	[tilespmem:$0x5220] =	vst v1  }
0x64: {  	v1 =	vld [tilespmem:s23+$0x30]  }
0x65: {  	v2 =	vld [tilespmem:s23+$0x130];
	_ =	sdelay $0x6  }
0x66: {  	v1 =	vld.idx.msk [tilespmem:v1+s20+$0x0], $0xffff  }
0x67: {  	v2 =	vld.idx.msk [tilespmem:v2+s21+$0x0], $0xffff;
	_ =	sdelay $0x4  }
0x68: {  	v1 =	vadd.f32 v2, v1;
	_ =	sdelay $0x1  }
0x69: {  	v2 =	vmul.f32 $2.000000030e-01, v1  }
0x6a: {  	vm11 =	vge.f32 v1, $0.0e+00  }
0x6b: {  	v1 =	vsel vm11, v1, v2  }
0x6c: {  	v1 =	vsub.f32 v1, v0;
	_ =	sdelay $0x1  }
0x6d: {  	v1 =	vmul.f32 $1.442695020e+00, v1;
	_ =	sdelay $0x1  }
0x6e: {  	(erf) = vpow2.f32 v1;
	_ =	sdelay $0x8  }
0x6f: {  	v1 =	vpop (erf)  }
0x70: {  	[tilespmem:$0x5230] =	vst v1  }
0x71: {  	v1 =	vld [tilespmem:s23+$0x40]  }
0x72: {  	v2 =	vld [tilespmem:s23+$0x140];
	_ =	sdelay $0x6  }
0x73: {  	v1 =	vld.idx.msk [tilespmem:v1+s20+$0x0], $0xffff  }
0x74: {  	v2 =	vld.idx.msk [tilespmem:v2+s21+$0x0], $0xffff;
	_ =	sdelay $0x4  }
0x75: {  	v1 =	vadd.f32 v2, v1;
	_ =	sdelay $0x1  }
0x76: {  	v2 =	vmul.f32 $2.000000030e-01, v1  }
0x77: {  	vm12 =	vge.f32 v1, $0.0e+00  }
0x78: {  	v1 =	vsel vm12, v1, v2  }
0x79: {  	v1 =	vsub.f32 v1, v0;
	_ =	sdelay $0x1  }
0x7a: {  	v1 =	vmul.f32 $1.442695020e+00, v1;
	_ =	sdelay $0x1  }
0x7b: {  	(erf) = vpow2.f32 v1;
	_ =	sdelay $0x8  }
0x7c: {  	v1 =	vpop (erf)  }
0x7d: {  	[tilespmem:$0x5240] =	vst v1  }
0x7e: {  	v1 =	vld [tilespmem:s23+$0x50]  }
0x7f: {  	v2 =	vld [tilespmem:s23+$0x150];
	_ =	sdelay $0x6  }
0x80: {  	v1 =	vld.idx.msk [tilespmem:v1+s20+$0x0], $0xffff  }
0x81: {  	v2 =	vld.idx.msk [tilespmem:v2+s21+$0x0], $0xffff;
	_ =	sdelay $0x4  }
0x82: {  	v1 =	vadd.f32 v2, v1;
	_ =	sdelay $0x1  }
0x83: {  	v2 =	vmul.f32 $2.000000030e-01, v1  }
0x84: {  	vm13 =	vge.f32 v1, $0.0e+00  }
0x85: {  	v1 =	vsel vm13, v1, v2  }
0x86: {  	v1 =	vsub.f32 v1, v0;
	_ =	sdelay $0x1  }
0x87: {  	v1 =	vmul.f32 $1.442695020e+00, v1;
	_ =	sdelay $0x1  }
0x88: {  	(erf) = vpow2.f32 v1;
	_ =	sdelay $0x8  }
0x89: {  	v1 =	vpop (erf)  }
0x8a: {  	[tilespmem:$0x5250] =	vst v1  }
0x8b: {  	v1 =	vld [tilespmem:s23+$0x60]  }
0x8c: {  	v2 =	vld [tilespmem:s23+$0x160];
	_ =	sdelay $0x6  }
0x8d: {  	v1 =	vld.idx.msk [tilespmem:v1+s20+$0x0], $0xffff  }
0x8e: {  	v2 =	vld.idx.msk [tilespmem:v2+s21+$0x0], $0xffff;
	_ =	sdelay $0x4  }
0x8f: {  	v1 =	vadd.f32 v2, v1;
	_ =	sdelay $0x1  }
0x90: {  	v2 =	vmul.f32 $2.000000030e-01, v1  }
0x91: {  	vm14 =	vge.f32 v1, $0.0e+00  }
0x92: {  	v1 =	vsel vm14, v1, v2  }
0x93: {  	v1 =	vsub.f32 v1, v0;
	_ =	sdelay $0x1  }
0x94: {  	v1 =	vmul.f32 $1.442695020e+00, v1;
	_ =	sdelay $0x1  }
0x95: {  	(erf) = vpow2.f32 v1;
	_ =	sdelay $0x8  }
0x96: {  	v1 =	vpop (erf)  }
0x97: {  	[tilespmem:$0x5260] =	vst v1  }
0x98: {  	v1 =	vld [tilespmem:s23+$0x70]  }
0x99: {  	v2 =	vld [tilespmem:s23+$0x170];
	_ =	sdelay $0x6  }
0x9a: {  	v1 =	vld.idx.msk [tilespmem:v1+s20+$0x0], $0xffff  }
0x9b: {  	v2 =	vld.idx.msk [tilespmem:v2+s21+$0x0], $0xffff;
	_ =	sdelay $0x4  }
0x9c: {  	v1 =	vadd.f32 v2, v1;
	_ =	sdelay $0x1  }
0x9d: {  	v2 =	vmul.f32 $2.000000030e-01, v1  }
0x9e: {  	vm15 =	vge.f32 v1, $0.0e+00  }
0x9f: {  	v1 =	vsel vm15, v1, v2  }
0xa0: {  	v1 =	vsub.f32 v1, v0;
	_ =	sdelay $0x1  }
0xa1: {  	v1 =	vmul.f32 $1.442695020e+00, v1;
	_ =	sdelay $0x1  }
0xa2: {  	(erf) = vpow2.f32 v1;
	_ =	sdelay $0x8  }
0xa3: {  	v1 =	vpop (erf)  }
0xa4: {  	s23 =	sor.u32 $0x100, s23;
	[tilespmem:$0x5270] =	vst v1  }
0xa5: {  	[spmem:s3] =	stream.indirect.scatter.add.f32 [tilespmem:s26], [sflag:$0x3], $0x1, s23, s18, $0xb8;
	[tilespmem:$0x1D580] =	vst v63  }
0xa6: {  	_ =	swait.ge [sflag:s16], $0x80  }
0xa7: {  	[sflag:s16] =	ssyncset.done $0x0  }
0xa8: {  	[sflag:s16] =	ssyncadd.s32 $0xFFFFFF80  }
0xa9: {  	_ =	swait.ge [sflag:s28], $0x4000  }
0xaa: {  	s7 =	simm.s32 $0x0;
	[sflag:s28] =	ssyncset.done $0x0  }
0xab: {  	s6 =	sand.u32 $0x3FFFFFF0, s7;
	[sflag:s28] =	ssyncadd.s32 $0xFFFFC000  }
0xac: {  	s7 =	simm.s32 $0x0;
	v1 =	vld [tilespmem:s6+$0x5200]  }
0xad: {  	s30 =	sand.u32 $0x3FFFF800, s7  }
0xae: {  	v3 =	vld [tilespmem:s30+$0x52A0]  }
0xaf: {  	v4 =	vld [tilespmem:s30+$0x52B0]  }
0xb0: {  	v10 =	vld [tilespmem:s30+$0x52E0]  }
0xb1: {  	v11 =	vld [tilespmem:s30+$0x52F0];
	v2 =	vbroadcast v1, $0x0  }
0xb2: {  	v12 =	vld [tilespmem:s30+$0x5300]  }
0xb3: {  	v13 =	vld [tilespmem:s30+$0x5310];
	v3 =	vmul.f32 v3, v2  }
0xb4: {  	v14 =	vld [tilespmem:s30+$0x5320];
	v4 =	vmul.f32 v4, v2  }
0xb5: {  	v9 =	vld [tilespmem:s30+$0x5330];
	v23 =	vbroadcast v1, $0x1;
	v22 =	vmul.f32 v10, v2;
	[tilespmem:s30+$0x52A0] =	vst v3  }
0xb6: {  	v7 =	vld [tilespmem:s30+$0x5340];
	v11 =	vmul.f32 v11, v2;
	[tilespmem:s30+$0x52B0] =	vst v4  }
0xb7: {  	v8 =	vld [tilespmem:s30+$0x5350];
	v12 =	vmul.f32 v12, v23;
	[tilespmem:s30+$0x52E0] =	vst v22  }
0xb8: {  	v25 =	vld [tilespmem:s30+$0x5370];
	v13 =	vmul.f32 v13, v23;
	[tilespmem:s30+$0x52F0] =	vst v11  }
0xb9: {  	v26 =	vld [tilespmem:s30+$0x5380];
	v14 =	vmul.f32 v14, v23;
	[tilespmem:s30+$0x5300] =	vst v12  }
0xba: {  	v27 =	vld [tilespmem:s30+$0x5390];
	v9 =	vmul.f32 v9, v23;
	[tilespmem:s30+$0x5310] =	vst v13  }
0xbb: {  	v6 =	vld [tilespmem:s30+$0x57F0];
	v7 =	vmul.f32 v7, v23;
	[tilespmem:s30+$0x5320] =	vst v14  }
0xbc: {  	v24 =	vld [tilespmem:s30+$0x5360];
	v15 =	vbroadcast v1, $0x2;
	v8 =	vmul.f32 v8, v23;
	[tilespmem:s30+$0x5330] =	vst v9  }
0xbd: {  	v28 =	vld [tilespmem:s30+$0x53A0];
	v10 =	vmul.f32 v25, v23;
	[tilespmem:s30+$0x5340] =	vst v7  }
0xbe: {  	v29 =	vld [tilespmem:s30+$0x53B0];
	v5 =	vbroadcast v1, $0xA;
	v32 =	vmul.f32 v26, v15;
	[tilespmem:s30+$0x5350] =	vst v8  }
0xbf: {  	v30 =	vld [tilespmem:s30+$0x53C0];
	v34 =	vmul.f32 v27, v15;
	[tilespmem:s30+$0x5370] =	vst v10  }
0xc0: {  	v33 =	vld [tilespmem:s30+$0x53E0];
	v3 =	vmul.f32 v6, v5;
	[tilespmem:s30+$0x5380] =	vst v32  }
0xc1: {  	v35 =	vld [tilespmem:s30+$0x53F0];
	v11 =	vmul.f32 v24, v23;
	[tilespmem:s30+$0x5390] =	vst v34  }
0xc2: {  	v36 =	vld [tilespmem:s30+$0x5400];
	v9 =	vmul.f32 v28, v15;
	[tilespmem:s30+$0x57F0] =	vst v3  }
0xc3: {  	v31 =	vld [tilespmem:s30+$0x53D0];
	v7 =	vmul.f32 v29, v15;
	[tilespmem:s30+$0x5360] =	vst v11  }
0xc4: {  	v37 =	vld [tilespmem:s30+$0x5410];
	v8 =	vmul.f32 v30, v15;
	[tilespmem:s30+$0x53A0] =	vst v9  }
0xc5: {  	v38 =	vld [tilespmem:s30+$0x5420];
	v41 =	vbroadcast v1, $0x3;
	v10 =	vmul.f32 v33, v15;
	[tilespmem:s30+$0x53B0] =	vst v7  }
0xc6: {  	v39 =	vld [tilespmem:s30+$0x5430];
	v12 =	vmul.f32 v35, v15;
	[tilespmem:s30+$0x53C0] =	vst v8  }
0xc7: {  	v42 =	vld [tilespmem:s30+$0x5450];
	v13 =	vmul.f32 v36, v41;
	[tilespmem:s30+$0x53E0] =	vst v10  }
0xc8: {  	v43 =	vld [tilespmem:s30+$0x5460];
	v11 =	vmul.f32 v31, v15;
	[tilespmem:s30+$0x53F0] =	vst v12  }
0xc9: {  	v44 =	vld [tilespmem:s30+$0x5470];
	v9 =	vmul.f32 v37, v41;
	[tilespmem:s30+$0x5400] =	vst v13  }
0xca: {  	v40 =	vld [tilespmem:s30+$0x5440];
	v7 =	vmul.f32 v38, v41;
	[tilespmem:s30+$0x53D0] =	vst v11  }
0xcb: {  	v45 =	vld [tilespmem:s30+$0x5480];
	v8 =	vmul.f32 v39, v41;
	[tilespmem:s30+$0x5410] =	vst v9  }
0xcc: {  	v46 =	vld [tilespmem:s30+$0x5490];
	v10 =	vmul.f32 v42, v41;
	[tilespmem:s30+$0x5420] =	vst v7  }
0xcd: {  	v47 =	vld [tilespmem:s30+$0x54A0];
	v12 =	vmul.f32 v43, v41;
	[tilespmem:s30+$0x5430] =	vst v8  }
0xce: {  	v49 =	vld [tilespmem:s30+$0x54C0];
	v50 =	vbroadcast v1, $0x4;
	v13 =	vmul.f32 v44, v41;
	[tilespmem:s30+$0x5450] =	vst v10  }
0xcf: {  	v51 =	vld [tilespmem:s30+$0x54D0];
	v11 =	vmul.f32 v40, v41;
	[tilespmem:s30+$0x5460] =	vst v12  }
0xd0: {  	v52 =	vld [tilespmem:s30+$0x54E0];
	v9 =	vmul.f32 v45, v50;
	[tilespmem:s30+$0x5470] =	vst v13  }
0xd1: {  	v48 =	vld [tilespmem:s30+$0x54B0];
	v7 =	vmul.f32 v46, v50;
	[tilespmem:s30+$0x5440] =	vst v11  }
0xd2: {  	v53 =	vld [tilespmem:s30+$0x54F0];
	v8 =	vmul.f32 v47, v50;
	[tilespmem:s30+$0x5480] =	vst v9  }
0xd3: {  	v54 =	vld [tilespmem:s30+$0x5500];
	v10 =	vmul.f32 v49, v50;
	[tilespmem:s30+$0x5490] =	vst v7  }
0xd4: {  	v55 =	vld [tilespmem:s30+$0x5510];
	v12 =	vmul.f32 v51, v50;
	[tilespmem:s30+$0x54A0] =	vst v8  }
0xd5: {  	v57 =	vld [tilespmem:s30+$0x5530];
	v13 =	vmul.f32 v52, v50;
	[tilespmem:s30+$0x54C0] =	vst v10  }
0xd6: {  	v58 =	vld [tilespmem:s30+$0x5540];
	v59 =	vbroadcast v1, $0x5;
	v11 =	vmul.f32 v48, v50;
	[tilespmem:s30+$0x54D0] =	vst v12  }
0xd7: {  	v60 =	vld [tilespmem:s30+$0x5550];
	v9 =	vmul.f32 v53, v50;
	[tilespmem:s30+$0x54E0] =	vst v13  }
0xd8: {  	v56 =	vld [tilespmem:s30+$0x5520];
	v7 =	vmul.f32 v54, v59;
	[tilespmem:s30+$0x54B0] =	vst v11  }
0xd9: {  	v61 =	vld [tilespmem:s30+$0x5560];
	v8 =	vmul.f32 v55, v59;
	[tilespmem:s30+$0x54F0] =	vst v9  }
0xda: {  	v62 =	vld [tilespmem:s30+$0x5570];
	v10 =	vmul.f32 v57, v59;
	[tilespmem:s30+$0x5500] =	vst v7  }
0xdb: {  	v63 =	vld [tilespmem:s30+$0x5580];
	v12 =	vmul.f32 v58, v59;
	[tilespmem:s30+$0x5510] =	vst v8  }
0xdc: {  	v19 =	vld [tilespmem:s30+$0x55A0];
	v13 =	vmul.f32 v60, v59;
	[tilespmem:s30+$0x5530] =	vst v10  }
0xdd: {  	v20 =	vld [tilespmem:s30+$0x55B0];
	v11 =	vmul.f32 v56, v59;
	[tilespmem:s30+$0x5540] =	vst v12  }
0xde: {  	v21 =	vld [tilespmem:s30+$0x55C0];
	v22 =	vbroadcast v1, $0x6;
	v9 =	vmul.f32 v61, v59;
	[tilespmem:s30+$0x5550] =	vst v13  }
0xdf: {  	v18 =	vld [tilespmem:s30+$0x5590];
	v7 =	vmul.f32 v62, v59;
	[tilespmem:s30+$0x5520] =	vst v11  }
0xe0: {  	v23 =	vld [tilespmem:s30+$0x55D0];
	v8 =	vmul.f32 v63, v22;
	[tilespmem:s30+$0x5560] =	vst v9  }
0xe1: {  	v24 =	vld [tilespmem:s30+$0x55E0];
	v10 =	vmul.f32 v19, v22;
	[tilespmem:s30+$0x5570] =	vst v7  }
0xe2: {  	v25 =	vld [tilespmem:s30+$0x55F0];
	v12 =	vmul.f32 v20, v22;
	[tilespmem:s30+$0x5580] =	vst v8  }
0xe3: {  	v27 =	vld [tilespmem:s30+$0x5610];
	v13 =	vmul.f32 v21, v22;
	[tilespmem:s30+$0x55A0] =	vst v10  }
0xe4: {  	v28 =	vld [tilespmem:s30+$0x5620];
	v11 =	vmul.f32 v18, v22;
	[tilespmem:s30+$0x55B0] =	vst v12  }
0xe5: {  	v29 =	vld [tilespmem:s30+$0x5630];
	v9 =	vmul.f32 v23, v22;
	[tilespmem:s30+$0x55C0] =	vst v13  }
0xe6: {  	v31 =	vbroadcast v1, $0x7;
	v53 =	vld [tilespmem:s30+$0x5780];
	v7 =	vmul.f32 v24, v22;
	[tilespmem:s30+$0x5590] =	vst v11  }
0xe7: {  	v57 =	vld [tilespmem:s30+$0x57C0];
	v8 =	vmul.f32 v25, v22;
	[tilespmem:s30+$0x55D0] =	vst v9  }
0xe8: {  	v58 =	vld [tilespmem:s30+$0x57D0];
	v10 =	vmul.f32 v27, v31;
	[tilespmem:s30+$0x55E0] =	vst v7  }
0xe9: {  	v26 =	vld [tilespmem:s30+$0x5600];
	v12 =	vmul.f32 v28, v31;
	[tilespmem:s30+$0x55F0] =	vst v8  }
0xea: {  	v30 =	vld [tilespmem:s30+$0x5640];
	v13 =	vmul.f32 v29, v31;
	[tilespmem:s30+$0x5610] =	vst v10  }
0xeb: {  	v32 =	vld [tilespmem:s30+$0x5650];
	v59 =	vmul.f32 v53, v5;
	[tilespmem:s30+$0x5620] =	vst v12  }
0xec: {  	v33 =	vld [tilespmem:s30+$0x5660];
	v18 =	vmul.f32 v57, v5;
	[tilespmem:s30+$0x5630] =	vst v13  }
0xed: {  	v35 =	vld [tilespmem:s30+$0x5680];
	v20 =	vmul.f32 v58, v5;
	[tilespmem:s30+$0x5780] =	vst v59  }
0xee: {  	v36 =	vld [tilespmem:s30+$0x5690];
	v11 =	vmul.f32 v26, v31;
	[tilespmem:s30+$0x57C0] =	vst v18  }
0xef: {  	v37 =	vld [tilespmem:s30+$0x56A0];
	v9 =	vmul.f32 v30, v31;
	[tilespmem:s30+$0x57D0] =	vst v20  }
0xf0: {  	v4 =	vld [tilespmem:s30+$0x5800];
	v40 =	vbroadcast v1, $0x8;
	v7 =	vmul.f32 v32, v31;
	[tilespmem:s30+$0x5600] =	vst v11  }
0xf1: {  	v6 =	vld [tilespmem:s30+$0x5810];
	v8 =	vmul.f32 v33, v31;
	[tilespmem:s30+$0x5640] =	vst v9  }
0xf2: {  	v3 =	vld [tilespmem:s30+$0x5A50];
	v10 =	vmul.f32 v35, v40;
	[tilespmem:s30+$0x5650] =	vst v7  }
0xf3: {  	v61 =	vld [tilespmem:s30+$0x5280];
	v23 =	vbroadcast v1, $0xB;
	v12 =	vmul.f32 v36, v40;
	[tilespmem:s30+$0x5660] =	vst v8  }
0xf4: {  	v34 =	vld [tilespmem:s30+$0x5670];
	v13 =	vmul.f32 v37, v40;
	[tilespmem:s30+$0x5680] =	vst v10  }
0xf5: {  	v38 =	vld [tilespmem:s30+$0x56B0];
	v27 =	vbroadcast v1, $0xF;
	v4 =	vmul.f32 v4, v23;
	[tilespmem:s30+$0x5690] =	vst v12  }
0xf6: {  	v39 =	vld [tilespmem:s30+$0x56C0];
	v6 =	vmul.f32 v6, v23;
	[tilespmem:s30+$0x56A0] =	vst v13  }
0xf7: {  	v41 =	vld [tilespmem:s30+$0x56D0];
	v3 =	vmul.f32 v3, v27;
	[tilespmem:s30+$0x5800] =	vst v4  }
0xf8: {  	v43 =	vld [tilespmem:s30+$0x56F0];
	v24 =	vmul.f32 v2, v61;
	[tilespmem:s30+$0x5810] =	vst v6  }
0xf9: {  	v44 =	vld [tilespmem:s30+$0x5700];
	v11 =	vmul.f32 v34, v31;
	[tilespmem:s30+$0x5A50] =	vst v3  }
0xfa: {  	v45 =	vld [tilespmem:s30+$0x5710];
	v9 =	vmul.f32 v38, v40;
	[tilespmem:s30+$0x5280] =	vst v24  }
0xfb: {  	v63 =	vld [tilespmem:s30+$0x52C0];
	v7 =	vmul.f32 v39, v40;
	[tilespmem:s30+$0x5670] =	vst v11  }
0xfc: {  	v49 =	vbroadcast v1, $0x9;
	v29 =	vld [tilespmem:s30+$0x5870];
	v8 =	vmul.f32 v41, v40;
	[tilespmem:s30+$0x56B0] =	vst v9  }
0xfd: {  	v42 =	vld [tilespmem:s30+$0x56E0];
	v10 =	vmul.f32 v43, v40;
	[tilespmem:s30+$0x56C0] =	vst v7  }
0xfe: {  	v46 =	vld [tilespmem:s30+$0x5720];
	v12 =	vmul.f32 v44, v49;
	[tilespmem:s30+$0x56D0] =	vst v8  }
0xff: {  	v47 =	vld [tilespmem:s30+$0x5730];
	v13 =	vmul.f32 v45, v49;
	[tilespmem:s30+$0x56F0] =	vst v10  }
0x100: {  	v48 =	vld [tilespmem:s30+$0x5740];
	v3 =	vmul.f32 v63, v2;
	[tilespmem:s30+$0x5700] =	vst v12  }
0x101: {  	v51 =	vld [tilespmem:s30+$0x5760];
	v6 =	vmul.f32 v29, v23;
	[tilespmem:s30+$0x5710] =	vst v13  }
0x102: {  	v52 =	vld [tilespmem:s30+$0x5770];
	v11 =	vmul.f32 v42, v40;
	[tilespmem:s30+$0x52C0] =	vst v3  }
0x103: {  	v28 =	vld [tilespmem:s30+$0x5860];
	v9 =	vmul.f32 v46, v49;
	[tilespmem:s30+$0x5870] =	vst v6  }
0x104: {  	v26 =	vld [tilespmem:s30+$0x5850];
	v7 =	vmul.f32 v47, v49;
	[tilespmem:s30+$0x56E0] =	vst v11  }
0x105: {  	v30 =	vld [tilespmem:s30+$0x5880];
	v8 =	vmul.f32 v48, v49;
	[tilespmem:s30+$0x5720] =	vst v9  }
0x106: {  	v50 =	vld [tilespmem:s30+$0x5750];
	v10 =	vmul.f32 v51, v49;
	[tilespmem:s30+$0x5730] =	vst v7  }
0x107: {  	v54 =	vld [tilespmem:s30+$0x5790];
	v12 =	vmul.f32 v52, v49;
	[tilespmem:s30+$0x5740] =	vst v8  }
0x108: {  	v55 =	vld [tilespmem:s30+$0x57A0];
	v35 =	vbroadcast v1, $0xC;
	v40 =	vmul.f32 v28, v23;
	[tilespmem:s30+$0x5760] =	vst v10  }
0x109: {  	v56 =	vld [tilespmem:s30+$0x57B0];
	v32 =	vmul.f32 v26, v23;
	[tilespmem:s30+$0x5770] =	vst v12  }
0x10a: {  	v60 =	vld [tilespmem:s30+$0x57E0];
	v15 =	vmul.f32 v30, v35;
	[tilespmem:s30+$0x5860] =	vst v40  }
0x10b: {  	v62 =	vld [tilespmem:s30+$0x5290];
	v11 =	vmul.f32 v50, v49;
	[tilespmem:s30+$0x5850] =	vst v32  }
0x10c: {  	v19 =	vld [tilespmem:s30+$0x52D0];
	v9 =	vmul.f32 v54, v5;
	[tilespmem:s30+$0x5880] =	vst v15  }
0x10d: {  	v33 =	vld [tilespmem:s30+$0x58B0];
	v7 =	vmul.f32 v55, v5;
	[tilespmem:s30+$0x5750] =	vst v11  }
0x10e: {  	v61 =	vld [tilespmem:s30+$0x5A70];
	v8 =	vmul.f32 v56, v5;
	[tilespmem:s30+$0x5790] =	vst v9  }
0x10f: {  	v38 =	vld [tilespmem:s30+$0x58F0];
	v5 =	vmul.f32 v60, v5;
	[tilespmem:s30+$0x57A0] =	vst v7  }
0x110: {  	v21 =	vld [tilespmem:s30+$0x5820];
	v12 =	vmul.f32 v62, v2;
	[tilespmem:s30+$0x57B0] =	vst v8  }
0x111: {  	v22 =	vld [tilespmem:s30+$0x5830];
	v2 =	vmul.f32 v19, v2;
	[tilespmem:s30+$0x57E0] =	vst v5  }
0x112: {  	v25 =	vld [tilespmem:s30+$0x5840];
	v62 =	vmul.f32 v33, v35;
	[tilespmem:s30+$0x5290] =	vst v12  }
0x113: {  	v31 =	vld [tilespmem:s30+$0x5890];
	v63 =	vmul.f32 v61, v27;
	[tilespmem:s30+$0x52D0] =	vst v2  }
0x114: {  	v34 =	vld [tilespmem:s30+$0x58C0];
	v15 =	vmul.f32 v38, v35;
	[tilespmem:s30+$0x58B0] =	vst v62  }
0x115: {  	v41 =	vld [tilespmem:s30+$0x5920];
	v7 =	vmul.f32 v21, v23;
	[tilespmem:s30+$0x5A70] =	vst v63  }
0x116: {  	v46 =	vld [tilespmem:s30+$0x5960];
	v8 =	vmul.f32 v22, v23;
	[tilespmem:s30+$0x58F0] =	vst v15  }
0x117: {  	v36 =	vld [tilespmem:s30+$0x58D0];
	v5 =	vmul.f32 v25, v23;
	[tilespmem:s30+$0x5820] =	vst v7  }
0x118: {  	v44 =	vbroadcast v1, $0xD;
	v9 =	vmul.f32 v31, v35;
	v2 =	vld [tilespmem:s30+$0x5910];
	[tilespmem:s30+$0x5830] =	vst v8  }
0x119: {  	v37 =	vld [tilespmem:s30+$0x58E0];
	v12 =	vmul.f32 v34, v35;
	[tilespmem:s30+$0x5840] =	vst v5  }
0x11a: {  	v39 =	vld [tilespmem:s30+$0x5900];
	v11 =	vmul.f32 v41, v44;
	[tilespmem:s30+$0x5890] =	vst v9  }
0x11b: {  	v42 =	vld [tilespmem:s30+$0x5930];
	v51 =	vmul.f32 v46, v44;
	[tilespmem:s30+$0x58C0] =	vst v12  }
0x11c: {  	v48 =	vld [tilespmem:s30+$0x5990];
	v8 =	vmul.f32 v36, v35;
	[tilespmem:s30+$0x5920] =	vst v11  }
0x11d: {  	v49 =	vld [tilespmem:s30+$0x59A0];
	[tilespmem:s30+$0x5960] =	vst v51;
	v2 =	vmul.f32 v2, v44  }
0x11e: {  	v50 =	vld [tilespmem:s30+$0x59B0];
	v5 =	vmul.f32 v37, v35;
	[tilespmem:s30+$0x58D0] =	vst v8  }
0x11f: {  	v1 =	vbroadcast v1, $0xE;
	v9 =	vmul.f32 v39, v44;
	[tilespmem:s30+$0x5910] =	vst v2;
	v2 =	vld [tilespmem:s30+$0x5980]  }
0x120: {  	v60 =	vld [tilespmem:s30+$0x5A60];
	v12 =	vmul.f32 v42, v44;
	[tilespmem:s30+$0x58E0] =	vst v5  }
0x121: {  	v45 =	vld [tilespmem:s30+$0x5950];
	v11 =	vmul.f32 v48, v1;
	[tilespmem:s30+$0x5900] =	vst v9  }
0x122: {  	v47 =	vld [tilespmem:s30+$0x5970];
	v10 =	vmul.f32 v49, v1;
	[tilespmem:s30+$0x5930] =	vst v12  }
0x123: {  	v43 =	vld [tilespmem:s30+$0x5940];
	v6 =	vmul.f32 v50, v1;
	[tilespmem:s30+$0x5990] =	vst v11  }
0x124: {  	v55 =	vld [tilespmem:s30+$0x5A00];
	[tilespmem:s30+$0x59A0] =	vst v10;
	v2 =	vmul.f32 v2, v1  }
0x125: {  	v57 =	vld [tilespmem:s30+$0x5A20];
	v4 =	vmul.f32 v60, v27;
	[tilespmem:s30+$0x59B0] =	vst v6  }
0x126: {  	v5 =	vmul.f32 v45, v44;
	[tilespmem:s30+$0x5980] =	vst v2;
	v2 =	vld [tilespmem:s30+$0x59F0]  }
0x127: {  	v52 =	vld [tilespmem:s30+$0x59C0];
	v9 =	vmul.f32 v47, v44;
	[tilespmem:s30+$0x5A60] =	vst v4  }
0x128: {  	v56 =	vld [tilespmem:s30+$0x5A10];
	v8 =	vmul.f32 v43, v44;
	[tilespmem:s30+$0x5950] =	vst v5  }
0x129: {  	v54 =	vld [tilespmem:s30+$0x59E0];
	v11 =	vmul.f32 v55, v27;
	[tilespmem:s30+$0x5970] =	vst v9  }
0x12a: {  	v58 =	vld [tilespmem:s30+$0x5A30];
	v6 =	vmul.f32 v57, v27;
	[tilespmem:s30+$0x5940] =	vst v8  }
0x12b: {  	v53 =	vld [tilespmem:s30+$0x59D0];
	[tilespmem:s30+$0x5A00] =	vst v11;
	v2 =	vmul.f32 v2, v1  }
0x12c: {  	v59 =	vld [tilespmem:s30+$0x5A40];
	v5 =	vmul.f32 v52, v1;
	[tilespmem:s30+$0x5A20] =	vst v6  }
0x12d: {  	[tilespmem:s30+$0x59F0] =	vst v2;
	v2 =	vmul.f32 v56, v27  }
0x12e: {  	v3 =	vld [tilespmem:s30+$0x58A0];
	v9 =	vmul.f32 v54, v1;
	[tilespmem:s30+$0x59C0] =	vst v5  }
0x12f: {  	[tilespmem:s30+$0x5A10] =	vst v2;
	v2 =	vmul.f32 v58, v27  }
0x130: {  	[tilespmem:s30+$0x59E0] =	vst v9;
	v1 =	vmul.f32 v53, v1  }
0x131: {  	[tilespmem:s30+$0x5A30] =	vst v2;
	v2 =	vmul.f32 v59, v27  }
0x132: {  	[tilespmem:s30+$0x59D0] =	vst v1  }
0x133: {  	s31 =	simm.s32 $0x1;
	[tilespmem:s30+$0x5A40] =	vst v2;
	v2 =	vmul.f32 v3, v35  }
.LBB2_3:
0x134: {  	s6 =	sshll.u32 s31, $0x4  }
0x135: {  	p0 =	sne.s32 s31, $0x7;
	[tilespmem:s30+$0x58A0] =	vst v2;
	s7 =	smov.u32 s31;
	s31 =	sadd.s32 $0x1, s31  }
0x136: {  	s6 =	sand.u32 $0x3FFFFFF0, s6  }
0x137: {  	v1 =	vld [tilespmem:s6+$0x5200];
	s6 =	sshll.u32 s7, $0xB  }
0x138: {  	s30 =	sand.u32 $0x3FFFF800, s6  }
0x139: {  	v8 =	vld [tilespmem:s30+$0x5340]  }
0x13a: {  	v9 =	vld [tilespmem:s30+$0x5350]  }
0x13b: {  	v10 =	vld [tilespmem:s30+$0x5330]  }
0x13c: {  	v2 =	vbroadcast v1, $0x0;
	v3 =	vld [tilespmem:s30+$0x52A0];
	v7 =	vbroadcast v1, $0x4  }
0x13d: {  	v5 =	vld [tilespmem:s30+$0x52B0]  }
0x13e: {  	v6 =	vld [tilespmem:s30+$0x57F0]  }
0x13f: {  	v11 =	vld [tilespmem:s30+$0x52E0]  }
0x140: {  	v12 =	vld [tilespmem:s30+$0x52F0]  }
0x141: {  	v4 =	vbroadcast v1, $0xA;
	v3 =	vmul.f32 v3, v2;
	v13 =	vld [tilespmem:s30+$0x5300]  }
0x142: {  	v5 =	vmul.f32 v5, v2;
	v14 =	vld [tilespmem:s30+$0x5310]  }
0x143: {  	[tilespmem:s30+$0x52A0] =	vst v3;
	v15 =	vld [tilespmem:s30+$0x5320];
	v3 =	vmul.f32 v6, v4  }
0x144: {  	[tilespmem:s30+$0x52B0] =	vst v5;
	v6 =	vmul.f32 v11, v2;
	v11 =	vbroadcast v1, $0x1;
	v5 =	vld [tilespmem:s30+$0x5800]  }
0x145: {  	v12 =	vmul.f32 v12, v2;
	[tilespmem:s30+$0x57F0] =	vst v3;
	v3 =	vld [tilespmem:s30+$0x5A50]  }
0x146: {  	[tilespmem:s30+$0x52E0] =	vst v6;
	v13 =	vmul.f32 v13, v11;
	v6 =	vld [tilespmem:s30+$0x5810]  }
0x147: {  	[tilespmem:s30+$0x52F0] =	vst v12;
	v12 =	vmul.f32 v14, v11;
	v14 =	vld [tilespmem:s30+$0x5360]  }
0x148: {  	[tilespmem:s30+$0x5300] =	vst v13;
	v13 =	vmul.f32 v15, v11;
	v15 =	vld [tilespmem:s30+$0x5370]  }
0x149: {  	v10 =	vmul.f32 v10, v11;
	[tilespmem:s30+$0x5310] =	vst v12;
	v12 =	vld [tilespmem:s30+$0x5380]  }
0x14a: {  	v8 =	vmul.f32 v8, v11;
	[tilespmem:s30+$0x5320] =	vst v13;
	v13 =	vld [tilespmem:s30+$0x5390]  }
0x14b: {  	v9 =	vmul.f32 v9, v11;
	[tilespmem:s30+$0x5330] =	vst v10;
	v10 =	vld [tilespmem:s30+$0x53A0]  }
0x14c: {  	[tilespmem:s30+$0x5340] =	vst v8;
	v8 =	vmul.f32 v14, v11;
	v14 =	vbroadcast v1, $0x2;
	v16 =	vld [tilespmem:s30+$0x53B0]  }
0x14d: {  	[tilespmem:s30+$0x5350] =	vst v9;
	v9 =	vmul.f32 v15, v11;
	v11 =	vld [tilespmem:s30+$0x53C0]  }
0x14e: {  	[tilespmem:s30+$0x5360] =	vst v8;
	v8 =	vmul.f32 v12, v14;
	v12 =	vld [tilespmem:s30+$0x53D0]  }
0x14f: {  	[tilespmem:s30+$0x5370] =	vst v9;
	v9 =	vmul.f32 v13, v14;
	v13 =	vld [tilespmem:s30+$0x53E0]  }
0x150: {  	[tilespmem:s30+$0x5380] =	vst v8;
	v8 =	vmul.f32 v10, v14;
	v10 =	vld [tilespmem:s30+$0x53F0]  }
0x151: {  	[tilespmem:s30+$0x5390] =	vst v9;
	v9 =	vmul.f32 v16, v14;
	v15 =	vld [tilespmem:s30+$0x5400]  }
0x152: {  	[tilespmem:s30+$0x53A0] =	vst v8;
	v8 =	vmul.f32 v11, v14;
	v11 =	vld [tilespmem:s30+$0x5410]  }
0x153: {  	[tilespmem:s30+$0x53B0] =	vst v9;
	v9 =	vmul.f32 v12, v14;
	v12 =	vld [tilespmem:s30+$0x5420]  }
0x154: {  	[tilespmem:s30+$0x53C0] =	vst v8;
	v8 =	vmul.f32 v13, v14;
	v13 =	vbroadcast v1, $0x3;
	v16 =	vld [tilespmem:s30+$0x5430]  }
0x155: {  	[tilespmem:s30+$0x53D0] =	vst v9;
	v9 =	vmul.f32 v10, v14;
	v10 =	vld [tilespmem:s30+$0x5440]  }
0x156: {  	[tilespmem:s30+$0x53E0] =	vst v8;
	v8 =	vmul.f32 v15, v13;
	v14 =	vld [tilespmem:s30+$0x5450]  }
0x157: {  	[tilespmem:s30+$0x53F0] =	vst v9;
	v9 =	vmul.f32 v11, v13;
	v11 =	vld [tilespmem:s30+$0x5460]  }
0x158: {  	[tilespmem:s30+$0x5400] =	vst v8;
	v8 =	vmul.f32 v12, v13;
	v12 =	vld [tilespmem:s30+$0x5470]  }
0x159: {  	[tilespmem:s30+$0x5410] =	vst v9;
	v9 =	vmul.f32 v16, v13;
	v15 =	vld [tilespmem:s30+$0x5480]  }
0x15a: {  	[tilespmem:s30+$0x5420] =	vst v8;
	v8 =	vmul.f32 v10, v13;
	v10 =	vld [tilespmem:s30+$0x5490]  }
0x15b: {  	[tilespmem:s30+$0x5430] =	vst v9;
	v9 =	vmul.f32 v14, v13;
	v14 =	vld [tilespmem:s30+$0x54A0]  }
0x15c: {  	[tilespmem:s30+$0x5440] =	vst v8;
	v8 =	vmul.f32 v11, v13;
	v11 =	vld [tilespmem:s30+$0x54B0]  }
0x15d: {  	[tilespmem:s30+$0x5450] =	vst v9;
	v9 =	vmul.f32 v12, v13;
	v12 =	vld [tilespmem:s30+$0x54C0]  }
0x15e: {  	[tilespmem:s30+$0x5460] =	vst v8;
	v8 =	vmul.f32 v15, v7;
	v13 =	vld [tilespmem:s30+$0x54D0]  }
0x15f: {  	[tilespmem:s30+$0x5470] =	vst v9;
	v9 =	vmul.f32 v10, v7;
	v10 =	vld [tilespmem:s30+$0x54E0]  }
0x160: {  	[tilespmem:s30+$0x5480] =	vst v8;
	v8 =	vmul.f32 v14, v7;
	v14 =	vld [tilespmem:s30+$0x54F0]  }
0x161: {  	[tilespmem:s30+$0x5490] =	vst v9;
	v9 =	vmul.f32 v11, v7;
	v11 =	vld [tilespmem:s30+$0x5500]  }
0x162: {  	[tilespmem:s30+$0x54A0] =	vst v8;
	v8 =	vmul.f32 v12, v7;
	v12 =	vld [tilespmem:s30+$0x5510]  }
0x163: {  	[tilespmem:s30+$0x54B0] =	vst v9;
	v9 =	vmul.f32 v13, v7;
	v13 =	vld [tilespmem:s30+$0x5520]  }
0x164: {  	[tilespmem:s30+$0x54C0] =	vst v8;
	v8 =	vmul.f32 v10, v7;
	v10 =	vbroadcast v1, $0x5;
	v15 =	vld [tilespmem:s30+$0x5530]  }
0x165: {  	[tilespmem:s30+$0x54D0] =	vst v9;
	v7 =	vmul.f32 v14, v7;
	v9 =	vld [tilespmem:s30+$0x5540]  }
0x166: {  	[tilespmem:s30+$0x54E0] =	vst v8;
	v8 =	vmul.f32 v11, v10;
	v11 =	vld [tilespmem:s30+$0x5550]  }
0x167: {  	[tilespmem:s30+$0x54F0] =	vst v7;
	v7 =	vmul.f32 v12, v10;
	v12 =	vld [tilespmem:s30+$0x5560]  }
0x168: {  	[tilespmem:s30+$0x5500] =	vst v8;
	v8 =	vmul.f32 v13, v10;
	v13 =	vld [tilespmem:s30+$0x5570]  }
0x169: {  	[tilespmem:s30+$0x5510] =	vst v7;
	v7 =	vmul.f32 v15, v10;
	v14 =	vld [tilespmem:s30+$0x5580]  }
0x16a: {  	[tilespmem:s30+$0x5520] =	vst v8;
	v8 =	vmul.f32 v9, v10;
	v9 =	vld [tilespmem:s30+$0x5590]  }
0x16b: {  	[tilespmem:s30+$0x5530] =	vst v7;
	v7 =	vmul.f32 v11, v10;
	v11 =	vld [tilespmem:s30+$0x55A0]  }
0x16c: {  	[tilespmem:s30+$0x5540] =	vst v8;
	v8 =	vmul.f32 v12, v10;
	v12 =	vbroadcast v1, $0x6;
	v15 =	vld [tilespmem:s30+$0x55B0]  }
0x16d: {  	[tilespmem:s30+$0x5550] =	vst v7;
	v7 =	vmul.f32 v13, v10;
	v10 =	vld [tilespmem:s30+$0x55C0]  }
0x16e: {  	[tilespmem:s30+$0x5560] =	vst v8;
	v8 =	vmul.f32 v14, v12;
	v13 =	vld [tilespmem:s30+$0x55D0]  }
0x16f: {  	[tilespmem:s30+$0x5570] =	vst v7;
	v7 =	vmul.f32 v9, v12;
	v9 =	vld [tilespmem:s30+$0x55E0]  }
0x170: {  	[tilespmem:s30+$0x5580] =	vst v8;
	v8 =	vmul.f32 v11, v12;
	v11 =	vld [tilespmem:s30+$0x55F0]  }
0x171: {  	[tilespmem:s30+$0x5590] =	vst v7;
	v7 =	vmul.f32 v15, v12;
	v14 =	vld [tilespmem:s30+$0x5600]  }
0x172: {  	[tilespmem:s30+$0x55A0] =	vst v8;
	v8 =	vmul.f32 v10, v12;
	v10 =	vld [tilespmem:s30+$0x5610]  }
0x173: {  	[tilespmem:s30+$0x55B0] =	vst v7;
	v7 =	vmul.f32 v13, v12;
	v13 =	vld [tilespmem:s30+$0x5620]  }
0x174: {  	[tilespmem:s30+$0x55C0] =	vst v8;
	v8 =	vmul.f32 v9, v12;
	v9 =	vbroadcast v1, $0x7;
	v15 =	vld [tilespmem:s30+$0x5630]  }
0x175: {  	[tilespmem:s30+$0x55D0] =	vst v7;
	v7 =	vmul.f32 v11, v12;
	v11 =	vld [tilespmem:s30+$0x5640]  }
0x176: {  	[tilespmem:s30+$0x55E0] =	vst v8;
	v8 =	vmul.f32 v14, v9;
	v12 =	vld [tilespmem:s30+$0x5650]  }
0x177: {  	[tilespmem:s30+$0x55F0] =	vst v7;
	v7 =	vmul.f32 v10, v9;
	v10 =	vld [tilespmem:s30+$0x5660]  }
0x178: {  	[tilespmem:s30+$0x5600] =	vst v8;
	v8 =	vmul.f32 v13, v9;
	v13 =	vld [tilespmem:s30+$0x5670]  }
0x179: {  	[tilespmem:s30+$0x5610] =	vst v7;
	v7 =	vmul.f32 v15, v9;
	v14 =	vld [tilespmem:s30+$0x5680]  }
0x17a: {  	[tilespmem:s30+$0x5620] =	vst v8;
	v8 =	vmul.f32 v11, v9;
	v11 =	vld [tilespmem:s30+$0x5690]  }
0x17b: {  	[tilespmem:s30+$0x5630] =	vst v7;
	v7 =	vmul.f32 v12, v9;
	v12 =	vld [tilespmem:s30+$0x56A0]  }
0x17c: {  	[tilespmem:s30+$0x5640] =	vst v8;
	v8 =	vmul.f32 v10, v9;
	v10 =	vbroadcast v1, $0x8;
	v15 =	vld [tilespmem:s30+$0x56B0]  }
0x17d: {  	[tilespmem:s30+$0x5650] =	vst v7;
	v7 =	vmul.f32 v13, v9;
	v9 =	vld [tilespmem:s30+$0x56C0]  }
0x17e: {  	[tilespmem:s30+$0x5660] =	vst v8;
	v8 =	vmul.f32 v14, v10;
	v13 =	vld [tilespmem:s30+$0x56D0]  }
0x17f: {  	[tilespmem:s30+$0x5670] =	vst v7;
	v7 =	vmul.f32 v11, v10;
	v11 =	vld [tilespmem:s30+$0x56E0]  }
0x180: {  	[tilespmem:s30+$0x5680] =	vst v8;
	v8 =	vmul.f32 v12, v10;
	v12 =	vld [tilespmem:s30+$0x56F0]  }
0x181: {  	[tilespmem:s30+$0x5690] =	vst v7;
	v7 =	vmul.f32 v15, v10;
	v14 =	vld [tilespmem:s30+$0x5700]  }
0x182: {  	[tilespmem:s30+$0x56A0] =	vst v8;
	v8 =	vmul.f32 v9, v10;
	v9 =	vld [tilespmem:s30+$0x5710]  }
0x183: {  	[tilespmem:s30+$0x56B0] =	vst v7;
	v7 =	vmul.f32 v13, v10;
	v13 =	vld [tilespmem:s30+$0x5720]  }
0x184: {  	[tilespmem:s30+$0x56C0] =	vst v8;
	v8 =	vmul.f32 v11, v10;
	v11 =	vbroadcast v1, $0x9;
	v15 =	vld [tilespmem:s30+$0x5730]  }
0x185: {  	[tilespmem:s30+$0x56D0] =	vst v7;
	v7 =	vmul.f32 v12, v10;
	v10 =	vld [tilespmem:s30+$0x5740]  }
0x186: {  	[tilespmem:s30+$0x56E0] =	vst v8;
	v8 =	vmul.f32 v14, v11;
	v12 =	vld [tilespmem:s30+$0x5750]  }
0x187: {  	[tilespmem:s30+$0x56F0] =	vst v7;
	v7 =	vmul.f32 v9, v11;
	v9 =	vld [tilespmem:s30+$0x5760]  }
0x188: {  	[tilespmem:s30+$0x5700] =	vst v8;
	v8 =	vmul.f32 v13, v11;
	v13 =	vld [tilespmem:s30+$0x5770]  }
0x189: {  	[tilespmem:s30+$0x5710] =	vst v7;
	v7 =	vmul.f32 v15, v11;
	v14 =	vld [tilespmem:s30+$0x5780]  }
0x18a: {  	[tilespmem:s30+$0x5720] =	vst v8;
	v8 =	vmul.f32 v10, v11;
	v10 =	vld [tilespmem:s30+$0x5790]  }
0x18b: {  	[tilespmem:s30+$0x5730] =	vst v7;
	v7 =	vmul.f32 v12, v11;
	v12 =	vld [tilespmem:s30+$0x57A0]  }
0x18c: {  	[tilespmem:s30+$0x5740] =	vst v8;
	v8 =	vmul.f32 v9, v11;
	v9 =	vld [tilespmem:s30+$0x57B0]  }
0x18d: {  	[tilespmem:s30+$0x5750] =	vst v7;
	v7 =	vmul.f32 v13, v11;
	v11 =	vld [tilespmem:s30+$0x57C0]  }
0x18e: {  	[tilespmem:s30+$0x5760] =	vst v8;
	v8 =	vmul.f32 v14, v4;
	v13 =	vld [tilespmem:s30+$0x57D0]  }
0x18f: {  	[tilespmem:s30+$0x5770] =	vst v7;
	v7 =	vmul.f32 v10, v4;
	v10 =	vld [tilespmem:s30+$0x57E0]  }
0x190: {  	v14 =	vld [tilespmem:s30+$0x5280];
	[tilespmem:s30+$0x5780] =	vst v8;
	v8 =	vmul.f32 v12, v4  }
0x191: {  	v12 =	vld [tilespmem:s30+$0x5290];
	[tilespmem:s30+$0x5790] =	vst v7;
	v7 =	vmul.f32 v9, v4  }
0x192: {  	v9 =	vld [tilespmem:s30+$0x52C0];
	[tilespmem:s30+$0x57A0] =	vst v8;
	v8 =	vmul.f32 v11, v4  }
0x193: {  	v11 =	vld [tilespmem:s30+$0x52D0];
	[tilespmem:s30+$0x57B0] =	vst v7;
	v7 =	vmul.f32 v13, v4  }
0x194: {  	[tilespmem:s30+$0x57C0] =	vst v8;
	v8 =	vmul.f32 v10, v4;
	v10 =	vbroadcast v1, $0xB;
	v13 =	vld [tilespmem:s30+$0x5820]  }
0x195: {  	v4 =	vbroadcast v1, $0xF;
	v14 =	vmul.f32 v2, v14;
	[tilespmem:s30+$0x57D0] =	vst v7;
	v7 =	vld [tilespmem:s30+$0x5830]  }
0x196: {  	v12 =	vmul.f32 v12, v2;
	[tilespmem:s30+$0x57E0] =	vst v8;
	v5 =	vmul.f32 v5, v10;
	v8 =	vld [tilespmem:s30+$0x5840]  }
0x197: {  	v6 =	vmul.f32 v6, v10;
	[tilespmem:s30+$0x5280] =	vst v14;
	v9 =	vmul.f32 v9, v2;
	v14 =	vld [tilespmem:s30+$0x5850]  }
0x198: {  	v3 =	vmul.f32 v3, v4;
	v11 =	vmul.f32 v11, v2;
	[tilespmem:s30+$0x5800] =	vst v5;
	v2 =	vld [tilespmem:s30+$0x5860]  }
0x199: {  	[tilespmem:s30+$0x5810] =	vst v6;
	v5 =	vmul.f32 v13, v10;
	v6 =	vld [tilespmem:s30+$0x5870]  }
0x19a: {  	v7 =	vmul.f32 v7, v10;
	v13 =	vld [tilespmem:s30+$0x5880];
	[tilespmem:s30+$0x5A50] =	vst v3  }
0x19b: {  	[tilespmem:s30+$0x5290] =	vst v12;
	v3 =	vmul.f32 v8, v10;
	v8 =	vld [tilespmem:s30+$0x5890]  }
0x19c: {  	[tilespmem:s30+$0x52C0] =	vst v9;
	v9 =	vmul.f32 v14, v10;
	v12 =	vld [tilespmem:s30+$0x58A0]  }
0x19d: {  	v14 =	vbroadcast v1, $0xC;
	[tilespmem:s30+$0x5820] =	vst v5;
	v5 =	vmul.f32 v2, v10;
	v15 =	vld [tilespmem:s30+$0x58B0]  }
0x19e: {  	[tilespmem:s30+$0x5850] =	vst v9;
	v6 =	vmul.f32 v6, v10;
	v9 =	vld [tilespmem:s30+$0x58C0]  }
0x19f: {  	[tilespmem:s30+$0x5830] =	vst v7;
	v2 =	vmul.f32 v13, v14;
	v7 =	vld [tilespmem:s30+$0x58D0]  }
0x1a0: {  	[tilespmem:s30+$0x5840] =	vst v3;
	v3 =	vmul.f32 v8, v14;
	v8 =	vld [tilespmem:s30+$0x58E0]  }
0x1a1: {  	[tilespmem:s30+$0x5880] =	vst v2;
	v2 =	vmul.f32 v12, v14;
	v10 =	vld [tilespmem:s30+$0x58F0]  }
0x1a2: {  	[tilespmem:s30+$0x5890] =	vst v3;
	v3 =	vld [tilespmem:s30+$0x5900]  }
0x1a3: {  	[tilespmem:s30+$0x52D0] =	vst v11;
	v9 =	vmul.f32 v9, v14;
	v11 =	vld [tilespmem:s30+$0x5910]  }
0x1a4: {  	[tilespmem:s30+$0x5860] =	vst v5;
	v5 =	vmul.f32 v7, v14;
	v7 =	vld [tilespmem:s30+$0x5920]  }
0x1a5: {  	[tilespmem:s30+$0x58C0] =	vst v9;
	v8 =	vmul.f32 v8, v14;
	v9 =	vbroadcast v1, $0xD;
	v12 =	vld [tilespmem:s30+$0x5930]  }
0x1a6: {  	[tilespmem:s30+$0x58D0] =	vst v5;
	v5 =	vmul.f32 v10, v14;
	v10 =	vld [tilespmem:s30+$0x5940]  }
0x1a7: {  	[tilespmem:s30+$0x58E0] =	vst v8;
	v3 =	vmul.f32 v3, v9;
	v8 =	vld [tilespmem:s30+$0x5950]  }
0x1a8: {  	[tilespmem:s30+$0x58F0] =	vst v5;
	v5 =	vmul.f32 v11, v9;
	v11 =	vld [tilespmem:s30+$0x5960]  }
0x1a9: {  	[tilespmem:s30+$0x5900] =	vst v3;
	v3 =	vmul.f32 v7, v9;
	v7 =	vld [tilespmem:s30+$0x5970]  }
0x1aa: {  	[tilespmem:s30+$0x5910] =	vst v5;
	v5 =	vmul.f32 v12, v9;
	v12 =	vld [tilespmem:s30+$0x5980]  }
0x1ab: {  	[tilespmem:s30+$0x5920] =	vst v3;
	v3 =	vmul.f32 v10, v9;
	v10 =	vld [tilespmem:s30+$0x5990]  }
0x1ac: {  	[tilespmem:s30+$0x5930] =	vst v5;
	v5 =	vmul.f32 v8, v9;
	v8 =	vld [tilespmem:s30+$0x59A0]  }
0x1ad: {  	v1 =	vbroadcast v1, $0xE;
	[tilespmem:s30+$0x5870] =	vst v6;
	v6 =	vmul.f32 v11, v9;
	v11 =	vld [tilespmem:s30+$0x59B0]  }
0x1ae: {  	[tilespmem:s30+$0x5950] =	vst v5;
	v5 =	vmul.f32 v7, v9;
	v7 =	vld [tilespmem:s30+$0x59C0]  }
0x1af: {  	[tilespmem:s30+$0x5960] =	vst v6;
	v6 =	vmul.f32 v12, v1;
	v9 =	vld [tilespmem:s30+$0x59D0]  }
0x1b0: {  	[tilespmem:s30+$0x5970] =	vst v5;
	v5 =	vmul.f32 v10, v1;
	v10 =	vld [tilespmem:s30+$0x59E0]  }
0x1b1: {  	[tilespmem:s30+$0x5980] =	vst v6;
	v6 =	vmul.f32 v8, v1;
	v8 =	vld [tilespmem:s30+$0x59F0]  }
0x1b2: {  	[tilespmem:s30+$0x5990] =	vst v5;
	v5 =	vmul.f32 v11, v1;
	v11 =	vld [tilespmem:s30+$0x5A00]  }
0x1b3: {  	[tilespmem:s30+$0x59A0] =	vst v6;
	v6 =	vmul.f32 v7, v1;
	v7 =	vld [tilespmem:s30+$0x5A10]  }
0x1b4: {  	[tilespmem:s30+$0x59B0] =	vst v5;
	v5 =	vmul.f32 v9, v1;
	v9 =	vld [tilespmem:s30+$0x5A20]  }
0x1b5: {  	[tilespmem:s30+$0x59C0] =	vst v6;
	v6 =	vmul.f32 v10, v1;
	v10 =	vld [tilespmem:s30+$0x5A30]  }
0x1b6: {  	[tilespmem:s30+$0x5940] =	vst v3;
	v1 =	vmul.f32 v8, v1;
	v3 =	vld [tilespmem:s30+$0x5A40]  }
0x1b7: {  	[tilespmem:s30+$0x59E0] =	vst v6;
	v6 =	vmul.f32 v11, v4;
	v8 =	vld [tilespmem:s30+$0x5A60]  }
0x1b8: {  	[tilespmem:s30+$0x59F0] =	vst v1;
	v1 =	vmul.f32 v7, v4;
	v7 =	vld [tilespmem:s30+$0x5A70]  }
0x1b9: {  	[tilespmem:s30+$0x5A00] =	vst v6;
	v6 =	vmul.f32 v9, v4  }
0x1ba: {  	[tilespmem:s30+$0x5A10] =	vst v1;
	v1 =	vmul.f32 v10, v4  }
0x1bb: {  	v9 =	vmul.f32 v15, v14;
	[tilespmem:s30+$0x5A20] =	vst v6  }
0x1bc: {  	[tilespmem:s30+$0x5A30] =	vst v1;
	v1 =	vmul.f32 v3, v4  }
.Ltmp0:
0x1bd: {  	[tilespmem:s30+$0x58B0] =	vst v9;
	v3 =	vmul.f32 v7, v4;
	(pc) =	sbr.rel @p0 .LBB2_3-.Ltmp0, $4  }
0x1be: {  	[tilespmem:s30+$0x5A40] =	vst v1  }
0x1bf: {  	v1 =	vmul.f32 v8, v4;
	[tilespmem:s30+$0x5A70] =	vst v3  }
0x1c0: {  	[tilespmem:s30+$0x59D0] =	vst v5  }
0x1c1: {  	[tilespmem:s30+$0x5A60] =	vst v1  }
0x1c2: {  	[tilespmem:s30+$0x58A0] =	vst v2  }
0x1c3: {  	[spmem:s2] =	stream.indirect.scatter.add.f32 [tilespmem:s25], [sflag:$0x3], $0x80, s23, s18, $0xb8;
	[tilespmem:$0x1D580] =	vst v63  }
0x1c4: {  	_ =	swait.ge [sflag:s16], $0x4000  }
0x1c5: {  	[sflag:s16] =	ssyncset.done $0x0  }
0x1c6: {  	[sflag:s16] =	ssyncadd.s32 $0xFFFFC000  }
0x1c7: {  	p0 =	sne.s32 s1, $0x51;
	_ =	swait.ge [sflag:s29], $0x80  }
.Ltmp1:
0x1c8: {  	[sflag:s29] =	ssyncset.done $0x0;
	(pc) =	sbr.rel @p0 .LBB2_2-.Ltmp1, $4  }
0x1c9: {  	[sflag:s29] =	ssyncadd.s32 $0xFFFFFF80  }
0x1ca: {  	_ =	swait.ge [sflag:s29], $0x80  }
0x1cb: {  	[sflag:s29] =	ssyncset.done $0x0  }
0x1cc: {  	[sflag:s29] =	ssyncadd.s32 $0xFFFFFF80  }
0x1cd: {  	[bflag:$0x0] =	sbarrier.arrive $0xFFFF  }
0x1ce: {  	[hbm:s22], [sflag:s9] =	dma.local [spmem:s15], $0x2800  }
0x1cf: {  	s0 =	sadd.s32 $0x1, s0;
	_ =	swait.ge [sflag:s16], $0x2800  }
0x1d0: {  	s1 =	simm.s32 $0x20;
	p0 =	sne.s32 s0, s14;
	[sflag:s16] =	ssyncset.done $0x0  }
.Ltmp2:
0x1d1: {  	s6 =	simm.s32 $0x10;
	[sflag:s16] =	ssyncadd.s32 $0xFFFFD800;
	(pc) =	sbr.rel @p0 .LBB2_1-.Ltmp2, $4  }
0x1d2: {  	[hbm:s24@s1], [sflag:s9] =	dma.strided [spmem:s17@s6], $0x50, s28, $0x10   }
0x1d3: {  	_ =	swait.ge [sflag:s16], $0x50  }
0x1d4: {  	[sflag:s16] =	ssyncset.done $0x0  }
0x1d5: {  	[sflag:s16] =	ssyncadd.s32 $0xFFFFFFB0  }
0x1d6: {  	_ =	sfence.sel $0x180000  }
0x1d7: {  	[bflag:$0x0] =	sbarrier.arrive $0xFFFF  }
0x1d8: {  	_ =	strace $0x9000004A  }
0x1d9: {  	s0 =	stileid.u32;
	[bflag:$0x2] =	sbarrier.arrive $0xFFFF  }
0x1da: {  	p0 =	sne.s32 s0, $0x0;
	s0 =	rddreg [dreg:$0x4]  }
0x1db: {  	s0 =	sadd.s32 @!p0 $0x100000, s0  }
0x1dc: {  	[sflag:s0] =	ssyncadd.tile.s32 @!p0 $0x1;
	_ =	shalt  }
.Lfunc_end2:
_tile_overlayer_lowered:
.L_overlay_start_2:
0x1dd: {  	(tag) =	ssettag $0x2  }
0x1de: {  	s0 =	rddreg [dreg:$0x0];
	s2 =	stileid.u32  }
0x1df: {  	s1 =	rddreg [dreg:$0x1];
	p0 =	sne.s32 s2, $0x0  }
0x1e0: {  	s3 =	rddreg [dreg:$0x2];
	[bflag:$0x3] =	sbarrier.arrive $0xFFFF;
	s2 =	simm.s32 @!p0 $0x1C03  }
0x1e1: {  	[timem:s3], [sflag:s2] =	dma.local @!p0 [hbm:s0], s1  }
0x1e2: {  	s0 =	simm.s32 @!p0 $0x3  }
0x1e3: {  	_ =	swait.ge @!p0 [sflag:s0], s1  }
0x1e4: {  	s1 =	ssub.s32 @!p0 $0x0, s1;
	[sflag:s0] =	ssyncset.done @!p0 $0x0  }
0x1e5: {  	[sflag:s0] =	ssyncadd.s32 @!p0 s1  }
0x1e6: {  	[bflag:$0x3] =	sbarrier.arrive $0xFFFF  }
0x1e7: {  	_ =	shalt  }

// kernel: kernel.7.cloned.1.call-start
scs
__scs_entry_jumppad:
0x0: {  	(pc) =	sbr.rel $0x88, $3  }
0x1: {  	(tag) =	ssettag $0x0;
	lr =	simm.s32 $0x1  }
0x2: {  	[smem:$0x3F94] =	sst lr;
	_ =	strace $0xD0000000  }
0x3: {  	_ = 	snop  }
0x4: {  	_ = 	snop  }
0x5: {  	_ = 	snop  }
0x6: {  	_ = 	snop  }
0x7: {  	_ = 	snop  }
__scs_overlays_trampoline_lowered:
0x8: {  	[smem:$0x3FA3] =	sst s0  }
0x9: {  	[smem:$0x3FA4] =	sst s1  }
0xa: {  	[smem:$0x3FA5] =	sst s2  }
0xb: {  	[smem:$0x3FA6] =	sst s3  }
0xc: {  	[smem:$0x3FA7] =	sst s4  }
0xd: {  	[smem:$0x3FA8] =	sst s5  }
0xe: {  	[smem:$0x3FA9] =	sst s6  }
0xf: {  	[smem:$0x3FAA] =	sst s7  }
0x10: {  	[smem:$0x3FAB] =	sst s8  }
0x11: {  	[smem:$0x3FAC] =	sst s9;
	s0 =	simm.s32 @!p0 $0x0  }
0x12: {  	s1 =	sld [smem:$0x3F92];
	s0 =	simm.s32 @p0 $0x1  }
0x13: {  	[smem:$0x3FAD] =	sst s0;
	s0 =	simm.s32 @!p1 $0x0  }
0x14: {  	s2 =	sld [smem:$0x3F91];
	s0 =	simm.s32 @p1 $0x1  }
0x15: {  	[smem:$0x3FAE] =	sst s0;
	s0 =	simm.s32 @!p2 $0x0  }
0x16: {  	s3 =	sld [smem:$0x3FDB];
	s0 =	simm.s32 @p2 $0x1  }
0x17: {  	s4 =	simm.s32 $0x1BF5;
	[smem:$0x3FB0] =	sst s0  }
0x18: {  	s0 =	sld [smem:$0x3F93];
	_ =	swait.ge [sflag:s4], $0x0  }
0x19: {  	s7 =	sld [smem:$0x3F94]  }
0x1a: {  	s8 =	sadd.s32 $0xFFFFE003, lr  }
0x1b: {  	s9 =	sadd.s32 $0xFFFFFEF7, lr;
	s5 =	simm.s32 $0xFFFFFFFF;
	p2 =	slt.u32 s8, $0xFFFFF086  }
0x1c: {  	p1 =	slt.u32 s9, $0xF7A;
	s5 =	simm.s32 @!p2 $0x0  }
0x1d: {  	s5 =	simm.s32 @p1 $0x1;
	p0 =	seq.s32 s7, s2  }
0x1e: {  	s7 =	smul.u32 @!p0 $0xF7A, s2;
	p2 =	seq.s32 @!p0 s5, $0x0  }
0x1f: {  	s9 =	smul.u32 $0xF7A, s1;
	s8 =	simm.s32 @!p0 $0x1BF5;
	p2 =	por !p2, p0  }
0x20: {  	[sflag:s8] =	ssyncset.s32 @!p0 $0xFFFFF086;
	s6 =	sadd.s32 @!p0 s3, s7;
	s7 =	simm.s32 @!p0 $0x108  }
0x21: {  	s3 =	sadd.s32 s3, s9;
	s6 =	sadd.s32 @!p0 $0x88, s6;
	s7 =	simm.s32 @p2 $0x1082  }
0x22: {  	[simem:s7], [sflag:s8] =	dma.local @!p0 [hbm:s6], $0xF7A  }
0x23: {  	s9 =	sor.u32 $0xD0000000, s2;
	s6 =	simm.s32 $0x108;
	_ =	swait.ge @!p0 [sflag:s8], $0x0  }
0x24: {  	s3 =	sadd.s32 $0x88, s3;
	s6 =	simm.s32 @!p1 $0x1082;
	[sflag:s4] =	ssyncset.s32 $0xFFFFF086  }
0x25: {  	[simem:s6], [sflag:s4] =	dma.local [hbm:s3], $0xF7A  }
0x26: {  	[smem:$0x3F94] =	sst s1;
	(tag) =	ssettag s2;
	_ =	strace s9  }
0x27: {  	s1 =	sld [smem:$0x3FA4]  }
0x28: {  	s2 =	sld [smem:$0x3FA5]  }
0x29: {  	s4 =	sld [smem:$0x3FA7]  }
0x2a: {  	p0 =	seq.s32 s5, $0x0;
	s5 =	sld [smem:$0x3FA8]  }
0x2b: {  	s6 =	sld [smem:$0x3FA9]  }
0x2c: {  	s7 =	sld [smem:$0x3FAA]  }
0x2d: {  	s3 =	simm.s32 $0x108;
	s8 =	sld [smem:$0x3FAB]  }
0x2e: {  	s3 =	simm.s32 @!p0 $0x1082;
	s9 =	sld [smem:$0x3FAC]  }
0x2f: {  	lr =	sadd.s32 s0, s3;
	s0 =	sld [smem:$0x3FA3]  }
0x30: {  	s3 =	sld [smem:$0x3FA6]  }
0x31: {  	[smem:$0x3FAF] =	sst s10  }
0x32: {  	s10 =	sld [smem:$0x3FAD];
	_ =	sdelay $0x3  }
0x33: {  	p0 =	seq.s32 s10, $0x1;
	s10 =	sld [smem:$0x3FAF];
	_ =	sdelay $0x3  }
0x34: {  	[smem:$0x3FAF] =	sst s10  }
0x35: {  	s10 =	sld [smem:$0x3FAE];
	_ =	sdelay $0x3  }
0x36: {  	p1 =	seq.s32 s10, $0x1;
	s10 =	sld [smem:$0x3FAF];
	_ =	sdelay $0x3  }
0x37: {  	[smem:$0x3FAF] =	sst s10  }
0x38: {  	s10 =	sld [smem:$0x3FB0]  }
0x39: {  	_ = 	snop;
	(pc) =	sbr.ind lr, $3  }
0x3a: {  	_ = 	snop  }
0x3b: {  	_ = 	snop  }
0x3c: {  	p2 =	seq.s32 s10, $0x1;
	s10 =	sld [smem:$0x3FAF]  }
0x3d: {  	_ =	shalt  }
0x3e: {  	_ =	shalt  }
0x3f: {  	_ =	shalt  }
0x40: {  	_ =	shalt  }
0x41: {  	_ =	shalt  }
0x42: {  	_ =	shalt  }
0x43: {  	_ =	shalt  }
0x44: {  	_ =	shalt  }
0x45: {  	_ =	shalt  }
0x46: {  	_ =	shalt  }
0x47: {  	_ =	shalt  }
0x48: {  	_ =	shalt  }
0x49: {  	_ =	shalt  }
0x4a: {  	_ =	shalt  }
0x4b: {  	_ =	shalt  }
0x4c: {  	_ =	shalt  }
0x4d: {  	_ =	shalt  }
0x4e: {  	_ =	shalt  }
0x4f: {  	_ =	shalt  }
0x50: {  	_ =	shalt  }
0x51: {  	_ =	shalt  }
0x52: {  	_ =	shalt  }
0x53: {  	_ =	shalt  }
0x54: {  	_ =	shalt  }
0x55: {  	_ =	shalt  }
0x56: {  	_ =	shalt  }
0x57: {  	_ =	shalt  }
0x58: {  	_ =	shalt  }
0x59: {  	_ =	shalt  }
0x5a: {  	_ =	shalt  }
0x5b: {  	_ =	shalt  }
0x5c: {  	_ =	shalt  }
0x5d: {  	_ =	shalt  }
0x5e: {  	_ =	shalt  }
0x5f: {  	_ =	shalt  }
0x60: {  	_ =	shalt  }
0x61: {  	_ =	shalt  }
0x62: {  	_ =	shalt  }
0x63: {  	_ =	shalt  }
0x64: {  	_ =	shalt  }
0x65: {  	_ =	shalt  }
0x66: {  	_ =	shalt  }
0x67: {  	_ =	shalt  }
0x68: {  	_ =	shalt  }
0x69: {  	_ =	shalt  }
0x6a: {  	_ =	shalt  }
0x6b: {  	_ =	shalt  }
0x6c: {  	_ =	shalt  }
0x6d: {  	_ =	shalt  }
0x6e: {  	_ =	shalt  }
0x6f: {  	_ =	shalt  }
0x70: {  	_ =	shalt  }
0x71: {  	_ =	shalt  }
0x72: {  	_ =	shalt  }
0x73: {  	_ =	shalt  }
0x74: {  	_ =	shalt  }
0x75: {  	_ =	shalt  }
0x76: {  	_ =	shalt  }
0x77: {  	_ =	shalt  }
0x78: {  	_ =	shalt  }
0x79: {  	_ =	shalt  }
0x7a: {  	_ =	shalt  }
0x7b: {  	_ =	shalt  }
0x7c: {  	_ =	shalt  }
0x7d: {  	_ =	shalt  }
0x7e: {  	_ =	shalt  }
0x7f: {  	_ =	shalt  }
0x80: {  	_ =	shalt  }
0x81: {  	_ =	shalt  }
0x82: {  	_ =	shalt  }
0x83: {  	_ =	shalt  }
0x84: {  	_ =	shalt  }
0x85: {  	_ =	shalt  }
0x86: {  	_ =	shalt  }
0x87: {  	_ =	shalt  }
.Lfunc_end0:
.L_simem_size_0:
called_computation_lowered:
.L_overlay_start_0:
0x88: {  	s2 =	sld [smem:$0x3FD9]  }
0x89: {  	s3 =	sld [smem:$0x3FFE];
	_ =	sdelay $0x1  }
0x8a: {  	s1 =	srdreg.scid  }
0x8b: {  	s0 =	sand.u32 $0x1, s1  }
0x8c: {  	s17 =	sshll.u32 s0, $0xA;
	s2 =	sadd.s32 s3, s2  }
0x8d: {  	s2 =	sadd.s32 s2, s17  }
0x8e: {  	[smem:$0x3FBB] =	sst s2  }
0x8f: {  	_ = 	snop  }
0x90: {  	s2 =	sld [smem:$0x3FD0];
	(tm) =	ssettm $0x1  }
0x91: {  	s18 =	sld [smem:$0x3FFB];
	_ =	sdelay $0x3  }
0x92: {  	_ =	strace s18  }
0x93: {  	s3 =	sld [smem:$0x3FFC];
	_ =	sdelay $0x3  }
0x94: {  	_ =	strace s3  }
0x95: {  	s3 =	sld [smem:$0x3FFD];
	_ =	sdelay $0x3  }
0x96: {  	_ =	strace s3  }
0x97: {  	_ =	strace $0x8FFFFFFF  }
0x98: {  	s19 =	sld [smem:$0x3FDB];
	_ =	sdelay $0x1  }
0x99: {  	s4 =	simm.s32 $_scs_section_size  }
0x9a: {  	s5 =	simm.s32 $_size__tile_overlayer_lowered;
	s6 =	simm.s32 $_tile_overlayer_lowered  }
0x9b: {  	s22 =	simm.s32 $0x1BFF;
	s21 =	sshll.u32 s6, $0x1;
	s3 =	sadd.s32 s4, s19  }
0x9c: {  	s7 =	simm.s32 $0x0;
	s20 =	sshll.u32 s5, $0x1;
	s5 =	sadd.s32 s21, s3  }
0x9d: {  	[timem:s7], [sflag:s22] =	dma.local [hbm:s5], s20  }
0x9e: {  	_ =	swait.ge [sflag:s22], s20  }
0x9f: {  	s4 =	ssub.s32 $0x0, s20;
	[sflag:s22] =	ssyncset.done $0x0  }
0xa0: {  	[sflag:s22] =	ssyncadd.s32 s4;
	_ =	sdelay $0x1  }
0xa1: {  	s23 =	simm.s32 $0x1B8B  }
0xa2: {  	_ =	swait.ge [sflag:s23], $0x1  }
0xa3: {  	[sflag:s23] =	ssyncset.done $0x0  }
0xa4: {  	s25 =	simm.s32 $0x1B8E;
	s24 =	sld [smem:$0x3FFE];
	[sflag:s23] =	ssyncadd.s32 $0xFFFFFFFF  }
0xa5: {  	s26 =	simm.s32 $execute0_lowered;
	[smem:$0x3FD2] =	sst s25  }
0xa6: {  	s5 =	sshll.u32 s26, $0x1;
	_ =	strace $0x80000046;
	[dreg:$0x1] =	wrdreg $0xFFFFFFFF  }
0xa7: {  	s28 =	simm.s32 $_size_execute0_lowered;
	s3 =	sadd.s32 s3, s5;
	[dreg:$0x0] =	wrdreg $0x0  }
0xa8: {  	s5 =	sshll.u32 s28, $0x1;
	[dreg:$0x2] =	wrdreg s3  }
0xa9: {  	[dreg:$0x3] =	wrdreg s5  }
0xaa: {  	[dreg:$0x4] =	wrdreg $0xC0  }
0xab: {  	_ =	task [dreg:s7], $0x5FFFF  }
0xac: {  	[dreg:$0x1] =	wrdreg $0xFFFFFFFF  }
0xad: {  	[dreg:$0x0] =	wrdreg $0x60  }
0xae: {  	[dreg:$0x2] =	wrdreg s24  }
0xaf: {  	[dreg:$0x3] =	wrdreg s2  }
0xb0: {  	[dreg:$0x4] =	wrdreg $0x93000  }
0xb1: {  	[dreg:$0x5] =	wrdreg $0x1D3000  }
0xb2: {  	[dreg:$0x6] =	wrdreg $0x9  }
0xb3: {  	_ =	task.clear_ibuf [dreg:s7], $0x7FFFF;
	_ =	strace $0x90000046  }
0xb4: {  	s29 =	simm.s32 $0x9;
	_ =	strace $0x80000048  }
0xb5: {  	_ =	swait.ge [sflag:s29], $0x1  }
0xb6: {  	[sflag:s29] =	ssyncadd.s32 $0xFFFFFFFF  }
0xb7: {  	_ =	strace $0x90000048  }
0xb8: {  	_ =	sfence  }
0xb9: {  	s30 =	sld [smem:$0x0];
	_ =	sdelay $0x2  }
0xba: {  	s31 =	sshll.u32 s1, $0xD;
	s1 =	sshrl.u32 s1, $0x2  }
0xbb: {  	s3 =	sand.u32 $0x4000, s31;
	s1 =	sadd.s32 s1, s30  }
0xbc: {  	s0 =	sor.u32 s3, s0;
	s1 =	sshll.u32 s1, $0x11  }
0xbd: {  	s0 =	sor.u32 s1, s0  }
0xbe: {  	s0 =	sadd.s32 $0x8F2B, s0  }
0xbf: {  	[sflag:s0] =	ssyncadd.remote.s32 $0x1  }
0xc0: {  	_ =	sfence.sel $0xFFFF  }
0xc1: {  	[dreg:$0x0] =	wrdreg $0xFFFFFFFF;
	(pc) =	sbr.abs _section_cstart, $3  }
0xc2: {  	[dreg:$0x1] =	wrdreg $0xFFFFFFFF  }
0xc3: {  	_ =	task.clear_ibuf [dreg:s7], $0x2FFFF;
	_ =	strace $0x9FFFFFFF  }
0xc4: {  	(tm) =	ssettm $0x7FFFFFFF  }
0xc5: {  	_ =	shalt  }
tec
execute0_lowered:
.L_overlay_start_1:
0x0: {  	(tag) =	ssettag $0x1  }
0x1: {  	s0 =	rddreg [dreg:$0x0]  }
0x2: {  	s1 =	rddreg [dreg:$0x1];
	s3 =	srdreg.scid  }
0x3: {  	s2 =	rddreg [dreg:$0x2];
	s6 =	stileid.u32  }
0x4: {  	s4 =	simm.s32 $0x0;
	s20 =	simm.s32 $0x200;
	s21 =	simm.s32 $0x2A00  }
0x5: {  	s28 =	simm.s32 $0x1;
	s29 =	simm.s32 $0x2;
	s22 =	smul.u32 $0x2800, s6  }
0x6: {  	s8 =	sand.u32 $0x1, s3;
	s3 =	rddreg [dreg:$0x3];
	s10 =	smul.u32 $0x280, s6  }
0x7: {  	[smem:$0x7FF] =	sst s4;
	s7 =	sadd.s32 $0xEE00, s0;
	s16 =	smul.u32 $0x50000, s6  }
0x8: {  	s24 =	sadd.s32 $0x37800, s0;
	s26 =	sshll.u32 s6, $0x6;
	s23 =	smul.u32 $0xA0, s6  }
0x9: {  	s9 =	sshll.u32 s8, $0x4;
	_ =	strace $0x80000047;
	[dreg:$0x5] =	wrdreg s7  }
0xa: {  	[dreg:$0x6] =	wrdreg s24;
	s14 =	smul.u32 $0x28000, s8;
	s8 =	ssub.s32 $0x2, s8  }
0xb: {  	s5 =	sor.u32 s6, s9;
	s11 =	sadd.s32 s22, s0;
	s15 =	sshrl.u32 s10, $0x3  }
0xc: {  	s17 =	sshrl.u32 s8, $0x1;
	s18 =	sadd.s32 s9, s0;
	s25 =	sshrl.u32 s16, $0x2  }
0xd: {  	s9 =	sor.u32 $0x1C03, s26;
	s19 =	sadd.s32 s10, s3;
	s26 =	simm.s32 $0x5200  }
0xe: {  	s12 =	smul.u32 $0x580, s5;
	s5 =	sadd.s32 $0xF800, s0;
	s15 =	sadd.s32 s15, s0  }
0xf: {  	s14 =	sadd.s32 s14, s0;
	s17 =	ssub.s32 s8, s17;
	s16 =	sadd.s32 s25, s2  }
0x10: {  	s8 =	sadd.s32 $0x38000, s11;
	s11 =	sadd.s32 $0xEE10, s0;
	s31 =	sadd.s32 $0xB0000, s18  }
0x11: {  	s18 =	simm.s32 $0x80;
	s25 =	simm.s32 $0x5280;
	s10 =	sadd.s32 $0x37A00, s15  }
0x12: {  	s30 =	sadd.s32 $0x60000, s14;
	s14 =	smax.u32 s17, $0x1;
	s15 =	sshrl.u32 s16, $0x3  }
0x13: {  	s16 =	simm.s32 $0x3;
	s17 =	sshrl.u32 s19, $0x3;
	s19 =	simm.s32 $0x100  }
0x14: {  	s24 =	sadd.s32 s23, s31;
	s13 =	sadd.s32 s12, s0;
	s12 =	sadd.s32 s1, s12  }
0x15: {  	s22 =	sadd.s32 s22, s30;
	s0 =	simm.s32 $0x0;
	s13 =	sadd.s32 $0x3E00, s13  }
.LBB2_1:
0x16: {  	[spmem:s15], [sflag:s9] =	dma.local [hbm:s8], $0x2800  }
0x17: {  	_ =	swait.ge [sflag:s16], $0x2800  }
0x18: {  	[sflag:s16] =	ssyncset.done $0x0  }
0x19: {  	[sflag:s16] =	ssyncadd.s32 $0xFFFFD800  }
0x1a: {  	[spmem:s17], [sflag:s9] =	dma.local [hbm:s10], $0x50  }
0x1b: {  	_ =	swait.ge [sflag:s16], $0x50  }
0x1c: {  	[sflag:s16] =	ssyncset.done $0x0  }
0x1d: {  	s1 =	rddreg [dreg:$0x5];
	[sflag:s16] =	ssyncadd.s32 $0xFFFFFFB0  }
0x1e: {  	[tilespmem:s20], [sflag:$0x3] =	stream.strided.gather [hbm4b:s1+s18], $0x2800, s19, s18, $0x38;
	[tilespmem:$0x1D580] =	vst v63  }
0x1f: {  	_ =	swait.ge [sflag:s16], $0x2800  }
0x20: {  	[sflag:s16] =	ssyncset.done $0x0  }
0x21: {  	[sflag:s16] =	ssyncadd.s32 $0xFFFFD800  }
0x22: {  	[tilespmem:s21], [sflag:$0x3] =	stream.strided.gather [hbm4b:s11+s18], $0x2800, s19, s18, $0x38;
	[tilespmem:$0x1D580] =	vst v63  }
0x23: {  	_ =	swait.ge [sflag:s16], $0x2800  }
0x24: {  	[sflag:s16] =	ssyncset.done $0x0  }
0x25: {  	s6 =	simm.s32 $0x9280;
	s31 =	rddreg [dreg:$0x6];
	[sflag:s16] =	ssyncadd.s32 $0xFFFFD800  }
0x26: {  	[tilespmem:s6], [sflag:$0x3] =	stream.linear.gather [hbm4b:s31+s4], $0x80, $0x38;
	[tilespmem:$0x1D580] =	vst v63  }
0x27: {  	_ =	swait.ge [sflag:s16], $0x80  }
0x28: {  	[sflag:s16] =	ssyncset.done $0x0  }
0x29: {  	[sflag:s16] =	ssyncadd.s32 $0xFFFFFF80  }
0x2a: {  	[tilespmem:s4], [sflag:$0x3] =	stream.linear.gather [hbm4b:s12+s4], $0x80, $0x38;
	[tilespmem:$0x1D580] =	vst v63  }
0x2b: {  	_ =	swait.ge [sflag:s16], $0x80  }
0x2c: {  	[sflag:s16] =	ssyncset.done $0x0  }
0x2d: {  	[sflag:s16] =	ssyncadd.s32 $0xFFFFFF80  }
0x2e: {  	[tilespmem:s19], [sflag:$0x3] =	stream.linear.gather [hbm4b:s13+s4], $0x80, $0x38;
	[tilespmem:$0x1D580] =	vst v63  }
0x2f: {  	_ =	swait.ge [sflag:s16], $0x80  }
0x30: {  	[sflag:s16] =	ssyncset.done $0x0  }
0x31: {  	[sflag:s16] =	ssyncadd.s32 $0xFFFFFF80  }
0x32: {  	[bflag:$0x0] =	sbarrier.arrive $0xFFFF  }
0x33: {  	s1 =	simm.s32 $0x0;
	v0 =	vld [tilespmem:$0x9280]  }
.LBB2_2:
0x34: {  	s23 =	smov.u32 s1;
	s1 =	sadd.s32 $0x1, s1  }
0x35: {  	s30 =	smin.u32 s1, $0x50  }
0x36: {  	s31 =	sshll.u32 s1, $0x7;
	s30 =	sshll.u32 s30, $0x4  }
0x37: {  	s7 =	simm.s32 $0x0;
	s31 =	sand.u32 $0x80, s31;
	s6 =	sadd.s32 s12, s30  }
0x38: {  	[tilespmem:s31], [sflag:$0x2] =	stream.linear.gather [hbm4b:s6+s7], $0x80, $0x38;
	[tilespmem:$0x1D580] =	vst v63  }
0x39: {  	s23 =	sshll.u32 s23, $0x7;
	s30 =	sadd.s32 s13, s30;
	s6 =	sor.u32 $0x100, s31  }
0x3a: {  	[tilespmem:s6], [sflag:$0x2] =	stream.linear.gather [hbm4b:s30+s7], $0x80, $0x38;
	[tilespmem:$0x1D580] =	vst v63  }
0x3b: {  	s23 =	sand.u32 $0x80, s23  }
0x3c: {  	[tilespmem:s25], [sflag:$0x1] =	stream.indirect.gather [hbm4b:s5+s18], $0x80, s23, s18, $0xb8;
	[tilespmem:$0x1D580] =	vst v63  }
0x3d: {  	v1 =	vld [tilespmem:s23+$0x0]  }
0x3e: {  	v2 =	vld [tilespmem:s23+$0x100];
	_ =	sdelay $0x6  }
0x3f: {  	v1 =	vld.idx.msk [tilespmem:v1+s20+$0x0], $0xffff  }
0x40: {  	v2 =	vld.idx.msk [tilespmem:v2+s21+$0x0], $0xffff;
	_ =	sdelay $0x4  }
0x41: {  	v1 =	vadd.f32 v2, v1;
	_ =	sdelay $0x1  }
0x42: {  	v2 =	vmul.f32 $2.000000030e-01, v1  }
0x43: {  	vm0 =	vge.f32 v1, $0.0e+00  }
0x44: {  	v1 =	vsel vm0, v1, v2  }
0x45: {  	v1 =	vsub.f32 v1, v0;
	_ =	sdelay $0x1  }
0x46: {  	v1 =	vmul.f32 $1.442695020e+00, v1;
	_ =	sdelay $0x1  }
0x47: {  	(erf) = vpow2.f32 v1;
	_ =	sdelay $0x8  }
0x48: {  	v1 =	vpop (erf)  }
0x49: {  	[tilespmem:$0x5200] =	vst v1  }
0x4a: {  	v1 =	vld [tilespmem:s23+$0x10]  }
0x4b: {  	v2 =	vld [tilespmem:s23+$0x110];
	_ =	sdelay $0x6  }
0x4c: {  	v1 =	vld.idx.msk [tilespmem:v1+s20+$0x0], $0xffff  }
0x4d: {  	v2 =	vld.idx.msk [tilespmem:v2+s21+$0x0], $0xffff;
	_ =	sdelay $0x4  }
0x4e: {  	v1 =	vadd.f32 v2, v1;
	_ =	sdelay $0x1  }
0x4f: {  	v2 =	vmul.f32 $2.000000030e-01, v1  }
0x50: {  	vm9 =	vge.f32 v1, $0.0e+00  }
0x51: {  	v1 =	vsel vm9, v1, v2  }
0x52: {  	v1 =	vsub.f32 v1, v0;
	_ =	sdelay $0x1  }
0x53: {  	v1 =	vmul.f32 $1.442695020e+00, v1;
	_ =	sdelay $0x1  }
0x54: {  	(erf) = vpow2.f32 v1;
	_ =	sdelay $0x8  }
0x55: {  	v1 =	vpop (erf)  }
0x56: {  	[tilespmem:$0x5210] =	vst v1  }
0x57: {  	v1 =	vld [tilespmem:s23+$0x20]  }
0x58: {  	v2 =	vld [tilespmem:s23+$0x120];
	_ =	sdelay $0x6  }
0x59: {  	v1 =	vld.idx.msk [tilespmem:v1+s20+$0x0], $0xffff  }
0x5a: {  	v2 =	vld.idx.msk [tilespmem:v2+s21+$0x0], $0xffff;
	_ =	sdelay $0x4  }
0x5b: {  	v1 =	vadd.f32 v2, v1;
	_ =	sdelay $0x1  }
0x5c: {  	v2 =	vmul.f32 $2.000000030e-01, v1  }
0x5d: {  	vm10 =	vge.f32 v1, $0.0e+00  }
0x5e: {  	v1 =	vsel vm10, v1, v2  }
0x5f: {  	v1 =	vsub.f32 v1, v0;
	_ =	sdelay $0x1  }
0x60: {  	v1 =	vmul.f32 $1.442695020e+00, v1;
	_ =	sdelay $0x1  }
0x61: {  	(erf) = vpow2.f32 v1;
	_ =	sdelay $0x8  }
0x62: {  	v1 =	vpop (erf)  }
0x63: {  	[tilespmem:$0x5220] =	vst v1  }
0x64: {  	v1 =	vld [tilespmem:s23+$0x30]  }
0x65: {  	v2 =	vld [tilespmem:s23+$0x130];
	_ =	sdelay $0x6  }
0x66: {  	v1 =	vld.idx.msk [tilespmem:v1+s20+$0x0], $0xffff  }
0x67: {  	v2 =	vld.idx.msk [tilespmem:v2+s21+$0x0], $0xffff;
	_ =	sdelay $0x4  }
0x68: {  	v1 =	vadd.f32 v2, v1;
	_ =	sdelay $0x1  }
0x69: {  	v2 =	vmul.f32 $2.000000030e-01, v1  }
0x6a: {  	vm11 =	vge.f32 v1, $0.0e+00  }
0x6b: {  	v1 =	vsel vm11, v1, v2  }
0x6c: {  	v1 =	vsub.f32 v1, v0;
	_ =	sdelay $0x1  }
0x6d: {  	v1 =	vmul.f32 $1.442695020e+00, v1;
	_ =	sdelay $0x1  }
0x6e: {  	(erf) = vpow2.f32 v1;
	_ =	sdelay $0x8  }
0x6f: {  	v1 =	vpop (erf)  }
0x70: {  	[tilespmem:$0x5230] =	vst v1  }
0x71: {  	v1 =	vld [tilespmem:s23+$0x40]  }
0x72: {  	v2 =	vld [tilespmem:s23+$0x140];
	_ =	sdelay $0x6  }
0x73: {  	v1 =	vld.idx.msk [tilespmem:v1+s20+$0x0], $0xffff  }
0x74: {  	v2 =	vld.idx.msk [tilespmem:v2+s21+$0x0], $0xffff;
	_ =	sdelay $0x4  }
0x75: {  	v1 =	vadd.f32 v2, v1;
	_ =	sdelay $0x1  }
0x76: {  	v2 =	vmul.f32 $2.000000030e-01, v1  }
0x77: {  	vm12 =	vge.f32 v1, $0.0e+00  }
0x78: {  	v1 =	vsel vm12, v1, v2  }
0x79: {  	v1 =	vsub.f32 v1, v0;
	_ =	sdelay $0x1  }
0x7a: {  	v1 =	vmul.f32 $1.442695020e+00, v1;
	_ =	sdelay $0x1  }
0x7b: {  	(erf) = vpow2.f32 v1;
	_ =	sdelay $0x8  }
0x7c: {  	v1 =	vpop (erf)  }
0x7d: {  	[tilespmem:$0x5240] =	vst v1  }
0x7e: {  	v1 =	vld [tilespmem:s23+$0x50]  }
0x7f: {  	v2 =	vld [tilespmem:s23+$0x150];
	_ =	sdelay $0x6  }
0x80: {  	v1 =	vld.idx.msk [tilespmem:v1+s20+$0x0], $0xffff  }
0x81: {  	v2 =	vld.idx.msk [tilespmem:v2+s21+$0x0], $0xffff;
	_ =	sdelay $0x4  }
0x82: {  	v1 =	vadd.f32 v2, v1;
	_ =	sdelay $0x1  }
0x83: {  	v2 =	vmul.f32 $2.000000030e-01, v1  }
0x84: {  	vm13 =	vge.f32 v1, $0.0e+00  }
0x85: {  	v1 =	vsel vm13, v1, v2  }
0x86: {  	v1 =	vsub.f32 v1, v0;
	_ =	sdelay $0x1  }
0x87: {  	v1 =	vmul.f32 $1.442695020e+00, v1;
	_ =	sdelay $0x1  }
0x88: {  	(erf) = vpow2.f32 v1;
	_ =	sdelay $0x8  }
0x89: {  	v1 =	vpop (erf)  }
0x8a: {  	[tilespmem:$0x5250] =	vst v1  }
0x8b: {  	v1 =	vld [tilespmem:s23+$0x60]  }
0x8c: {  	v2 =	vld [tilespmem:s23+$0x160];
	_ =	sdelay $0x6  }
0x8d: {  	v1 =	vld.idx.msk [tilespmem:v1+s20+$0x0], $0xffff  }
0x8e: {  	v2 =	vld.idx.msk [tilespmem:v2+s21+$0x0], $0xffff;
	_ =	sdelay $0x4  }
0x8f: {  	v1 =	vadd.f32 v2, v1;
	_ =	sdelay $0x1  }
0x90: {  	v2 =	vmul.f32 $2.000000030e-01, v1  }
0x91: {  	vm14 =	vge.f32 v1, $0.0e+00  }
0x92: {  	v1 =	vsel vm14, v1, v2  }
0x93: {  	v1 =	vsub.f32 v1, v0;
	_ =	sdelay $0x1  }
0x94: {  	v1 =	vmul.f32 $1.442695020e+00, v1;
	_ =	sdelay $0x1  }
0x95: {  	(erf) = vpow2.f32 v1;
	_ =	sdelay $0x8  }
0x96: {  	v1 =	vpop (erf)  }
0x97: {  	[tilespmem:$0x5260] =	vst v1  }
0x98: {  	v1 =	vld [tilespmem:s23+$0x70]  }
0x99: {  	v2 =	vld [tilespmem:s23+$0x170];
	_ =	sdelay $0x6  }
0x9a: {  	v1 =	vld.idx.msk [tilespmem:v1+s20+$0x0], $0xffff  }
0x9b: {  	v2 =	vld.idx.msk [tilespmem:v2+s21+$0x0], $0xffff;
	_ =	sdelay $0x4  }
0x9c: {  	v1 =	vadd.f32 v2, v1;
	_ =	sdelay $0x1  }
0x9d: {  	v2 =	vmul.f32 $2.000000030e-01, v1  }
0x9e: {  	vm15 =	vge.f32 v1, $0.0e+00  }
0x9f: {  	v1 =	vsel vm15, v1, v2  }
0xa0: {  	v1 =	vsub.f32 v1, v0;
	_ =	sdelay $0x1  }
0xa1: {  	v1 =	vmul.f32 $1.442695020e+00, v1;
	_ =	sdelay $0x1  }
0xa2: {  	(erf) = vpow2.f32 v1;
	_ =	sdelay $0x8  }
0xa3: {  	v1 =	vpop (erf)  }
0xa4: {  	s23 =	sor.u32 $0x100, s23;
	[tilespmem:$0x5270] =	vst v1  }
0xa5: {  	[spmem:s3] =	stream.indirect.scatter.add.f32 [tilespmem:s26], [sflag:$0x3], $0x1, s23, s18, $0xb8;
	[tilespmem:$0x1D580] =	vst v63  }
0xa6: {  	_ =	swait.ge [sflag:s16], $0x80  }
0xa7: {  	[sflag:s16] =	ssyncset.done $0x0  }
0xa8: {  	[sflag:s16] =	ssyncadd.s32 $0xFFFFFF80  }
0xa9: {  	_ =	swait.ge [sflag:s28], $0x4000  }
0xaa: {  	s7 =	simm.s32 $0x0;
	[sflag:s28] =	ssyncset.done $0x0  }
0xab: {  	s6 =	sand.u32 $0x3FFFFFF0, s7;
	[sflag:s28] =	ssyncadd.s32 $0xFFFFC000  }
0xac: {  	s7 =	simm.s32 $0x0;
	v1 =	vld [tilespmem:s6+$0x5200]  }
0xad: {  	s30 =	sand.u32 $0x3FFFF800, s7  }
0xae: {  	v3 =	vld [tilespmem:s30+$0x52A0]  }
0xaf: {  	v4 =	vld [tilespmem:s30+$0x52B0]  }
0xb0: {  	v10 =	vld [tilespmem:s30+$0x52E0]  }
0xb1: {  	v11 =	vld [tilespmem:s30+$0x52F0];
	v2 =	vbroadcast v1, $0x0  }
0xb2: {  	v12 =	vld [tilespmem:s30+$0x5300]  }
0xb3: {  	v13 =	vld [tilespmem:s30+$0x5310];
	v3 =	vmul.f32 v3, v2  }
0xb4: {  	v14 =	vld [tilespmem:s30+$0x5320];
	v4 =	vmul.f32 v4, v2  }
0xb5: {  	v9 =	vld [tilespmem:s30+$0x5330];
	v23 =	vbroadcast v1, $0x1;
	v22 =	vmul.f32 v10, v2;
	[tilespmem:s30+$0x52A0] =	vst v3  }
0xb6: {  	v7 =	vld [tilespmem:s30+$0x5340];
	v11 =	vmul.f32 v11, v2;
	[tilespmem:s30+$0x52B0] =	vst v4  }
0xb7: {  	v8 =	vld [tilespmem:s30+$0x5350];
	v12 =	vmul.f32 v12, v23;
	[tilespmem:s30+$0x52E0] =	vst v22  }
0xb8: {  	v25 =	vld [tilespmem:s30+$0x5370];
	v13 =	vmul.f32 v13, v23;
	[tilespmem:s30+$0x52F0] =	vst v11  }
0xb9: {  	v26 =	vld [tilespmem:s30+$0x5380];
	v14 =	vmul.f32 v14, v23;
	[tilespmem:s30+$0x5300] =	vst v12  }
0xba: {  	v27 =	vld [tilespmem:s30+$0x5390];
	v9 =	vmul.f32 v9, v23;
	[tilespmem:s30+$0x5310] =	vst v13  }
0xbb: {  	v6 =	vld [tilespmem:s30+$0x57F0];
	v7 =	vmul.f32 v7, v23;
	[tilespmem:s30+$0x5320] =	vst v14  }
0xbc: {  	v24 =	vld [tilespmem:s30+$0x5360];
	v15 =	vbroadcast v1, $0x2;
	v8 =	vmul.f32 v8, v23;
	[tilespmem:s30+$0x5330] =	vst v9  }
0xbd: {  	v28 =	vld [tilespmem:s30+$0x53A0];
	v10 =	vmul.f32 v25, v23;
	[tilespmem:s30+$0x5340] =	vst v7  }
0xbe: {  	v29 =	vld [tilespmem:s30+$0x53B0];
	v5 =	vbroadcast v1, $0xA;
	v32 =	vmul.f32 v26, v15;
	[tilespmem:s30+$0x5350] =	vst v8  }
0xbf: {  	v30 =	vld [tilespmem:s30+$0x53C0];
	v34 =	vmul.f32 v27, v15;
	[tilespmem:s30+$0x5370] =	vst v10  }
0xc0: {  	v33 =	vld [tilespmem:s30+$0x53E0];
	v3 =	vmul.f32 v6, v5;
	[tilespmem:s30+$0x5380] =	vst v32  }
0xc1: {  	v35 =	vld [tilespmem:s30+$0x53F0];
	v11 =	vmul.f32 v24, v23;
	[tilespmem:s30+$0x5390] =	vst v34  }
0xc2: {  	v36 =	vld [tilespmem:s30+$0x5400];
	v9 =	vmul.f32 v28, v15;
	[tilespmem:s30+$0x57F0] =	vst v3  }
0xc3: {  	v31 =	vld [tilespmem:s30+$0x53D0];
	v7 =	vmul.f32 v29, v15;
	[tilespmem:s30+$0x5360] =	vst v11  }
0xc4: {  	v37 =	vld [tilespmem:s30+$0x5410];
	v8 =	vmul.f32 v30, v15;
	[tilespmem:s30+$0x53A0] =	vst v9  }
0xc5: {  	v38 =	vld [tilespmem:s30+$0x5420];
	v41 =	vbroadcast v1, $0x3;
	v10 =	vmul.f32 v33, v15;
	[tilespmem:s30+$0x53B0] =	vst v7  }
0xc6: {  	v39 =	vld [tilespmem:s30+$0x5430];
	v12 =	vmul.f32 v35, v15;
	[tilespmem:s30+$0x53C0] =	vst v8  }
0xc7: {  	v42 =	vld [tilespmem:s30+$0x5450];
	v13 =	vmul.f32 v36, v41;
	[tilespmem:s30+$0x53E0] =	vst v10  }
0xc8: {  	v43 =	vld [tilespmem:s30+$0x5460];
	v11 =	vmul.f32 v31, v15;
	[tilespmem:s30+$0x53F0] =	vst v12  }
0xc9: {  	v44 =	vld [tilespmem:s30+$0x5470];
	v9 =	vmul.f32 v37, v41;
	[tilespmem:s30+$0x5400] =	vst v13  }
0xca: {  	v40 =	vld [tilespmem:s30+$0x5440];
	v7 =	vmul.f32 v38, v41;
	[tilespmem:s30+$0x53D0] =	vst v11  }
0xcb: {  	v45 =	vld [tilespmem:s30+$0x5480];
	v8 =	vmul.f32 v39, v41;
	[tilespmem:s30+$0x5410] =	vst v9  }
0xcc: {  	v46 =	vld [tilespmem:s30+$0x5490];
	v10 =	vmul.f32 v42, v41;
	[tilespmem:s30+$0x5420] =	vst v7  }
0xcd: {  	v47 =	vld [tilespmem:s30+$0x54A0];
	v12 =	vmul.f32 v43, v41;
	[tilespmem:s30+$0x5430] =	vst v8  }
0xce: {  	v49 =	vld [tilespmem:s30+$0x54C0];
	v50 =	vbroadcast v1, $0x4;
	v13 =	vmul.f32 v44, v41;
	[tilespmem:s30+$0x5450] =	vst v10  }
0xcf: {  	v51 =	vld [tilespmem:s30+$0x54D0];
	v11 =	vmul.f32 v40, v41;
	[tilespmem:s30+$0x5460] =	vst v12  }
0xd0: {  	v52 =	vld [tilespmem:s30+$0x54E0];
	v9 =	vmul.f32 v45, v50;
	[tilespmem:s30+$0x5470] =	vst v13  }
0xd1: {  	v48 =	vld [tilespmem:s30+$0x54B0];
	v7 =	vmul.f32 v46, v50;
	[tilespmem:s30+$0x5440] =	vst v11  }
0xd2: {  	v53 =	vld [tilespmem:s30+$0x54F0];
	v8 =	vmul.f32 v47, v50;
	[tilespmem:s30+$0x5480] =	vst v9  }
0xd3: {  	v54 =	vld [tilespmem:s30+$0x5500];
	v10 =	vmul.f32 v49, v50;
	[tilespmem:s30+$0x5490] =	vst v7  }
0xd4: {  	v55 =	vld [tilespmem:s30+$0x5510];
	v12 =	vmul.f32 v51, v50;
	[tilespmem:s30+$0x54A0] =	vst v8  }
0xd5: {  	v57 =	vld [tilespmem:s30+$0x5530];
	v13 =	vmul.f32 v52, v50;
	[tilespmem:s30+$0x54C0] =	vst v10  }
0xd6: {  	v58 =	vld [tilespmem:s30+$0x5540];
	v59 =	vbroadcast v1, $0x5;
	v11 =	vmul.f32 v48, v50;
	[tilespmem:s30+$0x54D0] =	vst v12  }
0xd7: {  	v60 =	vld [tilespmem:s30+$0x5550];
	v9 =	vmul.f32 v53, v50;
	[tilespmem:s30+$0x54E0] =	vst v13  }
0xd8: {  	v56 =	vld [tilespmem:s30+$0x5520];
	v7 =	vmul.f32 v54, v59;
	[tilespmem:s30+$0x54B0] =	vst v11  }
0xd9: {  	v61 =	vld [tilespmem:s30+$0x5560];
	v8 =	vmul.f32 v55, v59;
	[tilespmem:s30+$0x54F0] =	vst v9  }
0xda: {  	v62 =	vld [tilespmem:s30+$0x5570];
	v10 =	vmul.f32 v57, v59;
	[tilespmem:s30+$0x5500] =	vst v7  }
0xdb: {  	v63 =	vld [tilespmem:s30+$0x5580];
	v12 =	vmul.f32 v58, v59;
	[tilespmem:s30+$0x5510] =	vst v8  }
0xdc: {  	v19 =	vld [tilespmem:s30+$0x55A0];
	v13 =	vmul.f32 v60, v59;
	[tilespmem:s30+$0x5530] =	vst v10  }
0xdd: {  	v20 =	vld [tilespmem:s30+$0x55B0];
	v11 =	vmul.f32 v56, v59;
	[tilespmem:s30+$0x5540] =	vst v12  }
0xde: {  	v21 =	vld [tilespmem:s30+$0x55C0];
	v22 =	vbroadcast v1, $0x6;
	v9 =	vmul.f32 v61, v59;
	[tilespmem:s30+$0x5550] =	vst v13  }
0xdf: {  	v18 =	vld [tilespmem:s30+$0x5590];
	v7 =	vmul.f32 v62, v59;
	[tilespmem:s30+$0x5520] =	vst v11  }
0xe0: {  	v23 =	vld [tilespmem:s30+$0x55D0];
	v8 =	vmul.f32 v63, v22;
	[tilespmem:s30+$0x5560] =	vst v9  }
0xe1: {  	v24 =	vld [tilespmem:s30+$0x55E0];
	v10 =	vmul.f32 v19, v22;
	[tilespmem:s30+$0x5570] =	vst v7  }
0xe2: {  	v25 =	vld [tilespmem:s30+$0x55F0];
	v12 =	vmul.f32 v20, v22;
	[tilespmem:s30+$0x5580] =	vst v8  }
0xe3: {  	v27 =	vld [tilespmem:s30+$0x5610];
	v13 =	vmul.f32 v21, v22;
	[tilespmem:s30+$0x55A0] =	vst v10  }
0xe4: {  	v28 =	vld [tilespmem:s30+$0x5620];
	v11 =	vmul.f32 v18, v22;
	[tilespmem:s30+$0x55B0] =	vst v12  }
0xe5: {  	v29 =	vld [tilespmem:s30+$0x5630];
	v9 =	vmul.f32 v23, v22;
	[tilespmem:s30+$0x55C0] =	vst v13  }
0xe6: {  	v31 =	vbroadcast v1, $0x7;
	v53 =	vld [tilespmem:s30+$0x5780];
	v7 =	vmul.f32 v24, v22;
	[tilespmem:s30+$0x5590] =	vst v11  }
0xe7: {  	v57 =	vld [tilespmem:s30+$0x57C0];
	v8 =	vmul.f32 v25, v22;
	[tilespmem:s30+$0x55D0] =	vst v9  }
0xe8: {  	v58 =	vld [tilespmem:s30+$0x57D0];
	v10 =	vmul.f32 v27, v31;
	[tilespmem:s30+$0x55E0] =	vst v7  }
0xe9: {  	v26 =	vld [tilespmem:s30+$0x5600];
	v12 =	vmul.f32 v28, v31;
	[tilespmem:s30+$0x55F0] =	vst v8  }
0xea: {  	v30 =	vld [tilespmem:s30+$0x5640];
	v13 =	vmul.f32 v29, v31;
	[tilespmem:s30+$0x5610] =	vst v10  }
0xeb: {  	v32 =	vld [tilespmem:s30+$0x5650];
	v59 =	vmul.f32 v53, v5;
	[tilespmem:s30+$0x5620] =	vst v12  }
0xec: {  	v33 =	vld [tilespmem:s30+$0x5660];
	v18 =	vmul.f32 v57, v5;
	[tilespmem:s30+$0x5630] =	vst v13  }
0xed: {  	v35 =	vld [tilespmem:s30+$0x5680];
	v20 =	vmul.f32 v58, v5;
	[tilespmem:s30+$0x5780] =	vst v59  }
0xee: {  	v36 =	vld [tilespmem:s30+$0x5690];
	v11 =	vmul.f32 v26, v31;
	[tilespmem:s30+$0x57C0] =	vst v18  }
0xef: {  	v37 =	vld [tilespmem:s30+$0x56A0];
	v9 =	vmul.f32 v30, v31;
	[tilespmem:s30+$0x57D0] =	vst v20  }
0xf0: {  	v4 =	vld [tilespmem:s30+$0x5800];
	v40 =	vbroadcast v1, $0x8;
	v7 =	vmul.f32 v32, v31;
	[tilespmem:s30+$0x5600] =	vst v11  }
0xf1: {  	v6 =	vld [tilespmem:s30+$0x5810];
	v8 =	vmul.f32 v33, v31;
	[tilespmem:s30+$0x5640] =	vst v9  }
0xf2: {  	v3 =	vld [tilespmem:s30+$0x5A50];
	v10 =	vmul.f32 v35, v40;
	[tilespmem:s30+$0x5650] =	vst v7  }
0xf3: {  	v61 =	vld [tilespmem:s30+$0x5280];
	v23 =	vbroadcast v1, $0xB;
	v12 =	vmul.f32 v36, v40;
	[tilespmem:s30+$0x5660] =	vst v8  }
0xf4: {  	v34 =	vld [tilespmem:s30+$0x5670];
	v13 =	vmul.f32 v37, v40;
	[tilespmem:s30+$0x5680] =	vst v10  }
0xf5: {  	v38 =	vld [tilespmem:s30+$0x56B0];
	v27 =	vbroadcast v1, $0xF;
	v4 =	vmul.f32 v4, v23;
	[tilespmem:s30+$0x5690] =	vst v12  }
0xf6: {  	v39 =	vld [tilespmem:s30+$0x56C0];
	v6 =	vmul.f32 v6, v23;
	[tilespmem:s30+$0x56A0] =	vst v13  }
0xf7: {  	v41 =	vld [tilespmem:s30+$0x56D0];
	v3 =	vmul.f32 v3, v27;
	[tilespmem:s30+$0x5800] =	vst v4  }
0xf8: {  	v43 =	vld [tilespmem:s30+$0x56F0];
	v24 =	vmul.f32 v2, v61;
	[tilespmem:s30+$0x5810] =	vst v6  }
0xf9: {  	v44 =	vld [tilespmem:s30+$0x5700];
	v11 =	vmul.f32 v34, v31;
	[tilespmem:s30+$0x5A50] =	vst v3  }
0xfa: {  	v45 =	vld [tilespmem:s30+$0x5710];
	v9 =	vmul.f32 v38, v40;
	[tilespmem:s30+$0x5280] =	vst v24  }
0xfb: {  	v63 =	vld [tilespmem:s30+$0x52C0];
	v7 =	vmul.f32 v39, v40;
	[tilespmem:s30+$0x5670] =	vst v11  }
0xfc: {  	v49 =	vbroadcast v1, $0x9;
	v29 =	vld [tilespmem:s30+$0x5870];
	v8 =	vmul.f32 v41, v40;
	[tilespmem:s30+$0x56B0] =	vst v9  }
0xfd: {  	v42 =	vld [tilespmem:s30+$0x56E0];
	v10 =	vmul.f32 v43, v40;
	[tilespmem:s30+$0x56C0] =	vst v7  }
0xfe: {  	v46 =	vld [tilespmem:s30+$0x5720];
	v12 =	vmul.f32 v44, v49;
	[tilespmem:s30+$0x56D0] =	vst v8  }
0xff: {  	v47 =	vld [tilespmem:s30+$0x5730];
	v13 =	vmul.f32 v45, v49;
	[tilespmem:s30+$0x56F0] =	vst v10  }
0x100: {  	v48 =	vld [tilespmem:s30+$0x5740];
	v3 =	vmul.f32 v63, v2;
	[tilespmem:s30+$0x5700] =	vst v12  }
0x101: {  	v51 =	vld [tilespmem:s30+$0x5760];
	v6 =	vmul.f32 v29, v23;
	[tilespmem:s30+$0x5710] =	vst v13  }
0x102: {  	v52 =	vld [tilespmem:s30+$0x5770];
	v11 =	vmul.f32 v42, v40;
	[tilespmem:s30+$0x52C0] =	vst v3  }
0x103: {  	v28 =	vld [tilespmem:s30+$0x5860];
	v9 =	vmul.f32 v46, v49;
	[tilespmem:s30+$0x5870] =	vst v6  }
0x104: {  	v26 =	vld [tilespmem:s30+$0x5850];
	v7 =	vmul.f32 v47, v49;
	[tilespmem:s30+$0x56E0] =	vst v11  }
0x105: {  	v30 =	vld [tilespmem:s30+$0x5880];
	v8 =	vmul.f32 v48, v49;
	[tilespmem:s30+$0x5720] =	vst v9  }
0x106: {  	v50 =	vld [tilespmem:s30+$0x5750];
	v10 =	vmul.f32 v51, v49;
	[tilespmem:s30+$0x5730] =	vst v7  }
0x107: {  	v54 =	vld [tilespmem:s30+$0x5790];
	v12 =	vmul.f32 v52, v49;
	[tilespmem:s30+$0x5740] =	vst v8  }
0x108: {  	v55 =	vld [tilespmem:s30+$0x57A0];
	v35 =	vbroadcast v1, $0xC;
	v40 =	vmul.f32 v28, v23;
	[tilespmem:s30+$0x5760] =	vst v10  }
0x109: {  	v56 =	vld [tilespmem:s30+$0x57B0];
	v32 =	vmul.f32 v26, v23;
	[tilespmem:s30+$0x5770] =	vst v12  }
0x10a: {  	v60 =	vld [tilespmem:s30+$0x57E0];
	v15 =	vmul.f32 v30, v35;
	[tilespmem:s30+$0x5860] =	vst v40  }
0x10b: {  	v62 =	vld [tilespmem:s30+$0x5290];
	v11 =	vmul.f32 v50, v49;
	[tilespmem:s30+$0x5850] =	vst v32  }
0x10c: {  	v19 =	vld [tilespmem:s30+$0x52D0];
	v9 =	vmul.f32 v54, v5;
	[tilespmem:s30+$0x5880] =	vst v15  }
0x10d: {  	v33 =	vld [tilespmem:s30+$0x58B0];
	v7 =	vmul.f32 v55, v5;
	[tilespmem:s30+$0x5750] =	vst v11  }
0x10e: {  	v61 =	vld [tilespmem:s30+$0x5A70];
	v8 =	vmul.f32 v56, v5;
	[tilespmem:s30+$0x5790] =	vst v9  }
0x10f: {  	v38 =	vld [tilespmem:s30+$0x58F0];
	v5 =	vmul.f32 v60, v5;
	[tilespmem:s30+$0x57A0] =	vst v7  }
0x110: {  	v21 =	vld [tilespmem:s30+$0x5820];
	v12 =	vmul.f32 v62, v2;
	[tilespmem:s30+$0x57B0] =	vst v8  }
0x111: {  	v22 =	vld [tilespmem:s30+$0x5830];
	v2 =	vmul.f32 v19, v2;
	[tilespmem:s30+$0x57E0] =	vst v5  }
0x112: {  	v25 =	vld [tilespmem:s30+$0x5840];
	v62 =	vmul.f32 v33, v35;
	[tilespmem:s30+$0x5290] =	vst v12  }
0x113: {  	v31 =	vld [tilespmem:s30+$0x5890];
	v63 =	vmul.f32 v61, v27;
	[tilespmem:s30+$0x52D0] =	vst v2  }
0x114: {  	v34 =	vld [tilespmem:s30+$0x58C0];
	v15 =	vmul.f32 v38, v35;
	[tilespmem:s30+$0x58B0] =	vst v62  }
0x115: {  	v41 =	vld [tilespmem:s30+$0x5920];
	v7 =	vmul.f32 v21, v23;
	[tilespmem:s30+$0x5A70] =	vst v63  }
0x116: {  	v46 =	vld [tilespmem:s30+$0x5960];
	v8 =	vmul.f32 v22, v23;
	[tilespmem:s30+$0x58F0] =	vst v15  }
0x117: {  	v36 =	vld [tilespmem:s30+$0x58D0];
	v5 =	vmul.f32 v25, v23;
	[tilespmem:s30+$0x5820] =	vst v7  }
0x118: {  	v44 =	vbroadcast v1, $0xD;
	v9 =	vmul.f32 v31, v35;
	v2 =	vld [tilespmem:s30+$0x5910];
	[tilespmem:s30+$0x5830] =	vst v8  }
0x119: {  	v37 =	vld [tilespmem:s30+$0x58E0];
	v12 =	vmul.f32 v34, v35;
	[tilespmem:s30+$0x5840] =	vst v5  }
0x11a: {  	v39 =	vld [tilespmem:s30+$0x5900];
	v11 =	vmul.f32 v41, v44;
	[tilespmem:s30+$0x5890] =	vst v9  }
0x11b: {  	v42 =	vld [tilespmem:s30+$0x5930];
	v51 =	vmul.f32 v46, v44;
	[tilespmem:s30+$0x58C0] =	vst v12  }
0x11c: {  	v48 =	vld [tilespmem:s30+$0x5990];
	v8 =	vmul.f32 v36, v35;
	[tilespmem:s30+$0x5920] =	vst v11  }
0x11d: {  	v49 =	vld [tilespmem:s30+$0x59A0];
	[tilespmem:s30+$0x5960] =	vst v51;
	v2 =	vmul.f32 v2, v44  }
0x11e: {  	v50 =	vld [tilespmem:s30+$0x59B0];
	v5 =	vmul.f32 v37, v35;
	[tilespmem:s30+$0x58D0] =	vst v8  }
0x11f: {  	v1 =	vbroadcast v1, $0xE;
	v9 =	vmul.f32 v39, v44;
	[tilespmem:s30+$0x5910] =	vst v2;
	v2 =	vld [tilespmem:s30+$0x5980]  }
0x120: {  	v60 =	vld [tilespmem:s30+$0x5A60];
	v12 =	vmul.f32 v42, v44;
	[tilespmem:s30+$0x58E0] =	vst v5  }
0x121: {  	v45 =	vld [tilespmem:s30+$0x5950];
	v11 =	vmul.f32 v48, v1;
	[tilespmem:s30+$0x5900] =	vst v9  }
0x122: {  	v47 =	vld [tilespmem:s30+$0x5970];
	v10 =	vmul.f32 v49, v1;
	[tilespmem:s30+$0x5930] =	vst v12  }
0x123: {  	v43 =	vld [tilespmem:s30+$0x5940];
	v6 =	vmul.f32 v50, v1;
	[tilespmem:s30+$0x5990] =	vst v11  }
0x124: {  	v55 =	vld [tilespmem:s30+$0x5A00];
	[tilespmem:s30+$0x59A0] =	vst v10;
	v2 =	vmul.f32 v2, v1  }
0x125: {  	v57 =	vld [tilespmem:s30+$0x5A20];
	v4 =	vmul.f32 v60, v27;
	[tilespmem:s30+$0x59B0] =	vst v6  }
0x126: {  	v5 =	vmul.f32 v45, v44;
	[tilespmem:s30+$0x5980] =	vst v2;
	v2 =	vld [tilespmem:s30+$0x59F0]  }
0x127: {  	v52 =	vld [tilespmem:s30+$0x59C0];
	v9 =	vmul.f32 v47, v44;
	[tilespmem:s30+$0x5A60] =	vst v4  }
0x128: {  	v56 =	vld [tilespmem:s30+$0x5A10];
	v8 =	vmul.f32 v43, v44;
	[tilespmem:s30+$0x5950] =	vst v5  }
0x129: {  	v54 =	vld [tilespmem:s30+$0x59E0];
	v11 =	vmul.f32 v55, v27;
	[tilespmem:s30+$0x5970] =	vst v9  }
0x12a: {  	v58 =	vld [tilespmem:s30+$0x5A30];
	v6 =	vmul.f32 v57, v27;
	[tilespmem:s30+$0x5940] =	vst v8  }
0x12b: {  	v53 =	vld [tilespmem:s30+$0x59D0];
	[tilespmem:s30+$0x5A00] =	vst v11;
	v2 =	vmul.f32 v2, v1  }
0x12c: {  	v59 =	vld [tilespmem:s30+$0x5A40];
	v5 =	vmul.f32 v52, v1;
	[tilespmem:s30+$0x5A20] =	vst v6  }
0x12d: {  	[tilespmem:s30+$0x59F0] =	vst v2;
	v2 =	vmul.f32 v56, v27  }
0x12e: {  	v3 =	vld [tilespmem:s30+$0x58A0];
	v9 =	vmul.f32 v54, v1;
	[tilespmem:s30+$0x59C0] =	vst v5  }
0x12f: {  	[tilespmem:s30+$0x5A10] =	vst v2;
	v2 =	vmul.f32 v58, v27  }
0x130: {  	[tilespmem:s30+$0x59E0] =	vst v9;
	v1 =	vmul.f32 v53, v1  }
0x131: {  	[tilespmem:s30+$0x5A30] =	vst v2;
	v2 =	vmul.f32 v59, v27  }
0x132: {  	[tilespmem:s30+$0x59D0] =	vst v1  }
0x133: {  	s31 =	simm.s32 $0x1;
	[tilespmem:s30+$0x5A40] =	vst v2;
	v2 =	vmul.f32 v3, v35  }
.LBB2_3:
0x134: {  	s6 =	sshll.u32 s31, $0x4  }
0x135: {  	p0 =	sne.s32 s31, $0x7;
	[tilespmem:s30+$0x58A0] =	vst v2;
	s7 =	smov.u32 s31;
	s31 =	sadd.s32 $0x1, s31  }
0x136: {  	s6 =	sand.u32 $0x3FFFFFF0, s6  }
0x137: {  	v1 =	vld [tilespmem:s6+$0x5200];
	s6 =	sshll.u32 s7, $0xB  }
0x138: {  	s30 =	sand.u32 $0x3FFFF800, s6  }
0x139: {  	v8 =	vld [tilespmem:s30+$0x5340]  }
0x13a: {  	v9 =	vld [tilespmem:s30+$0x5350]  }
0x13b: {  	v10 =	vld [tilespmem:s30+$0x5330]  }
0x13c: {  	v2 =	vbroadcast v1, $0x0;
	v3 =	vld [tilespmem:s30+$0x52A0];
	v7 =	vbroadcast v1, $0x4  }
0x13d: {  	v5 =	vld [tilespmem:s30+$0x52B0]  }
0x13e: {  	v6 =	vld [tilespmem:s30+$0x57F0]  }
0x13f: {  	v11 =	vld [tilespmem:s30+$0x52E0]  }
0x140: {  	v12 =	vld [tilespmem:s30+$0x52F0]  }
0x141: {  	v4 =	vbroadcast v1, $0xA;
	v3 =	vmul.f32 v3, v2;
	v13 =	vld [tilespmem:s30+$0x5300]  }
0x142: {  	v5 =	vmul.f32 v5, v2;
	v14 =	vld [tilespmem:s30+$0x5310]  }
0x143: {  	[tilespmem:s30+$0x52A0] =	vst v3;
	v15 =	vld [tilespmem:s30+$0x5320];
	v3 =	vmul.f32 v6, v4  }
0x144: {  	[tilespmem:s30+$0x52B0] =	vst v5;
	v6 =	vmul.f32 v11, v2;
	v11 =	vbroadcast v1, $0x1;
	v5 =	vld [tilespmem:s30+$0x5800]  }
0x145: {  	v12 =	vmul.f32 v12, v2;
	[tilespmem:s30+$0x57F0] =	vst v3;
	v3 =	vld [tilespmem:s30+$0x5A50]  }
0x146: {  	[tilespmem:s30+$0x52E0] =	vst v6;
	v13 =	vmul.f32 v13, v11;
	v6 =	vld [tilespmem:s30+$0x5810]  }
0x147: {  	[tilespmem:s30+$0x52F0] =	vst v12;
	v12 =	vmul.f32 v14, v11;
	v14 =	vld [tilespmem:s30+$0x5360]  }
0x148: {  	[tilespmem:s30+$0x5300] =	vst v13;
	v13 =	vmul.f32 v15, v11;
	v15 =	vld [tilespmem:s30+$0x5370]  }
0x149: {  	v10 =	vmul.f32 v10, v11;
	[tilespmem:s30+$0x5310] =	vst v12;
	v12 =	vld [tilespmem:s30+$0x5380]  }
0x14a: {  	v8 =	vmul.f32 v8, v11;
	[tilespmem:s30+$0x5320] =	vst v13;
	v13 =	vld [tilespmem:s30+$0x5390]  }
0x14b: {  	v9 =	vmul.f32 v9, v11;
	[tilespmem:s30+$0x5330] =	vst v10;
	v10 =	vld [tilespmem:s30+$0x53A0]  }
0x14c: {  	[tilespmem:s30+$0x5340] =	vst v8;
	v8 =	vmul.f32 v14, v11;
	v14 =	vbroadcast v1, $0x2;
	v16 =	vld [tilespmem:s30+$0x53B0]  }
0x14d: {  	[tilespmem:s30+$0x5350] =	vst v9;
	v9 =	vmul.f32 v15, v11;
	v11 =	vld [tilespmem:s30+$0x53C0]  }
0x14e: {  	[tilespmem:s30+$0x5360] =	vst v8;
	v8 =	vmul.f32 v12, v14;
	v12 =	vld [tilespmem:s30+$0x53D0]  }
0x14f: {  	[tilespmem:s30+$0x5370] =	vst v9;
	v9 =	vmul.f32 v13, v14;
	v13 =	vld [tilespmem:s30+$0x53E0]  }
0x150: {  	[tilespmem:s30+$0x5380] =	vst v8;
	v8 =	vmul.f32 v10, v14;
	v10 =	vld [tilespmem:s30+$0x53F0]  }
0x151: {  	[tilespmem:s30+$0x5390] =	vst v9;
	v9 =	vmul.f32 v16, v14;
	v15 =	vld [tilespmem:s30+$0x5400]  }
0x152: {  	[tilespmem:s30+$0x53A0] =	vst v8;
	v8 =	vmul.f32 v11, v14;
	v11 =	vld [tilespmem:s30+$0x5410]  }
0x153: {  	[tilespmem:s30+$0x53B0] =	vst v9;
	v9 =	vmul.f32 v12, v14;
	v12 =	vld [tilespmem:s30+$0x5420]  }
0x154: {  	[tilespmem:s30+$0x53C0] =	vst v8;
	v8 =	vmul.f32 v13, v14;
	v13 =	vbroadcast v1, $0x3;
	v16 =	vld [tilespmem:s30+$0x5430]  }
0x155: {  	[tilespmem:s30+$0x53D0] =	vst v9;
	v9 =	vmul.f32 v10, v14;
	v10 =	vld [tilespmem:s30+$0x5440]  }
0x156: {  	[tilespmem:s30+$0x53E0] =	vst v8;
	v8 =	vmul.f32 v15, v13;
	v14 =	vld [tilespmem:s30+$0x5450]  }
0x157: {  	[tilespmem:s30+$0x53F0] =	vst v9;
	v9 =	vmul.f32 v11, v13;
	v11 =	vld [tilespmem:s30+$0x5460]  }
0x158: {  	[tilespmem:s30+$0x5400] =	vst v8;
	v8 =	vmul.f32 v12, v13;
	v12 =	vld [tilespmem:s30+$0x5470]  }
0x159: {  	[tilespmem:s30+$0x5410] =	vst v9;
	v9 =	vmul.f32 v16, v13;
	v15 =	vld [tilespmem:s30+$0x5480]  }
0x15a: {  	[tilespmem:s30+$0x5420] =	vst v8;
	v8 =	vmul.f32 v10, v13;
	v10 =	vld [tilespmem:s30+$0x5490]  }
0x15b: {  	[tilespmem:s30+$0x5430] =	vst v9;
	v9 =	vmul.f32 v14, v13;
	v14 =	vld [tilespmem:s30+$0x54A0]  }
0x15c: {  	[tilespmem:s30+$0x5440] =	vst v8;
	v8 =	vmul.f32 v11, v13;
	v11 =	vld [tilespmem:s30+$0x54B0]  }
0x15d: {  	[tilespmem:s30+$0x5450] =	vst v9;
	v9 =	vmul.f32 v12, v13;
	v12 =	vld [tilespmem:s30+$0x54C0]  }
0x15e: {  	[tilespmem:s30+$0x5460] =	vst v8;
	v8 =	vmul.f32 v15, v7;
	v13 =	vld [tilespmem:s30+$0x54D0]  }
0x15f: {  	[tilespmem:s30+$0x5470] =	vst v9;
	v9 =	vmul.f32 v10, v7;
	v10 =	vld [tilespmem:s30+$0x54E0]  }
0x160: {  	[tilespmem:s30+$0x5480] =	vst v8;
	v8 =	vmul.f32 v14, v7;
	v14 =	vld [tilespmem:s30+$0x54F0]  }
0x161: {  	[tilespmem:s30+$0x5490] =	vst v9;
	v9 =	vmul.f32 v11, v7;
	v11 =	vld [tilespmem:s30+$0x5500]  }
0x162: {  	[tilespmem:s30+$0x54A0] =	vst v8;
	v8 =	vmul.f32 v12, v7;
	v12 =	vld [tilespmem:s30+$0x5510]  }
0x163: {  	[tilespmem:s30+$0x54B0] =	vst v9;
	v9 =	vmul.f32 v13, v7;
	v13 =	vld [tilespmem:s30+$0x5520]  }
0x164: {  	[tilespmem:s30+$0x54C0] =	vst v8;
	v8 =	vmul.f32 v10, v7;
	v10 =	vbroadcast v1, $0x5;
	v15 =	vld [tilespmem:s30+$0x5530]  }
0x165: {  	[tilespmem:s30+$0x54D0] =	vst v9;
	v7 =	vmul.f32 v14, v7;
	v9 =	vld [tilespmem:s30+$0x5540]  }
0x166: {  	[tilespmem:s30+$0x54E0] =	vst v8;
	v8 =	vmul.f32 v11, v10;
	v11 =	vld [tilespmem:s30+$0x5550]  }
0x167: {  	[tilespmem:s30+$0x54F0] =	vst v7;
	v7 =	vmul.f32 v12, v10;
	v12 =	vld [tilespmem:s30+$0x5560]  }
0x168: {  	[tilespmem:s30+$0x5500] =	vst v8;
	v8 =	vmul.f32 v13, v10;
	v13 =	vld [tilespmem:s30+$0x5570]  }
0x169: {  	[tilespmem:s30+$0x5510] =	vst v7;
	v7 =	vmul.f32 v15, v10;
	v14 =	vld [tilespmem:s30+$0x5580]  }
0x16a: {  	[tilespmem:s30+$0x5520] =	vst v8;
	v8 =	vmul.f32 v9, v10;
	v9 =	vld [tilespmem:s30+$0x5590]  }
0x16b: {  	[tilespmem:s30+$0x5530] =	vst v7;
	v7 =	vmul.f32 v11, v10;
	v11 =	vld [tilespmem:s30+$0x55A0]  }
0x16c: {  	[tilespmem:s30+$0x5540] =	vst v8;
	v8 =	vmul.f32 v12, v10;
	v12 =	vbroadcast v1, $0x6;
	v15 =	vld [tilespmem:s30+$0x55B0]  }
0x16d: {  	[tilespmem:s30+$0x5550] =	vst v7;
	v7 =	vmul.f32 v13, v10;
	v10 =	vld [tilespmem:s30+$0x55C0]  }
0x16e: {  	[tilespmem:s30+$0x5560] =	vst v8;
	v8 =	vmul.f32 v14, v12;
	v13 =	vld [tilespmem:s30+$0x55D0]  }
0x16f: {  	[tilespmem:s30+$0x5570] =	vst v7;
	v7 =	vmul.f32 v9, v12;
	v9 =	vld [tilespmem:s30+$0x55E0]  }
0x170: {  	[tilespmem:s30+$0x5580] =	vst v8;
	v8 =	vmul.f32 v11, v12;
	v11 =	vld [tilespmem:s30+$0x55F0]  }
0x171: {  	[tilespmem:s30+$0x5590] =	vst v7;
	v7 =	vmul.f32 v15, v12;
	v14 =	vld [tilespmem:s30+$0x5600]  }
0x172: {  	[tilespmem:s30+$0x55A0] =	vst v8;
	v8 =	vmul.f32 v10, v12;
	v10 =	vld [tilespmem:s30+$0x5610]  }
0x173: {  	[tilespmem:s30+$0x55B0] =	vst v7;
	v7 =	vmul.f32 v13, v12;
	v13 =	vld [tilespmem:s30+$0x5620]  }
0x174: {  	[tilespmem:s30+$0x55C0] =	vst v8;
	v8 =	vmul.f32 v9, v12;
	v9 =	vbroadcast v1, $0x7;
	v15 =	vld [tilespmem:s30+$0x5630]  }
0x175: {  	[tilespmem:s30+$0x55D0] =	vst v7;
	v7 =	vmul.f32 v11, v12;
	v11 =	vld [tilespmem:s30+$0x5640]  }
0x176: {  	[tilespmem:s30+$0x55E0] =	vst v8;
	v8 =	vmul.f32 v14, v9;
	v12 =	vld [tilespmem:s30+$0x5650]  }
0x177: {  	[tilespmem:s30+$0x55F0] =	vst v7;
	v7 =	vmul.f32 v10, v9;
	v10 =	vld [tilespmem:s30+$0x5660]  }
0x178: {  	[tilespmem:s30+$0x5600] =	vst v8;
	v8 =	vmul.f32 v13, v9;
	v13 =	vld [tilespmem:s30+$0x5670]  }
0x179: {  	[tilespmem:s30+$0x5610] =	vst v7;
	v7 =	vmul.f32 v15, v9;
	v14 =	vld [tilespmem:s30+$0x5680]  }
0x17a: {  	[tilespmem:s30+$0x5620] =	vst v8;
	v8 =	vmul.f32 v11, v9;
	v11 =	vld [tilespmem:s30+$0x5690]  }
0x17b: {  	[tilespmem:s30+$0x5630] =	vst v7;
	v7 =	vmul.f32 v12, v9;
	v12 =	vld [tilespmem:s30+$0x56A0]  }
0x17c: {  	[tilespmem:s30+$0x5640] =	vst v8;
	v8 =	vmul.f32 v10, v9;
	v10 =	vbroadcast v1, $0x8;
	v15 =	vld [tilespmem:s30+$0x56B0]  }
0x17d: {  	[tilespmem:s30+$0x5650] =	vst v7;
	v7 =	vmul.f32 v13, v9;
	v9 =	vld [tilespmem:s30+$0x56C0]  }
0x17e: {  	[tilespmem:s30+$0x5660] =	vst v8;
	v8 =	vmul.f32 v14, v10;
	v13 =	vld [tilespmem:s30+$0x56D0]  }
0x17f: {  	[tilespmem:s30+$0x5670] =	vst v7;
	v7 =	vmul.f32 v11, v10;
	v11 =	vld [tilespmem:s30+$0x56E0]  }
0x180: {  	[tilespmem:s30+$0x5680] =	vst v8;
	v8 =	vmul.f32 v12, v10;
	v12 =	vld [tilespmem:s30+$0x56F0]  }
0x181: {  	[tilespmem:s30+$0x5690] =	vst v7;
	v7 =	vmul.f32 v15, v10;
	v14 =	vld [tilespmem:s30+$0x5700]  }
0x182: {  	[tilespmem:s30+$0x56A0] =	vst v8;
	v8 =	vmul.f32 v9, v10;
	v9 =	vld [tilespmem:s30+$0x5710]  }
0x183: {  	[tilespmem:s30+$0x56B0] =	vst v7;
	v7 =	vmul.f32 v13, v10;
	v13 =	vld [tilespmem:s30+$0x5720]  }
0x184: {  	[tilespmem:s30+$0x56C0] =	vst v8;
	v8 =	vmul.f32 v11, v10;
	v11 =	vbroadcast v1, $0x9;
	v15 =	vld [tilespmem:s30+$0x5730]  }
0x185: {  	[tilespmem:s30+$0x56D0] =	vst v7;
	v7 =	vmul.f32 v12, v10;
	v10 =	vld [tilespmem:s30+$0x5740]  }
0x186: {  	[tilespmem:s30+$0x56E0] =	vst v8;
	v8 =	vmul.f32 v14, v11;
	v12 =	vld [tilespmem:s30+$0x5750]  }
0x187: {  	[tilespmem:s30+$0x56F0] =	vst v7;
	v7 =	vmul.f32 v9, v11;
	v9 =	vld [tilespmem:s30+$0x5760]  }
0x188: {  	[tilespmem:s30+$0x5700] =	vst v8;
	v8 =	vmul.f32 v13, v11;
	v13 =	vld [tilespmem:s30+$0x5770]  }
0x189: {  	[tilespmem:s30+$0x5710] =	vst v7;
	v7 =	vmul.f32 v15, v11;
	v14 =	vld [tilespmem:s30+$0x5780]  }
0x18a: {  	[tilespmem:s30+$0x5720] =	vst v8;
	v8 =	vmul.f32 v10, v11;
	v10 =	vld [tilespmem:s30+$0x5790]  }
0x18b: {  	[tilespmem:s30+$0x5730] =	vst v7;
	v7 =	vmul.f32 v12, v11;
	v12 =	vld [tilespmem:s30+$0x57A0]  }
0x18c: {  	[tilespmem:s30+$0x5740] =	vst v8;
	v8 =	vmul.f32 v9, v11;
	v9 =	vld [tilespmem:s30+$0x57B0]  }
0x18d: {  	[tilespmem:s30+$0x5750] =	vst v7;
	v7 =	vmul.f32 v13, v11;
	v11 =	vld [tilespmem:s30+$0x57C0]  }
0x18e: {  	[tilespmem:s30+$0x5760] =	vst v8;
	v8 =	vmul.f32 v14, v4;
	v13 =	vld [tilespmem:s30+$0x57D0]  }
0x18f: {  	[tilespmem:s30+$0x5770] =	vst v7;
	v7 =	vmul.f32 v10, v4;
	v10 =	vld [tilespmem:s30+$0x57E0]  }
0x190: {  	v14 =	vld [tilespmem:s30+$0x5280];
	[tilespmem:s30+$0x5780] =	vst v8;
	v8 =	vmul.f32 v12, v4  }
0x191: {  	v12 =	vld [tilespmem:s30+$0x5290];
	[tilespmem:s30+$0x5790] =	vst v7;
	v7 =	vmul.f32 v9, v4  }
0x192: {  	v9 =	vld [tilespmem:s30+$0x52C0];
	[tilespmem:s30+$0x57A0] =	vst v8;
	v8 =	vmul.f32 v11, v4  }
0x193: {  	v11 =	vld [tilespmem:s30+$0x52D0];
	[tilespmem:s30+$0x57B0] =	vst v7;
	v7 =	vmul.f32 v13, v4  }
0x194: {  	[tilespmem:s30+$0x57C0] =	vst v8;
	v8 =	vmul.f32 v10, v4;
	v10 =	vbroadcast v1, $0xB;
	v13 =	vld [tilespmem:s30+$0x5820]  }
0x195: {  	v4 =	vbroadcast v1, $0xF;
	v14 =	vmul.f32 v2, v14;
	[tilespmem:s30+$0x57D0] =	vst v7;
	v7 =	vld [tilespmem:s30+$0x5830]  }
0x196: {  	v12 =	vmul.f32 v12, v2;
	[tilespmem:s30+$0x57E0] =	vst v8;
	v5 =	vmul.f32 v5, v10;
	v8 =	vld [tilespmem:s30+$0x5840]  }
0x197: {  	v6 =	vmul.f32 v6, v10;
	[tilespmem:s30+$0x5280] =	vst v14;
	v9 =	vmul.f32 v9, v2;
	v14 =	vld [tilespmem:s30+$0x5850]  }
0x198: {  	v3 =	vmul.f32 v3, v4;
	v11 =	vmul.f32 v11, v2;
	[tilespmem:s30+$0x5800] =	vst v5;
	v2 =	vld [tilespmem:s30+$0x5860]  }
0x199: {  	[tilespmem:s30+$0x5810] =	vst v6;
	v5 =	vmul.f32 v13, v10;
	v6 =	vld [tilespmem:s30+$0x5870]  }
0x19a: {  	v7 =	vmul.f32 v7, v10;
	v13 =	vld [tilespmem:s30+$0x5880];
	[tilespmem:s30+$0x5A50] =	vst v3  }
0x19b: {  	[tilespmem:s30+$0x5290] =	vst v12;
	v3 =	vmul.f32 v8, v10;
	v8 =	vld [tilespmem:s30+$0x5890]  }
0x19c: {  	[tilespmem:s30+$0x52C0] =	vst v9;
	v9 =	vmul.f32 v14, v10;
	v12 =	vld [tilespmem:s30+$0x58A0]  }
0x19d: {  	v14 =	vbroadcast v1, $0xC;
	[tilespmem:s30+$0x5820] =	vst v5;
	v5 =	vmul.f32 v2, v10;
	v15 =	vld [tilespmem:s30+$0x58B0]  }
0x19e: {  	[tilespmem:s30+$0x5850] =	vst v9;
	v6 =	vmul.f32 v6, v10;
	v9 =	vld [tilespmem:s30+$0x58C0]  }
0x19f: {  	[tilespmem:s30+$0x5830] =	vst v7;
	v2 =	vmul.f32 v13, v14;
	v7 =	vld [tilespmem:s30+$0x58D0]  }
0x1a0: {  	[tilespmem:s30+$0x5840] =	vst v3;
	v3 =	vmul.f32 v8, v14;
	v8 =	vld [tilespmem:s30+$0x58E0]  }
0x1a1: {  	[tilespmem:s30+$0x5880] =	vst v2;
	v2 =	vmul.f32 v12, v14;
	v10 =	vld [tilespmem:s30+$0x58F0]  }
0x1a2: {  	[tilespmem:s30+$0x5890] =	vst v3;
	v3 =	vld [tilespmem:s30+$0x5900]  }
0x1a3: {  	[tilespmem:s30+$0x52D0] =	vst v11;
	v9 =	vmul.f32 v9, v14;
	v11 =	vld [tilespmem:s30+$0x5910]  }
0x1a4: {  	[tilespmem:s30+$0x5860] =	vst v5;
	v5 =	vmul.f32 v7, v14;
	v7 =	vld [tilespmem:s30+$0x5920]  }
0x1a5: {  	[tilespmem:s30+$0x58C0] =	vst v9;
	v8 =	vmul.f32 v8, v14;
	v9 =	vbroadcast v1, $0xD;
	v12 =	vld [tilespmem:s30+$0x5930]  }
0x1a6: {  	[tilespmem:s30+$0x58D0] =	vst v5;
	v5 =	vmul.f32 v10, v14;
	v10 =	vld [tilespmem:s30+$0x5940]  }
0x1a7: {  	[tilespmem:s30+$0x58E0] =	vst v8;
	v3 =	vmul.f32 v3, v9;
	v8 =	vld [tilespmem:s30+$0x5950]  }
0x1a8: {  	[tilespmem:s30+$0x58F0] =	vst v5;
	v5 =	vmul.f32 v11, v9;
	v11 =	vld [tilespmem:s30+$0x5960]  }
0x1a9: {  	[tilespmem:s30+$0x5900] =	vst v3;
	v3 =	vmul.f32 v7, v9;
	v7 =	vld [tilespmem:s30+$0x5970]  }
0x1aa: {  	[tilespmem:s30+$0x5910] =	vst v5;
	v5 =	vmul.f32 v12, v9;
	v12 =	vld [tilespmem:s30+$0x5980]  }
0x1ab: {  	[tilespmem:s30+$0x5920] =	vst v3;
	v3 =	vmul.f32 v10, v9;
	v10 =	vld [tilespmem:s30+$0x5990]  }
0x1ac: {  	[tilespmem:s30+$0x5930] =	vst v5;
	v5 =	vmul.f32 v8, v9;
	v8 =	vld [tilespmem:s30+$0x59A0]  }
0x1ad: {  	v1 =	vbroadcast v1, $0xE;
	[tilespmem:s30+$0x5870] =	vst v6;
	v6 =	vmul.f32 v11, v9;
	v11 =	vld [tilespmem:s30+$0x59B0]  }
0x1ae: {  	[tilespmem:s30+$0x5950] =	vst v5;
	v5 =	vmul.f32 v7, v9;
	v7 =	vld [tilespmem:s30+$0x59C0]  }
0x1af: {  	[tilespmem:s30+$0x5960] =	vst v6;
	v6 =	vmul.f32 v12, v1;
	v9 =	vld [tilespmem:s30+$0x59D0]  }
0x1b0: {  	[tilespmem:s30+$0x5970] =	vst v5;
	v5 =	vmul.f32 v10, v1;
	v10 =	vld [tilespmem:s30+$0x59E0]  }
0x1b1: {  	[tilespmem:s30+$0x5980] =	vst v6;
	v6 =	vmul.f32 v8, v1;
	v8 =	vld [tilespmem:s30+$0x59F0]  }
0x1b2: {  	[tilespmem:s30+$0x5990] =	vst v5;
	v5 =	vmul.f32 v11, v1;
	v11 =	vld [tilespmem:s30+$0x5A00]  }
0x1b3: {  	[tilespmem:s30+$0x59A0] =	vst v6;
	v6 =	vmul.f32 v7, v1;
	v7 =	vld [tilespmem:s30+$0x5A10]  }
0x1b4: {  	[tilespmem:s30+$0x59B0] =	vst v5;
	v5 =	vmul.f32 v9, v1;
	v9 =	vld [tilespmem:s30+$0x5A20]  }
0x1b5: {  	[tilespmem:s30+$0x59C0] =	vst v6;
	v6 =	vmul.f32 v10, v1;
	v10 =	vld [tilespmem:s30+$0x5A30]  }
0x1b6: {  	[tilespmem:s30+$0x5940] =	vst v3;
	v1 =	vmul.f32 v8, v1;
	v3 =	vld [tilespmem:s30+$0x5A40]  }
0x1b7: {  	[tilespmem:s30+$0x59E0] =	vst v6;
	v6 =	vmul.f32 v11, v4;
	v8 =	vld [tilespmem:s30+$0x5A60]  }
0x1b8: {  	[tilespmem:s30+$0x59F0] =	vst v1;
	v1 =	vmul.f32 v7, v4;
	v7 =	vld [tilespmem:s30+$0x5A70]  }
0x1b9: {  	[tilespmem:s30+$0x5A00] =	vst v6;
	v6 =	vmul.f32 v9, v4  }
0x1ba: {  	[tilespmem:s30+$0x5A10] =	vst v1;
	v1 =	vmul.f32 v10, v4  }
0x1bb: {  	v9 =	vmul.f32 v15, v14;
	[tilespmem:s30+$0x5A20] =	vst v6  }
0x1bc: {  	[tilespmem:s30+$0x5A30] =	vst v1;
	v1 =	vmul.f32 v3, v4  }
.Ltmp0:
0x1bd: {  	[tilespmem:s30+$0x58B0] =	vst v9;
	v3 =	vmul.f32 v7, v4;
	(pc) =	sbr.rel @p0 .LBB2_3-.Ltmp0, $4  }
0x1be: {  	[tilespmem:s30+$0x5A40] =	vst v1  }
0x1bf: {  	v1 =	vmul.f32 v8, v4;
	[tilespmem:s30+$0x5A70] =	vst v3  }
0x1c0: {  	[tilespmem:s30+$0x59D0] =	vst v5  }
0x1c1: {  	[tilespmem:s30+$0x5A60] =	vst v1  }
0x1c2: {  	[tilespmem:s30+$0x58A0] =	vst v2  }
0x1c3: {  	[spmem:s2] =	stream.indirect.scatter.add.f32 [tilespmem:s25], [sflag:$0x3], $0x80, s23, s18, $0xb8;
	[tilespmem:$0x1D580] =	vst v63  }
0x1c4: {  	_ =	swait.ge [sflag:s16], $0x4000  }
0x1c5: {  	[sflag:s16] =	ssyncset.done $0x0  }
0x1c6: {  	[sflag:s16] =	ssyncadd.s32 $0xFFFFC000  }
0x1c7: {  	p0 =	sne.s32 s1, $0x51;
	_ =	swait.ge [sflag:s29], $0x80  }
.Ltmp1:
0x1c8: {  	[sflag:s29] =	ssyncset.done $0x0;
	(pc) =	sbr.rel @p0 .LBB2_2-.Ltmp1, $4  }
0x1c9: {  	[sflag:s29] =	ssyncadd.s32 $0xFFFFFF80  }
0x1ca: {  	_ =	swait.ge [sflag:s29], $0x80  }
0x1cb: {  	[sflag:s29] =	ssyncset.done $0x0  }
0x1cc: {  	[sflag:s29] =	ssyncadd.s32 $0xFFFFFF80  }
0x1cd: {  	[bflag:$0x0] =	sbarrier.arrive $0xFFFF  }
0x1ce: {  	[hbm:s22], [sflag:s9] =	dma.local [spmem:s15], $0x2800  }
0x1cf: {  	s0 =	sadd.s32 $0x1, s0;
	_ =	swait.ge [sflag:s16], $0x2800  }
0x1d0: {  	s1 =	simm.s32 $0x20;
	p0 =	sne.s32 s0, s14;
	[sflag:s16] =	ssyncset.done $0x0  }
.Ltmp2:
0x1d1: {  	s6 =	simm.s32 $0x10;
	[sflag:s16] =	ssyncadd.s32 $0xFFFFD800;
	(pc) =	sbr.rel @p0 .LBB2_1-.Ltmp2, $4  }
0x1d2: {  	[hbm:s24@s1], [sflag:s9] =	dma.strided [spmem:s17@s6], $0x50, s28, $0x10   }
0x1d3: {  	_ =	swait.ge [sflag:s16], $0x50  }
0x1d4: {  	[sflag:s16] =	ssyncset.done $0x0  }
0x1d5: {  	[sflag:s16] =	ssyncadd.s32 $0xFFFFFFB0  }
0x1d6: {  	_ =	sfence.sel $0x180000  }
0x1d7: {  	[bflag:$0x0] =	sbarrier.arrive $0xFFFF  }
0x1d8: {  	_ =	strace $0x90000047  }
0x1d9: {  	s0 =	stileid.u32;
	[bflag:$0x2] =	sbarrier.arrive $0xFFFF  }
0x1da: {  	p0 =	sne.s32 s0, $0x0;
	s0 =	rddreg [dreg:$0x4]  }
0x1db: {  	s0 =	sadd.s32 @!p0 $0x100000, s0  }
0x1dc: {  	[sflag:s0] =	ssyncadd.tile.s32 @!p0 $0x1;
	_ =	shalt  }
.Lfunc_end2:
_tile_overlayer_lowered:
.L_overlay_start_2:
0x1dd: {  	(tag) =	ssettag $0x2  }
0x1de: {  	s0 =	rddreg [dreg:$0x0];
	s2 =	stileid.u32  }
0x1df: {  	s1 =	rddreg [dreg:$0x1];
	p0 =	sne.s32 s2, $0x0  }
0x1e0: {  	s3 =	rddreg [dreg:$0x2];
	[bflag:$0x3] =	sbarrier.arrive $0xFFFF;
	s2 =	simm.s32 @!p0 $0x1C03  }
0x1e1: {  	[timem:s3], [sflag:s2] =	dma.local @!p0 [hbm:s0], s1  }
0x1e2: {  	s0 =	simm.s32 @!p0 $0x3  }
0x1e3: {  	_ =	swait.ge @!p0 [sflag:s0], s1  }
0x1e4: {  	s1 =	ssub.s32 @!p0 $0x0, s1;
	[sflag:s0] =	ssyncset.done @!p0 $0x0  }
0x1e5: {  	[sflag:s0] =	ssyncadd.s32 @!p0 s1  }
0x1e6: {  	[bflag:$0x3] =	sbarrier.arrive $0xFFFF  }
0x1e7: {  	_ =	shalt  }

</sc_bundles>
